<compile_context>
chip_gen: v7x
topology: tpu7x:2x2x1
jax: 0.10.2.dev20260603
libtpu: 0.0.44.dev20260713+nightly
codegen_flags: <defaults>
</compile_context>

<pallas_src>
import functools

import jax
import jax.numpy as jnp
from jax import lax
from jax.experimental import pallas as pl
from jax.experimental.pallas import tpu as pltpu
from jax.experimental.pallas import tpu_sc as plsc

N = 10000
D = 256
E = 160000
H = D // 2

NC, NS = 2, 16
CHUNK = 128
CPS = 80
SUP = 4
CPW = CPS // SUP
EPAD = NS * CPS * CHUNK
ACC_ROWS = 10240
TRASH = N
ZROWS = 128

RB = 1000
NB = N // RB

_mesh = plsc.VectorSubcoreMesh(core_axis_name="c", subcore_axis_name="s")


def _sc_deg(dst3):

    @functools.partial(
        pl.kernel,
        out_type=jax.ShapeDtypeStruct((NC, N, 16), jnp.float32),
        mesh=_mesh,
        scratch_types=[
            pltpu.VMEM((CPS, CHUNK), jnp.int32),
            pltpu.VMEM((CHUNK, 16), jnp.float32),
            pltpu.VMEM((ZROWS, 16), jnp.float32),
            pltpu.VMEM_SHARED((ACC_ROWS, 16), jnp.float32),
        ],
    )
    def k(dst_hbm, out_hbm, didx, ones, zbuf, acc):
        cid = lax.axis_index("c")
        sid = lax.axis_index("s")

        @pl.loop(0, CHUNK)
        def _(i):
            ones[i, :] = jnp.ones((16,), jnp.float32)

        @pl.loop(0, ZROWS)
        def _(i):
            zbuf[i, :] = jnp.zeros((16,), jnp.float32)

        rows_per = ACC_ROWS // NS
        @pl.loop(0, rows_per, step=ZROWS)
        def _(r):
            pltpu.sync_copy(zbuf, acc.at[pl.ds(sid * rows_per + r, ZROWS)])
        plsc.subcore_barrier()

        pltpu.sync_copy(dst_hbm.at[sid], didx)

        @pl.loop(0, CPS // NC)
        def _(j):
            pltpu.sync_copy(ones, acc.at[didx.at[cid * (CPS // NC) + j]],
                            add=True)
        plsc.subcore_barrier()

        @pl.when(sid < NS - 1)
        def _():
            base = sid * 624
            pltpu.sync_copy(acc.at[pl.ds(base, 624)],
                            out_hbm.at[cid].at[pl.ds(base, 624)])

        @pl.when(sid == NS - 1)
        def _():
            pltpu.sync_copy(acc.at[pl.ds(9360, 640)],
                            out_hbm.at[cid].at[pl.ds(9360, 640)])

    return k(dst3)


def _sc_scatter(hp, src4, dst4):

    @functools.partial(
        pl.kernel,
        out_type=jax.ShapeDtypeStruct((NC, N, H), jnp.float32),
        mesh=_mesh,
        scratch_types=[
            pltpu.VMEM((CPW, CHUNK), jnp.int32),
            pltpu.VMEM((CPW, CHUNK), jnp.int32),
            pltpu.VMEM((2, CHUNK, H), jnp.float32),
            pltpu.VMEM_SHARED((ACC_ROWS, H), jnp.float32),
            pltpu.SemaphoreType.DMA,
            pltpu.SemaphoreType.DMA,
        ],
    )
    def k(hp_hbm, src_hbm, dst_hbm, out_hbm, sidx, didx, gbuf, acc,
          gsem0, gsem1):
        gsems = (gsem0, gsem1)
        cid = lax.axis_index("c")
        sid = lax.axis_index("s")

        for b in range(2):
            @pl.loop(0, ZROWS)
            def _(i):
                @pl.loop(0, H, step=16)
                def _(c):
                    gbuf[b, i, pl.ds(c, 16)] = jnp.zeros((16,), jnp.float32)

        rows_per = ACC_ROWS // NS
        @pl.loop(0, rows_per, step=ZROWS)
        def _(r):
            pltpu.sync_copy(gbuf.at[0],
                            acc.at[pl.ds(sid * rows_per + r, ZROWS)])
        plsc.subcore_barrier()

        tbl = hp_hbm.at[cid]

        def gather(j, b):
            return pltpu.make_async_copy(tbl.at[sidx.at[j]], gbuf.at[b],
                                         gsems[b])

        @pl.loop(0, SUP)
        def _(w):
            pltpu.sync_copy(src_hbm.at[sid].at[w], sidx)
            pltpu.sync_copy(dst_hbm.at[sid].at[w], didx)

            gather(0, 0).start()
            gather(1, 1).start()

            @pl.loop(0, CPW - 2, step=2)
            def _(j):
                for b in range(2):
                    gather(j + b, b).wait()
                    pltpu.sync_copy(gbuf.at[b], acc.at[didx.at[j + b]],
                                    add=True)
                    gather(j + b + 2, b).start()

            for b in range(2):
                gather(CPW - 2 + b, b).wait()
                pltpu.sync_copy(gbuf.at[b], acc.at[didx.at[CPW - 2 + b]],
                                add=True)

        plsc.subcore_barrier()

        @pl.when(sid < NS - 1)
        def _():
            base = sid * 624
            pltpu.sync_copy(acc.at[pl.ds(base, 624)],
                            out_hbm.at[cid].at[pl.ds(base, 624)])

        @pl.when(sid == NS - 1)
        def _():
            pltpu.sync_copy(acc.at[pl.ds(9360, 640)],
                            out_hbm.at[cid].at[pl.ds(9360, 640)])

    return k(hp, src4, dst4)


def _dot(a, b):
    return jnp.dot(a, b, preferred_element_type=jnp.float32,
                   precision=lax.Precision.HIGHEST)


def _tc_first(x, deg, w):
    def body(x_ref, deg_ref, w_ref, out_ref):
        dis = lax.rsqrt(deg_ref[0, :, :1] + deg_ref[1, :, :1] + 1.0)
        hp = _dot(x_ref[...], w_ref[...]) * dis
        out_ref[0] = hp[:, :H]
        out_ref[1] = hp[:, H:]

    return pl.pallas_call(
        body,
        grid=(NB,),
        in_specs=[
            pl.BlockSpec((RB, D), lambda i: (i, 0)),
            pl.BlockSpec((NC, RB, 16), lambda i: (0, i, 0)),
            pl.BlockSpec((D, D), lambda i: (0, 0)),
        ],
        out_specs=pl.BlockSpec((NC, RB, H), lambda i: (0, i, 0)),
        out_shape=jax.ShapeDtypeStruct((NC, N, H), jnp.float32),
    )(x, deg, w)


def _tc_layer(s, hp, deg, b, w):
    def body(s_ref, hp_ref, deg_ref, b_ref, w_ref, out_ref):
        dis = lax.rsqrt(deg_ref[0, :, :1] + deg_ref[1, :, :1] + 1.0)
        agg = jnp.concatenate(
            [s_ref[0] + hp_ref[0], s_ref[1] + hp_ref[1]], axis=1)
        z = jnp.maximum(agg * dis + b_ref[0], 0.0)
        hpn = _dot(z, w_ref[...]) * dis
        out_ref[0] = hpn[:, :H]
        out_ref[1] = hpn[:, H:]

    return pl.pallas_call(
        body,
        grid=(NB,),
        in_specs=[
            pl.BlockSpec((NC, RB, H), lambda i: (0, i, 0)),
            pl.BlockSpec((NC, RB, H), lambda i: (0, i, 0)),
            pl.BlockSpec((NC, RB, 16), lambda i: (0, i, 0)),
            pl.BlockSpec((1, D), lambda i: (0, 0)),
            pl.BlockSpec((D, D), lambda i: (0, 0)),
        ],
        out_specs=pl.BlockSpec((NC, RB, H), lambda i: (0, i, 0)),
        out_shape=jax.ShapeDtypeStruct((NC, N, H), jnp.float32),
    )(s, hp, deg, b, w)


def _tc_final(s, hp, deg, b):
    def body(s_ref, hp_ref, deg_ref, b_ref, out_ref):
        dis = lax.rsqrt(deg_ref[0, :, :1] + deg_ref[1, :, :1] + 1.0)
        agg = jnp.concatenate(
            [s_ref[0] + hp_ref[0], s_ref[1] + hp_ref[1]], axis=1)
        out_ref[...] = agg * dis + b_ref[0]

    return pl.pallas_call(
        body,
        grid=(NB,),
        in_specs=[
            pl.BlockSpec((NC, RB, H), lambda i: (0, i, 0)),
            pl.BlockSpec((NC, RB, H), lambda i: (0, i, 0)),
            pl.BlockSpec((NC, RB, 16), lambda i: (0, i, 0)),
            pl.BlockSpec((1, D), lambda i: (0, 0)),
        ],
        out_specs=pl.BlockSpec((RB, D), lambda i: (i, 0)),
        out_shape=jax.ShapeDtypeStruct((N, D), jnp.float32),
    )(s, hp, deg, b)


def kernel(x, edge_index, W1, b1, W2, b2, W3, b3):
    src = edge_index[0]
    dst = edge_index[1]
    pad = EPAD - E
    srcp = jnp.concatenate([src, jnp.zeros((pad,), jnp.int32)])
    dstp = jnp.concatenate([dst, jnp.full((pad,), TRASH, jnp.int32)])
    src3 = srcp.reshape(NS, CPS, CHUNK)
    dst3 = dstp.reshape(NS, CPS, CHUNK)
    src4 = srcp.reshape(NS, SUP, CPW, CHUNK)
    dst4 = dstp.reshape(NS, SUP, CPW, CHUNK)
    b1r, b2r, b3r = (v.reshape(1, D) for v in (b1, b2, b3))

    deg = _sc_deg(dst3)
    hp1 = _tc_first(x, deg, W1)
    s1 = _sc_scatter(hp1, src4, dst4)
    hp2 = _tc_layer(s1, hp1, deg, b1r, W2)
    s2 = _sc_scatter(hp2, src4, dst4)
    hp3 = _tc_layer(s2, hp2, deg, b2r, W3)
    s3 = _sc_scatter(hp3, src4, dst4)
    return _tc_final(s3, hp3, deg, b3r)

# --- scband reference (transcript-rebuilt; emitter-appended) ---
"""Pipeline reference for scband-gcn-71889162600826 (READ-ONLY COPY).

The authoritative reference and input builder live on the scoring server;
editing this copy changes nothing except your own understanding.
"""

import jax, jax.numpy as jnp
import numpy as np

N_NODES = 10000
N_EDGES = 160000
D = 256


def setup_inputs(seed: int = 0) -> dict:
    key = jax.random.key(seed)
    ks = jax.random.split(key, 10)
    x = jax.random.normal(ks[0], (N_NODES, D), dtype=jnp.float32)
    edge_index = jax.random.randint(ks[1], (2, N_EDGES), 0, N_NODES, dtype=jnp.int32)
    s = 1.0 / np.sqrt(D)
    W1 = jax.random.uniform(ks[2], (D, D), dtype=jnp.float32, minval=-s, maxval=s)
    b1 = jnp.zeros((D,), dtype=jnp.float32)
    W2 = jax.random.uniform(ks[3], (D, D), dtype=jnp.float32, minval=-s, maxval=s)
    b2 = jnp.zeros((D,), dtype=jnp.float32)
    W3 = jax.random.uniform(ks[4], (D, D), dtype=jnp.float32, minval=-s, maxval=s)
    b3 = jnp.zeros((D,), dtype=jnp.float32)
    return {"x": x, "edge_index": edge_index, "W1": W1, "b1": b1, "W2": W2, "b2": b2, "W3": W3, "b3": b3}


def _gcn_conv(x, src, dst, norm, W, b, n):
    h = x @ W
    msg = h[src] * norm[:, None]
    out = jax.ops.segment_sum(msg, dst, num_segments=n)
    return out + b


def reference(x, edge_index, W1, b1, W2, b2, W3, b3):
    n = x.shape[0]
    # GCNConv: add self-loops, symmetric normalization D^{-1/2}(A+I)D^{-1/2}
    loop = jnp.arange(n, dtype=edge_index.dtype)
    src = jnp.concatenate([edge_index[0], loop])
    dst = jnp.concatenate([edge_index[1], loop])
    deg = jax.ops.segment_sum(jnp.ones_like(src, dtype=x.dtype), dst, num_segments=n)
    dis = jnp.where(deg > 0, jax.lax.rsqrt(jnp.maximum(deg, 1e-12)), 0.0)
    norm = dis[src] * dis[dst]
    # layer 1 (dropout is identity in eval mode)
    h = _gcn_conv(x, src, dst, norm, W1, b1, n)
    h = jax.nn.relu(h)
    # layer 2
    h = _gcn_conv(h, src, dst, norm, W2, b2, n)
    h = jax.nn.relu(h)
    # output layer
    out = _gcn_conv(h, src, dst, norm, W3, b3, n)
    return out

if __name__ == "__main__":
    import jax
    _d = setup_inputs()
    print(jax.jit(kernel)(*tuple(_d.values())))

</pallas_src>

<mosaic_0001>
#map = affine_map<(d0, d1) -> (0, 0, 0)>
#map1 = affine_map<(d0, d1) -> (0, 0, 0, 0)>
module attributes {stable_mosaic.version = 14 : i64} {
  func.func @k(%arg0: i32, %arg1: i32, %arg2: memref<2x10000x128xf32, #tpu.memory_space<hbm>>, %arg3: memref<16x4x20x128xi32, #tpu.memory_space<hbm>>, %arg4: memref<16x4x20x128xi32, #tpu.memory_space<hbm>>, %arg5: memref<2x10000x128xf32, #tpu.memory_space<hbm>>, %arg6: memref<20x128xi32, #tpu.memory_space<vmem>>, %arg7: memref<20x128xi32, #tpu.memory_space<vmem>>, %arg8: memref<2x128x128xf32, #tpu.memory_space<vmem>>, %arg9: memref<10240x128xf32, #tpu.memory_space<vmem_shared>>, %arg10: memref<!tpu.dma_semaphore, #tpu.memory_space<semaphore_mem>>, %arg11: memref<!tpu.dma_semaphore, #tpu.memory_space<semaphore_mem>>) attributes {dimension_semantics = [#tpu.dimension_semantics<core_parallel>, #tpu.dimension_semantics<subcore_parallel>], iteration_bounds = array<i64: 2, 16>, scalar_prefetch = 0 : i64, scratch_operands = 6 : i64, tpu.core_type = #tpu.core_type<sc_vector_subcore>, window_params = [{transform_indices = #map}, {transform_indices = #map1}, {transform_indices = #map1}, {transform_indices = #map}]} {
    %scan3A = arith.constant 0 : i32
    %scan3A_0 = arith.constant 128 : i32
    %scan3A_1 = arith.addi %scan3A, %scan3A_0 : i32
    %scan3A_2 = arith.constant 1 : i32
    scf.for %scan3A_26 = %scan3A to %scan3A_1 step %scan3A_2  : i32 {
      %mul3A = arith.constant 1 : i32
      %mul3A_27 = arith.muli %scan3A_26, %mul3A : i32
      %add3A = arith.constant 0 : i32
      %add3A_28 = arith.addi %add3A, %mul3A_27 : i32
      %scan3A_29 = arith.constant 0 : i32
      %scan3A_30 = arith.constant 8 : i32
      %scan3A_31 = arith.addi %scan3A_29, %scan3A_30 : i32
      %scan3A_32 = arith.constant 1 : i32
      scf.for %scan3A_34 = %scan3A_29 to %scan3A_31 step %scan3A_32  : i32 {
        %mul3A_35 = arith.constant 16 : i32
        %mul3A_36 = arith.muli %scan3A_34, %mul3A_35 : i32
        %add3A_37 = arith.constant 0 : i32
        %add3A_38 = arith.addi %add3A_37, %mul3A_36 : i32
        %broadcast_in_dim3A = arith.constant 0.000000e+00 : f32
        %broadcast_in_dim3A_39 = vector.broadcast %broadcast_in_dim3A : f32 to vector<16xf32>
        %swap3A = arith.constant 0 : i32
        %swap3A_40 = arith.index_cast %swap3A : i32 to index
        %swap3A_41 = arith.index_cast %add3A_28 : i32 to index
        %swap3A_42 = arith.index_cast %add3A_38 : i32 to index
        %swap3A_43 = tpu.vector_load %arg8[%swap3A_40, %swap3A_41, %swap3A_42] {strides = array<i32>} : memref<2x128x128xf32, #tpu.memory_space<vmem>>, vector<1x1x16xf32>,
        %swap3A_44 = vector.shape_cast %swap3A_43 : vector<1x1x16xf32> to vector<16xf32>
        %swap3A_45 = vector.shape_cast %broadcast_in_dim3A_39 : vector<16xf32> to vector<1x1x16xf32>
        tpu.vector_store %arg8[%swap3A_40, %swap3A_41, %swap3A_42], %swap3A_45 {strides = array<i32>} : memref<2x128x128xf32, #tpu.memory_space<vmem>>, vector<1x1x16xf32>,
      }
      %scan3A_33 = arith.constant 8 : i32
    }
    %scan3A_3 = arith.constant 128 : i32
    %scan3A_4 = arith.constant 0 : i32
    %scan3A_5 = arith.constant 128 : i32
    %scan3A_6 = arith.addi %scan3A_4, %scan3A_5 : i32
    %scan3A_7 = arith.constant 1 : i32
    scf.for %scan3A_26 = %scan3A_4 to %scan3A_6 step %scan3A_7  : i32 {
      %mul3A = arith.constant 1 : i32
      %mul3A_27 = arith.muli %scan3A_26, %mul3A : i32
      %add3A = arith.constant 0 : i32
      %add3A_28 = arith.addi %add3A, %mul3A_27 : i32
      %scan3A_29 = arith.constant 0 : i32
      %scan3A_30 = arith.constant 8 : i32
      %scan3A_31 = arith.addi %scan3A_29, %scan3A_30 : i32
      %scan3A_32 = arith.constant 1 : i32
      scf.for %scan3A_34 = %scan3A_29 to %scan3A_31 step %scan3A_32  : i32 {
        %mul3A_35 = arith.constant 16 : i32
        %mul3A_36 = arith.muli %scan3A_34, %mul3A_35 : i32
        %add3A_37 = arith.constant 0 : i32
        %add3A_38 = arith.addi %add3A_37, %mul3A_36 : i32
        %broadcast_in_dim3A = arith.constant 0.000000e+00 : f32
        %broadcast_in_dim3A_39 = vector.broadcast %broadcast_in_dim3A : f32 to vector<16xf32>
        %swap3A = arith.constant 1 : i32
        %swap3A_40 = arith.index_cast %swap3A : i32 to index
        %swap3A_41 = arith.index_cast %add3A_28 : i32 to index
        %swap3A_42 = arith.index_cast %add3A_38 : i32 to index
        %swap3A_43 = tpu.vector_load %arg8[%swap3A_40, %swap3A_41, %swap3A_42] {strides = array<i32>} : memref<2x128x128xf32, #tpu.memory_space<vmem>>, vector<1x1x16xf32>,
        %swap3A_44 = vector.shape_cast %swap3A_43 : vector<1x1x16xf32> to vector<16xf32>
        %swap3A_45 = vector.shape_cast %broadcast_in_dim3A_39 : vector<16xf32> to vector<1x1x16xf32>
        tpu.vector_store %arg8[%swap3A_40, %swap3A_41, %swap3A_42], %swap3A_45 {strides = array<i32>} : memref<2x128x128xf32, #tpu.memory_space<vmem>>, vector<1x1x16xf32>,
      }
      %scan3A_33 = arith.constant 8 : i32
    }
    %scan3A_8 = arith.constant 128 : i32
    %scan3A_9 = arith.constant 0 : i32
    %scan3A_10 = arith.constant 5 : i32
    %scan3A_11 = arith.addi %scan3A_9, %scan3A_10 : i32
    %scan3A_12 = arith.constant 1 : i32
    scf.for %scan3A_26 = %scan3A_9 to %scan3A_11 step %scan3A_12  : i32 {
      %mul3A = arith.constant 128 : i32
      %mul3A_27 = arith.muli %scan3A_26, %mul3A : i32
      %add3A = arith.constant 0 : i32
      %add3A_28 = arith.addi %add3A, %mul3A_27 : i32
      %mul3A_29 = arith.constant 640 : i32
      %mul3A_30 = arith.muli %arg1, %mul3A_29 : i32
      %add3A_31 = arith.addi %mul3A_30, %add3A_28 : i32
      %run_scoped3A = arith.constant 0 : i32
      "tpu.region"() ({
        %run_scoped3A_32 = tpu.sem_alloc : memref<!tpu.dma_semaphore, #tpu.memory_space<semaphore_mem>>
        %dma_start3A = arith.constant 0 : i32
        %dma_start3A_33 = arith.constant 0 : i32
        %dma_start3A_34 = tpu.memref_slice %arg8[%run_scoped3A, %dma_start3A, %dma_start3A_33] : memref<2x128x128xf32, #tpu.memory_space<vmem>> -> memref<1x128x128xf32, #tpu.memory_space<vmem>>
        %dma_start3A_35 = tpu.memref_squeeze %dma_start3A_34 : memref<1x128x128xf32, #tpu.memory_space<vmem>> -> memref<128x128xf32, #tpu.memory_space<vmem>>
        %dma_start3A_36 = arith.constant 0 : i32
        %dma_start3A_37 = tpu.memref_slice %arg9[%add3A_31, %dma_start3A_36] : memref<10240x128xf32, #tpu.memory_space<vmem_shared>> -> memref<128x128xf32, #tpu.memory_space<vmem_shared>>
        %dma_start3A_38 = arith.constant 0 : i32
        %dma_start3A_39 = tpu.memref_slice %arg9[%add3A_31, %dma_start3A_38] : memref<10240x128xf32, #tpu.memory_space<vmem_shared>> -> memref<128x128xf32, #tpu.memory_space<vmem_shared>>
        %dma_start3A_40 = arith.constant 0 : i32
        %dma_start3A_41 = arith.constant 0 : i32
        %dma_start3A_42 = tpu.memref_slice %arg8[%run_scoped3A, %dma_start3A_40, %dma_start3A_41] : memref<2x128x128xf32, #tpu.memory_space<vmem>> -> memref<1x128x128xf32, #tpu.memory_space<vmem>>
        %dma_start3A_43 = tpu.memref_squeeze %dma_start3A_42 : memref<1x128x128xf32, #tpu.memory_space<vmem>> -> memref<128x128xf32, #tpu.memory_space<vmem>>
        tpu.enqueue_dma source(%dma_start3A_43 : memref<128x128xf32, #tpu.memory_space<vmem>>) target(%dma_start3A_39 : memref<128x128xf32, #tpu.memory_space<vmem_shared>>) target_semaphore(%run_scoped3A_32 : memref<!tpu.dma_semaphore, #tpu.memory_space<semaphore_mem>>)
        %dma_wait3A = arith.constant 0 : i32
        %dma_wait3A_44 = arith.constant 0 : i32
        %dma_wait3A_45 = tpu.memref_slice %arg8[%run_scoped3A, %dma_wait3A, %dma_wait3A_44] : memref<2x128x128xf32, #tpu.memory_space<vmem>> -> memref<1x128x128xf32, #tpu.memory_space<vmem>>
        %dma_wait3A_46 = tpu.memref_squeeze %dma_wait3A_45 : memref<1x128x128xf32, #tpu.memory_space<vmem>> -> memref<128x128xf32, #tpu.memory_space<vmem>>
        %dma_wait3A_47 = arith.constant 0 : i32
        %dma_wait3A_48 = tpu.memref_slice %arg9[%add3A_31, %dma_wait3A_47] : memref<10240x128xf32, #tpu.memory_space<vmem_shared>> -> memref<128x128xf32, #tpu.memory_space<vmem_shared>>
        %dma_wait3A_49 = arith.constant 0 : i32
        %dma_wait3A_50 = tpu.memref_slice %arg9[%add3A_31, %dma_wait3A_49] : memref<10240x128xf32, #tpu.memory_space<vmem_shared>> -> memref<128x128xf32, #tpu.memory_space<vmem_shared>>
        %dma_wait3A_51 = arith.constant 0 : i32
        %dma_wait3A_52 = arith.constant 0 : i32
        %dma_wait3A_53 = tpu.memref_slice %arg8[%run_scoped3A, %dma_wait3A_51, %dma_wait3A_52] : memref<2x128x128xf32, #tpu.memory_space<vmem>> -> memref<1x128x128xf32, #tpu.memory_space<vmem>>
        %dma_wait3A_54 = tpu.memref_squeeze %dma_wait3A_53 : memref<1x128x128xf32, #tpu.memory_space<vmem>> -> memref<128x128xf32, #tpu.memory_space<vmem>>
        tpu.wait_dma2 semaphore(%run_scoped3A_32 : memref<!tpu.dma_semaphore, #tpu.memory_space<semaphore_mem>>) src(%dma_wait3A_54 : memref<128x128xf32, #tpu.memory_space<vmem>>) dst(%dma_wait3A_50 : memref<128x128xf32, #tpu.memory_space<vmem_shared>>)
        tpu.yield
      }) : () -> ()
    }
    %scan3A_13 = arith.constant 5 : i32
    %barrier3A = arith.constant 0 : index
    tpu.barrier barrier_id(%barrier3A)
    %scan3A_14 = arith.constant 0 : i32
    %scan3A_15 = arith.constant 4 : i32
    %scan3A_16 = arith.addi %scan3A_14, %scan3A_15 : i32
    %scan3A_17 = arith.constant 1 : i32
    scf.for %scan3A_26 = %scan3A_14 to %scan3A_16 step %scan3A_17  : i32 {
      %mul3A = arith.constant 1 : i32
      %mul3A_27 = arith.muli %scan3A_26, %mul3A : i32
      %add3A = arith.constant 0 : i32
      %add3A_28 = arith.addi %add3A, %mul3A_27 : i32
      "tpu.region"() ({
        %run_scoped3A_99 = tpu.sem_alloc : memref<!tpu.dma_semaphore, #tpu.memory_space<semaphore_mem>>
        %dma_start3A_100 = arith.constant 0 : i32
        %dma_start3A_101 = arith.constant 0 : i32
        %dma_start3A_102 = arith.constant 0 : i32
        %dma_start3A_103 = tpu.memref_slice %arg3[%arg1, %dma_start3A_100, %dma_start3A_101, %dma_start3A_102] : memref<16x4x20x128xi32, #tpu.memory_space<hbm>> -> memref<1x4x20x128xi32, #tpu.memory_space<hbm>>
        %dma_start3A_104 = tpu.memref_squeeze %dma_start3A_103 : memref<1x4x20x128xi32, #tpu.memory_space<hbm>> -> memref<4x20x128xi32, #tpu.memory_space<hbm>>
        %dma_start3A_105 = arith.constant 0 : i32
        %dma_start3A_106 = arith.constant 0 : i32
        %dma_start3A_107 = tpu.memref_slice %dma_start3A_104[%add3A_28, %dma_start3A_105, %dma_start3A_106] : memref<4x20x128xi32, #tpu.memory_space<hbm>> -> memref<1x20x128xi32, #tpu.memory_space<hbm>>
        %dma_start3A_108 = tpu.memref_squeeze %dma_start3A_107 : memref<1x20x128xi32, #tpu.memory_space<hbm>> -> memref<20x128xi32, #tpu.memory_space<hbm>>
        %dma_start3A_109 = arith.constant 0 : i32
        %dma_start3A_110 = arith.constant 0 : i32
        %dma_start3A_111 = arith.constant 0 : i32
        %dma_start3A_112 = tpu.memref_slice %arg3[%arg1, %dma_start3A_109, %dma_start3A_110, %dma_start3A_111] : memref<16x4x20x128xi32, #tpu.memory_space<hbm>> -> memref<1x4x20x128xi32, #tpu.memory_space<hbm>>
        %dma_start3A_113 = tpu.memref_squeeze %dma_start3A_112 : memref<1x4x20x128xi32, #tpu.memory_space<hbm>> -> memref<4x20x128xi32, #tpu.memory_space<hbm>>
        %dma_start3A_114 = arith.constant 0 : i32
        %dma_start3A_115 = arith.constant 0 : i32
        %dma_start3A_116 = tpu.memref_slice %dma_start3A_113[%add3A_28, %dma_start3A_114, %dma_start3A_115] : memref<4x20x128xi32, #tpu.memory_space<hbm>> -> memref<1x20x128xi32, #tpu.memory_space<hbm>>
        %dma_start3A_117 = tpu.memref_squeeze %dma_start3A_116 : memref<1x20x128xi32, #tpu.memory_space<hbm>> -> memref<20x128xi32, #tpu.memory_space<hbm>>
        tpu.enqueue_dma source(%dma_start3A_117 : memref<20x128xi32, #tpu.memory_space<hbm>>) target(%arg6 : memref<20x128xi32, #tpu.memory_space<vmem>>) target_semaphore(%run_scoped3A_99 : memref<!tpu.dma_semaphore, #tpu.memory_space<semaphore_mem>>)
        %dma_wait3A_118 = arith.constant 0 : i32
        %dma_wait3A_119 = arith.constant 0 : i32
        %dma_wait3A_120 = arith.constant 0 : i32
        %dma_wait3A_121 = tpu.memref_slice %arg3[%arg1, %dma_wait3A_118, %dma_wait3A_119, %dma_wait3A_120] : memref<16x4x20x128xi32, #tpu.memory_space<hbm>> -> memref<1x4x20x128xi32, #tpu.memory_space<hbm>>
        %dma_wait3A_122 = tpu.memref_squeeze %dma_wait3A_121 : memref<1x4x20x128xi32, #tpu.memory_space<hbm>> -> memref<4x20x128xi32, #tpu.memory_space<hbm>>
        %dma_wait3A_123 = arith.constant 0 : i32
        %dma_wait3A_124 = arith.constant 0 : i32
        %dma_wait3A_125 = tpu.memref_slice %dma_wait3A_122[%add3A_28, %dma_wait3A_123, %dma_wait3A_124] : memref<4x20x128xi32, #tpu.memory_space<hbm>> -> memref<1x20x128xi32, #tpu.memory_space<hbm>>
        %dma_wait3A_126 = tpu.memref_squeeze %dma_wait3A_125 : memref<1x20x128xi32, #tpu.memory_space<hbm>> -> memref<20x128xi32, #tpu.memory_space<hbm>>
        %dma_wait3A_127 = arith.constant 0 : i32
        %dma_wait3A_128 = arith.constant 0 : i32
        %dma_wait3A_129 = arith.constant 0 : i32
        %dma_wait3A_130 = tpu.memref_slice %arg3[%arg1, %dma_wait3A_127, %dma_wait3A_128, %dma_wait3A_129] : memref<16x4x20x128xi32, #tpu.memory_space<hbm>> -> memref<1x4x20x128xi32, #tpu.memory_space<hbm>>
        %dma_wait3A_131 = tpu.memref_squeeze %dma_wait3A_130 : memref<1x4x20x128xi32, #tpu.memory_space<hbm>> -> memref<4x20x128xi32, #tpu.memory_space<hbm>>
        %dma_wait3A_132 = arith.constant 0 : i32
        %dma_wait3A_133 = arith.constant 0 : i32
        %dma_wait3A_134 = tpu.memref_slice %dma_wait3A_131[%add3A_28, %dma_wait3A_132, %dma_wait3A_133] : memref<4x20x128xi32, #tpu.memory_space<hbm>> -> memref<1x20x128xi32, #tpu.memory_space<hbm>>
        %dma_wait3A_135 = tpu.memref_squeeze %dma_wait3A_134 : memref<1x20x128xi32, #tpu.memory_space<hbm>> -> memref<20x128xi32, #tpu.memory_space<hbm>>
        tpu.wait_dma2 semaphore(%run_scoped3A_99 : memref<!tpu.dma_semaphore, #tpu.memory_space<semaphore_mem>>) src(%dma_wait3A_135 : memref<20x128xi32, #tpu.memory_space<hbm>>) dst(%arg6 : memref<20x128xi32, #tpu.memory_space<vmem>>)
        tpu.yield
      }) : () -> ()
      "tpu.region"() ({
        %run_scoped3A_99 = tpu.sem_alloc : memref<!tpu.dma_semaphore, #tpu.memory_space<semaphore_mem>>
        %dma_start3A_100 = arith.constant 0 : i32
        %dma_start3A_101 = arith.constant 0 : i32
        %dma_start3A_102 = arith.constant 0 : i32
        %dma_start3A_103 = tpu.memref_slice %arg4[%arg1, %dma_start3A_100, %dma_start3A_101, %dma_start3A_102] : memref<16x4x20x128xi32, #tpu.memory_space<hbm>> -> memref<1x4x20x128xi32, #tpu.memory_space<hbm>>
        %dma_start3A_104 = tpu.memref_squeeze %dma_start3A_103 : memref<1x4x20x128xi32, #tpu.memory_space<hbm>> -> memref<4x20x128xi32, #tpu.memory_space<hbm>>
        %dma_start3A_105 = arith.constant 0 : i32
        %dma_start3A_106 = arith.constant 0 : i32
        %dma_start3A_107 = tpu.memref_slice %dma_start3A_104[%add3A_28, %dma_start3A_105, %dma_start3A_106] : memref<4x20x128xi32, #tpu.memory_space<hbm>> -> memref<1x20x128xi32, #tpu.memory_space<hbm>>
        %dma_start3A_108 = tpu.memref_squeeze %dma_start3A_107 : memref<1x20x128xi32, #tpu.memory_space<hbm>> -> memref<20x128xi32, #tpu.memory_space<hbm>>
        %dma_start3A_109 = arith.constant 0 : i32
        %dma_start3A_110 = arith.constant 0 : i32
        %dma_start3A_111 = arith.constant 0 : i32
        %dma_start3A_112 = tpu.memref_slice %arg4[%arg1, %dma_start3A_109, %dma_start3A_110, %dma_start3A_111] : memref<16x4x20x128xi32, #tpu.memory_space<hbm>> -> memref<1x4x20x128xi32, #tpu.memory_space<hbm>>
        %dma_start3A_113 = tpu.memref_squeeze %dma_start3A_112 : memref<1x4x20x128xi32, #tpu.memory_space<hbm>> -> memref<4x20x128xi32, #tpu.memory_space<hbm>>
        %dma_start3A_114 = arith.constant 0 : i32
        %dma_start3A_115 = arith.constant 0 : i32
        %dma_start3A_116 = tpu.memref_slice %dma_start3A_113[%add3A_28, %dma_start3A_114, %dma_start3A_115] : memref<4x20x128xi32, #tpu.memory_space<hbm>> -> memref<1x20x128xi32, #tpu.memory_space<hbm>>
        %dma_start3A_117 = tpu.memref_squeeze %dma_start3A_116 : memref<1x20x128xi32, #tpu.memory_space<hbm>> -> memref<20x128xi32, #tpu.memory_space<hbm>>
        tpu.enqueue_dma source(%dma_start3A_117 : memref<20x128xi32, #tpu.memory_space<hbm>>) target(%arg7 : memref<20x128xi32, #tpu.memory_space<vmem>>) target_semaphore(%run_scoped3A_99 : memref<!tpu.dma_semaphore, #tpu.memory_space<semaphore_mem>>)
        %dma_wait3A_118 = arith.constant 0 : i32
        %dma_wait3A_119 = arith.constant 0 : i32
        %dma_wait3A_120 = arith.constant 0 : i32
        %dma_wait3A_121 = tpu.memref_slice %arg4[%arg1, %dma_wait3A_118, %dma_wait3A_119, %dma_wait3A_120] : memref<16x4x20x128xi32, #tpu.memory_space<hbm>> -> memref<1x4x20x128xi32, #tpu.memory_space<hbm>>
        %dma_wait3A_122 = tpu.memref_squeeze %dma_wait3A_121 : memref<1x4x20x128xi32, #tpu.memory_space<hbm>> -> memref<4x20x128xi32, #tpu.memory_space<hbm>>
        %dma_wait3A_123 = arith.constant 0 : i32
        %dma_wait3A_124 = arith.constant 0 : i32
        %dma_wait3A_125 = tpu.memref_slice %dma_wait3A_122[%add3A_28, %dma_wait3A_123, %dma_wait3A_124] : memref<4x20x128xi32, #tpu.memory_space<hbm>> -> memref<1x20x128xi32, #tpu.memory_space<hbm>>
        %dma_wait3A_126 = tpu.memref_squeeze %dma_wait3A_125 : memref<1x20x128xi32, #tpu.memory_space<hbm>> -> memref<20x128xi32, #tpu.memory_space<hbm>>
        %dma_wait3A_127 = arith.constant 0 : i32
        %dma_wait3A_128 = arith.constant 0 : i32
        %dma_wait3A_129 = arith.constant 0 : i32
        %dma_wait3A_130 = tpu.memref_slice %arg4[%arg1, %dma_wait3A_127, %dma_wait3A_128, %dma_wait3A_129] : memref<16x4x20x128xi32, #tpu.memory_space<hbm>> -> memref<1x4x20x128xi32, #tpu.memory_space<hbm>>
        %dma_wait3A_131 = tpu.memref_squeeze %dma_wait3A_130 : memref<1x4x20x128xi32, #tpu.memory_space<hbm>> -> memref<4x20x128xi32, #tpu.memory_space<hbm>>
        %dma_wait3A_132 = arith.constant 0 : i32
        %dma_wait3A_133 = arith.constant 0 : i32
        %dma_wait3A_134 = tpu.memref_slice %dma_wait3A_131[%add3A_28, %dma_wait3A_132, %dma_wait3A_133] : memref<4x20x128xi32, #tpu.memory_space<hbm>> -> memref<1x20x128xi32, #tpu.memory_space<hbm>>
        %dma_wait3A_135 = tpu.memref_squeeze %dma_wait3A_134 : memref<1x20x128xi32, #tpu.memory_space<hbm>> -> memref<20x128xi32, #tpu.memory_space<hbm>>
        tpu.wait_dma2 semaphore(%run_scoped3A_99 : memref<!tpu.dma_semaphore, #tpu.memory_space<semaphore_mem>>) src(%dma_wait3A_135 : memref<20x128xi32, #tpu.memory_space<hbm>>) dst(%arg7 : memref<20x128xi32, #tpu.memory_space<vmem>>)
        tpu.yield
      }) : () -> ()
      %dma_start3A = arith.constant 0 : i32
      %dma_start3A_29 = arith.constant 0 : i32
      %dma_start3A_30 = arith.constant 0 : i32
      %dma_start3A_31 = arith.constant 0 : i32
      %dma_start3A_32 = tpu.memref_slice %arg8[%dma_start3A_29, %dma_start3A_30, %dma_start3A_31] : memref<2x128x128xf32, #tpu.memory_space<vmem>> -> memref<1x128x128xf32, #tpu.memory_space<vmem>>
      %dma_start3A_33 = tpu.memref_squeeze %dma_start3A_32 : memref<1x128x128xf32, #tpu.memory_space<vmem>> -> memref<128x128xf32, #tpu.memory_space<vmem>>
      %dma_start3A_34 = arith.constant 0 : i32
      %dma_start3A_35 = tpu.memref_slice %arg6[%dma_start3A, %dma_start3A_34] : memref<20x128xi32, #tpu.memory_space<vmem>> -> memref<1x128xi32, #tpu.memory_space<vmem>>
      %dma_start3A_36 = tpu.memref_squeeze %dma_start3A_35 : memref<1x128xi32, #tpu.memory_space<vmem>> -> memref<128xi32, #tpu.memory_space<vmem>>
      %dma_start3A_37 = arith.constant 0 : i32
      %dma_start3A_38 = arith.constant 0 : i32
      %dma_start3A_39 = tpu.memref_slice %arg2[%arg0, %dma_start3A_37, %dma_start3A_38] : memref<2x10000x128xf32, #tpu.memory_space<hbm>> -> memref<1x10000x128xf32, #tpu.memory_space<hbm>>
      %dma_start3A_40 = tpu.memref_squeeze %dma_start3A_39 : memref<1x10000x128xf32, #tpu.memory_space<hbm>> -> memref<10000x128xf32, #tpu.memory_space<hbm>>
      %dma_start3A_41 = arith.constant 0 : i32
      %dma_start3A_42 = arith.constant 0 : i32
      %dma_start3A_43 = tpu.memref_slice %dma_start3A_40[%dma_start3A_41, %dma_start3A_42] : memref<10000x128xf32, #tpu.memory_space<hbm>> -> memref<10000x128xf32, #tpu.memory_space<hbm>>
      tpu.enqueue_indirect_dma source(%dma_start3A_43 : memref<10000x128xf32, #tpu.memory_space<hbm>>) target(%dma_start3A_33 : memref<128x128xf32, #tpu.memory_space<vmem>>) offsets(%dma_start3A_36 : memref<128xi32, #tpu.memory_space<vmem>>) semaphore(%arg10 : memref<!tpu.dma_semaphore, #tpu.memory_space<semaphore_mem>>)
      %dma_start3A_44 = arith.constant 1 : i32
      %dma_start3A_45 = arith.constant 1 : i32
      %dma_start3A_46 = arith.constant 0 : i32
      %dma_start3A_47 = arith.constant 0 : i32
      %dma_start3A_48 = tpu.memref_slice %arg8[%dma_start3A_45, %dma_start3A_46, %dma_start3A_47] : memref<2x128x128xf32, #tpu.memory_space<vmem>> -> memref<1x128x128xf32, #tpu.memory_space<vmem>>
      %dma_start3A_49 = tpu.memref_squeeze %dma_start3A_48 : memref<1x128x128xf32, #tpu.memory_space<vmem>> -> memref<128x128xf32, #tpu.memory_space<vmem>>
      %dma_start3A_50 = arith.constant 0 : i32
      %dma_start3A_51 = tpu.memref_slice %arg6[%dma_start3A_44, %dma_start3A_50] : memref<20x128xi32, #tpu.memory_space<vmem>> -> memref<1x128xi32, #tpu.memory_space<vmem>>
      %dma_start3A_52 = tpu.memref_squeeze %dma_start3A_51 : memref<1x128xi32, #tpu.memory_space<vmem>> -> memref<128xi32, #tpu.memory_space<vmem>>
      %dma_start3A_53 = arith.constant 0 : i32
      %dma_start3A_54 = arith.constant 0 : i32
      %dma_start3A_55 = tpu.memref_slice %arg2[%arg0, %dma_start3A_53, %dma_start3A_54] : memref<2x10000x128xf32, #tpu.memory_space<hbm>> -> memref<1x10000x128xf32, #tpu.memory_space<hbm>>
      %dma_start3A_56 = tpu.memref_squeeze %dma_start3A_55 : memref<1x10000x128xf32, #tpu.memory_space<hbm>> -> memref<10000x128xf32, #tpu.memory_space<hbm>>
      %dma_start3A_57 = arith.constant 0 : i32
      %dma_start3A_58 = arith.constant 0 : i32
      %dma_start3A_59 = tpu.memref_slice %dma_start3A_56[%dma_start3A_57, %dma_start3A_58] : memref<10000x128xf32, #tpu.memory_space<hbm>> -> memref<10000x128xf32, #tpu.memory_space<hbm>>
      tpu.enqueue_indirect_dma source(%dma_start3A_59 : memref<10000x128xf32, #tpu.memory_space<hbm>>) target(%dma_start3A_49 : memref<128x128xf32, #tpu.memory_space<vmem>>) offsets(%dma_start3A_52 : memref<128xi32, #tpu.memory_space<vmem>>) semaphore(%arg11 : memref<!tpu.dma_semaphore, #tpu.memory_space<semaphore_mem>>)
      %scan3A_60 = arith.constant 0 : i32
      %scan3A_61 = arith.constant 9 : i32
      %scan3A_62 = arith.addi %scan3A_60, %scan3A_61 : i32
      %scan3A_63 = arith.constant 1 : i32
      scf.for %scan3A_99 = %scan3A_60 to %scan3A_62 step %scan3A_63  : i32 {
        %mul3A_100 = arith.constant 2 : i32
        %mul3A_101 = arith.muli %scan3A_99, %mul3A_100 : i32
        %add3A_102 = arith.constant 0 : i32
        %add3A_103 = arith.addi %add3A_102, %mul3A_101 : i32
        %add3A_104 = arith.constant 0 : i32
        %add3A_105 = arith.addi %add3A_103, %add3A_104 : i32
        %dma_wait3A_106 = arith.constant 0 : i32
        %dma_wait3A_107 = arith.constant 0 : i32
        %dma_wait3A_108 = arith.constant 0 : i32
        %dma_wait3A_109 = tpu.memref_slice %arg8[%dma_wait3A_106, %dma_wait3A_107, %dma_wait3A_108] : memref<2x128x128xf32, #tpu.memory_space<vmem>> -> memref<1x128x128xf32, #tpu.memory_space<vmem>>
        %dma_wait3A_110 = tpu.memref_squeeze %dma_wait3A_109 : memref<1x128x128xf32, #tpu.memory_space<vmem>> -> memref<128x128xf32, #tpu.memory_space<vmem>>
        %dma_wait3A_111 = arith.constant 0 : i32
        %dma_wait3A_112 = tpu.memref_slice %arg6[%add3A_105, %dma_wait3A_111] : memref<20x128xi32, #tpu.memory_space<vmem>> -> memref<1x128xi32, #tpu.memory_space<vmem>>
        %dma_wait3A_113 = tpu.memref_squeeze %dma_wait3A_112 : memref<1x128xi32, #tpu.memory_space<vmem>> -> memref<128xi32, #tpu.memory_space<vmem>>
        %dma_wait3A_114 = arith.constant 0 : i32
        %dma_wait3A_115 = arith.constant 0 : i32
        %dma_wait3A_116 = tpu.memref_slice %arg2[%arg0, %dma_wait3A_114, %dma_wait3A_115] : memref<2x10000x128xf32, #tpu.memory_space<hbm>> -> memref<1x10000x128xf32, #tpu.memory_space<hbm>>
        %dma_wait3A_117 = tpu.memref_squeeze %dma_wait3A_116 : memref<1x10000x128xf32, #tpu.memory_space<hbm>> -> memref<10000x128xf32, #tpu.memory_space<hbm>>
        %dma_wait3A_118 = arith.constant 0 : i32
        %dma_wait3A_119 = arith.constant 0 : i32
        %dma_wait3A_120 = tpu.memref_slice %dma_wait3A_117[%dma_wait3A_118, %dma_wait3A_119] : memref<10000x128xf32, #tpu.memory_space<hbm>> -> memref<10000x128xf32, #tpu.memory_space<hbm>>
        tpu.wait_indirect_dma semaphore(%arg10 : memref<!tpu.dma_semaphore, #tpu.memory_space<semaphore_mem>>) src(%dma_wait3A_120 : memref<10000x128xf32, #tpu.memory_space<hbm>>) dst(%dma_wait3A_110 : memref<128x128xf32, #tpu.memory_space<vmem>>)
        %add3A_121 = arith.constant 0 : i32
        %add3A_122 = arith.addi %add3A_103, %add3A_121 : i32
        %run_scoped3A_123 = arith.constant 0 : i32
        "tpu.region"() ({
          %run_scoped3A_182 = tpu.sem_alloc : memref<!tpu.dma_semaphore, #tpu.memory_space<semaphore_mem>>
          %dma_start3A_183 = arith.constant 0 : i32
          %dma_start3A_184 = arith.constant 0 : i32
          %dma_start3A_185 = tpu.memref_slice %arg8[%run_scoped3A_123, %dma_start3A_183, %dma_start3A_184] : memref<2x128x128xf32, #tpu.memory_space<vmem>> -> memref<1x128x128xf32, #tpu.memory_space<vmem>>
          %dma_start3A_186 = tpu.memref_squeeze %dma_start3A_185 : memref<1x128x128xf32, #tpu.memory_space<vmem>> -> memref<128x128xf32, #tpu.memory_space<vmem>>
          %dma_start3A_187 = arith.constant 0 : i32
          %dma_start3A_188 = tpu.memref_slice %arg7[%add3A_122, %dma_start3A_187] : memref<20x128xi32, #tpu.memory_space<vmem>> -> memref<1x128xi32, #tpu.memory_space<vmem>>
          %dma_start3A_189 = tpu.memref_squeeze %dma_start3A_188 : memref<1x128xi32, #tpu.memory_space<vmem>> -> memref<128xi32, #tpu.memory_space<vmem>>
          %dma_start3A_190 = arith.constant 0 : i32
          %dma_start3A_191 = arith.constant 0 : i32
          %dma_start3A_192 = tpu.memref_slice %arg9[%dma_start3A_190, %dma_start3A_191] : memref<10240x128xf32, #tpu.memory_space<vmem_shared>> -> memref<10240x128xf32, #tpu.memory_space<vmem_shared>>
          tpu.enqueue_indirect_dma source(%dma_start3A_186 : memref<128x128xf32, #tpu.memory_space<vmem>>) target(%dma_start3A_192 : memref<10240x128xf32, #tpu.memory_space<vmem_shared>>) offsets(%dma_start3A_189 : memref<128xi32, #tpu.memory_space<vmem>>) semaphore(%run_scoped3A_182 : memref<!tpu.dma_semaphore, #tpu.memory_space<semaphore_mem>>) {add = true}
          %dma_wait3A_193 = arith.constant 0 : i32
          %dma_wait3A_194 = arith.constant 0 : i32
          %dma_wait3A_195 = tpu.memref_slice %arg8[%run_scoped3A_123, %dma_wait3A_193, %dma_wait3A_194] : memref<2x128x128xf32, #tpu.memory_space<vmem>> -> memref<1x128x128xf32, #tpu.memory_space<vmem>>
          %dma_wait3A_196 = tpu.memref_squeeze %dma_wait3A_195 : memref<1x128x128xf32, #tpu.memory_space<vmem>> -> memref<128x128xf32, #tpu.memory_space<vmem>>
          %dma_wait3A_197 = arith.constant 0 : i32
          %dma_wait3A_198 = tpu.memref_slice %arg7[%add3A_122, %dma_wait3A_197] : memref<20x128xi32, #tpu.memory_space<vmem>> -> memref<1x128xi32, #tpu.memory_space<vmem>>
          %dma_wait3A_199 = tpu.memref_squeeze %dma_wait3A_198 : memref<1x128xi32, #tpu.memory_space<vmem>> -> memref<128xi32, #tpu.memory_space<vmem>>
          %dma_wait3A_200 = arith.constant 0 : i32
          %dma_wait3A_201 = arith.constant 0 : i32
          %dma_wait3A_202 = tpu.memref_slice %arg9[%dma_wait3A_200, %dma_wait3A_201] : memref<10240x128xf32, #tpu.memory_space<vmem_shared>> -> memref<10240x128xf32, #tpu.memory_space<vmem_shared>>
          tpu.wait_indirect_dma semaphore(%run_scoped3A_182 : memref<!tpu.dma_semaphore, #tpu.memory_space<semaphore_mem>>) src(%dma_wait3A_196 : memref<128x128xf32, #tpu.memory_space<vmem>>) dst(%dma_wait3A_202 : memref<10240x128xf32, #tpu.memory_space<vmem_shared>>)
          tpu.yield
        }) : () -> ()
        %add3A_124 = arith.constant 0 : i32
        %add3A_125 = arith.addi %add3A_103, %add3A_124 : i32
        %add3A_126 = arith.constant 2 : i32
        %add3A_127 = arith.addi %add3A_125, %add3A_126 : i32
        %dma_start3A_128 = arith.constant 0 : i32
        %dma_start3A_129 = arith.constant 0 : i32
        %dma_start3A_130 = arith.constant 0 : i32
        %dma_start3A_131 = tpu.memref_slice %arg8[%dma_start3A_128, %dma_start3A_129, %dma_start3A_130] : memref<2x128x128xf32, #tpu.memory_space<vmem>> -> memref<1x128x128xf32, #tpu.memory_space<vmem>>
        %dma_start3A_132 = tpu.memref_squeeze %dma_start3A_131 : memref<1x128x128xf32, #tpu.memory_space<vmem>> -> memref<128x128xf32, #tpu.memory_space<vmem>>
        %dma_start3A_133 = arith.constant 0 : i32
        %dma_start3A_134 = tpu.memref_slice %arg6[%add3A_127, %dma_start3A_133] : memref<20x128xi32, #tpu.memory_space<vmem>> -> memref<1x128xi32, #tpu.memory_space<vmem>>
        %dma_start3A_135 = tpu.memref_squeeze %dma_start3A_134 : memref<1x128xi32, #tpu.memory_space<vmem>> -> memref<128xi32, #tpu.memory_space<vmem>>
        %dma_start3A_136 = arith.constant 0 : i32
        %dma_start3A_137 = arith.constant 0 : i32
        %dma_start3A_138 = tpu.memref_slice %arg2[%arg0, %dma_start3A_136, %dma_start3A_137] : memref<2x10000x128xf32, #tpu.memory_space<hbm>> -> memref<1x10000x128xf32, #tpu.memory_space<hbm>>
        %dma_start3A_139 = tpu.memref_squeeze %dma_start3A_138 : memref<1x10000x128xf32, #tpu.memory_space<hbm>> -> memref<10000x128xf32, #tpu.memory_space<hbm>>
        %dma_start3A_140 = arith.constant 0 : i32
        %dma_start3A_141 = arith.constant 0 : i32
        %dma_start3A_142 = tpu.memref_slice %dma_start3A_139[%dma_start3A_140, %dma_start3A_141] : memref<10000x128xf32, #tpu.memory_space<hbm>> -> memref<10000x128xf32, #tpu.memory_space<hbm>>
        tpu.enqueue_indirect_dma source(%dma_start3A_142 : memref<10000x128xf32, #tpu.memory_space<hbm>>) target(%dma_start3A_132 : memref<128x128xf32, #tpu.memory_space<vmem>>) offsets(%dma_start3A_135 : memref<128xi32, #tpu.memory_space<vmem>>) semaphore(%arg10 : memref<!tpu.dma_semaphore, #tpu.memory_space<semaphore_mem>>)
        %add3A_143 = arith.constant 1 : i32
        %add3A_144 = arith.addi %add3A_103, %add3A_143 : i32
        %dma_wait3A_145 = arith.constant 1 : i32
        %dma_wait3A_146 = arith.constant 0 : i32
        %dma_wait3A_147 = arith.constant 0 : i32
        %dma_wait3A_148 = tpu.memref_slice %arg8[%dma_wait3A_145, %dma_wait3A_146, %dma_wait3A_147] : memref<2x128x128xf32, #tpu.memory_space<vmem>> -> memref<1x128x128xf32, #tpu.memory_space<vmem>>
        %dma_wait3A_149 = tpu.memref_squeeze %dma_wait3A_148 : memref<1x128x128xf32, #tpu.memory_space<vmem>> -> memref<128x128xf32, #tpu.memory_space<vmem>>
        %dma_wait3A_150 = arith.constant 0 : i32
        %dma_wait3A_151 = tpu.memref_slice %arg6[%add3A_144, %dma_wait3A_150] : memref<20x128xi32, #tpu.memory_space<vmem>> -> memref<1x128xi32, #tpu.memory_space<vmem>>
        %dma_wait3A_152 = tpu.memref_squeeze %dma_wait3A_151 : memref<1x128xi32, #tpu.memory_space<vmem>> -> memref<128xi32, #tpu.memory_space<vmem>>
        %dma_wait3A_153 = arith.constant 0 : i32
        %dma_wait3A_154 = arith.constant 0 : i32
        %dma_wait3A_155 = tpu.memref_slice %arg2[%arg0, %dma_wait3A_153, %dma_wait3A_154] : memref<2x10000x128xf32, #tpu.memory_space<hbm>> -> memref<1x10000x128xf32, #tpu.memory_space<hbm>>
        %dma_wait3A_156 = tpu.memref_squeeze %dma_wait3A_155 : memref<1x10000x128xf32, #tpu.memory_space<hbm>> -> memref<10000x128xf32, #tpu.memory_space<hbm>>
        %dma_wait3A_157 = arith.constant 0 : i32
        %dma_wait3A_158 = arith.constant 0 : i32
        %dma_wait3A_159 = tpu.memref_slice %dma_wait3A_156[%dma_wait3A_157, %dma_wait3A_158] : memref<10000x128xf32, #tpu.memory_space<hbm>> -> memref<10000x128xf32, #tpu.memory_space<hbm>>
        tpu.wait_indirect_dma semaphore(%arg11 : memref<!tpu.dma_semaphore, #tpu.memory_space<semaphore_mem>>) src(%dma_wait3A_159 : memref<10000x128xf32, #tpu.memory_space<hbm>>) dst(%dma_wait3A_149 : memref<128x128xf32, #tpu.memory_space<vmem>>)
        %add3A_160 = arith.constant 1 : i32
        %add3A_161 = arith.addi %add3A_103, %add3A_160 : i32
        %run_scoped3A_162 = arith.constant 1 : i32
        "tpu.region"() ({
          %run_scoped3A_182 = tpu.sem_alloc : memref<!tpu.dma_semaphore, #tpu.memory_space<semaphore_mem>>
          %dma_start3A_183 = arith.constant 0 : i32
          %dma_start3A_184 = arith.constant 0 : i32
          %dma_start3A_185 = tpu.memref_slice %arg8[%run_scoped3A_162, %dma_start3A_183, %dma_start3A_184] : memref<2x128x128xf32, #tpu.memory_space<vmem>> -> memref<1x128x128xf32, #tpu.memory_space<vmem>>
          %dma_start3A_186 = tpu.memref_squeeze %dma_start3A_185 : memref<1x128x128xf32, #tpu.memory_space<vmem>> -> memref<128x128xf32, #tpu.memory_space<vmem>>
          %dma_start3A_187 = arith.constant 0 : i32
          %dma_start3A_188 = tpu.memref_slice %arg7[%add3A_161, %dma_start3A_187] : memref<20x128xi32, #tpu.memory_space<vmem>> -> memref<1x128xi32, #tpu.memory_space<vmem>>
          %dma_start3A_189 = tpu.memref_squeeze %dma_start3A_188 : memref<1x128xi32, #tpu.memory_space<vmem>> -> memref<128xi32, #tpu.memory_space<vmem>>
          %dma_start3A_190 = arith.constant 0 : i32
          %dma_start3A_191 = arith.constant 0 : i32
          %dma_start3A_192 = tpu.memref_slice %arg9[%dma_start3A_190, %dma_start3A_191] : memref<10240x128xf32, #tpu.memory_space<vmem_shared>> -> memref<10240x128xf32, #tpu.memory_space<vmem_shared>>
          tpu.enqueue_indirect_dma source(%dma_start3A_186 : memref<128x128xf32, #tpu.memory_space<vmem>>) target(%dma_start3A_192 : memref<10240x128xf32, #tpu.memory_space<vmem_shared>>) offsets(%dma_start3A_189 : memref<128xi32, #tpu.memory_space<vmem>>) semaphore(%run_scoped3A_182 : memref<!tpu.dma_semaphore, #tpu.memory_space<semaphore_mem>>) {add = true}
          %dma_wait3A_193 = arith.constant 0 : i32
          %dma_wait3A_194 = arith.constant 0 : i32
          %dma_wait3A_195 = tpu.memref_slice %arg8[%run_scoped3A_162, %dma_wait3A_193, %dma_wait3A_194] : memref<2x128x128xf32, #tpu.memory_space<vmem>> -> memref<1x128x128xf32, #tpu.memory_space<vmem>>
          %dma_wait3A_196 = tpu.memref_squeeze %dma_wait3A_195 : memref<1x128x128xf32, #tpu.memory_space<vmem>> -> memref<128x128xf32, #tpu.memory_space<vmem>>
          %dma_wait3A_197 = arith.constant 0 : i32
          %dma_wait3A_198 = tpu.memref_slice %arg7[%add3A_161, %dma_wait3A_197] : memref<20x128xi32, #tpu.memory_space<vmem>> -> memref<1x128xi32, #tpu.memory_space<vmem>>
          %dma_wait3A_199 = tpu.memref_squeeze %dma_wait3A_198 : memref<1x128xi32, #tpu.memory_space<vmem>> -> memref<128xi32, #tpu.memory_space<vmem>>
          %dma_wait3A_200 = arith.constant 0 : i32
          %dma_wait3A_201 = arith.constant 0 : i32
          %dma_wait3A_202 = tpu.memref_slice %arg9[%dma_wait3A_200, %dma_wait3A_201] : memref<10240x128xf32, #tpu.memory_space<vmem_shared>> -> memref<10240x128xf32, #tpu.memory_space<vmem_shared>>
          tpu.wait_indirect_dma semaphore(%run_scoped3A_182 : memref<!tpu.dma_semaphore, #tpu.memory_space<semaphore_mem>>) src(%dma_wait3A_196 : memref<128x128xf32, #tpu.memory_space<vmem>>) dst(%dma_wait3A_202 : memref<10240x128xf32, #tpu.memory_space<vmem_shared>>)
          tpu.yield
        }) : () -> ()
        %add3A_163 = arith.constant 1 : i32
        %add3A_164 = arith.addi %add3A_103, %add3A_163 : i32
        %add3A_165 = arith.constant 2 : i32
        %add3A_166 = arith.addi %add3A_164, %add3A_165 : i32
        %dma_start3A_167 = arith.constant 1 : i32
        %dma_start3A_168 = arith.constant 0 : i32
        %dma_start3A_169 = arith.constant 0 : i32
        %dma_start3A_170 = tpu.memref_slice %arg8[%dma_start3A_167, %dma_start3A_168, %dma_start3A_169] : memref<2x128x128xf32, #tpu.memory_space<vmem>> -> memref<1x128x128xf32, #tpu.memory_space<vmem>>
        %dma_start3A_171 = tpu.memref_squeeze %dma_start3A_170 : memref<1x128x128xf32, #tpu.memory_space<vmem>> -> memref<128x128xf32, #tpu.memory_space<vmem>>
        %dma_start3A_172 = arith.constant 0 : i32
        %dma_start3A_173 = tpu.memref_slice %arg6[%add3A_166, %dma_start3A_172] : memref<20x128xi32, #tpu.memory_space<vmem>> -> memref<1x128xi32, #tpu.memory_space<vmem>>
        %dma_start3A_174 = tpu.memref_squeeze %dma_start3A_173 : memref<1x128xi32, #tpu.memory_space<vmem>> -> memref<128xi32, #tpu.memory_space<vmem>>
        %dma_start3A_175 = arith.constant 0 : i32
        %dma_start3A_176 = arith.constant 0 : i32
        %dma_start3A_177 = tpu.memref_slice %arg2[%arg0, %dma_start3A_175, %dma_start3A_176] : memref<2x10000x128xf32, #tpu.memory_space<hbm>> -> memref<1x10000x128xf32, #tpu.memory_space<hbm>>
        %dma_start3A_178 = tpu.memref_squeeze %dma_start3A_177 : memref<1x10000x128xf32, #tpu.memory_space<hbm>> -> memref<10000x128xf32, #tpu.memory_space<hbm>>
        %dma_start3A_179 = arith.constant 0 : i32
        %dma_start3A_180 = arith.constant 0 : i32
        %dma_start3A_181 = tpu.memref_slice %dma_start3A_178[%dma_start3A_179, %dma_start3A_180] : memref<10000x128xf32, #tpu.memory_space<hbm>> -> memref<10000x128xf32, #tpu.memory_space<hbm>>
        tpu.enqueue_indirect_dma source(%dma_start3A_181 : memref<10000x128xf32, #tpu.memory_space<hbm>>) target(%dma_start3A_171 : memref<128x128xf32, #tpu.memory_space<vmem>>) offsets(%dma_start3A_174 : memref<128xi32, #tpu.memory_space<vmem>>) semaphore(%arg11 : memref<!tpu.dma_semaphore, #tpu.memory_space<semaphore_mem>>)
      }
      %scan3A_64 = arith.constant 9 : i32
      %dma_wait3A = arith.constant 18 : i32
      %dma_wait3A_65 = arith.constant 0 : i32
      %dma_wait3A_66 = arith.constant 0 : i32
      %dma_wait3A_67 = arith.constant 0 : i32
      %dma_wait3A_68 = tpu.memref_slice %arg8[%dma_wait3A_65, %dma_wait3A_66, %dma_wait3A_67] : memref<2x128x128xf32, #tpu.memory_space<vmem>> -> memref<1x128x128xf32, #tpu.memory_space<vmem>>
      %dma_wait3A_69 = tpu.memref_squeeze %dma_wait3A_68 : memref<1x128x128xf32, #tpu.memory_space<vmem>> -> memref<128x128xf32, #tpu.memory_space<vmem>>
      %dma_wait3A_70 = arith.constant 0 : i32
      %dma_wait3A_71 = tpu.memref_slice %arg6[%dma_wait3A, %dma_wait3A_70] : memref<20x128xi32, #tpu.memory_space<vmem>> -> memref<1x128xi32, #tpu.memory_space<vmem>>
      %dma_wait3A_72 = tpu.memref_squeeze %dma_wait3A_71 : memref<1x128xi32, #tpu.memory_space<vmem>> -> memref<128xi32, #tpu.memory_space<vmem>>
      %dma_wait3A_73 = arith.constant 0 : i32
      %dma_wait3A_74 = arith.constant 0 : i32
      %dma_wait3A_75 = tpu.memref_slice %arg2[%arg0, %dma_wait3A_73, %dma_wait3A_74] : memref<2x10000x128xf32, #tpu.memory_space<hbm>> -> memref<1x10000x128xf32, #tpu.memory_space<hbm>>
      %dma_wait3A_76 = tpu.memref_squeeze %dma_wait3A_75 : memref<1x10000x128xf32, #tpu.memory_space<hbm>> -> memref<10000x128xf32, #tpu.memory_space<hbm>>
      %dma_wait3A_77 = arith.constant 0 : i32
      %dma_wait3A_78 = arith.constant 0 : i32
      %dma_wait3A_79 = tpu.memref_slice %dma_wait3A_76[%dma_wait3A_77, %dma_wait3A_78] : memref<10000x128xf32, #tpu.memory_space<hbm>> -> memref<10000x128xf32, #tpu.memory_space<hbm>>
      tpu.wait_indirect_dma semaphore(%arg10 : memref<!tpu.dma_semaphore, #tpu.memory_space<semaphore_mem>>) src(%dma_wait3A_79 : memref<10000x128xf32, #tpu.memory_space<hbm>>) dst(%dma_wait3A_69 : memref<128x128xf32, #tpu.memory_space<vmem>>)
      %run_scoped3A = arith.constant 0 : i32
      %run_scoped3A_80 = arith.constant 18 : i32
      "tpu.region"() ({
        %run_scoped3A_99 = tpu.sem_alloc : memref<!tpu.dma_semaphore, #tpu.memory_space<semaphore_mem>>
        %dma_start3A_100 = arith.constant 0 : i32
        %dma_start3A_101 = arith.constant 0 : i32
        %dma_start3A_102 = tpu.memref_slice %arg8[%run_scoped3A, %dma_start3A_100, %dma_start3A_101] : memref<2x128x128xf32, #tpu.memory_space<vmem>> -> memref<1x128x128xf32, #tpu.memory_space<vmem>>
        %dma_start3A_103 = tpu.memref_squeeze %dma_start3A_102 : memref<1x128x128xf32, #tpu.memory_space<vmem>> -> memref<128x128xf32, #tpu.memory_space<vmem>>
        %dma_start3A_104 = arith.constant 0 : i32
        %dma_start3A_105 = tpu.memref_slice %arg7[%run_scoped3A_80, %dma_start3A_104] : memref<20x128xi32, #tpu.memory_space<vmem>> -> memref<1x128xi32, #tpu.memory_space<vmem>>
        %dma_start3A_106 = tpu.memref_squeeze %dma_start3A_105 : memref<1x128xi32, #tpu.memory_space<vmem>> -> memref<128xi32, #tpu.memory_space<vmem>>
        %dma_start3A_107 = arith.constant 0 : i32
        %dma_start3A_108 = arith.constant 0 : i32
        %dma_start3A_109 = tpu.memref_slice %arg9[%dma_start3A_107, %dma_start3A_108] : memref<10240x128xf32, #tpu.memory_space<vmem_shared>> -> memref<10240x128xf32, #tpu.memory_space<vmem_shared>>
        tpu.enqueue_indirect_dma source(%dma_start3A_103 : memref<128x128xf32, #tpu.memory_space<vmem>>) target(%dma_start3A_109 : memref<10240x128xf32, #tpu.memory_space<vmem_shared>>) offsets(%dma_start3A_106 : memref<128xi32, #tpu.memory_space<vmem>>) semaphore(%run_scoped3A_99 : memref<!tpu.dma_semaphore, #tpu.memory_space<semaphore_mem>>) {add = true}
        %dma_wait3A_110 = arith.constant 0 : i32
        %dma_wait3A_111 = arith.constant 0 : i32
        %dma_wait3A_112 = tpu.memref_slice %arg8[%run_scoped3A, %dma_wait3A_110, %dma_wait3A_111] : memref<2x128x128xf32, #tpu.memory_space<vmem>> -> memref<1x128x128xf32, #tpu.memory_space<vmem>>
        %dma_wait3A_113 = tpu.memref_squeeze %dma_wait3A_112 : memref<1x128x128xf32, #tpu.memory_space<vmem>> -> memref<128x128xf32, #tpu.memory_space<vmem>>
        %dma_wait3A_114 = arith.constant 0 : i32
        %dma_wait3A_115 = tpu.memref_slice %arg7[%run_scoped3A_80, %dma_wait3A_114] : memref<20x128xi32, #tpu.memory_space<vmem>> -> memref<1x128xi32, #tpu.memory_space<vmem>>
        %dma_wait3A_116 = tpu.memref_squeeze %dma_wait3A_115 : memref<1x128xi32, #tpu.memory_space<vmem>> -> memref<128xi32, #tpu.memory_space<vmem>>
        %dma_wait3A_117 = arith.constant 0 : i32
        %dma_wait3A_118 = arith.constant 0 : i32
        %dma_wait3A_119 = tpu.memref_slice %arg9[%dma_wait3A_117, %dma_wait3A_118] : memref<10240x128xf32, #tpu.memory_space<vmem_shared>> -> memref<10240x128xf32, #tpu.memory_space<vmem_shared>>
        tpu.wait_indirect_dma semaphore(%run_scoped3A_99 : memref<!tpu.dma_semaphore, #tpu.memory_space<semaphore_mem>>) src(%dma_wait3A_113 : memref<128x128xf32, #tpu.memory_space<vmem>>) dst(%dma_wait3A_119 : memref<10240x128xf32, #tpu.memory_space<vmem_shared>>)
        tpu.yield
      }) : () -> ()
      %dma_wait3A_81 = arith.constant 19 : i32
      %dma_wait3A_82 = arith.constant 1 : i32
      %dma_wait3A_83 = arith.constant 0 : i32
      %dma_wait3A_84 = arith.constant 0 : i32
      %dma_wait3A_85 = tpu.memref_slice %arg8[%dma_wait3A_82, %dma_wait3A_83, %dma_wait3A_84] : memref<2x128x128xf32, #tpu.memory_space<vmem>> -> memref<1x128x128xf32, #tpu.memory_space<vmem>>
      %dma_wait3A_86 = tpu.memref_squeeze %dma_wait3A_85 : memref<1x128x128xf32, #tpu.memory_space<vmem>> -> memref<128x128xf32, #tpu.memory_space<vmem>>
      %dma_wait3A_87 = arith.constant 0 : i32
      %dma_wait3A_88 = tpu.memref_slice %arg6[%dma_wait3A_81, %dma_wait3A_87] : memref<20x128xi32, #tpu.memory_space<vmem>> -> memref<1x128xi32, #tpu.memory_space<vmem>>
      %dma_wait3A_89 = tpu.memref_squeeze %dma_wait3A_88 : memref<1x128xi32, #tpu.memory_space<vmem>> -> memref<128xi32, #tpu.memory_space<vmem>>
      %dma_wait3A_90 = arith.constant 0 : i32
      %dma_wait3A_91 = arith.constant 0 : i32
      %dma_wait3A_92 = tpu.memref_slice %arg2[%arg0, %dma_wait3A_90, %dma_wait3A_91] : memref<2x10000x128xf32, #tpu.memory_space<hbm>> -> memref<1x10000x128xf32, #tpu.memory_space<hbm>>
      %dma_wait3A_93 = tpu.memref_squeeze %dma_wait3A_92 : memref<1x10000x128xf32, #tpu.memory_space<hbm>> -> memref<10000x128xf32, #tpu.memory_space<hbm>>
      %dma_wait3A_94 = arith.constant 0 : i32
      %dma_wait3A_95 = arith.constant 0 : i32
      %dma_wait3A_96 = tpu.memref_slice %dma_wait3A_93[%dma_wait3A_94, %dma_wait3A_95] : memref<10000x128xf32, #tpu.memory_space<hbm>> -> memref<10000x128xf32, #tpu.memory_space<hbm>>
      tpu.wait_indirect_dma semaphore(%arg11 : memref<!tpu.dma_semaphore, #tpu.memory_space<semaphore_mem>>) src(%dma_wait3A_96 : memref<10000x128xf32, #tpu.memory_space<hbm>>) dst(%dma_wait3A_86 : memref<128x128xf32, #tpu.memory_space<vmem>>)
      %run_scoped3A_97 = arith.constant 1 : i32
      %run_scoped3A_98 = arith.constant 19 : i32
      "tpu.region"() ({
        %run_scoped3A_99 = tpu.sem_alloc : memref<!tpu.dma_semaphore, #tpu.memory_space<semaphore_mem>>
        %dma_start3A_100 = arith.constant 0 : i32
        %dma_start3A_101 = arith.constant 0 : i32
        %dma_start3A_102 = tpu.memref_slice %arg8[%run_scoped3A_97, %dma_start3A_100, %dma_start3A_101] : memref<2x128x128xf32, #tpu.memory_space<vmem>> -> memref<1x128x128xf32, #tpu.memory_space<vmem>>
        %dma_start3A_103 = tpu.memref_squeeze %dma_start3A_102 : memref<1x128x128xf32, #tpu.memory_space<vmem>> -> memref<128x128xf32, #tpu.memory_space<vmem>>
        %dma_start3A_104 = arith.constant 0 : i32
        %dma_start3A_105 = tpu.memref_slice %arg7[%run_scoped3A_98, %dma_start3A_104] : memref<20x128xi32, #tpu.memory_space<vmem>> -> memref<1x128xi32, #tpu.memory_space<vmem>>
        %dma_start3A_106 = tpu.memref_squeeze %dma_start3A_105 : memref<1x128xi32, #tpu.memory_space<vmem>> -> memref<128xi32, #tpu.memory_space<vmem>>
        %dma_start3A_107 = arith.constant 0 : i32
        %dma_start3A_108 = arith.constant 0 : i32
        %dma_start3A_109 = tpu.memref_slice %arg9[%dma_start3A_107, %dma_start3A_108] : memref<10240x128xf32, #tpu.memory_space<vmem_shared>> -> memref<10240x128xf32, #tpu.memory_space<vmem_shared>>
        tpu.enqueue_indirect_dma source(%dma_start3A_103 : memref<128x128xf32, #tpu.memory_space<vmem>>) target(%dma_start3A_109 : memref<10240x128xf32, #tpu.memory_space<vmem_shared>>) offsets(%dma_start3A_106 : memref<128xi32, #tpu.memory_space<vmem>>) semaphore(%run_scoped3A_99 : memref<!tpu.dma_semaphore, #tpu.memory_space<semaphore_mem>>) {add = true}
        %dma_wait3A_110 = arith.constant 0 : i32
        %dma_wait3A_111 = arith.constant 0 : i32
        %dma_wait3A_112 = tpu.memref_slice %arg8[%run_scoped3A_97, %dma_wait3A_110, %dma_wait3A_111] : memref<2x128x128xf32, #tpu.memory_space<vmem>> -> memref<1x128x128xf32, #tpu.memory_space<vmem>>
        %dma_wait3A_113 = tpu.memref_squeeze %dma_wait3A_112 : memref<1x128x128xf32, #tpu.memory_space<vmem>> -> memref<128x128xf32, #tpu.memory_space<vmem>>
        %dma_wait3A_114 = arith.constant 0 : i32
        %dma_wait3A_115 = tpu.memref_slice %arg7[%run_scoped3A_98, %dma_wait3A_114] : memref<20x128xi32, #tpu.memory_space<vmem>> -> memref<1x128xi32, #tpu.memory_space<vmem>>
        %dma_wait3A_116 = tpu.memref_squeeze %dma_wait3A_115 : memref<1x128xi32, #tpu.memory_space<vmem>> -> memref<128xi32, #tpu.memory_space<vmem>>
        %dma_wait3A_117 = arith.constant 0 : i32
        %dma_wait3A_118 = arith.constant 0 : i32
        %dma_wait3A_119 = tpu.memref_slice %arg9[%dma_wait3A_117, %dma_wait3A_118] : memref<10240x128xf32, #tpu.memory_space<vmem_shared>> -> memref<10240x128xf32, #tpu.memory_space<vmem_shared>>
        tpu.wait_indirect_dma semaphore(%run_scoped3A_99 : memref<!tpu.dma_semaphore, #tpu.memory_space<semaphore_mem>>) src(%dma_wait3A_113 : memref<128x128xf32, #tpu.memory_space<vmem>>) dst(%dma_wait3A_119 : memref<10240x128xf32, #tpu.memory_space<vmem_shared>>)
        tpu.yield
      }) : () -> ()
    }
    %scan3A_18 = arith.constant 4 : i32
    %barrier3A_19 = arith.constant 0 : index
    tpu.barrier barrier_id(%barrier3A_19)
    %lt3A = arith.constant 15 : i32
    %lt3A_20 = arith.cmpi slt, %arg1, %lt3A : i32
    %convert_element_type3A = arith.extui %lt3A_20 : i1 to i32
    %cond3A = arith.constant 0 : i32
    %cond3A_21 = arith.cmpi ne, %convert_element_type3A, %cond3A : i32
    scf.if %cond3A_21 {
      %mul3A = arith.constant 624 : i32
      %mul3A_26 = arith.muli %arg1, %mul3A : i32
      "tpu.region"() ({
        %run_scoped3A = tpu.sem_alloc : memref<!tpu.dma_semaphore, #tpu.memory_space<semaphore_mem>>
        %dma_start3A = arith.constant 0 : i32
        %dma_start3A_27 = arith.constant 0 : i32
        %dma_start3A_28 = tpu.memref_slice %arg5[%arg0, %dma_start3A, %dma_start3A_27] : memref<2x10000x128xf32, #tpu.memory_space<hbm>> -> memref<1x10000x128xf32, #tpu.memory_space<hbm>>
        %dma_start3A_29 = tpu.memref_squeeze %dma_start3A_28 : memref<1x10000x128xf32, #tpu.memory_space<hbm>> -> memref<10000x128xf32, #tpu.memory_space<hbm>>
        %dma_start3A_30 = arith.constant 0 : i32
        %dma_start3A_31 = tpu.memref_slice %dma_start3A_29[%mul3A_26, %dma_start3A_30] : memref<10000x128xf32, #tpu.memory_space<hbm>> -> memref<624x128xf32, #tpu.memory_space<hbm>>
        %dma_start3A_32 = arith.constant 0 : i32
        %dma_start3A_33 = tpu.memref_slice %arg9[%mul3A_26, %dma_start3A_32] : memref<10240x128xf32, #tpu.memory_space<vmem_shared>> -> memref<624x128xf32, #tpu.memory_space<vmem_shared>>
        tpu.enqueue_dma source(%dma_start3A_33 : memref<624x128xf32, #tpu.memory_space<vmem_shared>>) target(%dma_start3A_31 : memref<624x128xf32, #tpu.memory_space<hbm>>) target_semaphore(%run_scoped3A : memref<!tpu.dma_semaphore, #tpu.memory_space<semaphore_mem>>)
        %dma_wait3A = arith.constant 0 : i32
        %dma_wait3A_34 = arith.constant 0 : i32
        %dma_wait3A_35 = tpu.memref_slice %arg5[%arg0, %dma_wait3A, %dma_wait3A_34] : memref<2x10000x128xf32, #tpu.memory_space<hbm>> -> memref<1x10000x128xf32, #tpu.memory_space<hbm>>
        %dma_wait3A_36 = tpu.memref_squeeze %dma_wait3A_35 : memref<1x10000x128xf32, #tpu.memory_space<hbm>> -> memref<10000x128xf32, #tpu.memory_space<hbm>>
        %dma_wait3A_37 = arith.constant 0 : i32
        %dma_wait3A_38 = tpu.memref_slice %dma_wait3A_36[%mul3A_26, %dma_wait3A_37] : memref<10000x128xf32, #tpu.memory_space<hbm>> -> memref<624x128xf32, #tpu.memory_space<hbm>>
        %dma_wait3A_39 = arith.constant 0 : i32
        %dma_wait3A_40 = tpu.memref_slice %arg9[%mul3A_26, %dma_wait3A_39] : memref<10240x128xf32, #tpu.memory_space<vmem_shared>> -> memref<624x128xf32, #tpu.memory_space<vmem_shared>>
        tpu.wait_dma2 semaphore(%run_scoped3A : memref<!tpu.dma_semaphore, #tpu.memory_space<semaphore_mem>>) src(%dma_wait3A_40 : memref<624x128xf32, #tpu.memory_space<vmem_shared>>) dst(%dma_wait3A_38 : memref<624x128xf32, #tpu.memory_space<hbm>>)
        tpu.yield
      }) : () -> ()
    } else {
    }
    %eq3A = arith.constant 15 : i32
    %eq3A_22 = arith.cmpi eq, %arg1, %eq3A : i32
    %convert_element_type3A_23 = arith.extui %eq3A_22 : i1 to i32
    %cond3A_24 = arith.constant 0 : i32
    %cond3A_25 = arith.cmpi ne, %convert_element_type3A_23, %cond3A_24 : i32
    scf.if %cond3A_25 {
      "tpu.region"() ({
        %run_scoped3A = tpu.sem_alloc : memref<!tpu.dma_semaphore, #tpu.memory_space<semaphore_mem>>
        %dma_start3A = arith.constant 0 : i32
        %dma_start3A_26 = arith.constant 0 : i32
        %dma_start3A_27 = tpu.memref_slice %arg5[%arg0, %dma_start3A, %dma_start3A_26] : memref<2x10000x128xf32, #tpu.memory_space<hbm>> -> memref<1x10000x128xf32, #tpu.memory_space<hbm>>
        %dma_start3A_28 = tpu.memref_squeeze %dma_start3A_27 : memref<1x10000x128xf32, #tpu.memory_space<hbm>> -> memref<10000x128xf32, #tpu.memory_space<hbm>>
        %dma_start3A_29 = arith.constant 9360 : i32
        %dma_start3A_30 = arith.constant 0 : i32
        %dma_start3A_31 = tpu.memref_slice %dma_start3A_28[%dma_start3A_29, %dma_start3A_30] : memref<10000x128xf32, #tpu.memory_space<hbm>> -> memref<640x128xf32, #tpu.memory_space<hbm>>
        %dma_start3A_32 = arith.constant 9360 : i32
        %dma_start3A_33 = arith.constant 0 : i32
        %dma_start3A_34 = tpu.memref_slice %arg9[%dma_start3A_32, %dma_start3A_33] : memref<10240x128xf32, #tpu.memory_space<vmem_shared>> -> memref<640x128xf32, #tpu.memory_space<vmem_shared>>
        tpu.enqueue_dma source(%dma_start3A_34 : memref<640x128xf32, #tpu.memory_space<vmem_shared>>) target(%dma_start3A_31 : memref<640x128xf32, #tpu.memory_space<hbm>>) target_semaphore(%run_scoped3A : memref<!tpu.dma_semaphore, #tpu.memory_space<semaphore_mem>>)
        %dma_wait3A = arith.constant 0 : i32
        %dma_wait3A_35 = arith.constant 0 : i32
        %dma_wait3A_36 = tpu.memref_slice %arg5[%arg0, %dma_wait3A, %dma_wait3A_35] : memref<2x10000x128xf32, #tpu.memory_space<hbm>> -> memref<1x10000x128xf32, #tpu.memory_space<hbm>>
        %dma_wait3A_37 = tpu.memref_squeeze %dma_wait3A_36 : memref<1x10000x128xf32, #tpu.memory_space<hbm>> -> memref<10000x128xf32, #tpu.memory_space<hbm>>
        %dma_wait3A_38 = arith.constant 9360 : i32
        %dma_wait3A_39 = arith.constant 0 : i32
        %dma_wait3A_40 = tpu.memref_slice %dma_wait3A_37[%dma_wait3A_38, %dma_wait3A_39] : memref<10000x128xf32, #tpu.memory_space<hbm>> -> memref<640x128xf32, #tpu.memory_space<hbm>>
        %dma_wait3A_41 = arith.constant 9360 : i32
        %dma_wait3A_42 = arith.constant 0 : i32
        %dma_wait3A_43 = tpu.memref_slice %arg9[%dma_wait3A_41, %dma_wait3A_42] : memref<10240x128xf32, #tpu.memory_space<vmem_shared>> -> memref<640x128xf32, #tpu.memory_space<vmem_shared>>
        tpu.wait_dma2 semaphore(%run_scoped3A : memref<!tpu.dma_semaphore, #tpu.memory_space<semaphore_mem>>) src(%dma_wait3A_43 : memref<640x128xf32, #tpu.memory_space<vmem_shared>>) dst(%dma_wait3A_40 : memref<640x128xf32, #tpu.memory_space<hbm>>)
        tpu.yield
      }) : () -> ()
    } else {
    }
    return
  }
}

#map = affine_map<(d0, d1) -> (0, 0, 0)>
module attributes {stable_mosaic.version = 14 : i64} {
  func.func @k(%arg0: i32, %arg1: i32, %arg2: memref<16x80x128xi32, #tpu.memory_space<hbm>>, %arg3: memref<2x10000x16xf32, #tpu.memory_space<hbm>>, %arg4: memref<80x128xi32, #tpu.memory_space<vmem>>, %arg5: memref<128x16xf32, #tpu.memory_space<vmem>>, %arg6: memref<128x16xf32, #tpu.memory_space<vmem>>, %arg7: memref<10240x16xf32, #tpu.memory_space<vmem_shared>>) attributes {dimension_semantics = [#tpu.dimension_semantics<core_parallel>, #tpu.dimension_semantics<subcore_parallel>], iteration_bounds = array<i64: 2, 16>, scalar_prefetch = 0 : i64, scratch_operands = 4 : i64, tpu.core_type = #tpu.core_type<sc_vector_subcore>, window_params = [{transform_indices = #map}, {transform_indices = #map}]} {
    %scan3A = arith.constant 0 : i32
    %scan3A_0 = arith.constant 128 : i32
    %scan3A_1 = arith.addi %scan3A, %scan3A_0 : i32
    %scan3A_2 = arith.constant 1 : i32
    scf.for %scan3A_26 = %scan3A to %scan3A_1 step %scan3A_2  : i32 {
      %mul3A = arith.constant 1 : i32
      %mul3A_27 = arith.muli %scan3A_26, %mul3A : i32
      %add3A = arith.constant 0 : i32
      %add3A_28 = arith.addi %add3A, %mul3A_27 : i32
      %broadcast_in_dim3A = arith.constant 1.000000e+00 : f32
      %broadcast_in_dim3A_29 = vector.broadcast %broadcast_in_dim3A : f32 to vector<16xf32>
      %swap3A = arith.index_cast %add3A_28 : i32 to index
      %swap3A_30 = arith.constant 0 : index
      %swap3A_31 = tpu.vector_load %arg5[%swap3A, %swap3A_30] {strides = array<i32>} : memref<128x16xf32, #tpu.memory_space<vmem>>, vector<1x16xf32>,
      %swap3A_32 = vector.shape_cast %swap3A_31 : vector<1x16xf32> to vector<16xf32>
      %swap3A_33 = vector.shape_cast %broadcast_in_dim3A_29 : vector<16xf32> to vector<1x16xf32>
      tpu.vector_store %arg5[%swap3A, %swap3A_30], %swap3A_33 {strides = array<i32>} : memref<128x16xf32, #tpu.memory_space<vmem>>, vector<1x16xf32>,
    }
    %scan3A_3 = arith.constant 128 : i32
    %scan3A_4 = arith.constant 0 : i32
    %scan3A_5 = arith.constant 128 : i32
    %scan3A_6 = arith.addi %scan3A_4, %scan3A_5 : i32
    %scan3A_7 = arith.constant 1 : i32
    scf.for %scan3A_26 = %scan3A_4 to %scan3A_6 step %scan3A_7  : i32 {
      %mul3A = arith.constant 1 : i32
      %mul3A_27 = arith.muli %scan3A_26, %mul3A : i32
      %add3A = arith.constant 0 : i32
      %add3A_28 = arith.addi %add3A, %mul3A_27 : i32
      %broadcast_in_dim3A = arith.constant 0.000000e+00 : f32
      %broadcast_in_dim3A_29 = vector.broadcast %broadcast_in_dim3A : f32 to vector<16xf32>
      %swap3A = arith.index_cast %add3A_28 : i32 to index
      %swap3A_30 = arith.constant 0 : index
      %swap3A_31 = tpu.vector_load %arg6[%swap3A, %swap3A_30] {strides = array<i32>} : memref<128x16xf32, #tpu.memory_space<vmem>>, vector<1x16xf32>,
      %swap3A_32 = vector.shape_cast %swap3A_31 : vector<1x16xf32> to vector<16xf32>
      %swap3A_33 = vector.shape_cast %broadcast_in_dim3A_29 : vector<16xf32> to vector<1x16xf32>
      tpu.vector_store %arg6[%swap3A, %swap3A_30], %swap3A_33 {strides = array<i32>} : memref<128x16xf32, #tpu.memory_space<vmem>>, vector<1x16xf32>,
    }
    %scan3A_8 = arith.constant 128 : i32
    %scan3A_9 = arith.constant 0 : i32
    %scan3A_10 = arith.constant 5 : i32
    %scan3A_11 = arith.addi %scan3A_9, %scan3A_10 : i32
    %scan3A_12 = arith.constant 1 : i32
    scf.for %scan3A_26 = %scan3A_9 to %scan3A_11 step %scan3A_12  : i32 {
      %mul3A = arith.constant 128 : i32
      %mul3A_27 = arith.muli %scan3A_26, %mul3A : i32
      %add3A = arith.constant 0 : i32
      %add3A_28 = arith.addi %add3A, %mul3A_27 : i32
      %mul3A_29 = arith.constant 640 : i32
      %mul3A_30 = arith.muli %arg1, %mul3A_29 : i32
      %add3A_31 = arith.addi %mul3A_30, %add3A_28 : i32
      "tpu.region"() ({
        %run_scoped3A = tpu.sem_alloc : memref<!tpu.dma_semaphore, #tpu.memory_space<semaphore_mem>>
        %dma_start3A = arith.constant 0 : i32
        %dma_start3A_32 = tpu.memref_slice %arg7[%add3A_31, %dma_start3A] : memref<10240x16xf32, #tpu.memory_space<vmem_shared>> -> memref<128x16xf32, #tpu.memory_space<vmem_shared>>
        %dma_start3A_33 = arith.constant 0 : i32
        %dma_start3A_34 = tpu.memref_slice %arg7[%add3A_31, %dma_start3A_33] : memref<10240x16xf32, #tpu.memory_space<vmem_shared>> -> memref<128x16xf32, #tpu.memory_space<vmem_shared>>
        tpu.enqueue_dma source(%arg6 : memref<128x16xf32, #tpu.memory_space<vmem>>) target(%dma_start3A_34 : memref<128x16xf32, #tpu.memory_space<vmem_shared>>) target_semaphore(%run_scoped3A : memref<!tpu.dma_semaphore, #tpu.memory_space<semaphore_mem>>)
        %dma_wait3A = arith.constant 0 : i32
        %dma_wait3A_35 = tpu.memref_slice %arg7[%add3A_31, %dma_wait3A] : memref<10240x16xf32, #tpu.memory_space<vmem_shared>> -> memref<128x16xf32, #tpu.memory_space<vmem_shared>>
        %dma_wait3A_36 = arith.constant 0 : i32
        %dma_wait3A_37 = tpu.memref_slice %arg7[%add3A_31, %dma_wait3A_36] : memref<10240x16xf32, #tpu.memory_space<vmem_shared>> -> memref<128x16xf32, #tpu.memory_space<vmem_shared>>
        tpu.wait_dma2 semaphore(%run_scoped3A : memref<!tpu.dma_semaphore, #tpu.memory_space<semaphore_mem>>) src(%arg6 : memref<128x16xf32, #tpu.memory_space<vmem>>) dst(%dma_wait3A_37 : memref<128x16xf32, #tpu.memory_space<vmem_shared>>)
        tpu.yield
      }) : () -> ()
    }
    %scan3A_13 = arith.constant 5 : i32
    %barrier3A = arith.constant 0 : index
    tpu.barrier barrier_id(%barrier3A)
    "tpu.region"() ({
      %run_scoped3A = tpu.sem_alloc : memref<!tpu.dma_semaphore, #tpu.memory_space<semaphore_mem>>
      %dma_start3A = arith.constant 0 : i32
      %dma_start3A_26 = arith.constant 0 : i32
      %dma_start3A_27 = tpu.memref_slice %arg2[%arg1, %dma_start3A, %dma_start3A_26] : memref<16x80x128xi32, #tpu.memory_space<hbm>> -> memref<1x80x128xi32, #tpu.memory_space<hbm>>
      %dma_start3A_28 = tpu.memref_squeeze %dma_start3A_27 : memref<1x80x128xi32, #tpu.memory_space<hbm>> -> memref<80x128xi32, #tpu.memory_space<hbm>>
      %dma_start3A_29 = arith.constant 0 : i32
      %dma_start3A_30 = arith.constant 0 : i32
      %dma_start3A_31 = tpu.memref_slice %arg2[%arg1, %dma_start3A_29, %dma_start3A_30] : memref<16x80x128xi32, #tpu.memory_space<hbm>> -> memref<1x80x128xi32, #tpu.memory_space<hbm>>
      %dma_start3A_32 = tpu.memref_squeeze %dma_start3A_31 : memref<1x80x128xi32, #tpu.memory_space<hbm>> -> memref<80x128xi32, #tpu.memory_space<hbm>>
      tpu.enqueue_dma source(%dma_start3A_32 : memref<80x128xi32, #tpu.memory_space<hbm>>) target(%arg4 : memref<80x128xi32, #tpu.memory_space<vmem>>) target_semaphore(%run_scoped3A : memref<!tpu.dma_semaphore, #tpu.memory_space<semaphore_mem>>)
      %dma_wait3A = arith.constant 0 : i32
      %dma_wait3A_33 = arith.constant 0 : i32
      %dma_wait3A_34 = tpu.memref_slice %arg2[%arg1, %dma_wait3A, %dma_wait3A_33] : memref<16x80x128xi32, #tpu.memory_space<hbm>> -> memref<1x80x128xi32, #tpu.memory_space<hbm>>
      %dma_wait3A_35 = tpu.memref_squeeze %dma_wait3A_34 : memref<1x80x128xi32, #tpu.memory_space<hbm>> -> memref<80x128xi32, #tpu.memory_space<hbm>>
      %dma_wait3A_36 = arith.constant 0 : i32
      %dma_wait3A_37 = arith.constant 0 : i32
      %dma_wait3A_38 = tpu.memref_slice %arg2[%arg1, %dma_wait3A_36, %dma_wait3A_37] : memref<16x80x128xi32, #tpu.memory_space<hbm>> -> memref<1x80x128xi32, #tpu.memory_space<hbm>>
      %dma_wait3A_39 = tpu.memref_squeeze %dma_wait3A_38 : memref<1x80x128xi32, #tpu.memory_space<hbm>> -> memref<80x128xi32, #tpu.memory_space<hbm>>
      tpu.wait_dma2 semaphore(%run_scoped3A : memref<!tpu.dma_semaphore, #tpu.memory_space<semaphore_mem>>) src(%dma_wait3A_39 : memref<80x128xi32, #tpu.memory_space<hbm>>) dst(%arg4 : memref<80x128xi32, #tpu.memory_space<vmem>>)
      tpu.yield
    }) : () -> ()
    %scan3A_14 = arith.constant 0 : i32
    %scan3A_15 = arith.constant 40 : i32
    %scan3A_16 = arith.addi %scan3A_14, %scan3A_15 : i32
    %scan3A_17 = arith.constant 1 : i32
    scf.for %scan3A_26 = %scan3A_14 to %scan3A_16 step %scan3A_17  : i32 {
      %mul3A = arith.constant 1 : i32
      %mul3A_27 = arith.muli %scan3A_26, %mul3A : i32
      %add3A = arith.constant 0 : i32
      %add3A_28 = arith.addi %add3A, %mul3A_27 : i32
      %mul3A_29 = arith.constant 40 : i32
      %mul3A_30 = arith.muli %arg0, %mul3A_29 : i32
      %add3A_31 = arith.addi %mul3A_30, %add3A_28 : i32
      "tpu.region"() ({
        %run_scoped3A = tpu.sem_alloc : memref<!tpu.dma_semaphore, #tpu.memory_space<semaphore_mem>>
        %dma_start3A = arith.constant 0 : i32
        %dma_start3A_32 = tpu.memref_slice %arg4[%add3A_31, %dma_start3A] : memref<80x128xi32, #tpu.memory_space<vmem>> -> memref<1x128xi32, #tpu.memory_space<vmem>>
        %dma_start3A_33 = tpu.memref_squeeze %dma_start3A_32 : memref<1x128xi32, #tpu.memory_space<vmem>> -> memref<128xi32, #tpu.memory_space<vmem>>
        %dma_start3A_34 = arith.constant 0 : i32
        %dma_start3A_35 = arith.constant 0 : i32
        %dma_start3A_36 = tpu.memref_slice %arg7[%dma_start3A_34, %dma_start3A_35] : memref<10240x16xf32, #tpu.memory_space<vmem_shared>> -> memref<10240x16xf32, #tpu.memory_space<vmem_shared>>
        tpu.enqueue_indirect_dma source(%arg5 : memref<128x16xf32, #tpu.memory_space<vmem>>) target(%dma_start3A_36 : memref<10240x16xf32, #tpu.memory_space<vmem_shared>>) offsets(%dma_start3A_33 : memref<128xi32, #tpu.memory_space<vmem>>) semaphore(%run_scoped3A : memref<!tpu.dma_semaphore, #tpu.memory_space<semaphore_mem>>) {add = true}
        %dma_wait3A = arith.constant 0 : i32
        %dma_wait3A_37 = tpu.memref_slice %arg4[%add3A_31, %dma_wait3A] : memref<80x128xi32, #tpu.memory_space<vmem>> -> memref<1x128xi32, #tpu.memory_space<vmem>>
        %dma_wait3A_38 = tpu.memref_squeeze %dma_wait3A_37 : memref<1x128xi32, #tpu.memory_space<vmem>> -> memref<128xi32, #tpu.memory_space<vmem>>
        %dma_wait3A_39 = arith.constant 0 : i32
        %dma_wait3A_40 = arith.constant 0 : i32
        %dma_wait3A_41 = tpu.memref_slice %arg7[%dma_wait3A_39, %dma_wait3A_40] : memref<10240x16xf32, #tpu.memory_space<vmem_shared>> -> memref<10240x16xf32, #tpu.memory_space<vmem_shared>>
        tpu.wait_indirect_dma semaphore(%run_scoped3A : memref<!tpu.dma_semaphore, #tpu.memory_space<semaphore_mem>>) src(%arg5 : memref<128x16xf32, #tpu.memory_space<vmem>>) dst(%dma_wait3A_41 : memref<10240x16xf32, #tpu.memory_space<vmem_shared>>)
        tpu.yield
      }) : () -> ()
    }
    %scan3A_18 = arith.constant 40 : i32
    %barrier3A_19 = arith.constant 0 : index
    tpu.barrier barrier_id(%barrier3A_19)
    %lt3A = arith.constant 15 : i32
    %lt3A_20 = arith.cmpi slt, %arg1, %lt3A : i32
    %convert_element_type3A = arith.extui %lt3A_20 : i1 to i32
    %cond3A = arith.constant 0 : i32
    %cond3A_21 = arith.cmpi ne, %convert_element_type3A, %cond3A : i32
    scf.if %cond3A_21 {
      %mul3A = arith.constant 624 : i32
      %mul3A_26 = arith.muli %arg1, %mul3A : i32
      "tpu.region"() ({
        %run_scoped3A = tpu.sem_alloc : memref<!tpu.dma_semaphore, #tpu.memory_space<semaphore_mem>>
        %dma_start3A = arith.constant 0 : i32
        %dma_start3A_27 = arith.constant 0 : i32
        %dma_start3A_28 = tpu.memref_slice %arg3[%arg0, %dma_start3A, %dma_start3A_27] : memref<2x10000x16xf32, #tpu.memory_space<hbm>> -> memref<1x10000x16xf32, #tpu.memory_space<hbm>>
        %dma_start3A_29 = tpu.memref_squeeze %dma_start3A_28 : memref<1x10000x16xf32, #tpu.memory_space<hbm>> -> memref<10000x16xf32, #tpu.memory_space<hbm>>
        %dma_start3A_30 = arith.constant 0 : i32
        %dma_start3A_31 = tpu.memref_slice %dma_start3A_29[%mul3A_26, %dma_start3A_30] : memref<10000x16xf32, #tpu.memory_space<hbm>> -> memref<624x16xf32, #tpu.memory_space<hbm>>
        %dma_start3A_32 = arith.constant 0 : i32
        %dma_start3A_33 = tpu.memref_slice %arg7[%mul3A_26, %dma_start3A_32] : memref<10240x16xf32, #tpu.memory_space<vmem_shared>> -> memref<624x16xf32, #tpu.memory_space<vmem_shared>>
        tpu.enqueue_dma source(%dma_start3A_33 : memref<624x16xf32, #tpu.memory_space<vmem_shared>>) target(%dma_start3A_31 : memref<624x16xf32, #tpu.memory_space<hbm>>) target_semaphore(%run_scoped3A : memref<!tpu.dma_semaphore, #tpu.memory_space<semaphore_mem>>)
        %dma_wait3A = arith.constant 0 : i32
        %dma_wait3A_34 = arith.constant 0 : i32
        %dma_wait3A_35 = tpu.memref_slice %arg3[%arg0, %dma_wait3A, %dma_wait3A_34] : memref<2x10000x16xf32, #tpu.memory_space<hbm>> -> memref<1x10000x16xf32, #tpu.memory_space<hbm>>
        %dma_wait3A_36 = tpu.memref_squeeze %dma_wait3A_35 : memref<1x10000x16xf32, #tpu.memory_space<hbm>> -> memref<10000x16xf32, #tpu.memory_space<hbm>>
        %dma_wait3A_37 = arith.constant 0 : i32
        %dma_wait3A_38 = tpu.memref_slice %dma_wait3A_36[%mul3A_26, %dma_wait3A_37] : memref<10000x16xf32, #tpu.memory_space<hbm>> -> memref<624x16xf32, #tpu.memory_space<hbm>>
        %dma_wait3A_39 = arith.constant 0 : i32
        %dma_wait3A_40 = tpu.memref_slice %arg7[%mul3A_26, %dma_wait3A_39] : memref<10240x16xf32, #tpu.memory_space<vmem_shared>> -> memref<624x16xf32, #tpu.memory_space<vmem_shared>>
        tpu.wait_dma2 semaphore(%run_scoped3A : memref<!tpu.dma_semaphore, #tpu.memory_space<semaphore_mem>>) src(%dma_wait3A_40 : memref<624x16xf32, #tpu.memory_space<vmem_shared>>) dst(%dma_wait3A_38 : memref<624x16xf32, #tpu.memory_space<hbm>>)
        tpu.yield
      }) : () -> ()
    } else {
    }
    %eq3A = arith.constant 15 : i32
    %eq3A_22 = arith.cmpi eq, %arg1, %eq3A : i32
    %convert_element_type3A_23 = arith.extui %eq3A_22 : i1 to i32
    %cond3A_24 = arith.constant 0 : i32
    %cond3A_25 = arith.cmpi ne, %convert_element_type3A_23, %cond3A_24 : i32
    scf.if %cond3A_25 {
      "tpu.region"() ({
        %run_scoped3A = tpu.sem_alloc : memref<!tpu.dma_semaphore, #tpu.memory_space<semaphore_mem>>
        %dma_start3A = arith.constant 0 : i32
        %dma_start3A_26 = arith.constant 0 : i32
        %dma_start3A_27 = tpu.memref_slice %arg3[%arg0, %dma_start3A, %dma_start3A_26] : memref<2x10000x16xf32, #tpu.memory_space<hbm>> -> memref<1x10000x16xf32, #tpu.memory_space<hbm>>
        %dma_start3A_28 = tpu.memref_squeeze %dma_start3A_27 : memref<1x10000x16xf32, #tpu.memory_space<hbm>> -> memref<10000x16xf32, #tpu.memory_space<hbm>>
        %dma_start3A_29 = arith.constant 9360 : i32
        %dma_start3A_30 = arith.constant 0 : i32
        %dma_start3A_31 = tpu.memref_slice %dma_start3A_28[%dma_start3A_29, %dma_start3A_30] : memref<10000x16xf32, #tpu.memory_space<hbm>> -> memref<640x16xf32, #tpu.memory_space<hbm>>
        %dma_start3A_32 = arith.constant 9360 : i32
        %dma_start3A_33 = arith.constant 0 : i32
        %dma_start3A_34 = tpu.memref_slice %arg7[%dma_start3A_32, %dma_start3A_33] : memref<10240x16xf32, #tpu.memory_space<vmem_shared>> -> memref<640x16xf32, #tpu.memory_space<vmem_shared>>
        tpu.enqueue_dma source(%dma_start3A_34 : memref<640x16xf32, #tpu.memory_space<vmem_shared>>) target(%dma_start3A_31 : memref<640x16xf32, #tpu.memory_space<hbm>>) target_semaphore(%run_scoped3A : memref<!tpu.dma_semaphore, #tpu.memory_space<semaphore_mem>>)
        %dma_wait3A = arith.constant 0 : i32
        %dma_wait3A_35 = arith.constant 0 : i32
        %dma_wait3A_36 = tpu.memref_slice %arg3[%arg0, %dma_wait3A, %dma_wait3A_35] : memref<2x10000x16xf32, #tpu.memory_space<hbm>> -> memref<1x10000x16xf32, #tpu.memory_space<hbm>>
        %dma_wait3A_37 = tpu.memref_squeeze %dma_wait3A_36 : memref<1x10000x16xf32, #tpu.memory_space<hbm>> -> memref<10000x16xf32, #tpu.memory_space<hbm>>
        %dma_wait3A_38 = arith.constant 9360 : i32
        %dma_wait3A_39 = arith.constant 0 : i32
        %dma_wait3A_40 = tpu.memref_slice %dma_wait3A_37[%dma_wait3A_38, %dma_wait3A_39] : memref<10000x16xf32, #tpu.memory_space<hbm>> -> memref<640x16xf32, #tpu.memory_space<hbm>>
        %dma_wait3A_41 = arith.constant 9360 : i32
        %dma_wait3A_42 = arith.constant 0 : i32
        %dma_wait3A_43 = tpu.memref_slice %arg7[%dma_wait3A_41, %dma_wait3A_42] : memref<10240x16xf32, #tpu.memory_space<vmem_shared>> -> memref<640x16xf32, #tpu.memory_space<vmem_shared>>
        tpu.wait_dma2 semaphore(%run_scoped3A : memref<!tpu.dma_semaphore, #tpu.memory_space<semaphore_mem>>) src(%dma_wait3A_43 : memref<640x16xf32, #tpu.memory_space<vmem_shared>>) dst(%dma_wait3A_40 : memref<640x16xf32, #tpu.memory_space<hbm>>)
        tpu.yield
      }) : () -> ()
    } else {
    }
    return
  }
}

#map = affine_map<(d0, d1) -> (0, 0, 0)>
#map1 = affine_map<(d0, d1) -> (0, 0, 0, 0)>
module attributes {stable_mosaic.version = 14 : i64} {
  func.func @k(%arg0: i32, %arg1: i32, %arg2: memref<2x10000x128xf32, #tpu.memory_space<hbm>>, %arg3: memref<16x4x20x128xi32, #tpu.memory_space<hbm>>, %arg4: memref<16x4x20x128xi32, #tpu.memory_space<hbm>>, %arg5: memref<2x10000x128xf32, #tpu.memory_space<hbm>>, %arg6: memref<20x128xi32, #tpu.memory_space<vmem>>, %arg7: memref<20x128xi32, #tpu.memory_space<vmem>>, %arg8: memref<2x128x128xf32, #tpu.memory_space<vmem>>, %arg9: memref<10240x128xf32, #tpu.memory_space<vmem_shared>>, %arg10: memref<!tpu.dma_semaphore, #tpu.memory_space<semaphore_mem>>, %arg11: memref<!tpu.dma_semaphore, #tpu.memory_space<semaphore_mem>>) attributes {dimension_semantics = [#tpu.dimension_semantics<core_parallel>, #tpu.dimension_semantics<subcore_parallel>], iteration_bounds = array<i64: 2, 16>, scalar_prefetch = 0 : i64, scratch_operands = 6 : i64, tpu.core_type = #tpu.core_type<sc_vector_subcore>, window_params = [{transform_indices = #map}, {transform_indices = #map1}, {transform_indices = #map1}, {transform_indices = #map}]} {
    %scan3A = arith.constant 0 : i32
    %scan3A_0 = arith.constant 128 : i32
    %scan3A_1 = arith.addi %scan3A, %scan3A_0 : i32
    %scan3A_2 = arith.constant 1 : i32
    scf.for %scan3A_26 = %scan3A to %scan3A_1 step %scan3A_2  : i32 {
      %mul3A = arith.constant 1 : i32
      %mul3A_27 = arith.muli %scan3A_26, %mul3A : i32
      %add3A = arith.constant 0 : i32
      %add3A_28 = arith.addi %add3A, %mul3A_27 : i32
      %scan3A_29 = arith.constant 0 : i32
      %scan3A_30 = arith.constant 8 : i32
      %scan3A_31 = arith.addi %scan3A_29, %scan3A_30 : i32
      %scan3A_32 = arith.constant 1 : i32
      scf.for %scan3A_34 = %scan3A_29 to %scan3A_31 step %scan3A_32  : i32 {
        %mul3A_35 = arith.constant 16 : i32
        %mul3A_36 = arith.muli %scan3A_34, %mul3A_35 : i32
        %add3A_37 = arith.constant 0 : i32
        %add3A_38 = arith.addi %add3A_37, %mul3A_36 : i32
        %broadcast_in_dim3A = arith.constant 0.000000e+00 : f32
        %broadcast_in_dim3A_39 = vector.broadcast %broadcast_in_dim3A : f32 to vector<16xf32>
        %swap3A = arith.constant 0 : i32
        %swap3A_40 = arith.index_cast %swap3A : i32 to index
        %swap3A_41 = arith.index_cast %add3A_28 : i32 to index
        %swap3A_42 = arith.index_cast %add3A_38 : i32 to index
        %swap3A_43 = tpu.vector_load %arg8[%swap3A_40, %swap3A_41, %swap3A_42] {strides = array<i32>} : memref<2x128x128xf32, #tpu.memory_space<vmem>>, vector<1x1x16xf32>,
        %swap3A_44 = vector.shape_cast %swap3A_43 : vector<1x1x16xf32> to vector<16xf32>
        %swap3A_45 = vector.shape_cast %broadcast_in_dim3A_39 : vector<16xf32> to vector<1x1x16xf32>
        tpu.vector_store %arg8[%swap3A_40, %swap3A_41, %swap3A_42], %swap3A_45 {strides = array<i32>} : memref<2x128x128xf32, #tpu.memory_space<vmem>>, vector<1x1x16xf32>,
      }
      %scan3A_33 = arith.constant 8 : i32
    }
    %scan3A_3 = arith.constant 128 : i32
    %scan3A_4 = arith.constant 0 : i32
    %scan3A_5 = arith.constant 128 : i32
    %scan3A_6 = arith.addi %scan3A_4, %scan3A_5 : i32
    %scan3A_7 = arith.constant 1 : i32
    scf.for %scan3A_26 = %scan3A_4 to %scan3A_6 step %scan3A_7  : i32 {
      %mul3A = arith.constant 1 : i32
      %mul3A_27 = arith.muli %scan3A_26, %mul3A : i32
      %add3A = arith.constant 0 : i32
      %add3A_28 = arith.addi %add3A, %mul3A_27 : i32
      %scan3A_29 = arith.constant 0 : i32
      %scan3A_30 = arith.constant 8 : i32
      %scan3A_31 = arith.addi %scan3A_29, %scan3A_30 : i32
      %scan3A_32 = arith.constant 1 : i32
      scf.for %scan3A_34 = %scan3A_29 to %scan3A_31 step %scan3A_32  : i32 {
        %mul3A_35 = arith.constant 16 : i32
        %mul3A_36 = arith.muli %scan3A_34, %mul3A_35 : i32
        %add3A_37 = arith.constant 0 : i32
        %add3A_38 = arith.addi %add3A_37, %mul3A_36 : i32
        %broadcast_in_dim3A = arith.constant 0.000000e+00 : f32
        %broadcast_in_dim3A_39 = vector.broadcast %broadcast_in_dim3A : f32 to vector<16xf32>
        %swap3A = arith.constant 1 : i32
        %swap3A_40 = arith.index_cast %swap3A : i32 to index
        %swap3A_41 = arith.index_cast %add3A_28 : i32 to index
        %swap3A_42 = arith.index_cast %add3A_38 : i32 to index
        %swap3A_43 = tpu.vector_load %arg8[%swap3A_40, %swap3A_41, %swap3A_42] {strides = array<i32>} : memref<2x128x128xf32, #tpu.memory_space<vmem>>, vector<1x1x16xf32>,
        %swap3A_44 = vector.shape_cast %swap3A_43 : vector<1x1x16xf32> to vector<16xf32>
        %swap3A_45 = vector.shape_cast %broadcast_in_dim3A_39 : vector<16xf32> to vector<1x1x16xf32>
        tpu.vector_store %arg8[%swap3A_40, %swap3A_41, %swap3A_42], %swap3A_45 {strides = array<i32>} : memref<2x128x128xf32, #tpu.memory_space<vmem>>, vector<1x1x16xf32>,
      }
      %scan3A_33 = arith.constant 8 : i32
    }
    %scan3A_8 = arith.constant 128 : i32
    %scan3A_9 = arith.constant 0 : i32
    %scan3A_10 = arith.constant 5 : i32
    %scan3A_11 = arith.addi %scan3A_9, %scan3A_10 : i32
    %scan3A_12 = arith.constant 1 : i32
    scf.for %scan3A_26 = %scan3A_9 to %scan3A_11 step %scan3A_12  : i32 {
      %mul3A = arith.constant 128 : i32
      %mul3A_27 = arith.muli %scan3A_26, %mul3A : i32
      %add3A = arith.constant 0 : i32
      %add3A_28 = arith.addi %add3A, %mul3A_27 : i32
      %mul3A_29 = arith.constant 640 : i32
      %mul3A_30 = arith.muli %arg1, %mul3A_29 : i32
      %add3A_31 = arith.addi %mul3A_30, %add3A_28 : i32
      %run_scoped3A = arith.constant 0 : i32
      "tpu.region"() ({
        %run_scoped3A_32 = tpu.sem_alloc : memref<!tpu.dma_semaphore, #tpu.memory_space<semaphore_mem>>
        %dma_start3A = arith.constant 0 : i32
        %dma_start3A_33 = arith.constant 0 : i32
        %dma_start3A_34 = tpu.memref_slice %arg8[%run_scoped3A, %dma_start3A, %dma_start3A_33] : memref<2x128x128xf32, #tpu.memory_space<vmem>> -> memref<1x128x128xf32, #tpu.memory_space<vmem>>
        %dma_start3A_35 = tpu.memref_squeeze %dma_start3A_34 : memref<1x128x128xf32, #tpu.memory_space<vmem>> -> memref<128x128xf32, #tpu.memory_space<vmem>>
        %dma_start3A_36 = arith.constant 0 : i32
        %dma_start3A_37 = tpu.memref_slice %arg9[%add3A_31, %dma_start3A_36] : memref<10240x128xf32, #tpu.memory_space<vmem_shared>> -> memref<128x128xf32, #tpu.memory_space<vmem_shared>>
        %dma_start3A_38 = arith.constant 0 : i32
        %dma_start3A_39 = tpu.memref_slice %arg9[%add3A_31, %dma_start3A_38] : memref<10240x128xf32, #tpu.memory_space<vmem_shared>> -> memref<128x128xf32, #tpu.memory_space<vmem_shared>>
        %dma_start3A_40 = arith.constant 0 : i32
        %dma_start3A_41 = arith.constant 0 : i32
        %dma_start3A_42 = tpu.memref_slice %arg8[%run_scoped3A, %dma_start3A_40, %dma_start3A_41] : memref<2x128x128xf32, #tpu.memory_space<vmem>> -> memref<1x128x128xf32, #tpu.memory_space<vmem>>
        %dma_start3A_43 = tpu.memref_squeeze %dma_start3A_42 : memref<1x128x128xf32, #tpu.memory_space<vmem>> -> memref<128x128xf32, #tpu.memory_space<vmem>>
        tpu.enqueue_dma source(%dma_start3A_43 : memref<128x128xf32, #tpu.memory_space<vmem>>) target(%dma_start3A_39 : memref<128x128xf32, #tpu.memory_space<vmem_shared>>) target_semaphore(%run_scoped3A_32 : memref<!tpu.dma_semaphore, #tpu.memory_space<semaphore_mem>>)
        %dma_wait3A = arith.constant 0 : i32
        %dma_wait3A_44 = arith.constant 0 : i32
        %dma_wait3A_45 = tpu.memref_slice %arg8[%run_scoped3A, %dma_wait3A, %dma_wait3A_44] : memref<2x128x128xf32, #tpu.memory_space<vmem>> -> memref<1x128x128xf32, #tpu.memory_space<vmem>>
        %dma_wait3A_46 = tpu.memref_squeeze %dma_wait3A_45 : memref<1x128x128xf32, #tpu.memory_space<vmem>> -> memref<128x128xf32, #tpu.memory_space<vmem>>
        %dma_wait3A_47 = arith.constant 0 : i32
        %dma_wait3A_48 = tpu.memref_slice %arg9[%add3A_31, %dma_wait3A_47] : memref<10240x128xf32, #tpu.memory_space<vmem_shared>> -> memref<128x128xf32, #tpu.memory_space<vmem_shared>>
        %dma_wait3A_49 = arith.constant 0 : i32
        %dma_wait3A_50 = tpu.memref_slice %arg9[%add3A_31, %dma_wait3A_49] : memref<10240x128xf32, #tpu.memory_space<vmem_shared>> -> memref<128x128xf32, #tpu.memory_space<vmem_shared>>
        %dma_wait3A_51 = arith.constant 0 : i32
        %dma_wait3A_52 = arith.constant 0 : i32
        %dma_wait3A_53 = tpu.memref_slice %arg8[%run_scoped3A, %dma_wait3A_51, %dma_wait3A_52] : memref<2x128x128xf32, #tpu.memory_space<vmem>> -> memref<1x128x128xf32, #tpu.memory_space<vmem>>
        %dma_wait3A_54 = tpu.memref_squeeze %dma_wait3A_53 : memref<1x128x128xf32, #tpu.memory_space<vmem>> -> memref<128x128xf32, #tpu.memory_space<vmem>>
        tpu.wait_dma2 semaphore(%run_scoped3A_32 : memref<!tpu.dma_semaphore, #tpu.memory_space<semaphore_mem>>) src(%dma_wait3A_54 : memref<128x128xf32, #tpu.memory_space<vmem>>) dst(%dma_wait3A_50 : memref<128x128xf32, #tpu.memory_space<vmem_shared>>)
        tpu.yield
      }) : () -> ()
    }
    %scan3A_13 = arith.constant 5 : i32
    %barrier3A = arith.constant 0 : index
    tpu.barrier barrier_id(%barrier3A)
    %scan3A_14 = arith.constant 0 : i32
    %scan3A_15 = arith.constant 4 : i32
    %scan3A_16 = arith.addi %scan3A_14, %scan3A_15 : i32
    %scan3A_17 = arith.constant 1 : i32
    scf.for %scan3A_26 = %scan3A_14 to %scan3A_16 step %scan3A_17  : i32 {
      %mul3A = arith.constant 1 : i32
      %mul3A_27 = arith.muli %scan3A_26, %mul3A : i32
      %add3A = arith.constant 0 : i32
      %add3A_28 = arith.addi %add3A, %mul3A_27 : i32
      "tpu.region"() ({
        %run_scoped3A_99 = tpu.sem_alloc : memref<!tpu.dma_semaphore, #tpu.memory_space<semaphore_mem>>
        %dma_start3A_100 = arith.constant 0 : i32
        %dma_start3A_101 = arith.constant 0 : i32
        %dma_start3A_102 = arith.constant 0 : i32
        %dma_start3A_103 = tpu.memref_slice %arg3[%arg1, %dma_start3A_100, %dma_start3A_101, %dma_start3A_102] : memref<16x4x20x128xi32, #tpu.memory_space<hbm>> -> memref<1x4x20x128xi32, #tpu.memory_space<hbm>>
        %dma_start3A_104 = tpu.memref_squeeze %dma_start3A_103 : memref<1x4x20x128xi32, #tpu.memory_space<hbm>> -> memref<4x20x128xi32, #tpu.memory_space<hbm>>
        %dma_start3A_105 = arith.constant 0 : i32
        %dma_start3A_106 = arith.constant 0 : i32
        %dma_start3A_107 = tpu.memref_slice %dma_start3A_104[%add3A_28, %dma_start3A_105, %dma_start3A_106] : memref<4x20x128xi32, #tpu.memory_space<hbm>> -> memref<1x20x128xi32, #tpu.memory_space<hbm>>
        %dma_start3A_108 = tpu.memref_squeeze %dma_start3A_107 : memref<1x20x128xi32, #tpu.memory_space<hbm>> -> memref<20x128xi32, #tpu.memory_space<hbm>>
        %dma_start3A_109 = arith.constant 0 : i32
        %dma_start3A_110 = arith.constant 0 : i32
        %dma_start3A_111 = arith.constant 0 : i32
        %dma_start3A_112 = tpu.memref_slice %arg3[%arg1, %dma_start3A_109, %dma_start3A_110, %dma_start3A_111] : memref<16x4x20x128xi32, #tpu.memory_space<hbm>> -> memref<1x4x20x128xi32, #tpu.memory_space<hbm>>
        %dma_start3A_113 = tpu.memref_squeeze %dma_start3A_112 : memref<1x4x20x128xi32, #tpu.memory_space<hbm>> -> memref<4x20x128xi32, #tpu.memory_space<hbm>>
        %dma_start3A_114 = arith.constant 0 : i32
        %dma_start3A_115 = arith.constant 0 : i32
        %dma_start3A_116 = tpu.memref_slice %dma_start3A_113[%add3A_28, %dma_start3A_114, %dma_start3A_115] : memref<4x20x128xi32, #tpu.memory_space<hbm>> -> memref<1x20x128xi32, #tpu.memory_space<hbm>>
        %dma_start3A_117 = tpu.memref_squeeze %dma_start3A_116 : memref<1x20x128xi32, #tpu.memory_space<hbm>> -> memref<20x128xi32, #tpu.memory_space<hbm>>
        tpu.enqueue_dma source(%dma_start3A_117 : memref<20x128xi32, #tpu.memory_space<hbm>>) target(%arg6 : memref<20x128xi32, #tpu.memory_space<vmem>>) target_semaphore(%run_scoped3A_99 : memref<!tpu.dma_semaphore, #tpu.memory_space<semaphore_mem>>)
        %dma_wait3A_118 = arith.constant 0 : i32
        %dma_wait3A_119 = arith.constant 0 : i32
        %dma_wait3A_120 = arith.constant 0 : i32
        %dma_wait3A_121 = tpu.memref_slice %arg3[%arg1, %dma_wait3A_118, %dma_wait3A_119, %dma_wait3A_120] : memref<16x4x20x128xi32, #tpu.memory_space<hbm>> -> memref<1x4x20x128xi32, #tpu.memory_space<hbm>>
        %dma_wait3A_122 = tpu.memref_squeeze %dma_wait3A_121 : memref<1x4x20x128xi32, #tpu.memory_space<hbm>> -> memref<4x20x128xi32, #tpu.memory_space<hbm>>
        %dma_wait3A_123 = arith.constant 0 : i32
        %dma_wait3A_124 = arith.constant 0 : i32
        %dma_wait3A_125 = tpu.memref_slice %dma_wait3A_122[%add3A_28, %dma_wait3A_123, %dma_wait3A_124] : memref<4x20x128xi32, #tpu.memory_space<hbm>> -> memref<1x20x128xi32, #tpu.memory_space<hbm>>
        %dma_wait3A_126 = tpu.memref_squeeze %dma_wait3A_125 : memref<1x20x128xi32, #tpu.memory_space<hbm>> -> memref<20x128xi32, #tpu.memory_space<hbm>>
        %dma_wait3A_127 = arith.constant 0 : i32
        %dma_wait3A_128 = arith.constant 0 : i32
        %dma_wait3A_129 = arith.constant 0 : i32
        %dma_wait3A_130 = tpu.memref_slice %arg3[%arg1, %dma_wait3A_127, %dma_wait3A_128, %dma_wait3A_129] : memref<16x4x20x128xi32, #tpu.memory_space<hbm>> -> memref<1x4x20x128xi32, #tpu.memory_space<hbm>>
        %dma_wait3A_131 = tpu.memref_squeeze %dma_wait3A_130 : memref<1x4x20x128xi32, #tpu.memory_space<hbm>> -> memref<4x20x128xi32, #tpu.memory_space<hbm>>
        %dma_wait3A_132 = arith.constant 0 : i32
        %dma_wait3A_133 = arith.constant 0 : i32
        %dma_wait3A_134 = tpu.memref_slice %dma_wait3A_131[%add3A_28, %dma_wait3A_132, %dma_wait3A_133] : memref<4x20x128xi32, #tpu.memory_space<hbm>> -> memref<1x20x128xi32, #tpu.memory_space<hbm>>
        %dma_wait3A_135 = tpu.memref_squeeze %dma_wait3A_134 : memref<1x20x128xi32, #tpu.memory_space<hbm>> -> memref<20x128xi32, #tpu.memory_space<hbm>>
        tpu.wait_dma2 semaphore(%run_scoped3A_99 : memref<!tpu.dma_semaphore, #tpu.memory_space<semaphore_mem>>) src(%dma_wait3A_135 : memref<20x128xi32, #tpu.memory_space<hbm>>) dst(%arg6 : memref<20x128xi32, #tpu.memory_space<vmem>>)
        tpu.yield
      }) : () -> ()
      "tpu.region"() ({
        %run_scoped3A_99 = tpu.sem_alloc : memref<!tpu.dma_semaphore, #tpu.memory_space<semaphore_mem>>
        %dma_start3A_100 = arith.constant 0 : i32
        %dma_start3A_101 = arith.constant 0 : i32
        %dma_start3A_102 = arith.constant 0 : i32
        %dma_start3A_103 = tpu.memref_slice %arg4[%arg1, %dma_start3A_100, %dma_start3A_101, %dma_start3A_102] : memref<16x4x20x128xi32, #tpu.memory_space<hbm>> -> memref<1x4x20x128xi32, #tpu.memory_space<hbm>>
        %dma_start3A_104 = tpu.memref_squeeze %dma_start3A_103 : memref<1x4x20x128xi32, #tpu.memory_space<hbm>> -> memref<4x20x128xi32, #tpu.memory_space<hbm>>
        %dma_start3A_105 = arith.constant 0 : i32
        %dma_start3A_106 = arith.constant 0 : i32
        %dma_start3A_107 = tpu.memref_slice %dma_start3A_104[%add3A_28, %dma_start3A_105, %dma_start3A_106] : memref<4x20x128xi32, #tpu.memory_space<hbm>> -> memref<1x20x128xi32, #tpu.memory_space<hbm>>
        %dma_start3A_108 = tpu.memref_squeeze %dma_start3A_107 : memref<1x20x128xi32, #tpu.memory_space<hbm>> -> memref<20x128xi32, #tpu.memory_space<hbm>>
        %dma_start3A_109 = arith.constant 0 : i32
        %dma_start3A_110 = arith.constant 0 : i32
        %dma_start3A_111 = arith.constant 0 : i32
        %dma_start3A_112 = tpu.memref_slice %arg4[%arg1, %dma_start3A_109, %dma_start3A_110, %dma_start3A_111] : memref<16x4x20x128xi32, #tpu.memory_space<hbm>> -> memref<1x4x20x128xi32, #tpu.memory_space<hbm>>
        %dma_start3A_113 = tpu.memref_squeeze %dma_start3A_112 : memref<1x4x20x128xi32, #tpu.memory_space<hbm>> -> memref<4x20x128xi32, #tpu.memory_space<hbm>>
        %dma_start3A_114 = arith.constant 0 : i32
        %dma_start3A_115 = arith.constant 0 : i32
        %dma_start3A_116 = tpu.memref_slice %dma_start3A_113[%add3A_28, %dma_start3A_114, %dma_start3A_115] : memref<4x20x128xi32, #tpu.memory_space<hbm>> -> memref<1x20x128xi32, #tpu.memory_space<hbm>>
        %dma_start3A_117 = tpu.memref_squeeze %dma_start3A_116 : memref<1x20x128xi32, #tpu.memory_space<hbm>> -> memref<20x128xi32, #tpu.memory_space<hbm>>
        tpu.enqueue_dma source(%dma_start3A_117 : memref<20x128xi32, #tpu.memory_space<hbm>>) target(%arg7 : memref<20x128xi32, #tpu.memory_space<vmem>>) target_semaphore(%run_scoped3A_99 : memref<!tpu.dma_semaphore, #tpu.memory_space<semaphore_mem>>)
        %dma_wait3A_118 = arith.constant 0 : i32
        %dma_wait3A_119 = arith.constant 0 : i32
        %dma_wait3A_120 = arith.constant 0 : i32
        %dma_wait3A_121 = tpu.memref_slice %arg4[%arg1, %dma_wait3A_118, %dma_wait3A_119, %dma_wait3A_120] : memref<16x4x20x128xi32, #tpu.memory_space<hbm>> -> memref<1x4x20x128xi32, #tpu.memory_space<hbm>>
        %dma_wait3A_122 = tpu.memref_squeeze %dma_wait3A_121 : memref<1x4x20x128xi32, #tpu.memory_space<hbm>> -> memref<4x20x128xi32, #tpu.memory_space<hbm>>
        %dma_wait3A_123 = arith.constant 0 : i32
        %dma_wait3A_124 = arith.constant 0 : i32
        %dma_wait3A_125 = tpu.memref_slice %dma_wait3A_122[%add3A_28, %dma_wait3A_123, %dma_wait3A_124] : memref<4x20x128xi32, #tpu.memory_space<hbm>> -> memref<1x20x128xi32, #tpu.memory_space<hbm>>
        %dma_wait3A_126 = tpu.memref_squeeze %dma_wait3A_125 : memref<1x20x128xi32, #tpu.memory_space<hbm>> -> memref<20x128xi32, #tpu.memory_space<hbm>>
        %dma_wait3A_127 = arith.constant 0 : i32
        %dma_wait3A_128 = arith.constant 0 : i32
        %dma_wait3A_129 = arith.constant 0 : i32
        %dma_wait3A_130 = tpu.memref_slice %arg4[%arg1, %dma_wait3A_127, %dma_wait3A_128, %dma_wait3A_129] : memref<16x4x20x128xi32, #tpu.memory_space<hbm>> -> memref<1x4x20x128xi32, #tpu.memory_space<hbm>>
        %dma_wait3A_131 = tpu.memref_squeeze %dma_wait3A_130 : memref<1x4x20x128xi32, #tpu.memory_space<hbm>> -> memref<4x20x128xi32, #tpu.memory_space<hbm>>
        %dma_wait3A_132 = arith.constant 0 : i32
        %dma_wait3A_133 = arith.constant 0 : i32
        %dma_wait3A_134 = tpu.memref_slice %dma_wait3A_131[%add3A_28, %dma_wait3A_132, %dma_wait3A_133] : memref<4x20x128xi32, #tpu.memory_space<hbm>> -> memref<1x20x128xi32, #tpu.memory_space<hbm>>
        %dma_wait3A_135 = tpu.memref_squeeze %dma_wait3A_134 : memref<1x20x128xi32, #tpu.memory_space<hbm>> -> memref<20x128xi32, #tpu.memory_space<hbm>>
        tpu.wait_dma2 semaphore(%run_scoped3A_99 : memref<!tpu.dma_semaphore, #tpu.memory_space<semaphore_mem>>) src(%dma_wait3A_135 : memref<20x128xi32, #tpu.memory_space<hbm>>) dst(%arg7 : memref<20x128xi32, #tpu.memory_space<vmem>>)
        tpu.yield
      }) : () -> ()
      %dma_start3A = arith.constant 0 : i32
      %dma_start3A_29 = arith.constant 0 : i32
      %dma_start3A_30 = arith.constant 0 : i32
      %dma_start3A_31 = arith.constant 0 : i32
      %dma_start3A_32 = tpu.memref_slice %arg8[%dma_start3A_29, %dma_start3A_30, %dma_start3A_31] : memref<2x128x128xf32, #tpu.memory_space<vmem>> -> memref<1x128x128xf32, #tpu.memory_space<vmem>>
      %dma_start3A_33 = tpu.memref_squeeze %dma_start3A_32 : memref<1x128x128xf32, #tpu.memory_space<vmem>> -> memref<128x128xf32, #tpu.memory_space<vmem>>
      %dma_start3A_34 = arith.constant 0 : i32
      %dma_start3A_35 = tpu.memref_slice %arg6[%dma_start3A, %dma_start3A_34] : memref<20x128xi32, #tpu.memory_space<vmem>> -> memref<1x128xi32, #tpu.memory_space<vmem>>
      %dma_start3A_36 = tpu.memref_squeeze %dma_start3A_35 : memref<1x128xi32, #tpu.memory_space<vmem>> -> memref<128xi32, #tpu.memory_space<vmem>>
      %dma_start3A_37 = arith.constant 0 : i32
      %dma_start3A_38 = arith.constant 0 : i32
      %dma_start3A_39 = tpu.memref_slice %arg2[%arg0, %dma_start3A_37, %dma_start3A_38] : memref<2x10000x128xf32, #tpu.memory_space<hbm>> -> memref<1x10000x128xf32, #tpu.memory_space<hbm>>
      %dma_start3A_40 = tpu.memref_squeeze %dma_start3A_39 : memref<1x10000x128xf32, #tpu.memory_space<hbm>> -> memref<10000x128xf32, #tpu.memory_space<hbm>>
      %dma_start3A_41 = arith.constant 0 : i32
      %dma_start3A_42 = arith.constant 0 : i32
      %dma_start3A_43 = tpu.memref_slice %dma_start3A_40[%dma_start3A_41, %dma_start3A_42] : memref<10000x128xf32, #tpu.memory_space<hbm>> -> memref<10000x128xf32, #tpu.memory_space<hbm>>
      tpu.enqueue_indirect_dma source(%dma_start3A_43 : memref<10000x128xf32, #tpu.memory_space<hbm>>) target(%dma_start3A_33 : memref<128x128xf32, #tpu.memory_space<vmem>>) offsets(%dma_start3A_36 : memref<128xi32, #tpu.memory_space<vmem>>) semaphore(%arg10 : memref<!tpu.dma_semaphore, #tpu.memory_space<semaphore_mem>>)
      %dma_start3A_44 = arith.constant 1 : i32
      %dma_start3A_45 = arith.constant 1 : i32
      %dma_start3A_46 = arith.constant 0 : i32
      %dma_start3A_47 = arith.constant 0 : i32
      %dma_start3A_48 = tpu.memref_slice %arg8[%dma_start3A_45, %dma_start3A_46, %dma_start3A_47] : memref<2x128x128xf32, #tpu.memory_space<vmem>> -> memref<1x128x128xf32, #tpu.memory_space<vmem>>
      %dma_start3A_49 = tpu.memref_squeeze %dma_start3A_48 : memref<1x128x128xf32, #tpu.memory_space<vmem>> -> memref<128x128xf32, #tpu.memory_space<vmem>>
      %dma_start3A_50 = arith.constant 0 : i32
      %dma_start3A_51 = tpu.memref_slice %arg6[%dma_start3A_44, %dma_start3A_50] : memref<20x128xi32, #tpu.memory_space<vmem>> -> memref<1x128xi32, #tpu.memory_space<vmem>>
      %dma_start3A_52 = tpu.memref_squeeze %dma_start3A_51 : memref<1x128xi32, #tpu.memory_space<vmem>> -> memref<128xi32, #tpu.memory_space<vmem>>
      %dma_start3A_53 = arith.constant 0 : i32
      %dma_start3A_54 = arith.constant 0 : i32
      %dma_start3A_55 = tpu.memref_slice %arg2[%arg0, %dma_start3A_53, %dma_start3A_54] : memref<2x10000x128xf32, #tpu.memory_space<hbm>> -> memref<1x10000x128xf32, #tpu.memory_space<hbm>>
      %dma_start3A_56 = tpu.memref_squeeze %dma_start3A_55 : memref<1x10000x128xf32, #tpu.memory_space<hbm>> -> memref<10000x128xf32, #tpu.memory_space<hbm>>
      %dma_start3A_57 = arith.constant 0 : i32
      %dma_start3A_58 = arith.constant 0 : i32
      %dma_start3A_59 = tpu.memref_slice %dma_start3A_56[%dma_start3A_57, %dma_start3A_58] : memref<10000x128xf32, #tpu.memory_space<hbm>> -> memref<10000x128xf32, #tpu.memory_space<hbm>>
      tpu.enqueue_indirect_dma source(%dma_start3A_59 : memref<10000x128xf32, #tpu.memory_space<hbm>>) target(%dma_start3A_49 : memref<128x128xf32, #tpu.memory_space<vmem>>) offsets(%dma_start3A_52 : memref<128xi32, #tpu.memory_space<vmem>>) semaphore(%arg11 : memref<!tpu.dma_semaphore, #tpu.memory_space<semaphore_mem>>)
      %scan3A_60 = arith.constant 0 : i32
      %scan3A_61 = arith.constant 9 : i32
      %scan3A_62 = arith.addi %scan3A_60, %scan3A_61 : i32
      %scan3A_63 = arith.constant 1 : i32
      scf.for %scan3A_99 = %scan3A_60 to %scan3A_62 step %scan3A_63  : i32 {
        %mul3A_100 = arith.constant 2 : i32
        %mul3A_101 = arith.muli %scan3A_99, %mul3A_100 : i32
        %add3A_102 = arith.constant 0 : i32
        %add3A_103 = arith.addi %add3A_102, %mul3A_101 : i32
        %add3A_104 = arith.constant 0 : i32
        %add3A_105 = arith.addi %add3A_103, %add3A_104 : i32
        %dma_wait3A_106 = arith.constant 0 : i32
        %dma_wait3A_107 = arith.constant 0 : i32
        %dma_wait3A_108 = arith.constant 0 : i32
        %dma_wait3A_109 = tpu.memref_slice %arg8[%dma_wait3A_106, %dma_wait3A_107, %dma_wait3A_108] : memref<2x128x128xf32, #tpu.memory_space<vmem>> -> memref<1x128x128xf32, #tpu.memory_space<vmem>>
        %dma_wait3A_110 = tpu.memref_squeeze %dma_wait3A_109 : memref<1x128x128xf32, #tpu.memory_space<vmem>> -> memref<128x128xf32, #tpu.memory_space<vmem>>
        %dma_wait3A_111 = arith.constant 0 : i32
        %dma_wait3A_112 = tpu.memref_slice %arg6[%add3A_105, %dma_wait3A_111] : memref<20x128xi32, #tpu.memory_space<vmem>> -> memref<1x128xi32, #tpu.memory_space<vmem>>
        %dma_wait3A_113 = tpu.memref_squeeze %dma_wait3A_112 : memref<1x128xi32, #tpu.memory_space<vmem>> -> memref<128xi32, #tpu.memory_space<vmem>>
        %dma_wait3A_114 = arith.constant 0 : i32
        %dma_wait3A_115 = arith.constant 0 : i32
        %dma_wait3A_116 = tpu.memref_slice %arg2[%arg0, %dma_wait3A_114, %dma_wait3A_115] : memref<2x10000x128xf32, #tpu.memory_space<hbm>> -> memref<1x10000x128xf32, #tpu.memory_space<hbm>>
        %dma_wait3A_117 = tpu.memref_squeeze %dma_wait3A_116 : memref<1x10000x128xf32, #tpu.memory_space<hbm>> -> memref<10000x128xf32, #tpu.memory_space<hbm>>
        %dma_wait3A_118 = arith.constant 0 : i32
        %dma_wait3A_119 = arith.constant 0 : i32
        %dma_wait3A_120 = tpu.memref_slice %dma_wait3A_117[%dma_wait3A_118, %dma_wait3A_119] : memref<10000x128xf32, #tpu.memory_space<hbm>> -> memref<10000x128xf32, #tpu.memory_space<hbm>>
        tpu.wait_indirect_dma semaphore(%arg10 : memref<!tpu.dma_semaphore, #tpu.memory_space<semaphore_mem>>) src(%dma_wait3A_120 : memref<10000x128xf32, #tpu.memory_space<hbm>>) dst(%dma_wait3A_110 : memref<128x128xf32, #tpu.memory_space<vmem>>)
        %add3A_121 = arith.constant 0 : i32
        %add3A_122 = arith.addi %add3A_103, %add3A_121 : i32
        %run_scoped3A_123 = arith.constant 0 : i32
        "tpu.region"() ({
          %run_scoped3A_182 = tpu.sem_alloc : memref<!tpu.dma_semaphore, #tpu.memory_space<semaphore_mem>>
          %dma_start3A_183 = arith.constant 0 : i32
          %dma_start3A_184 = arith.constant 0 : i32
          %dma_start3A_185 = tpu.memref_slice %arg8[%run_scoped3A_123, %dma_start3A_183, %dma_start3A_184] : memref<2x128x128xf32, #tpu.memory_space<vmem>> -> memref<1x128x128xf32, #tpu.memory_space<vmem>>
          %dma_start3A_186 = tpu.memref_squeeze %dma_start3A_185 : memref<1x128x128xf32, #tpu.memory_space<vmem>> -> memref<128x128xf32, #tpu.memory_space<vmem>>
          %dma_start3A_187 = arith.constant 0 : i32
          %dma_start3A_188 = tpu.memref_slice %arg7[%add3A_122, %dma_start3A_187] : memref<20x128xi32, #tpu.memory_space<vmem>> -> memref<1x128xi32, #tpu.memory_space<vmem>>
          %dma_start3A_189 = tpu.memref_squeeze %dma_start3A_188 : memref<1x128xi32, #tpu.memory_space<vmem>> -> memref<128xi32, #tpu.memory_space<vmem>>
          %dma_start3A_190 = arith.constant 0 : i32
          %dma_start3A_191 = arith.constant 0 : i32
          %dma_start3A_192 = tpu.memref_slice %arg9[%dma_start3A_190, %dma_start3A_191] : memref<10240x128xf32, #tpu.memory_space<vmem_shared>> -> memref<10240x128xf32, #tpu.memory_space<vmem_shared>>
          tpu.enqueue_indirect_dma source(%dma_start3A_186 : memref<128x128xf32, #tpu.memory_space<vmem>>) target(%dma_start3A_192 : memref<10240x128xf32, #tpu.memory_space<vmem_shared>>) offsets(%dma_start3A_189 : memref<128xi32, #tpu.memory_space<vmem>>) semaphore(%run_scoped3A_182 : memref<!tpu.dma_semaphore, #tpu.memory_space<semaphore_mem>>) {add = true}
          %dma_wait3A_193 = arith.constant 0 : i32
          %dma_wait3A_194 = arith.constant 0 : i32
          %dma_wait3A_195 = tpu.memref_slice %arg8[%run_scoped3A_123, %dma_wait3A_193, %dma_wait3A_194] : memref<2x128x128xf32, #tpu.memory_space<vmem>> -> memref<1x128x128xf32, #tpu.memory_space<vmem>>
          %dma_wait3A_196 = tpu.memref_squeeze %dma_wait3A_195 : memref<1x128x128xf32, #tpu.memory_space<vmem>> -> memref<128x128xf32, #tpu.memory_space<vmem>>
          %dma_wait3A_197 = arith.constant 0 : i32
          %dma_wait3A_198 = tpu.memref_slice %arg7[%add3A_122, %dma_wait3A_197] : memref<20x128xi32, #tpu.memory_space<vmem>> -> memref<1x128xi32, #tpu.memory_space<vmem>>
          %dma_wait3A_199 = tpu.memref_squeeze %dma_wait3A_198 : memref<1x128xi32, #tpu.memory_space<vmem>> -> memref<128xi32, #tpu.memory_space<vmem>>
          %dma_wait3A_200 = arith.constant 0 : i32
          %dma_wait3A_201 = arith.constant 0 : i32
          %dma_wait3A_202 = tpu.memref_slice %arg9[%dma_wait3A_200, %dma_wait3A_201] : memref<10240x128xf32, #tpu.memory_space<vmem_shared>> -> memref<10240x128xf32, #tpu.memory_space<vmem_shared>>
          tpu.wait_indirect_dma semaphore(%run_scoped3A_182 : memref<!tpu.dma_semaphore, #tpu.memory_space<semaphore_mem>>) src(%dma_wait3A_196 : memref<128x128xf32, #tpu.memory_space<vmem>>) dst(%dma_wait3A_202 : memref<10240x128xf32, #tpu.memory_space<vmem_shared>>)
          tpu.yield
        }) : () -> ()
        %add3A_124 = arith.constant 0 : i32
        %add3A_125 = arith.addi %add3A_103, %add3A_124 : i32
        %add3A_126 = arith.constant 2 : i32
        %add3A_127 = arith.addi %add3A_125, %add3A_126 : i32
        %dma_start3A_128 = arith.constant 0 : i32
        %dma_start3A_129 = arith.constant 0 : i32
        %dma_start3A_130 = arith.constant 0 : i32
        %dma_start3A_131 = tpu.memref_slice %arg8[%dma_start3A_128, %dma_start3A_129, %dma_start3A_130] : memref<2x128x128xf32, #tpu.memory_space<vmem>> -> memref<1x128x128xf32, #tpu.memory_space<vmem>>
        %dma_start3A_132 = tpu.memref_squeeze %dma_start3A_131 : memref<1x128x128xf32, #tpu.memory_space<vmem>> -> memref<128x128xf32, #tpu.memory_space<vmem>>
        %dma_start3A_133 = arith.constant 0 : i32
        %dma_start3A_134 = tpu.memref_slice %arg6[%add3A_127, %dma_start3A_133] : memref<20x128xi32, #tpu.memory_space<vmem>> -> memref<1x128xi32, #tpu.memory_space<vmem>>
        %dma_start3A_135 = tpu.memref_squeeze %dma_start3A_134 : memref<1x128xi32, #tpu.memory_space<vmem>> -> memref<128xi32, #tpu.memory_space<vmem>>
        %dma_start3A_136 = arith.constant 0 : i32
        %dma_start3A_137 = arith.constant 0 : i32
        %dma_start3A_138 = tpu.memref_slice %arg2[%arg0, %dma_start3A_136, %dma_start3A_137] : memref<2x10000x128xf32, #tpu.memory_space<hbm>> -> memref<1x10000x128xf32, #tpu.memory_space<hbm>>
        %dma_start3A_139 = tpu.memref_squeeze %dma_start3A_138 : memref<1x10000x128xf32, #tpu.memory_space<hbm>> -> memref<10000x128xf32, #tpu.memory_space<hbm>>
        %dma_start3A_140 = arith.constant 0 : i32
        %dma_start3A_141 = arith.constant 0 : i32
        %dma_start3A_142 = tpu.memref_slice %dma_start3A_139[%dma_start3A_140, %dma_start3A_141] : memref<10000x128xf32, #tpu.memory_space<hbm>> -> memref<10000x128xf32, #tpu.memory_space<hbm>>
        tpu.enqueue_indirect_dma source(%dma_start3A_142 : memref<10000x128xf32, #tpu.memory_space<hbm>>) target(%dma_start3A_132 : memref<128x128xf32, #tpu.memory_space<vmem>>) offsets(%dma_start3A_135 : memref<128xi32, #tpu.memory_space<vmem>>) semaphore(%arg10 : memref<!tpu.dma_semaphore, #tpu.memory_space<semaphore_mem>>)
        %add3A_143 = arith.constant 1 : i32
        %add3A_144 = arith.addi %add3A_103, %add3A_143 : i32
        %dma_wait3A_145 = arith.constant 1 : i32
        %dma_wait3A_146 = arith.constant 0 : i32
        %dma_wait3A_147 = arith.constant 0 : i32
        %dma_wait3A_148 = tpu.memref_slice %arg8[%dma_wait3A_145, %dma_wait3A_146, %dma_wait3A_147] : memref<2x128x128xf32, #tpu.memory_space<vmem>> -> memref<1x128x128xf32, #tpu.memory_space<vmem>>
        %dma_wait3A_149 = tpu.memref_squeeze %dma_wait3A_148 : memref<1x128x128xf32, #tpu.memory_space<vmem>> -> memref<128x128xf32, #tpu.memory_space<vmem>>
        %dma_wait3A_150 = arith.constant 0 : i32
        %dma_wait3A_151 = tpu.memref_slice %arg6[%add3A_144, %dma_wait3A_150] : memref<20x128xi32, #tpu.memory_space<vmem>> -> memref<1x128xi32, #tpu.memory_space<vmem>>
        %dma_wait3A_152 = tpu.memref_squeeze %dma_wait3A_151 : memref<1x128xi32, #tpu.memory_space<vmem>> -> memref<128xi32, #tpu.memory_space<vmem>>
        %dma_wait3A_153 = arith.constant 0 : i32
        %dma_wait3A_154 = arith.constant 0 : i32
        %dma_wait3A_155 = tpu.memref_slice %arg2[%arg0, %dma_wait3A_153, %dma_wait3A_154] : memref<2x10000x128xf32, #tpu.memory_space<hbm>> -> memref<1x10000x128xf32, #tpu.memory_space<hbm>>
        %dma_wait3A_156 = tpu.memref_squeeze %dma_wait3A_155 : memref<1x10000x128xf32, #tpu.memory_space<hbm>> -> memref<10000x128xf32, #tpu.memory_space<hbm>>
        %dma_wait3A_157 = arith.constant 0 : i32
        %dma_wait3A_158 = arith.constant 0 : i32
        %dma_wait3A_159 = tpu.memref_slice %dma_wait3A_156[%dma_wait3A_157, %dma_wait3A_158] : memref<10000x128xf32, #tpu.memory_space<hbm>> -> memref<10000x128xf32, #tpu.memory_space<hbm>>
        tpu.wait_indirect_dma semaphore(%arg11 : memref<!tpu.dma_semaphore, #tpu.memory_space<semaphore_mem>>) src(%dma_wait3A_159 : memref<10000x128xf32, #tpu.memory_space<hbm>>) dst(%dma_wait3A_149 : memref<128x128xf32, #tpu.memory_space<vmem>>)
        %add3A_160 = arith.constant 1 : i32
        %add3A_161 = arith.addi %add3A_103, %add3A_160 : i32
        %run_scoped3A_162 = arith.constant 1 : i32
        "tpu.region"() ({
          %run_scoped3A_182 = tpu.sem_alloc : memref<!tpu.dma_semaphore, #tpu.memory_space<semaphore_mem>>
          %dma_start3A_183 = arith.constant 0 : i32
          %dma_start3A_184 = arith.constant 0 : i32
          %dma_start3A_185 = tpu.memref_slice %arg8[%run_scoped3A_162, %dma_start3A_183, %dma_start3A_184] : memref<2x128x128xf32, #tpu.memory_space<vmem>> -> memref<1x128x128xf32, #tpu.memory_space<vmem>>
          %dma_start3A_186 = tpu.memref_squeeze %dma_start3A_185 : memref<1x128x128xf32, #tpu.memory_space<vmem>> -> memref<128x128xf32, #tpu.memory_space<vmem>>
          %dma_start3A_187 = arith.constant 0 : i32
          %dma_start3A_188 = tpu.memref_slice %arg7[%add3A_161, %dma_start3A_187] : memref<20x128xi32, #tpu.memory_space<vmem>> -> memref<1x128xi32, #tpu.memory_space<vmem>>
          %dma_start3A_189 = tpu.memref_squeeze %dma_start3A_188 : memref<1x128xi32, #tpu.memory_space<vmem>> -> memref<128xi32, #tpu.memory_space<vmem>>
          %dma_start3A_190 = arith.constant 0 : i32
          %dma_start3A_191 = arith.constant 0 : i32
          %dma_start3A_192 = tpu.memref_slice %arg9[%dma_start3A_190, %dma_start3A_191] : memref<10240x128xf32, #tpu.memory_space<vmem_shared>> -> memref<10240x128xf32, #tpu.memory_space<vmem_shared>>
          tpu.enqueue_indirect_dma source(%dma_start3A_186 : memref<128x128xf32, #tpu.memory_space<vmem>>) target(%dma_start3A_192 : memref<10240x128xf32, #tpu.memory_space<vmem_shared>>) offsets(%dma_start3A_189 : memref<128xi32, #tpu.memory_space<vmem>>) semaphore(%run_scoped3A_182 : memref<!tpu.dma_semaphore, #tpu.memory_space<semaphore_mem>>) {add = true}
          %dma_wait3A_193 = arith.constant 0 : i32
          %dma_wait3A_194 = arith.constant 0 : i32
          %dma_wait3A_195 = tpu.memref_slice %arg8[%run_scoped3A_162, %dma_wait3A_193, %dma_wait3A_194] : memref<2x128x128xf32, #tpu.memory_space<vmem>> -> memref<1x128x128xf32, #tpu.memory_space<vmem>>
          %dma_wait3A_196 = tpu.memref_squeeze %dma_wait3A_195 : memref<1x128x128xf32, #tpu.memory_space<vmem>> -> memref<128x128xf32, #tpu.memory_space<vmem>>
          %dma_wait3A_197 = arith.constant 0 : i32
          %dma_wait3A_198 = tpu.memref_slice %arg7[%add3A_161, %dma_wait3A_197] : memref<20x128xi32, #tpu.memory_space<vmem>> -> memref<1x128xi32, #tpu.memory_space<vmem>>
          %dma_wait3A_199 = tpu.memref_squeeze %dma_wait3A_198 : memref<1x128xi32, #tpu.memory_space<vmem>> -> memref<128xi32, #tpu.memory_space<vmem>>
          %dma_wait3A_200 = arith.constant 0 : i32
          %dma_wait3A_201 = arith.constant 0 : i32
          %dma_wait3A_202 = tpu.memref_slice %arg9[%dma_wait3A_200, %dma_wait3A_201] : memref<10240x128xf32, #tpu.memory_space<vmem_shared>> -> memref<10240x128xf32, #tpu.memory_space<vmem_shared>>
          tpu.wait_indirect_dma semaphore(%run_scoped3A_182 : memref<!tpu.dma_semaphore, #tpu.memory_space<semaphore_mem>>) src(%dma_wait3A_196 : memref<128x128xf32, #tpu.memory_space<vmem>>) dst(%dma_wait3A_202 : memref<10240x128xf32, #tpu.memory_space<vmem_shared>>)
          tpu.yield
        }) : () -> ()
        %add3A_163 = arith.constant 1 : i32
        %add3A_164 = arith.addi %add3A_103, %add3A_163 : i32
        %add3A_165 = arith.constant 2 : i32
        %add3A_166 = arith.addi %add3A_164, %add3A_165 : i32
        %dma_start3A_167 = arith.constant 1 : i32
        %dma_start3A_168 = arith.constant 0 : i32
        %dma_start3A_169 = arith.constant 0 : i32
        %dma_start3A_170 = tpu.memref_slice %arg8[%dma_start3A_167, %dma_start3A_168, %dma_start3A_169] : memref<2x128x128xf32, #tpu.memory_space<vmem>> -> memref<1x128x128xf32, #tpu.memory_space<vmem>>
        %dma_start3A_171 = tpu.memref_squeeze %dma_start3A_170 : memref<1x128x128xf32, #tpu.memory_space<vmem>> -> memref<128x128xf32, #tpu.memory_space<vmem>>
        %dma_start3A_172 = arith.constant 0 : i32
        %dma_start3A_173 = tpu.memref_slice %arg6[%add3A_166, %dma_start3A_172] : memref<20x128xi32, #tpu.memory_space<vmem>> -> memref<1x128xi32, #tpu.memory_space<vmem>>
        %dma_start3A_174 = tpu.memref_squeeze %dma_start3A_173 : memref<1x128xi32, #tpu.memory_space<vmem>> -> memref<128xi32, #tpu.memory_space<vmem>>
        %dma_start3A_175 = arith.constant 0 : i32
        %dma_start3A_176 = arith.constant 0 : i32
        %dma_start3A_177 = tpu.memref_slice %arg2[%arg0, %dma_start3A_175, %dma_start3A_176] : memref<2x10000x128xf32, #tpu.memory_space<hbm>> -> memref<1x10000x128xf32, #tpu.memory_space<hbm>>
        %dma_start3A_178 = tpu.memref_squeeze %dma_start3A_177 : memref<1x10000x128xf32, #tpu.memory_space<hbm>> -> memref<10000x128xf32, #tpu.memory_space<hbm>>
        %dma_start3A_179 = arith.constant 0 : i32
        %dma_start3A_180 = arith.constant 0 : i32
        %dma_start3A_181 = tpu.memref_slice %dma_start3A_178[%dma_start3A_179, %dma_start3A_180] : memref<10000x128xf32, #tpu.memory_space<hbm>> -> memref<10000x128xf32, #tpu.memory_space<hbm>>
        tpu.enqueue_indirect_dma source(%dma_start3A_181 : memref<10000x128xf32, #tpu.memory_space<hbm>>) target(%dma_start3A_171 : memref<128x128xf32, #tpu.memory_space<vmem>>) offsets(%dma_start3A_174 : memref<128xi32, #tpu.memory_space<vmem>>) semaphore(%arg11 : memref<!tpu.dma_semaphore, #tpu.memory_space<semaphore_mem>>)
      }
      %scan3A_64 = arith.constant 9 : i32
      %dma_wait3A = arith.constant 18 : i32
      %dma_wait3A_65 = arith.constant 0 : i32
      %dma_wait3A_66 = arith.constant 0 : i32
      %dma_wait3A_67 = arith.constant 0 : i32
      %dma_wait3A_68 = tpu.memref_slice %arg8[%dma_wait3A_65, %dma_wait3A_66, %dma_wait3A_67] : memref<2x128x128xf32, #tpu.memory_space<vmem>> -> memref<1x128x128xf32, #tpu.memory_space<vmem>>
      %dma_wait3A_69 = tpu.memref_squeeze %dma_wait3A_68 : memref<1x128x128xf32, #tpu.memory_space<vmem>> -> memref<128x128xf32, #tpu.memory_space<vmem>>
      %dma_wait3A_70 = arith.constant 0 : i32
      %dma_wait3A_71 = tpu.memref_slice %arg6[%dma_wait3A, %dma_wait3A_70] : memref<20x128xi32, #tpu.memory_space<vmem>> -> memref<1x128xi32, #tpu.memory_space<vmem>>
      %dma_wait3A_72 = tpu.memref_squeeze %dma_wait3A_71 : memref<1x128xi32, #tpu.memory_space<vmem>> -> memref<128xi32, #tpu.memory_space<vmem>>
      %dma_wait3A_73 = arith.constant 0 : i32
      %dma_wait3A_74 = arith.constant 0 : i32
      %dma_wait3A_75 = tpu.memref_slice %arg2[%arg0, %dma_wait3A_73, %dma_wait3A_74] : memref<2x10000x128xf32, #tpu.memory_space<hbm>> -> memref<1x10000x128xf32, #tpu.memory_space<hbm>>
      %dma_wait3A_76 = tpu.memref_squeeze %dma_wait3A_75 : memref<1x10000x128xf32, #tpu.memory_space<hbm>> -> memref<10000x128xf32, #tpu.memory_space<hbm>>
      %dma_wait3A_77 = arith.constant 0 : i32
      %dma_wait3A_78 = arith.constant 0 : i32
      %dma_wait3A_79 = tpu.memref_slice %dma_wait3A_76[%dma_wait3A_77, %dma_wait3A_78] : memref<10000x128xf32, #tpu.memory_space<hbm>> -> memref<10000x128xf32, #tpu.memory_space<hbm>>
      tpu.wait_indirect_dma semaphore(%arg10 : memref<!tpu.dma_semaphore, #tpu.memory_space<semaphore_mem>>) src(%dma_wait3A_79 : memref<10000x128xf32, #tpu.memory_space<hbm>>) dst(%dma_wait3A_69 : memref<128x128xf32, #tpu.memory_space<vmem>>)
      %run_scoped3A = arith.constant 0 : i32
      %run_scoped3A_80 = arith.constant 18 : i32
      "tpu.region"() ({
        %run_scoped3A_99 = tpu.sem_alloc : memref<!tpu.dma_semaphore, #tpu.memory_space<semaphore_mem>>
        %dma_start3A_100 = arith.constant 0 : i32
        %dma_start3A_101 = arith.constant 0 : i32
        %dma_start3A_102 = tpu.memref_slice %arg8[%run_scoped3A, %dma_start3A_100, %dma_start3A_101] : memref<2x128x128xf32, #tpu.memory_space<vmem>> -> memref<1x128x128xf32, #tpu.memory_space<vmem>>
        %dma_start3A_103 = tpu.memref_squeeze %dma_start3A_102 : memref<1x128x128xf32, #tpu.memory_space<vmem>> -> memref<128x128xf32, #tpu.memory_space<vmem>>
        %dma_start3A_104 = arith.constant 0 : i32
        %dma_start3A_105 = tpu.memref_slice %arg7[%run_scoped3A_80, %dma_start3A_104] : memref<20x128xi32, #tpu.memory_space<vmem>> -> memref<1x128xi32, #tpu.memory_space<vmem>>
        %dma_start3A_106 = tpu.memref_squeeze %dma_start3A_105 : memref<1x128xi32, #tpu.memory_space<vmem>> -> memref<128xi32, #tpu.memory_space<vmem>>
        %dma_start3A_107 = arith.constant 0 : i32
        %dma_start3A_108 = arith.constant 0 : i32
        %dma_start3A_109 = tpu.memref_slice %arg9[%dma_start3A_107, %dma_start3A_108] : memref<10240x128xf32, #tpu.memory_space<vmem_shared>> -> memref<10240x128xf32, #tpu.memory_space<vmem_shared>>
        tpu.enqueue_indirect_dma source(%dma_start3A_103 : memref<128x128xf32, #tpu.memory_space<vmem>>) target(%dma_start3A_109 : memref<10240x128xf32, #tpu.memory_space<vmem_shared>>) offsets(%dma_start3A_106 : memref<128xi32, #tpu.memory_space<vmem>>) semaphore(%run_scoped3A_99 : memref<!tpu.dma_semaphore, #tpu.memory_space<semaphore_mem>>) {add = true}
        %dma_wait3A_110 = arith.constant 0 : i32
        %dma_wait3A_111 = arith.constant 0 : i32
        %dma_wait3A_112 = tpu.memref_slice %arg8[%run_scoped3A, %dma_wait3A_110, %dma_wait3A_111] : memref<2x128x128xf32, #tpu.memory_space<vmem>> -> memref<1x128x128xf32, #tpu.memory_space<vmem>>
        %dma_wait3A_113 = tpu.memref_squeeze %dma_wait3A_112 : memref<1x128x128xf32, #tpu.memory_space<vmem>> -> memref<128x128xf32, #tpu.memory_space<vmem>>
        %dma_wait3A_114 = arith.constant 0 : i32
        %dma_wait3A_115 = tpu.memref_slice %arg7[%run_scoped3A_80, %dma_wait3A_114] : memref<20x128xi32, #tpu.memory_space<vmem>> -> memref<1x128xi32, #tpu.memory_space<vmem>>
        %dma_wait3A_116 = tpu.memref_squeeze %dma_wait3A_115 : memref<1x128xi32, #tpu.memory_space<vmem>> -> memref<128xi32, #tpu.memory_space<vmem>>
        %dma_wait3A_117 = arith.constant 0 : i32
        %dma_wait3A_118 = arith.constant 0 : i32
        %dma_wait3A_119 = tpu.memref_slice %arg9[%dma_wait3A_117, %dma_wait3A_118] : memref<10240x128xf32, #tpu.memory_space<vmem_shared>> -> memref<10240x128xf32, #tpu.memory_space<vmem_shared>>
        tpu.wait_indirect_dma semaphore(%run_scoped3A_99 : memref<!tpu.dma_semaphore, #tpu.memory_space<semaphore_mem>>) src(%dma_wait3A_113 : memref<128x128xf32, #tpu.memory_space<vmem>>) dst(%dma_wait3A_119 : memref<10240x128xf32, #tpu.memory_space<vmem_shared>>)
        tpu.yield
      }) : () -> ()
      %dma_wait3A_81 = arith.constant 19 : i32
      %dma_wait3A_82 = arith.constant 1 : i32
      %dma_wait3A_83 = arith.constant 0 : i32
      %dma_wait3A_84 = arith.constant 0 : i32
      %dma_wait3A_85 = tpu.memref_slice %arg8[%dma_wait3A_82, %dma_wait3A_83, %dma_wait3A_84] : memref<2x128x128xf32, #tpu.memory_space<vmem>> -> memref<1x128x128xf32, #tpu.memory_space<vmem>>
      %dma_wait3A_86 = tpu.memref_squeeze %dma_wait3A_85 : memref<1x128x128xf32, #tpu.memory_space<vmem>> -> memref<128x128xf32, #tpu.memory_space<vmem>>
      %dma_wait3A_87 = arith.constant 0 : i32
      %dma_wait3A_88 = tpu.memref_slice %arg6[%dma_wait3A_81, %dma_wait3A_87] : memref<20x128xi32, #tpu.memory_space<vmem>> -> memref<1x128xi32, #tpu.memory_space<vmem>>
      %dma_wait3A_89 = tpu.memref_squeeze %dma_wait3A_88 : memref<1x128xi32, #tpu.memory_space<vmem>> -> memref<128xi32, #tpu.memory_space<vmem>>
      %dma_wait3A_90 = arith.constant 0 : i32
      %dma_wait3A_91 = arith.constant 0 : i32
      %dma_wait3A_92 = tpu.memref_slice %arg2[%arg0, %dma_wait3A_90, %dma_wait3A_91] : memref<2x10000x128xf32, #tpu.memory_space<hbm>> -> memref<1x10000x128xf32, #tpu.memory_space<hbm>>
      %dma_wait3A_93 = tpu.memref_squeeze %dma_wait3A_92 : memref<1x10000x128xf32, #tpu.memory_space<hbm>> -> memref<10000x128xf32, #tpu.memory_space<hbm>>
      %dma_wait3A_94 = arith.constant 0 : i32
      %dma_wait3A_95 = arith.constant 0 : i32
      %dma_wait3A_96 = tpu.memref_slice %dma_wait3A_93[%dma_wait3A_94, %dma_wait3A_95] : memref<10000x128xf32, #tpu.memory_space<hbm>> -> memref<10000x128xf32, #tpu.memory_space<hbm>>
      tpu.wait_indirect_dma semaphore(%arg11 : memref<!tpu.dma_semaphore, #tpu.memory_space<semaphore_mem>>) src(%dma_wait3A_96 : memref<10000x128xf32, #tpu.memory_space<hbm>>) dst(%dma_wait3A_86 : memref<128x128xf32, #tpu.memory_space<vmem>>)
      %run_scoped3A_97 = arith.constant 1 : i32
      %run_scoped3A_98 = arith.constant 19 : i32
      "tpu.region"() ({
        %run_scoped3A_99 = tpu.sem_alloc : memref<!tpu.dma_semaphore, #tpu.memory_space<semaphore_mem>>
        %dma_start3A_100 = arith.constant 0 : i32
        %dma_start3A_101 = arith.constant 0 : i32
        %dma_start3A_102 = tpu.memref_slice %arg8[%run_scoped3A_97, %dma_start3A_100, %dma_start3A_101] : memref<2x128x128xf32, #tpu.memory_space<vmem>> -> memref<1x128x128xf32, #tpu.memory_space<vmem>>
        %dma_start3A_103 = tpu.memref_squeeze %dma_start3A_102 : memref<1x128x128xf32, #tpu.memory_space<vmem>> -> memref<128x128xf32, #tpu.memory_space<vmem>>
        %dma_start3A_104 = arith.constant 0 : i32
        %dma_start3A_105 = tpu.memref_slice %arg7[%run_scoped3A_98, %dma_start3A_104] : memref<20x128xi32, #tpu.memory_space<vmem>> -> memref<1x128xi32, #tpu.memory_space<vmem>>
        %dma_start3A_106 = tpu.memref_squeeze %dma_start3A_105 : memref<1x128xi32, #tpu.memory_space<vmem>> -> memref<128xi32, #tpu.memory_space<vmem>>
        %dma_start3A_107 = arith.constant 0 : i32
        %dma_start3A_108 = arith.constant 0 : i32
        %dma_start3A_109 = tpu.memref_slice %arg9[%dma_start3A_107, %dma_start3A_108] : memref<10240x128xf32, #tpu.memory_space<vmem_shared>> -> memref<10240x128xf32, #tpu.memory_space<vmem_shared>>
        tpu.enqueue_indirect_dma source(%dma_start3A_103 : memref<128x128xf32, #tpu.memory_space<vmem>>) target(%dma_start3A_109 : memref<10240x128xf32, #tpu.memory_space<vmem_shared>>) offsets(%dma_start3A_106 : memref<128xi32, #tpu.memory_space<vmem>>) semaphore(%run_scoped3A_99 : memref<!tpu.dma_semaphore, #tpu.memory_space<semaphore_mem>>) {add = true}
        %dma_wait3A_110 = arith.constant 0 : i32
        %dma_wait3A_111 = arith.constant 0 : i32
        %dma_wait3A_112 = tpu.memref_slice %arg8[%run_scoped3A_97, %dma_wait3A_110, %dma_wait3A_111] : memref<2x128x128xf32, #tpu.memory_space<vmem>> -> memref<1x128x128xf32, #tpu.memory_space<vmem>>
        %dma_wait3A_113 = tpu.memref_squeeze %dma_wait3A_112 : memref<1x128x128xf32, #tpu.memory_space<vmem>> -> memref<128x128xf32, #tpu.memory_space<vmem>>
        %dma_wait3A_114 = arith.constant 0 : i32
        %dma_wait3A_115 = tpu.memref_slice %arg7[%run_scoped3A_98, %dma_wait3A_114] : memref<20x128xi32, #tpu.memory_space<vmem>> -> memref<1x128xi32, #tpu.memory_space<vmem>>
        %dma_wait3A_116 = tpu.memref_squeeze %dma_wait3A_115 : memref<1x128xi32, #tpu.memory_space<vmem>> -> memref<128xi32, #tpu.memory_space<vmem>>
        %dma_wait3A_117 = arith.constant 0 : i32
        %dma_wait3A_118 = arith.constant 0 : i32
        %dma_wait3A_119 = tpu.memref_slice %arg9[%dma_wait3A_117, %dma_wait3A_118] : memref<10240x128xf32, #tpu.memory_space<vmem_shared>> -> memref<10240x128xf32, #tpu.memory_space<vmem_shared>>
        tpu.wait_indirect_dma semaphore(%run_scoped3A_99 : memref<!tpu.dma_semaphore, #tpu.memory_space<semaphore_mem>>) src(%dma_wait3A_113 : memref<128x128xf32, #tpu.memory_space<vmem>>) dst(%dma_wait3A_119 : memref<10240x128xf32, #tpu.memory_space<vmem_shared>>)
        tpu.yield
      }) : () -> ()
    }
    %scan3A_18 = arith.constant 4 : i32
    %barrier3A_19 = arith.constant 0 : index
    tpu.barrier barrier_id(%barrier3A_19)
    %lt3A = arith.constant 15 : i32
    %lt3A_20 = arith.cmpi slt, %arg1, %lt3A : i32
    %convert_element_type3A = arith.extui %lt3A_20 : i1 to i32
    %cond3A = arith.constant 0 : i32
    %cond3A_21 = arith.cmpi ne, %convert_element_type3A, %cond3A : i32
    scf.if %cond3A_21 {
      %mul3A = arith.constant 624 : i32
      %mul3A_26 = arith.muli %arg1, %mul3A : i32
      "tpu.region"() ({
        %run_scoped3A = tpu.sem_alloc : memref<!tpu.dma_semaphore, #tpu.memory_space<semaphore_mem>>
        %dma_start3A = arith.constant 0 : i32
        %dma_start3A_27 = arith.constant 0 : i32
        %dma_start3A_28 = tpu.memref_slice %arg5[%arg0, %dma_start3A, %dma_start3A_27] : memref<2x10000x128xf32, #tpu.memory_space<hbm>> -> memref<1x10000x128xf32, #tpu.memory_space<hbm>>
        %dma_start3A_29 = tpu.memref_squeeze %dma_start3A_28 : memref<1x10000x128xf32, #tpu.memory_space<hbm>> -> memref<10000x128xf32, #tpu.memory_space<hbm>>
        %dma_start3A_30 = arith.constant 0 : i32
        %dma_start3A_31 = tpu.memref_slice %dma_start3A_29[%mul3A_26, %dma_start3A_30] : memref<10000x128xf32, #tpu.memory_space<hbm>> -> memref<624x128xf32, #tpu.memory_space<hbm>>
        %dma_start3A_32 = arith.constant 0 : i32
        %dma_start3A_33 = tpu.memref_slice %arg9[%mul3A_26, %dma_start3A_32] : memref<10240x128xf32, #tpu.memory_space<vmem_shared>> -> memref<624x128xf32, #tpu.memory_space<vmem_shared>>
        tpu.enqueue_dma source(%dma_start3A_33 : memref<624x128xf32, #tpu.memory_space<vmem_shared>>) target(%dma_start3A_31 : memref<624x128xf32, #tpu.memory_space<hbm>>) target_semaphore(%run_scoped3A : memref<!tpu.dma_semaphore, #tpu.memory_space<semaphore_mem>>)
        %dma_wait3A = arith.constant 0 : i32
        %dma_wait3A_34 = arith.constant 0 : i32
        %dma_wait3A_35 = tpu.memref_slice %arg5[%arg0, %dma_wait3A, %dma_wait3A_34] : memref<2x10000x128xf32, #tpu.memory_space<hbm>> -> memref<1x10000x128xf32, #tpu.memory_space<hbm>>
        %dma_wait3A_36 = tpu.memref_squeeze %dma_wait3A_35 : memref<1x10000x128xf32, #tpu.memory_space<hbm>> -> memref<10000x128xf32, #tpu.memory_space<hbm>>
        %dma_wait3A_37 = arith.constant 0 : i32
        %dma_wait3A_38 = tpu.memref_slice %dma_wait3A_36[%mul3A_26, %dma_wait3A_37] : memref<10000x128xf32, #tpu.memory_space<hbm>> -> memref<624x128xf32, #tpu.memory_space<hbm>>
        %dma_wait3A_39 = arith.constant 0 : i32
        %dma_wait3A_40 = tpu.memref_slice %arg9[%mul3A_26, %dma_wait3A_39] : memref<10240x128xf32, #tpu.memory_space<vmem_shared>> -> memref<624x128xf32, #tpu.memory_space<vmem_shared>>
        tpu.wait_dma2 semaphore(%run_scoped3A : memref<!tpu.dma_semaphore, #tpu.memory_space<semaphore_mem>>) src(%dma_wait3A_40 : memref<624x128xf32, #tpu.memory_space<vmem_shared>>) dst(%dma_wait3A_38 : memref<624x128xf32, #tpu.memory_space<hbm>>)
        tpu.yield
      }) : () -> ()
    } else {
    }
    %eq3A = arith.constant 15 : i32
    %eq3A_22 = arith.cmpi eq, %arg1, %eq3A : i32
    %convert_element_type3A_23 = arith.extui %eq3A_22 : i1 to i32
    %cond3A_24 = arith.constant 0 : i32
    %cond3A_25 = arith.cmpi ne, %convert_element_type3A_23, %cond3A_24 : i32
    scf.if %cond3A_25 {
      "tpu.region"() ({
        %run_scoped3A = tpu.sem_alloc : memref<!tpu.dma_semaphore, #tpu.memory_space<semaphore_mem>>
        %dma_start3A = arith.constant 0 : i32
        %dma_start3A_26 = arith.constant 0 : i32
        %dma_start3A_27 = tpu.memref_slice %arg5[%arg0, %dma_start3A, %dma_start3A_26] : memref<2x10000x128xf32, #tpu.memory_space<hbm>> -> memref<1x10000x128xf32, #tpu.memory_space<hbm>>
        %dma_start3A_28 = tpu.memref_squeeze %dma_start3A_27 : memref<1x10000x128xf32, #tpu.memory_space<hbm>> -> memref<10000x128xf32, #tpu.memory_space<hbm>>
        %dma_start3A_29 = arith.constant 9360 : i32
        %dma_start3A_30 = arith.constant 0 : i32
        %dma_start3A_31 = tpu.memref_slice %dma_start3A_28[%dma_start3A_29, %dma_start3A_30] : memref<10000x128xf32, #tpu.memory_space<hbm>> -> memref<640x128xf32, #tpu.memory_space<hbm>>
        %dma_start3A_32 = arith.constant 9360 : i32
        %dma_start3A_33 = arith.constant 0 : i32
        %dma_start3A_34 = tpu.memref_slice %arg9[%dma_start3A_32, %dma_start3A_33] : memref<10240x128xf32, #tpu.memory_space<vmem_shared>> -> memref<640x128xf32, #tpu.memory_space<vmem_shared>>
        tpu.enqueue_dma source(%dma_start3A_34 : memref<640x128xf32, #tpu.memory_space<vmem_shared>>) target(%dma_start3A_31 : memref<640x128xf32, #tpu.memory_space<hbm>>) target_semaphore(%run_scoped3A : memref<!tpu.dma_semaphore, #tpu.memory_space<semaphore_mem>>)
        %dma_wait3A = arith.constant 0 : i32
        %dma_wait3A_35 = arith.constant 0 : i32
        %dma_wait3A_36 = tpu.memref_slice %arg5[%arg0, %dma_wait3A, %dma_wait3A_35] : memref<2x10000x128xf32, #tpu.memory_space<hbm>> -> memref<1x10000x128xf32, #tpu.memory_space<hbm>>
        %dma_wait3A_37 = tpu.memref_squeeze %dma_wait3A_36 : memref<1x10000x128xf32, #tpu.memory_space<hbm>> -> memref<10000x128xf32, #tpu.memory_space<hbm>>
        %dma_wait3A_38 = arith.constant 9360 : i32
        %dma_wait3A_39 = arith.constant 0 : i32
        %dma_wait3A_40 = tpu.memref_slice %dma_wait3A_37[%dma_wait3A_38, %dma_wait3A_39] : memref<10000x128xf32, #tpu.memory_space<hbm>> -> memref<640x128xf32, #tpu.memory_space<hbm>>
        %dma_wait3A_41 = arith.constant 9360 : i32
        %dma_wait3A_42 = arith.constant 0 : i32
        %dma_wait3A_43 = tpu.memref_slice %arg9[%dma_wait3A_41, %dma_wait3A_42] : memref<10240x128xf32, #tpu.memory_space<vmem_shared>> -> memref<640x128xf32, #tpu.memory_space<vmem_shared>>
        tpu.wait_dma2 semaphore(%run_scoped3A : memref<!tpu.dma_semaphore, #tpu.memory_space<semaphore_mem>>) src(%dma_wait3A_43 : memref<640x128xf32, #tpu.memory_space<vmem_shared>>) dst(%dma_wait3A_40 : memref<640x128xf32, #tpu.memory_space<hbm>>)
        tpu.yield
      }) : () -> ()
    } else {
    }
    return
  }
}

#map = affine_map<(d0, d1) -> (0, 0, 0)>
#map1 = affine_map<(d0, d1) -> (0, 0, 0, 0)>
module attributes {stable_mosaic.version = 14 : i64} {
  func.func @k(%arg0: i32, %arg1: i32, %arg2: memref<2x10000x128xf32, #tpu.memory_space<hbm>>, %arg3: memref<16x4x20x128xi32, #tpu.memory_space<hbm>>, %arg4: memref<16x4x20x128xi32, #tpu.memory_space<hbm>>, %arg5: memref<2x10000x128xf32, #tpu.memory_space<hbm>>, %arg6: memref<20x128xi32, #tpu.memory_space<vmem>>, %arg7: memref<20x128xi32, #tpu.memory_space<vmem>>, %arg8: memref<2x128x128xf32, #tpu.memory_space<vmem>>, %arg9: memref<10240x128xf32, #tpu.memory_space<vmem_shared>>, %arg10: memref<!tpu.dma_semaphore, #tpu.memory_space<semaphore_mem>>, %arg11: memref<!tpu.dma_semaphore, #tpu.memory_space<semaphore_mem>>) attributes {dimension_semantics = [#tpu.dimension_semantics<core_parallel>, #tpu.dimension_semantics<subcore_parallel>], iteration_bounds = array<i64: 2, 16>, scalar_prefetch = 0 : i64, scratch_operands = 6 : i64, tpu.core_type = #tpu.core_type<sc_vector_subcore>, window_params = [{transform_indices = #map}, {transform_indices = #map1}, {transform_indices = #map1}, {transform_indices = #map}]} {
    %scan3A = arith.constant 0 : i32
    %scan3A_0 = arith.constant 128 : i32
    %scan3A_1 = arith.addi %scan3A, %scan3A_0 : i32
    %scan3A_2 = arith.constant 1 : i32
    scf.for %scan3A_26 = %scan3A to %scan3A_1 step %scan3A_2  : i32 {
      %mul3A = arith.constant 1 : i32
      %mul3A_27 = arith.muli %scan3A_26, %mul3A : i32
      %add3A = arith.constant 0 : i32
      %add3A_28 = arith.addi %add3A, %mul3A_27 : i32
      %scan3A_29 = arith.constant 0 : i32
      %scan3A_30 = arith.constant 8 : i32
      %scan3A_31 = arith.addi %scan3A_29, %scan3A_30 : i32
      %scan3A_32 = arith.constant 1 : i32
      scf.for %scan3A_34 = %scan3A_29 to %scan3A_31 step %scan3A_32  : i32 {
        %mul3A_35 = arith.constant 16 : i32
        %mul3A_36 = arith.muli %scan3A_34, %mul3A_35 : i32
        %add3A_37 = arith.constant 0 : i32
        %add3A_38 = arith.addi %add3A_37, %mul3A_36 : i32
        %broadcast_in_dim3A = arith.constant 0.000000e+00 : f32
        %broadcast_in_dim3A_39 = vector.broadcast %broadcast_in_dim3A : f32 to vector<16xf32>
        %swap3A = arith.constant 0 : i32
        %swap3A_40 = arith.index_cast %swap3A : i32 to index
        %swap3A_41 = arith.index_cast %add3A_28 : i32 to index
        %swap3A_42 = arith.index_cast %add3A_38 : i32 to index
        %swap3A_43 = tpu.vector_load %arg8[%swap3A_40, %swap3A_41, %swap3A_42] {strides = array<i32>} : memref<2x128x128xf32, #tpu.memory_space<vmem>>, vector<1x1x16xf32>,
        %swap3A_44 = vector.shape_cast %swap3A_43 : vector<1x1x16xf32> to vector<16xf32>
        %swap3A_45 = vector.shape_cast %broadcast_in_dim3A_39 : vector<16xf32> to vector<1x1x16xf32>
        tpu.vector_store %arg8[%swap3A_40, %swap3A_41, %swap3A_42], %swap3A_45 {strides = array<i32>} : memref<2x128x128xf32, #tpu.memory_space<vmem>>, vector<1x1x16xf32>,
      }
      %scan3A_33 = arith.constant 8 : i32
    }
    %scan3A_3 = arith.constant 128 : i32
    %scan3A_4 = arith.constant 0 : i32
    %scan3A_5 = arith.constant 128 : i32
    %scan3A_6 = arith.addi %scan3A_4, %scan3A_5 : i32
    %scan3A_7 = arith.constant 1 : i32
    scf.for %scan3A_26 = %scan3A_4 to %scan3A_6 step %scan3A_7  : i32 {
      %mul3A = arith.constant 1 : i32
      %mul3A_27 = arith.muli %scan3A_26, %mul3A : i32
      %add3A = arith.constant 0 : i32
      %add3A_28 = arith.addi %add3A, %mul3A_27 : i32
      %scan3A_29 = arith.constant 0 : i32
      %scan3A_30 = arith.constant 8 : i32
      %scan3A_31 = arith.addi %scan3A_29, %scan3A_30 : i32
      %scan3A_32 = arith.constant 1 : i32
      scf.for %scan3A_34 = %scan3A_29 to %scan3A_31 step %scan3A_32  : i32 {
        %mul3A_35 = arith.constant 16 : i32
        %mul3A_36 = arith.muli %scan3A_34, %mul3A_35 : i32
        %add3A_37 = arith.constant 0 : i32
        %add3A_38 = arith.addi %add3A_37, %mul3A_36 : i32
        %broadcast_in_dim3A = arith.constant 0.000000e+00 : f32
        %broadcast_in_dim3A_39 = vector.broadcast %broadcast_in_dim3A : f32 to vector<16xf32>
        %swap3A = arith.constant 1 : i32
        %swap3A_40 = arith.index_cast %swap3A : i32 to index
        %swap3A_41 = arith.index_cast %add3A_28 : i32 to index
        %swap3A_42 = arith.index_cast %add3A_38 : i32 to index
        %swap3A_43 = tpu.vector_load %arg8[%swap3A_40, %swap3A_41, %swap3A_42] {strides = array<i32>} : memref<2x128x128xf32, #tpu.memory_space<vmem>>, vector<1x1x16xf32>,
        %swap3A_44 = vector.shape_cast %swap3A_43 : vector<1x1x16xf32> to vector<16xf32>
        %swap3A_45 = vector.shape_cast %broadcast_in_dim3A_39 : vector<16xf32> to vector<1x1x16xf32>
        tpu.vector_store %arg8[%swap3A_40, %swap3A_41, %swap3A_42], %swap3A_45 {strides = array<i32>} : memref<2x128x128xf32, #tpu.memory_space<vmem>>, vector<1x1x16xf32>,
      }
      %scan3A_33 = arith.constant 8 : i32
    }
    %scan3A_8 = arith.constant 128 : i32
    %scan3A_9 = arith.constant 0 : i32
    %scan3A_10 = arith.constant 5 : i32
    %scan3A_11 = arith.addi %scan3A_9, %scan3A_10 : i32
    %scan3A_12 = arith.constant 1 : i32
    scf.for %scan3A_26 = %scan3A_9 to %scan3A_11 step %scan3A_12  : i32 {
      %mul3A = arith.constant 128 : i32
      %mul3A_27 = arith.muli %scan3A_26, %mul3A : i32
      %add3A = arith.constant 0 : i32
      %add3A_28 = arith.addi %add3A, %mul3A_27 : i32
      %mul3A_29 = arith.constant 640 : i32
      %mul3A_30 = arith.muli %arg1, %mul3A_29 : i32
      %add3A_31 = arith.addi %mul3A_30, %add3A_28 : i32
      %run_scoped3A = arith.constant 0 : i32
      "tpu.region"() ({
        %run_scoped3A_32 = tpu.sem_alloc : memref<!tpu.dma_semaphore, #tpu.memory_space<semaphore_mem>>
        %dma_start3A = arith.constant 0 : i32
        %dma_start3A_33 = arith.constant 0 : i32
        %dma_start3A_34 = tpu.memref_slice %arg8[%run_scoped3A, %dma_start3A, %dma_start3A_33] : memref<2x128x128xf32, #tpu.memory_space<vmem>> -> memref<1x128x128xf32, #tpu.memory_space<vmem>>
        %dma_start3A_35 = tpu.memref_squeeze %dma_start3A_34 : memref<1x128x128xf32, #tpu.memory_space<vmem>> -> memref<128x128xf32, #tpu.memory_space<vmem>>
        %dma_start3A_36 = arith.constant 0 : i32
        %dma_start3A_37 = tpu.memref_slice %arg9[%add3A_31, %dma_start3A_36] : memref<10240x128xf32, #tpu.memory_space<vmem_shared>> -> memref<128x128xf32, #tpu.memory_space<vmem_shared>>
        %dma_start3A_38 = arith.constant 0 : i32
        %dma_start3A_39 = tpu.memref_slice %arg9[%add3A_31, %dma_start3A_38] : memref<10240x128xf32, #tpu.memory_space<vmem_shared>> -> memref<128x128xf32, #tpu.memory_space<vmem_shared>>
        %dma_start3A_40 = arith.constant 0 : i32
        %dma_start3A_41 = arith.constant 0 : i32
        %dma_start3A_42 = tpu.memref_slice %arg8[%run_scoped3A, %dma_start3A_40, %dma_start3A_41] : memref<2x128x128xf32, #tpu.memory_space<vmem>> -> memref<1x128x128xf32, #tpu.memory_space<vmem>>
        %dma_start3A_43 = tpu.memref_squeeze %dma_start3A_42 : memref<1x128x128xf32, #tpu.memory_space<vmem>> -> memref<128x128xf32, #tpu.memory_space<vmem>>
        tpu.enqueue_dma source(%dma_start3A_43 : memref<128x128xf32, #tpu.memory_space<vmem>>) target(%dma_start3A_39 : memref<128x128xf32, #tpu.memory_space<vmem_shared>>) target_semaphore(%run_scoped3A_32 : memref<!tpu.dma_semaphore, #tpu.memory_space<semaphore_mem>>)
        %dma_wait3A = arith.constant 0 : i32
        %dma_wait3A_44 = arith.constant 0 : i32
        %dma_wait3A_45 = tpu.memref_slice %arg8[%run_scoped3A, %dma_wait3A, %dma_wait3A_44] : memref<2x128x128xf32, #tpu.memory_space<vmem>> -> memref<1x128x128xf32, #tpu.memory_space<vmem>>
        %dma_wait3A_46 = tpu.memref_squeeze %dma_wait3A_45 : memref<1x128x128xf32, #tpu.memory_space<vmem>> -> memref<128x128xf32, #tpu.memory_space<vmem>>
        %dma_wait3A_47 = arith.constant 0 : i32
        %dma_wait3A_48 = tpu.memref_slice %arg9[%add3A_31, %dma_wait3A_47] : memref<10240x128xf32, #tpu.memory_space<vmem_shared>> -> memref<128x128xf32, #tpu.memory_space<vmem_shared>>
        %dma_wait3A_49 = arith.constant 0 : i32
        %dma_wait3A_50 = tpu.memref_slice %arg9[%add3A_31, %dma_wait3A_49] : memref<10240x128xf32, #tpu.memory_space<vmem_shared>> -> memref<128x128xf32, #tpu.memory_space<vmem_shared>>
        %dma_wait3A_51 = arith.constant 0 : i32
        %dma_wait3A_52 = arith.constant 0 : i32
        %dma_wait3A_53 = tpu.memref_slice %arg8[%run_scoped3A, %dma_wait3A_51, %dma_wait3A_52] : memref<2x128x128xf32, #tpu.memory_space<vmem>> -> memref<1x128x128xf32, #tpu.memory_space<vmem>>
        %dma_wait3A_54 = tpu.memref_squeeze %dma_wait3A_53 : memref<1x128x128xf32, #tpu.memory_space<vmem>> -> memref<128x128xf32, #tpu.memory_space<vmem>>
        tpu.wait_dma2 semaphore(%run_scoped3A_32 : memref<!tpu.dma_semaphore, #tpu.memory_space<semaphore_mem>>) src(%dma_wait3A_54 : memref<128x128xf32, #tpu.memory_space<vmem>>) dst(%dma_wait3A_50 : memref<128x128xf32, #tpu.memory_space<vmem_shared>>)
        tpu.yield
      }) : () -> ()
    }
    %scan3A_13 = arith.constant 5 : i32
    %barrier3A = arith.constant 0 : index
    tpu.barrier barrier_id(%barrier3A)
    %scan3A_14 = arith.constant 0 : i32
    %scan3A_15 = arith.constant 4 : i32
    %scan3A_16 = arith.addi %scan3A_14, %scan3A_15 : i32
    %scan3A_17 = arith.constant 1 : i32
    scf.for %scan3A_26 = %scan3A_14 to %scan3A_16 step %scan3A_17  : i32 {
      %mul3A = arith.constant 1 : i32
      %mul3A_27 = arith.muli %scan3A_26, %mul3A : i32
      %add3A = arith.constant 0 : i32
      %add3A_28 = arith.addi %add3A, %mul3A_27 : i32
      "tpu.region"() ({
        %run_scoped3A_99 = tpu.sem_alloc : memref<!tpu.dma_semaphore, #tpu.memory_space<semaphore_mem>>
        %dma_start3A_100 = arith.constant 0 : i32
        %dma_start3A_101 = arith.constant 0 : i32
        %dma_start3A_102 = arith.constant 0 : i32
        %dma_start3A_103 = tpu.memref_slice %arg3[%arg1, %dma_start3A_100, %dma_start3A_101, %dma_start3A_102] : memref<16x4x20x128xi32, #tpu.memory_space<hbm>> -> memref<1x4x20x128xi32, #tpu.memory_space<hbm>>
        %dma_start3A_104 = tpu.memref_squeeze %dma_start3A_103 : memref<1x4x20x128xi32, #tpu.memory_space<hbm>> -> memref<4x20x128xi32, #tpu.memory_space<hbm>>
        %dma_start3A_105 = arith.constant 0 : i32
        %dma_start3A_106 = arith.constant 0 : i32
        %dma_start3A_107 = tpu.memref_slice %dma_start3A_104[%add3A_28, %dma_start3A_105, %dma_start3A_106] : memref<4x20x128xi32, #tpu.memory_space<hbm>> -> memref<1x20x128xi32, #tpu.memory_space<hbm>>
        %dma_start3A_108 = tpu.memref_squeeze %dma_start3A_107 : memref<1x20x128xi32, #tpu.memory_space<hbm>> -> memref<20x128xi32, #tpu.memory_space<hbm>>
        %dma_start3A_109 = arith.constant 0 : i32
        %dma_start3A_110 = arith.constant 0 : i32
        %dma_start3A_111 = arith.constant 0 : i32
        %dma_start3A_112 = tpu.memref_slice %arg3[%arg1, %dma_start3A_109, %dma_start3A_110, %dma_start3A_111] : memref<16x4x20x128xi32, #tpu.memory_space<hbm>> -> memref<1x4x20x128xi32, #tpu.memory_space<hbm>>
        %dma_start3A_113 = tpu.memref_squeeze %dma_start3A_112 : memref<1x4x20x128xi32, #tpu.memory_space<hbm>> -> memref<4x20x128xi32, #tpu.memory_space<hbm>>
        %dma_start3A_114 = arith.constant 0 : i32
        %dma_start3A_115 = arith.constant 0 : i32
        %dma_start3A_116 = tpu.memref_slice %dma_start3A_113[%add3A_28, %dma_start3A_114, %dma_start3A_115] : memref<4x20x128xi32, #tpu.memory_space<hbm>> -> memref<1x20x128xi32, #tpu.memory_space<hbm>>
        %dma_start3A_117 = tpu.memref_squeeze %dma_start3A_116 : memref<1x20x128xi32, #tpu.memory_space<hbm>> -> memref<20x128xi32, #tpu.memory_space<hbm>>
        tpu.enqueue_dma source(%dma_start3A_117 : memref<20x128xi32, #tpu.memory_space<hbm>>) target(%arg6 : memref<20x128xi32, #tpu.memory_space<vmem>>) target_semaphore(%run_scoped3A_99 : memref<!tpu.dma_semaphore, #tpu.memory_space<semaphore_mem>>)
        %dma_wait3A_118 = arith.constant 0 : i32
        %dma_wait3A_119 = arith.constant 0 : i32
        %dma_wait3A_120 = arith.constant 0 : i32
        %dma_wait3A_121 = tpu.memref_slice %arg3[%arg1, %dma_wait3A_118, %dma_wait3A_119, %dma_wait3A_120] : memref<16x4x20x128xi32, #tpu.memory_space<hbm>> -> memref<1x4x20x128xi32, #tpu.memory_space<hbm>>
        %dma_wait3A_122 = tpu.memref_squeeze %dma_wait3A_121 : memref<1x4x20x128xi32, #tpu.memory_space<hbm>> -> memref<4x20x128xi32, #tpu.memory_space<hbm>>
        %dma_wait3A_123 = arith.constant 0 : i32
        %dma_wait3A_124 = arith.constant 0 : i32
        %dma_wait3A_125 = tpu.memref_slice %dma_wait3A_122[%add3A_28, %dma_wait3A_123, %dma_wait3A_124] : memref<4x20x128xi32, #tpu.memory_space<hbm>> -> memref<1x20x128xi32, #tpu.memory_space<hbm>>
        %dma_wait3A_126 = tpu.memref_squeeze %dma_wait3A_125 : memref<1x20x128xi32, #tpu.memory_space<hbm>> -> memref<20x128xi32, #tpu.memory_space<hbm>>
        %dma_wait3A_127 = arith.constant 0 : i32
        %dma_wait3A_128 = arith.constant 0 : i32
        %dma_wait3A_129 = arith.constant 0 : i32
        %dma_wait3A_130 = tpu.memref_slice %arg3[%arg1, %dma_wait3A_127, %dma_wait3A_128, %dma_wait3A_129] : memref<16x4x20x128xi32, #tpu.memory_space<hbm>> -> memref<1x4x20x128xi32, #tpu.memory_space<hbm>>
        %dma_wait3A_131 = tpu.memref_squeeze %dma_wait3A_130 : memref<1x4x20x128xi32, #tpu.memory_space<hbm>> -> memref<4x20x128xi32, #tpu.memory_space<hbm>>
        %dma_wait3A_132 = arith.constant 0 : i32
        %dma_wait3A_133 = arith.constant 0 : i32
        %dma_wait3A_134 = tpu.memref_slice %dma_wait3A_131[%add3A_28, %dma_wait3A_132, %dma_wait3A_133] : memref<4x20x128xi32, #tpu.memory_space<hbm>> -> memref<1x20x128xi32, #tpu.memory_space<hbm>>
        %dma_wait3A_135 = tpu.memref_squeeze %dma_wait3A_134 : memref<1x20x128xi32, #tpu.memory_space<hbm>> -> memref<20x128xi32, #tpu.memory_space<hbm>>
        tpu.wait_dma2 semaphore(%run_scoped3A_99 : memref<!tpu.dma_semaphore, #tpu.memory_space<semaphore_mem>>) src(%dma_wait3A_135 : memref<20x128xi32, #tpu.memory_space<hbm>>) dst(%arg6 : memref<20x128xi32, #tpu.memory_space<vmem>>)
        tpu.yield
      }) : () -> ()
      "tpu.region"() ({
        %run_scoped3A_99 = tpu.sem_alloc : memref<!tpu.dma_semaphore, #tpu.memory_space<semaphore_mem>>
        %dma_start3A_100 = arith.constant 0 : i32
        %dma_start3A_101 = arith.constant 0 : i32
        %dma_start3A_102 = arith.constant 0 : i32
        %dma_start3A_103 = tpu.memref_slice %arg4[%arg1, %dma_start3A_100, %dma_start3A_101, %dma_start3A_102] : memref<16x4x20x128xi32, #tpu.memory_space<hbm>> -> memref<1x4x20x128xi32, #tpu.memory_space<hbm>>
        %dma_start3A_104 = tpu.memref_squeeze %dma_start3A_103 : memref<1x4x20x128xi32, #tpu.memory_space<hbm>> -> memref<4x20x128xi32, #tpu.memory_space<hbm>>
        %dma_start3A_105 = arith.constant 0 : i32
        %dma_start3A_106 = arith.constant 0 : i32
        %dma_start3A_107 = tpu.memref_slice %dma_start3A_104[%add3A_28, %dma_start3A_105, %dma_start3A_106] : memref<4x20x128xi32, #tpu.memory_space<hbm>> -> memref<1x20x128xi32, #tpu.memory_space<hbm>>
        %dma_start3A_108 = tpu.memref_squeeze %dma_start3A_107 : memref<1x20x128xi32, #tpu.memory_space<hbm>> -> memref<20x128xi32, #tpu.memory_space<hbm>>
        %dma_start3A_109 = arith.constant 0 : i32
        %dma_start3A_110 = arith.constant 0 : i32
        %dma_start3A_111 = arith.constant 0 : i32
        %dma_start3A_112 = tpu.memref_slice %arg4[%arg1, %dma_start3A_109, %dma_start3A_110, %dma_start3A_111] : memref<16x4x20x128xi32, #tpu.memory_space<hbm>> -> memref<1x4x20x128xi32, #tpu.memory_space<hbm>>
        %dma_start3A_113 = tpu.memref_squeeze %dma_start3A_112 : memref<1x4x20x128xi32, #tpu.memory_space<hbm>> -> memref<4x20x128xi32, #tpu.memory_space<hbm>>
        %dma_start3A_114 = arith.constant 0 : i32
        %dma_start3A_115 = arith.constant 0 : i32
        %dma_start3A_116 = tpu.memref_slice %dma_start3A_113[%add3A_28, %dma_start3A_114, %dma_start3A_115] : memref<4x20x128xi32, #tpu.memory_space<hbm>> -> memref<1x20x128xi32, #tpu.memory_space<hbm>>
        %dma_start3A_117 = tpu.memref_squeeze %dma_start3A_116 : memref<1x20x128xi32, #tpu.memory_space<hbm>> -> memref<20x128xi32, #tpu.memory_space<hbm>>
        tpu.enqueue_dma source(%dma_start3A_117 : memref<20x128xi32, #tpu.memory_space<hbm>>) target(%arg7 : memref<20x128xi32, #tpu.memory_space<vmem>>) target_semaphore(%run_scoped3A_99 : memref<!tpu.dma_semaphore, #tpu.memory_space<semaphore_mem>>)
        %dma_wait3A_118 = arith.constant 0 : i32
        %dma_wait3A_119 = arith.constant 0 : i32
        %dma_wait3A_120 = arith.constant 0 : i32
        %dma_wait3A_121 = tpu.memref_slice %arg4[%arg1, %dma_wait3A_118, %dma_wait3A_119, %dma_wait3A_120] : memref<16x4x20x128xi32, #tpu.memory_space<hbm>> -> memref<1x4x20x128xi32, #tpu.memory_space<hbm>>
        %dma_wait3A_122 = tpu.memref_squeeze %dma_wait3A_121 : memref<1x4x20x128xi32, #tpu.memory_space<hbm>> -> memref<4x20x128xi32, #tpu.memory_space<hbm>>
        %dma_wait3A_123 = arith.constant 0 : i32
        %dma_wait3A_124 = arith.constant 0 : i32
        %dma_wait3A_125 = tpu.memref_slice %dma_wait3A_122[%add3A_28, %dma_wait3A_123, %dma_wait3A_124] : memref<4x20x128xi32, #tpu.memory_space<hbm>> -> memref<1x20x128xi32, #tpu.memory_space<hbm>>
        %dma_wait3A_126 = tpu.memref_squeeze %dma_wait3A_125 : memref<1x20x128xi32, #tpu.memory_space<hbm>> -> memref<20x128xi32, #tpu.memory_space<hbm>>
        %dma_wait3A_127 = arith.constant 0 : i32
        %dma_wait3A_128 = arith.constant 0 : i32
        %dma_wait3A_129 = arith.constant 0 : i32
        %dma_wait3A_130 = tpu.memref_slice %arg4[%arg1, %dma_wait3A_127, %dma_wait3A_128, %dma_wait3A_129] : memref<16x4x20x128xi32, #tpu.memory_space<hbm>> -> memref<1x4x20x128xi32, #tpu.memory_space<hbm>>
        %dma_wait3A_131 = tpu.memref_squeeze %dma_wait3A_130 : memref<1x4x20x128xi32, #tpu.memory_space<hbm>> -> memref<4x20x128xi32, #tpu.memory_space<hbm>>
        %dma_wait3A_132 = arith.constant 0 : i32
        %dma_wait3A_133 = arith.constant 0 : i32
        %dma_wait3A_134 = tpu.memref_slice %dma_wait3A_131[%add3A_28, %dma_wait3A_132, %dma_wait3A_133] : memref<4x20x128xi32, #tpu.memory_space<hbm>> -> memref<1x20x128xi32, #tpu.memory_space<hbm>>
        %dma_wait3A_135 = tpu.memref_squeeze %dma_wait3A_134 : memref<1x20x128xi32, #tpu.memory_space<hbm>> -> memref<20x128xi32, #tpu.memory_space<hbm>>
        tpu.wait_dma2 semaphore(%run_scoped3A_99 : memref<!tpu.dma_semaphore, #tpu.memory_space<semaphore_mem>>) src(%dma_wait3A_135 : memref<20x128xi32, #tpu.memory_space<hbm>>) dst(%arg7 : memref<20x128xi32, #tpu.memory_space<vmem>>)
        tpu.yield
      }) : () -> ()
      %dma_start3A = arith.constant 0 : i32
      %dma_start3A_29 = arith.constant 0 : i32
      %dma_start3A_30 = arith.constant 0 : i32
      %dma_start3A_31 = arith.constant 0 : i32
      %dma_start3A_32 = tpu.memref_slice %arg8[%dma_start3A_29, %dma_start3A_30, %dma_start3A_31] : memref<2x128x128xf32, #tpu.memory_space<vmem>> -> memref<1x128x128xf32, #tpu.memory_space<vmem>>
      %dma_start3A_33 = tpu.memref_squeeze %dma_start3A_32 : memref<1x128x128xf32, #tpu.memory_space<vmem>> -> memref<128x128xf32, #tpu.memory_space<vmem>>
      %dma_start3A_34 = arith.constant 0 : i32
      %dma_start3A_35 = tpu.memref_slice %arg6[%dma_start3A, %dma_start3A_34] : memref<20x128xi32, #tpu.memory_space<vmem>> -> memref<1x128xi32, #tpu.memory_space<vmem>>
      %dma_start3A_36 = tpu.memref_squeeze %dma_start3A_35 : memref<1x128xi32, #tpu.memory_space<vmem>> -> memref<128xi32, #tpu.memory_space<vmem>>
      %dma_start3A_37 = arith.constant 0 : i32
      %dma_start3A_38 = arith.constant 0 : i32
      %dma_start3A_39 = tpu.memref_slice %arg2[%arg0, %dma_start3A_37, %dma_start3A_38] : memref<2x10000x128xf32, #tpu.memory_space<hbm>> -> memref<1x10000x128xf32, #tpu.memory_space<hbm>>
      %dma_start3A_40 = tpu.memref_squeeze %dma_start3A_39 : memref<1x10000x128xf32, #tpu.memory_space<hbm>> -> memref<10000x128xf32, #tpu.memory_space<hbm>>
      %dma_start3A_41 = arith.constant 0 : i32
      %dma_start3A_42 = arith.constant 0 : i32
      %dma_start3A_43 = tpu.memref_slice %dma_start3A_40[%dma_start3A_41, %dma_start3A_42] : memref<10000x128xf32, #tpu.memory_space<hbm>> -> memref<10000x128xf32, #tpu.memory_space<hbm>>
      tpu.enqueue_indirect_dma source(%dma_start3A_43 : memref<10000x128xf32, #tpu.memory_space<hbm>>) target(%dma_start3A_33 : memref<128x128xf32, #tpu.memory_space<vmem>>) offsets(%dma_start3A_36 : memref<128xi32, #tpu.memory_space<vmem>>) semaphore(%arg10 : memref<!tpu.dma_semaphore, #tpu.memory_space<semaphore_mem>>)
      %dma_start3A_44 = arith.constant 1 : i32
      %dma_start3A_45 = arith.constant 1 : i32
      %dma_start3A_46 = arith.constant 0 : i32
      %dma_start3A_47 = arith.constant 0 : i32
      %dma_start3A_48 = tpu.memref_slice %arg8[%dma_start3A_45, %dma_start3A_46, %dma_start3A_47] : memref<2x128x128xf32, #tpu.memory_space<vmem>> -> memref<1x128x128xf32, #tpu.memory_space<vmem>>
      %dma_start3A_49 = tpu.memref_squeeze %dma_start3A_48 : memref<1x128x128xf32, #tpu.memory_space<vmem>> -> memref<128x128xf32, #tpu.memory_space<vmem>>
      %dma_start3A_50 = arith.constant 0 : i32
      %dma_start3A_51 = tpu.memref_slice %arg6[%dma_start3A_44, %dma_start3A_50] : memref<20x128xi32, #tpu.memory_space<vmem>> -> memref<1x128xi32, #tpu.memory_space<vmem>>
      %dma_start3A_52 = tpu.memref_squeeze %dma_start3A_51 : memref<1x128xi32, #tpu.memory_space<vmem>> -> memref<128xi32, #tpu.memory_space<vmem>>
      %dma_start3A_53 = arith.constant 0 : i32
      %dma_start3A_54 = arith.constant 0 : i32
      %dma_start3A_55 = tpu.memref_slice %arg2[%arg0, %dma_start3A_53, %dma_start3A_54] : memref<2x10000x128xf32, #tpu.memory_space<hbm>> -> memref<1x10000x128xf32, #tpu.memory_space<hbm>>
      %dma_start3A_56 = tpu.memref_squeeze %dma_start3A_55 : memref<1x10000x128xf32, #tpu.memory_space<hbm>> -> memref<10000x128xf32, #tpu.memory_space<hbm>>
      %dma_start3A_57 = arith.constant 0 : i32
      %dma_start3A_58 = arith.constant 0 : i32
      %dma_start3A_59 = tpu.memref_slice %dma_start3A_56[%dma_start3A_57, %dma_start3A_58] : memref<10000x128xf32, #tpu.memory_space<hbm>> -> memref<10000x128xf32, #tpu.memory_space<hbm>>
      tpu.enqueue_indirect_dma source(%dma_start3A_59 : memref<10000x128xf32, #tpu.memory_space<hbm>>) target(%dma_start3A_49 : memref<128x128xf32, #tpu.memory_space<vmem>>) offsets(%dma_start3A_52 : memref<128xi32, #tpu.memory_space<vmem>>) semaphore(%arg11 : memref<!tpu.dma_semaphore, #tpu.memory_space<semaphore_mem>>)
      %scan3A_60 = arith.constant 0 : i32
      %scan3A_61 = arith.constant 9 : i32
      %scan3A_62 = arith.addi %scan3A_60, %scan3A_61 : i32
      %scan3A_63 = arith.constant 1 : i32
      scf.for %scan3A_99 = %scan3A_60 to %scan3A_62 step %scan3A_63  : i32 {
        %mul3A_100 = arith.constant 2 : i32
        %mul3A_101 = arith.muli %scan3A_99, %mul3A_100 : i32
        %add3A_102 = arith.constant 0 : i32
        %add3A_103 = arith.addi %add3A_102, %mul3A_101 : i32
        %add3A_104 = arith.constant 0 : i32
        %add3A_105 = arith.addi %add3A_103, %add3A_104 : i32
        %dma_wait3A_106 = arith.constant 0 : i32
        %dma_wait3A_107 = arith.constant 0 : i32
        %dma_wait3A_108 = arith.constant 0 : i32
        %dma_wait3A_109 = tpu.memref_slice %arg8[%dma_wait3A_106, %dma_wait3A_107, %dma_wait3A_108] : memref<2x128x128xf32, #tpu.memory_space<vmem>> -> memref<1x128x128xf32, #tpu.memory_space<vmem>>
        %dma_wait3A_110 = tpu.memref_squeeze %dma_wait3A_109 : memref<1x128x128xf32, #tpu.memory_space<vmem>> -> memref<128x128xf32, #tpu.memory_space<vmem>>
        %dma_wait3A_111 = arith.constant 0 : i32
        %dma_wait3A_112 = tpu.memref_slice %arg6[%add3A_105, %dma_wait3A_111] : memref<20x128xi32, #tpu.memory_space<vmem>> -> memref<1x128xi32, #tpu.memory_space<vmem>>
        %dma_wait3A_113 = tpu.memref_squeeze %dma_wait3A_112 : memref<1x128xi32, #tpu.memory_space<vmem>> -> memref<128xi32, #tpu.memory_space<vmem>>
        %dma_wait3A_114 = arith.constant 0 : i32
        %dma_wait3A_115 = arith.constant 0 : i32
        %dma_wait3A_116 = tpu.memref_slice %arg2[%arg0, %dma_wait3A_114, %dma_wait3A_115] : memref<2x10000x128xf32, #tpu.memory_space<hbm>> -> memref<1x10000x128xf32, #tpu.memory_space<hbm>>
        %dma_wait3A_117 = tpu.memref_squeeze %dma_wait3A_116 : memref<1x10000x128xf32, #tpu.memory_space<hbm>> -> memref<10000x128xf32, #tpu.memory_space<hbm>>
        %dma_wait3A_118 = arith.constant 0 : i32
        %dma_wait3A_119 = arith.constant 0 : i32
        %dma_wait3A_120 = tpu.memref_slice %dma_wait3A_117[%dma_wait3A_118, %dma_wait3A_119] : memref<10000x128xf32, #tpu.memory_space<hbm>> -> memref<10000x128xf32, #tpu.memory_space<hbm>>
        tpu.wait_indirect_dma semaphore(%arg10 : memref<!tpu.dma_semaphore, #tpu.memory_space<semaphore_mem>>) src(%dma_wait3A_120 : memref<10000x128xf32, #tpu.memory_space<hbm>>) dst(%dma_wait3A_110 : memref<128x128xf32, #tpu.memory_space<vmem>>)
        %add3A_121 = arith.constant 0 : i32
        %add3A_122 = arith.addi %add3A_103, %add3A_121 : i32
        %run_scoped3A_123 = arith.constant 0 : i32
        "tpu.region"() ({
          %run_scoped3A_182 = tpu.sem_alloc : memref<!tpu.dma_semaphore, #tpu.memory_space<semaphore_mem>>
          %dma_start3A_183 = arith.constant 0 : i32
          %dma_start3A_184 = arith.constant 0 : i32
          %dma_start3A_185 = tpu.memref_slice %arg8[%run_scoped3A_123, %dma_start3A_183, %dma_start3A_184] : memref<2x128x128xf32, #tpu.memory_space<vmem>> -> memref<1x128x128xf32, #tpu.memory_space<vmem>>
          %dma_start3A_186 = tpu.memref_squeeze %dma_start3A_185 : memref<1x128x128xf32, #tpu.memory_space<vmem>> -> memref<128x128xf32, #tpu.memory_space<vmem>>
          %dma_start3A_187 = arith.constant 0 : i32
          %dma_start3A_188 = tpu.memref_slice %arg7[%add3A_122, %dma_start3A_187] : memref<20x128xi32, #tpu.memory_space<vmem>> -> memref<1x128xi32, #tpu.memory_space<vmem>>
          %dma_start3A_189 = tpu.memref_squeeze %dma_start3A_188 : memref<1x128xi32, #tpu.memory_space<vmem>> -> memref<128xi32, #tpu.memory_space<vmem>>
          %dma_start3A_190 = arith.constant 0 : i32
          %dma_start3A_191 = arith.constant 0 : i32
          %dma_start3A_192 = tpu.memref_slice %arg9[%dma_start3A_190, %dma_start3A_191] : memref<10240x128xf32, #tpu.memory_space<vmem_shared>> -> memref<10240x128xf32, #tpu.memory_space<vmem_shared>>
          tpu.enqueue_indirect_dma source(%dma_start3A_186 : memref<128x128xf32, #tpu.memory_space<vmem>>) target(%dma_start3A_192 : memref<10240x128xf32, #tpu.memory_space<vmem_shared>>) offsets(%dma_start3A_189 : memref<128xi32, #tpu.memory_space<vmem>>) semaphore(%run_scoped3A_182 : memref<!tpu.dma_semaphore, #tpu.memory_space<semaphore_mem>>) {add = true}
          %dma_wait3A_193 = arith.constant 0 : i32
          %dma_wait3A_194 = arith.constant 0 : i32
          %dma_wait3A_195 = tpu.memref_slice %arg8[%run_scoped3A_123, %dma_wait3A_193, %dma_wait3A_194] : memref<2x128x128xf32, #tpu.memory_space<vmem>> -> memref<1x128x128xf32, #tpu.memory_space<vmem>>
          %dma_wait3A_196 = tpu.memref_squeeze %dma_wait3A_195 : memref<1x128x128xf32, #tpu.memory_space<vmem>> -> memref<128x128xf32, #tpu.memory_space<vmem>>
          %dma_wait3A_197 = arith.constant 0 : i32
          %dma_wait3A_198 = tpu.memref_slice %arg7[%add3A_122, %dma_wait3A_197] : memref<20x128xi32, #tpu.memory_space<vmem>> -> memref<1x128xi32, #tpu.memory_space<vmem>>
          %dma_wait3A_199 = tpu.memref_squeeze %dma_wait3A_198 : memref<1x128xi32, #tpu.memory_space<vmem>> -> memref<128xi32, #tpu.memory_space<vmem>>
          %dma_wait3A_200 = arith.constant 0 : i32
          %dma_wait3A_201 = arith.constant 0 : i32
          %dma_wait3A_202 = tpu.memref_slice %arg9[%dma_wait3A_200, %dma_wait3A_201] : memref<10240x128xf32, #tpu.memory_space<vmem_shared>> -> memref<10240x128xf32, #tpu.memory_space<vmem_shared>>
          tpu.wait_indirect_dma semaphore(%run_scoped3A_182 : memref<!tpu.dma_semaphore, #tpu.memory_space<semaphore_mem>>) src(%dma_wait3A_196 : memref<128x128xf32, #tpu.memory_space<vmem>>) dst(%dma_wait3A_202 : memref<10240x128xf32, #tpu.memory_space<vmem_shared>>)
          tpu.yield
        }) : () -> ()
        %add3A_124 = arith.constant 0 : i32
        %add3A_125 = arith.addi %add3A_103, %add3A_124 : i32
        %add3A_126 = arith.constant 2 : i32
        %add3A_127 = arith.addi %add3A_125, %add3A_126 : i32
        %dma_start3A_128 = arith.constant 0 : i32
        %dma_start3A_129 = arith.constant 0 : i32
        %dma_start3A_130 = arith.constant 0 : i32
        %dma_start3A_131 = tpu.memref_slice %arg8[%dma_start3A_128, %dma_start3A_129, %dma_start3A_130] : memref<2x128x128xf32, #tpu.memory_space<vmem>> -> memref<1x128x128xf32, #tpu.memory_space<vmem>>
        %dma_start3A_132 = tpu.memref_squeeze %dma_start3A_131 : memref<1x128x128xf32, #tpu.memory_space<vmem>> -> memref<128x128xf32, #tpu.memory_space<vmem>>
        %dma_start3A_133 = arith.constant 0 : i32
        %dma_start3A_134 = tpu.memref_slice %arg6[%add3A_127, %dma_start3A_133] : memref<20x128xi32, #tpu.memory_space<vmem>> -> memref<1x128xi32, #tpu.memory_space<vmem>>
        %dma_start3A_135 = tpu.memref_squeeze %dma_start3A_134 : memref<1x128xi32, #tpu.memory_space<vmem>> -> memref<128xi32, #tpu.memory_space<vmem>>
        %dma_start3A_136 = arith.constant 0 : i32
        %dma_start3A_137 = arith.constant 0 : i32
        %dma_start3A_138 = tpu.memref_slice %arg2[%arg0, %dma_start3A_136, %dma_start3A_137] : memref<2x10000x128xf32, #tpu.memory_space<hbm>> -> memref<1x10000x128xf32, #tpu.memory_space<hbm>>
        %dma_start3A_139 = tpu.memref_squeeze %dma_start3A_138 : memref<1x10000x128xf32, #tpu.memory_space<hbm>> -> memref<10000x128xf32, #tpu.memory_space<hbm>>
        %dma_start3A_140 = arith.constant 0 : i32
        %dma_start3A_141 = arith.constant 0 : i32
        %dma_start3A_142 = tpu.memref_slice %dma_start3A_139[%dma_start3A_140, %dma_start3A_141] : memref<10000x128xf32, #tpu.memory_space<hbm>> -> memref<10000x128xf32, #tpu.memory_space<hbm>>
        tpu.enqueue_indirect_dma source(%dma_start3A_142 : memref<10000x128xf32, #tpu.memory_space<hbm>>) target(%dma_start3A_132 : memref<128x128xf32, #tpu.memory_space<vmem>>) offsets(%dma_start3A_135 : memref<128xi32, #tpu.memory_space<vmem>>) semaphore(%arg10 : memref<!tpu.dma_semaphore, #tpu.memory_space<semaphore_mem>>)
        %add3A_143 = arith.constant 1 : i32
        %add3A_144 = arith.addi %add3A_103, %add3A_143 : i32
        %dma_wait3A_145 = arith.constant 1 : i32
        %dma_wait3A_146 = arith.constant 0 : i32
        %dma_wait3A_147 = arith.constant 0 : i32
        %dma_wait3A_148 = tpu.memref_slice %arg8[%dma_wait3A_145, %dma_wait3A_146, %dma_wait3A_147] : memref<2x128x128xf32, #tpu.memory_space<vmem>> -> memref<1x128x128xf32, #tpu.memory_space<vmem>>
        %dma_wait3A_149 = tpu.memref_squeeze %dma_wait3A_148 : memref<1x128x128xf32, #tpu.memory_space<vmem>> -> memref<128x128xf32, #tpu.memory_space<vmem>>
        %dma_wait3A_150 = arith.constant 0 : i32
        %dma_wait3A_151 = tpu.memref_slice %arg6[%add3A_144, %dma_wait3A_150] : memref<20x128xi32, #tpu.memory_space<vmem>> -> memref<1x128xi32, #tpu.memory_space<vmem>>
        %dma_wait3A_152 = tpu.memref_squeeze %dma_wait3A_151 : memref<1x128xi32, #tpu.memory_space<vmem>> -> memref<128xi32, #tpu.memory_space<vmem>>
        %dma_wait3A_153 = arith.constant 0 : i32
        %dma_wait3A_154 = arith.constant 0 : i32
        %dma_wait3A_155 = tpu.memref_slice %arg2[%arg0, %dma_wait3A_153, %dma_wait3A_154] : memref<2x10000x128xf32, #tpu.memory_space<hbm>> -> memref<1x10000x128xf32, #tpu.memory_space<hbm>>
        %dma_wait3A_156 = tpu.memref_squeeze %dma_wait3A_155 : memref<1x10000x128xf32, #tpu.memory_space<hbm>> -> memref<10000x128xf32, #tpu.memory_space<hbm>>
        %dma_wait3A_157 = arith.constant 0 : i32
        %dma_wait3A_158 = arith.constant 0 : i32
        %dma_wait3A_159 = tpu.memref_slice %dma_wait3A_156[%dma_wait3A_157, %dma_wait3A_158] : memref<10000x128xf32, #tpu.memory_space<hbm>> -> memref<10000x128xf32, #tpu.memory_space<hbm>>
        tpu.wait_indirect_dma semaphore(%arg11 : memref<!tpu.dma_semaphore, #tpu.memory_space<semaphore_mem>>) src(%dma_wait3A_159 : memref<10000x128xf32, #tpu.memory_space<hbm>>) dst(%dma_wait3A_149 : memref<128x128xf32, #tpu.memory_space<vmem>>)
        %add3A_160 = arith.constant 1 : i32
        %add3A_161 = arith.addi %add3A_103, %add3A_160 : i32
        %run_scoped3A_162 = arith.constant 1 : i32
        "tpu.region"() ({
          %run_scoped3A_182 = tpu.sem_alloc : memref<!tpu.dma_semaphore, #tpu.memory_space<semaphore_mem>>
          %dma_start3A_183 = arith.constant 0 : i32
          %dma_start3A_184 = arith.constant 0 : i32
          %dma_start3A_185 = tpu.memref_slice %arg8[%run_scoped3A_162, %dma_start3A_183, %dma_start3A_184] : memref<2x128x128xf32, #tpu.memory_space<vmem>> -> memref<1x128x128xf32, #tpu.memory_space<vmem>>
          %dma_start3A_186 = tpu.memref_squeeze %dma_start3A_185 : memref<1x128x128xf32, #tpu.memory_space<vmem>> -> memref<128x128xf32, #tpu.memory_space<vmem>>
          %dma_start3A_187 = arith.constant 0 : i32
          %dma_start3A_188 = tpu.memref_slice %arg7[%add3A_161, %dma_start3A_187] : memref<20x128xi32, #tpu.memory_space<vmem>> -> memref<1x128xi32, #tpu.memory_space<vmem>>
          %dma_start3A_189 = tpu.memref_squeeze %dma_start3A_188 : memref<1x128xi32, #tpu.memory_space<vmem>> -> memref<128xi32, #tpu.memory_space<vmem>>
          %dma_start3A_190 = arith.constant 0 : i32
          %dma_start3A_191 = arith.constant 0 : i32
          %dma_start3A_192 = tpu.memref_slice %arg9[%dma_start3A_190, %dma_start3A_191] : memref<10240x128xf32, #tpu.memory_space<vmem_shared>> -> memref<10240x128xf32, #tpu.memory_space<vmem_shared>>
          tpu.enqueue_indirect_dma source(%dma_start3A_186 : memref<128x128xf32, #tpu.memory_space<vmem>>) target(%dma_start3A_192 : memref<10240x128xf32, #tpu.memory_space<vmem_shared>>) offsets(%dma_start3A_189 : memref<128xi32, #tpu.memory_space<vmem>>) semaphore(%run_scoped3A_182 : memref<!tpu.dma_semaphore, #tpu.memory_space<semaphore_mem>>) {add = true}
          %dma_wait3A_193 = arith.constant 0 : i32
          %dma_wait3A_194 = arith.constant 0 : i32
          %dma_wait3A_195 = tpu.memref_slice %arg8[%run_scoped3A_162, %dma_wait3A_193, %dma_wait3A_194] : memref<2x128x128xf32, #tpu.memory_space<vmem>> -> memref<1x128x128xf32, #tpu.memory_space<vmem>>
          %dma_wait3A_196 = tpu.memref_squeeze %dma_wait3A_195 : memref<1x128x128xf32, #tpu.memory_space<vmem>> -> memref<128x128xf32, #tpu.memory_space<vmem>>
          %dma_wait3A_197 = arith.constant 0 : i32
          %dma_wait3A_198 = tpu.memref_slice %arg7[%add3A_161, %dma_wait3A_197] : memref<20x128xi32, #tpu.memory_space<vmem>> -> memref<1x128xi32, #tpu.memory_space<vmem>>
          %dma_wait3A_199 = tpu.memref_squeeze %dma_wait3A_198 : memref<1x128xi32, #tpu.memory_space<vmem>> -> memref<128xi32, #tpu.memory_space<vmem>>
          %dma_wait3A_200 = arith.constant 0 : i32
          %dma_wait3A_201 = arith.constant 0 : i32
          %dma_wait3A_202 = tpu.memref_slice %arg9[%dma_wait3A_200, %dma_wait3A_201] : memref<10240x128xf32, #tpu.memory_space<vmem_shared>> -> memref<10240x128xf32, #tpu.memory_space<vmem_shared>>
          tpu.wait_indirect_dma semaphore(%run_scoped3A_182 : memref<!tpu.dma_semaphore, #tpu.memory_space<semaphore_mem>>) src(%dma_wait3A_196 : memref<128x128xf32, #tpu.memory_space<vmem>>) dst(%dma_wait3A_202 : memref<10240x128xf32, #tpu.memory_space<vmem_shared>>)
          tpu.yield
        }) : () -> ()
        %add3A_163 = arith.constant 1 : i32
        %add3A_164 = arith.addi %add3A_103, %add3A_163 : i32
        %add3A_165 = arith.constant 2 : i32
        %add3A_166 = arith.addi %add3A_164, %add3A_165 : i32
        %dma_start3A_167 = arith.constant 1 : i32
        %dma_start3A_168 = arith.constant 0 : i32
        %dma_start3A_169 = arith.constant 0 : i32
        %dma_start3A_170 = tpu.memref_slice %arg8[%dma_start3A_167, %dma_start3A_168, %dma_start3A_169] : memref<2x128x128xf32, #tpu.memory_space<vmem>> -> memref<1x128x128xf32, #tpu.memory_space<vmem>>
        %dma_start3A_171 = tpu.memref_squeeze %dma_start3A_170 : memref<1x128x128xf32, #tpu.memory_space<vmem>> -> memref<128x128xf32, #tpu.memory_space<vmem>>
        %dma_start3A_172 = arith.constant 0 : i32
        %dma_start3A_173 = tpu.memref_slice %arg6[%add3A_166, %dma_start3A_172] : memref<20x128xi32, #tpu.memory_space<vmem>> -> memref<1x128xi32, #tpu.memory_space<vmem>>
        %dma_start3A_174 = tpu.memref_squeeze %dma_start3A_173 : memref<1x128xi32, #tpu.memory_space<vmem>> -> memref<128xi32, #tpu.memory_space<vmem>>
        %dma_start3A_175 = arith.constant 0 : i32
        %dma_start3A_176 = arith.constant 0 : i32
        %dma_start3A_177 = tpu.memref_slice %arg2[%arg0, %dma_start3A_175, %dma_start3A_176] : memref<2x10000x128xf32, #tpu.memory_space<hbm>> -> memref<1x10000x128xf32, #tpu.memory_space<hbm>>
        %dma_start3A_178 = tpu.memref_squeeze %dma_start3A_177 : memref<1x10000x128xf32, #tpu.memory_space<hbm>> -> memref<10000x128xf32, #tpu.memory_space<hbm>>
        %dma_start3A_179 = arith.constant 0 : i32
        %dma_start3A_180 = arith.constant 0 : i32
        %dma_start3A_181 = tpu.memref_slice %dma_start3A_178[%dma_start3A_179, %dma_start3A_180] : memref<10000x128xf32, #tpu.memory_space<hbm>> -> memref<10000x128xf32, #tpu.memory_space<hbm>>
        tpu.enqueue_indirect_dma source(%dma_start3A_181 : memref<10000x128xf32, #tpu.memory_space<hbm>>) target(%dma_start3A_171 : memref<128x128xf32, #tpu.memory_space<vmem>>) offsets(%dma_start3A_174 : memref<128xi32, #tpu.memory_space<vmem>>) semaphore(%arg11 : memref<!tpu.dma_semaphore, #tpu.memory_space<semaphore_mem>>)
      }
      %scan3A_64 = arith.constant 9 : i32
      %dma_wait3A = arith.constant 18 : i32
      %dma_wait3A_65 = arith.constant 0 : i32
      %dma_wait3A_66 = arith.constant 0 : i32
      %dma_wait3A_67 = arith.constant 0 : i32
      %dma_wait3A_68 = tpu.memref_slice %arg8[%dma_wait3A_65, %dma_wait3A_66, %dma_wait3A_67] : memref<2x128x128xf32, #tpu.memory_space<vmem>> -> memref<1x128x128xf32, #tpu.memory_space<vmem>>
      %dma_wait3A_69 = tpu.memref_squeeze %dma_wait3A_68 : memref<1x128x128xf32, #tpu.memory_space<vmem>> -> memref<128x128xf32, #tpu.memory_space<vmem>>
      %dma_wait3A_70 = arith.constant 0 : i32
      %dma_wait3A_71 = tpu.memref_slice %arg6[%dma_wait3A, %dma_wait3A_70] : memref<20x128xi32, #tpu.memory_space<vmem>> -> memref<1x128xi32, #tpu.memory_space<vmem>>
      %dma_wait3A_72 = tpu.memref_squeeze %dma_wait3A_71 : memref<1x128xi32, #tpu.memory_space<vmem>> -> memref<128xi32, #tpu.memory_space<vmem>>
      %dma_wait3A_73 = arith.constant 0 : i32
      %dma_wait3A_74 = arith.constant 0 : i32
      %dma_wait3A_75 = tpu.memref_slice %arg2[%arg0, %dma_wait3A_73, %dma_wait3A_74] : memref<2x10000x128xf32, #tpu.memory_space<hbm>> -> memref<1x10000x128xf32, #tpu.memory_space<hbm>>
      %dma_wait3A_76 = tpu.memref_squeeze %dma_wait3A_75 : memref<1x10000x128xf32, #tpu.memory_space<hbm>> -> memref<10000x128xf32, #tpu.memory_space<hbm>>
      %dma_wait3A_77 = arith.constant 0 : i32
      %dma_wait3A_78 = arith.constant 0 : i32
      %dma_wait3A_79 = tpu.memref_slice %dma_wait3A_76[%dma_wait3A_77, %dma_wait3A_78] : memref<10000x128xf32, #tpu.memory_space<hbm>> -> memref<10000x128xf32, #tpu.memory_space<hbm>>
      tpu.wait_indirect_dma semaphore(%arg10 : memref<!tpu.dma_semaphore, #tpu.memory_space<semaphore_mem>>) src(%dma_wait3A_79 : memref<10000x128xf32, #tpu.memory_space<hbm>>) dst(%dma_wait3A_69 : memref<128x128xf32, #tpu.memory_space<vmem>>)
      %run_scoped3A = arith.constant 0 : i32
      %run_scoped3A_80 = arith.constant 18 : i32
      "tpu.region"() ({
        %run_scoped3A_99 = tpu.sem_alloc : memref<!tpu.dma_semaphore, #tpu.memory_space<semaphore_mem>>
        %dma_start3A_100 = arith.constant 0 : i32
        %dma_start3A_101 = arith.constant 0 : i32
        %dma_start3A_102 = tpu.memref_slice %arg8[%run_scoped3A, %dma_start3A_100, %dma_start3A_101] : memref<2x128x128xf32, #tpu.memory_space<vmem>> -> memref<1x128x128xf32, #tpu.memory_space<vmem>>
        %dma_start3A_103 = tpu.memref_squeeze %dma_start3A_102 : memref<1x128x128xf32, #tpu.memory_space<vmem>> -> memref<128x128xf32, #tpu.memory_space<vmem>>
        %dma_start3A_104 = arith.constant 0 : i32
        %dma_start3A_105 = tpu.memref_slice %arg7[%run_scoped3A_80, %dma_start3A_104] : memref<20x128xi32, #tpu.memory_space<vmem>> -> memref<1x128xi32, #tpu.memory_space<vmem>>
        %dma_start3A_106 = tpu.memref_squeeze %dma_start3A_105 : memref<1x128xi32, #tpu.memory_space<vmem>> -> memref<128xi32, #tpu.memory_space<vmem>>
        %dma_start3A_107 = arith.constant 0 : i32
        %dma_start3A_108 = arith.constant 0 : i32
        %dma_start3A_109 = tpu.memref_slice %arg9[%dma_start3A_107, %dma_start3A_108] : memref<10240x128xf32, #tpu.memory_space<vmem_shared>> -> memref<10240x128xf32, #tpu.memory_space<vmem_shared>>
        tpu.enqueue_indirect_dma source(%dma_start3A_103 : memref<128x128xf32, #tpu.memory_space<vmem>>) target(%dma_start3A_109 : memref<10240x128xf32, #tpu.memory_space<vmem_shared>>) offsets(%dma_start3A_106 : memref<128xi32, #tpu.memory_space<vmem>>) semaphore(%run_scoped3A_99 : memref<!tpu.dma_semaphore, #tpu.memory_space<semaphore_mem>>) {add = true}
        %dma_wait3A_110 = arith.constant 0 : i32
        %dma_wait3A_111 = arith.constant 0 : i32
        %dma_wait3A_112 = tpu.memref_slice %arg8[%run_scoped3A, %dma_wait3A_110, %dma_wait3A_111] : memref<2x128x128xf32, #tpu.memory_space<vmem>> -> memref<1x128x128xf32, #tpu.memory_space<vmem>>
        %dma_wait3A_113 = tpu.memref_squeeze %dma_wait3A_112 : memref<1x128x128xf32, #tpu.memory_space<vmem>> -> memref<128x128xf32, #tpu.memory_space<vmem>>
        %dma_wait3A_114 = arith.constant 0 : i32
        %dma_wait3A_115 = tpu.memref_slice %arg7[%run_scoped3A_80, %dma_wait3A_114] : memref<20x128xi32, #tpu.memory_space<vmem>> -> memref<1x128xi32, #tpu.memory_space<vmem>>
        %dma_wait3A_116 = tpu.memref_squeeze %dma_wait3A_115 : memref<1x128xi32, #tpu.memory_space<vmem>> -> memref<128xi32, #tpu.memory_space<vmem>>
        %dma_wait3A_117 = arith.constant 0 : i32
        %dma_wait3A_118 = arith.constant 0 : i32
        %dma_wait3A_119 = tpu.memref_slice %arg9[%dma_wait3A_117, %dma_wait3A_118] : memref<10240x128xf32, #tpu.memory_space<vmem_shared>> -> memref<10240x128xf32, #tpu.memory_space<vmem_shared>>
        tpu.wait_indirect_dma semaphore(%run_scoped3A_99 : memref<!tpu.dma_semaphore, #tpu.memory_space<semaphore_mem>>) src(%dma_wait3A_113 : memref<128x128xf32, #tpu.memory_space<vmem>>) dst(%dma_wait3A_119 : memref<10240x128xf32, #tpu.memory_space<vmem_shared>>)
        tpu.yield
      }) : () -> ()
      %dma_wait3A_81 = arith.constant 19 : i32
      %dma_wait3A_82 = arith.constant 1 : i32
      %dma_wait3A_83 = arith.constant 0 : i32
      %dma_wait3A_84 = arith.constant 0 : i32
      %dma_wait3A_85 = tpu.memref_slice %arg8[%dma_wait3A_82, %dma_wait3A_83, %dma_wait3A_84] : memref<2x128x128xf32, #tpu.memory_space<vmem>> -> memref<1x128x128xf32, #tpu.memory_space<vmem>>
      %dma_wait3A_86 = tpu.memref_squeeze %dma_wait3A_85 : memref<1x128x128xf32, #tpu.memory_space<vmem>> -> memref<128x128xf32, #tpu.memory_space<vmem>>
      %dma_wait3A_87 = arith.constant 0 : i32
      %dma_wait3A_88 = tpu.memref_slice %arg6[%dma_wait3A_81, %dma_wait3A_87] : memref<20x128xi32, #tpu.memory_space<vmem>> -> memref<1x128xi32, #tpu.memory_space<vmem>>
      %dma_wait3A_89 = tpu.memref_squeeze %dma_wait3A_88 : memref<1x128xi32, #tpu.memory_space<vmem>> -> memref<128xi32, #tpu.memory_space<vmem>>
      %dma_wait3A_90 = arith.constant 0 : i32
      %dma_wait3A_91 = arith.constant 0 : i32
      %dma_wait3A_92 = tpu.memref_slice %arg2[%arg0, %dma_wait3A_90, %dma_wait3A_91] : memref<2x10000x128xf32, #tpu.memory_space<hbm>> -> memref<1x10000x128xf32, #tpu.memory_space<hbm>>
      %dma_wait3A_93 = tpu.memref_squeeze %dma_wait3A_92 : memref<1x10000x128xf32, #tpu.memory_space<hbm>> -> memref<10000x128xf32, #tpu.memory_space<hbm>>
      %dma_wait3A_94 = arith.constant 0 : i32
      %dma_wait3A_95 = arith.constant 0 : i32
      %dma_wait3A_96 = tpu.memref_slice %dma_wait3A_93[%dma_wait3A_94, %dma_wait3A_95] : memref<10000x128xf32, #tpu.memory_space<hbm>> -> memref<10000x128xf32, #tpu.memory_space<hbm>>
      tpu.wait_indirect_dma semaphore(%arg11 : memref<!tpu.dma_semaphore, #tpu.memory_space<semaphore_mem>>) src(%dma_wait3A_96 : memref<10000x128xf32, #tpu.memory_space<hbm>>) dst(%dma_wait3A_86 : memref<128x128xf32, #tpu.memory_space<vmem>>)
      %run_scoped3A_97 = arith.constant 1 : i32
      %run_scoped3A_98 = arith.constant 19 : i32
      "tpu.region"() ({
        %run_scoped3A_99 = tpu.sem_alloc : memref<!tpu.dma_semaphore, #tpu.memory_space<semaphore_mem>>
        %dma_start3A_100 = arith.constant 0 : i32
        %dma_start3A_101 = arith.constant 0 : i32
        %dma_start3A_102 = tpu.memref_slice %arg8[%run_scoped3A_97, %dma_start3A_100, %dma_start3A_101] : memref<2x128x128xf32, #tpu.memory_space<vmem>> -> memref<1x128x128xf32, #tpu.memory_space<vmem>>
        %dma_start3A_103 = tpu.memref_squeeze %dma_start3A_102 : memref<1x128x128xf32, #tpu.memory_space<vmem>> -> memref<128x128xf32, #tpu.memory_space<vmem>>
        %dma_start3A_104 = arith.constant 0 : i32
        %dma_start3A_105 = tpu.memref_slice %arg7[%run_scoped3A_98, %dma_start3A_104] : memref<20x128xi32, #tpu.memory_space<vmem>> -> memref<1x128xi32, #tpu.memory_space<vmem>>
        %dma_start3A_106 = tpu.memref_squeeze %dma_start3A_105 : memref<1x128xi32, #tpu.memory_space<vmem>> -> memref<128xi32, #tpu.memory_space<vmem>>
        %dma_start3A_107 = arith.constant 0 : i32
        %dma_start3A_108 = arith.constant 0 : i32
        %dma_start3A_109 = tpu.memref_slice %arg9[%dma_start3A_107, %dma_start3A_108] : memref<10240x128xf32, #tpu.memory_space<vmem_shared>> -> memref<10240x128xf32, #tpu.memory_space<vmem_shared>>
        tpu.enqueue_indirect_dma source(%dma_start3A_103 : memref<128x128xf32, #tpu.memory_space<vmem>>) target(%dma_start3A_109 : memref<10240x128xf32, #tpu.memory_space<vmem_shared>>) offsets(%dma_start3A_106 : memref<128xi32, #tpu.memory_space<vmem>>) semaphore(%run_scoped3A_99 : memref<!tpu.dma_semaphore, #tpu.memory_space<semaphore_mem>>) {add = true}
        %dma_wait3A_110 = arith.constant 0 : i32
        %dma_wait3A_111 = arith.constant 0 : i32
        %dma_wait3A_112 = tpu.memref_slice %arg8[%run_scoped3A_97, %dma_wait3A_110, %dma_wait3A_111] : memref<2x128x128xf32, #tpu.memory_space<vmem>> -> memref<1x128x128xf32, #tpu.memory_space<vmem>>
        %dma_wait3A_113 = tpu.memref_squeeze %dma_wait3A_112 : memref<1x128x128xf32, #tpu.memory_space<vmem>> -> memref<128x128xf32, #tpu.memory_space<vmem>>
        %dma_wait3A_114 = arith.constant 0 : i32
        %dma_wait3A_115 = tpu.memref_slice %arg7[%run_scoped3A_98, %dma_wait3A_114] : memref<20x128xi32, #tpu.memory_space<vmem>> -> memref<1x128xi32, #tpu.memory_space<vmem>>
        %dma_wait3A_116 = tpu.memref_squeeze %dma_wait3A_115 : memref<1x128xi32, #tpu.memory_space<vmem>> -> memref<128xi32, #tpu.memory_space<vmem>>
        %dma_wait3A_117 = arith.constant 0 : i32
        %dma_wait3A_118 = arith.constant 0 : i32
        %dma_wait3A_119 = tpu.memref_slice %arg9[%dma_wait3A_117, %dma_wait3A_118] : memref<10240x128xf32, #tpu.memory_space<vmem_shared>> -> memref<10240x128xf32, #tpu.memory_space<vmem_shared>>
        tpu.wait_indirect_dma semaphore(%run_scoped3A_99 : memref<!tpu.dma_semaphore, #tpu.memory_space<semaphore_mem>>) src(%dma_wait3A_113 : memref<128x128xf32, #tpu.memory_space<vmem>>) dst(%dma_wait3A_119 : memref<10240x128xf32, #tpu.memory_space<vmem_shared>>)
        tpu.yield
      }) : () -> ()
    }
    %scan3A_18 = arith.constant 4 : i32
    %barrier3A_19 = arith.constant 0 : index
    tpu.barrier barrier_id(%barrier3A_19)
    %lt3A = arith.constant 15 : i32
    %lt3A_20 = arith.cmpi slt, %arg1, %lt3A : i32
    %convert_element_type3A = arith.extui %lt3A_20 : i1 to i32
    %cond3A = arith.constant 0 : i32
    %cond3A_21 = arith.cmpi ne, %convert_element_type3A, %cond3A : i32
    scf.if %cond3A_21 {
      %mul3A = arith.constant 624 : i32
      %mul3A_26 = arith.muli %arg1, %mul3A : i32
      "tpu.region"() ({
        %run_scoped3A = tpu.sem_alloc : memref<!tpu.dma_semaphore, #tpu.memory_space<semaphore_mem>>
        %dma_start3A = arith.constant 0 : i32
        %dma_start3A_27 = arith.constant 0 : i32
        %dma_start3A_28 = tpu.memref_slice %arg5[%arg0, %dma_start3A, %dma_start3A_27] : memref<2x10000x128xf32, #tpu.memory_space<hbm>> -> memref<1x10000x128xf32, #tpu.memory_space<hbm>>
        %dma_start3A_29 = tpu.memref_squeeze %dma_start3A_28 : memref<1x10000x128xf32, #tpu.memory_space<hbm>> -> memref<10000x128xf32, #tpu.memory_space<hbm>>
        %dma_start3A_30 = arith.constant 0 : i32
        %dma_start3A_31 = tpu.memref_slice %dma_start3A_29[%mul3A_26, %dma_start3A_30] : memref<10000x128xf32, #tpu.memory_space<hbm>> -> memref<624x128xf32, #tpu.memory_space<hbm>>
        %dma_start3A_32 = arith.constant 0 : i32
        %dma_start3A_33 = tpu.memref_slice %arg9[%mul3A_26, %dma_start3A_32] : memref<10240x128xf32, #tpu.memory_space<vmem_shared>> -> memref<624x128xf32, #tpu.memory_space<vmem_shared>>
        tpu.enqueue_dma source(%dma_start3A_33 : memref<624x128xf32, #tpu.memory_space<vmem_shared>>) target(%dma_start3A_31 : memref<624x128xf32, #tpu.memory_space<hbm>>) target_semaphore(%run_scoped3A : memref<!tpu.dma_semaphore, #tpu.memory_space<semaphore_mem>>)
        %dma_wait3A = arith.constant 0 : i32
        %dma_wait3A_34 = arith.constant 0 : i32
        %dma_wait3A_35 = tpu.memref_slice %arg5[%arg0, %dma_wait3A, %dma_wait3A_34] : memref<2x10000x128xf32, #tpu.memory_space<hbm>> -> memref<1x10000x128xf32, #tpu.memory_space<hbm>>
        %dma_wait3A_36 = tpu.memref_squeeze %dma_wait3A_35 : memref<1x10000x128xf32, #tpu.memory_space<hbm>> -> memref<10000x128xf32, #tpu.memory_space<hbm>>
        %dma_wait3A_37 = arith.constant 0 : i32
        %dma_wait3A_38 = tpu.memref_slice %dma_wait3A_36[%mul3A_26, %dma_wait3A_37] : memref<10000x128xf32, #tpu.memory_space<hbm>> -> memref<624x128xf32, #tpu.memory_space<hbm>>
        %dma_wait3A_39 = arith.constant 0 : i32
        %dma_wait3A_40 = tpu.memref_slice %arg9[%mul3A_26, %dma_wait3A_39] : memref<10240x128xf32, #tpu.memory_space<vmem_shared>> -> memref<624x128xf32, #tpu.memory_space<vmem_shared>>
        tpu.wait_dma2 semaphore(%run_scoped3A : memref<!tpu.dma_semaphore, #tpu.memory_space<semaphore_mem>>) src(%dma_wait3A_40 : memref<624x128xf32, #tpu.memory_space<vmem_shared>>) dst(%dma_wait3A_38 : memref<624x128xf32, #tpu.memory_space<hbm>>)
        tpu.yield
      }) : () -> ()
    } else {
    }
    %eq3A = arith.constant 15 : i32
    %eq3A_22 = arith.cmpi eq, %arg1, %eq3A : i32
    %convert_element_type3A_23 = arith.extui %eq3A_22 : i1 to i32
    %cond3A_24 = arith.constant 0 : i32
    %cond3A_25 = arith.cmpi ne, %convert_element_type3A_23, %cond3A_24 : i32
    scf.if %cond3A_25 {
      "tpu.region"() ({
        %run_scoped3A = tpu.sem_alloc : memref<!tpu.dma_semaphore, #tpu.memory_space<semaphore_mem>>
        %dma_start3A = arith.constant 0 : i32
        %dma_start3A_26 = arith.constant 0 : i32
        %dma_start3A_27 = tpu.memref_slice %arg5[%arg0, %dma_start3A, %dma_start3A_26] : memref<2x10000x128xf32, #tpu.memory_space<hbm>> -> memref<1x10000x128xf32, #tpu.memory_space<hbm>>
        %dma_start3A_28 = tpu.memref_squeeze %dma_start3A_27 : memref<1x10000x128xf32, #tpu.memory_space<hbm>> -> memref<10000x128xf32, #tpu.memory_space<hbm>>
        %dma_start3A_29 = arith.constant 9360 : i32
        %dma_start3A_30 = arith.constant 0 : i32
        %dma_start3A_31 = tpu.memref_slice %dma_start3A_28[%dma_start3A_29, %dma_start3A_30] : memref<10000x128xf32, #tpu.memory_space<hbm>> -> memref<640x128xf32, #tpu.memory_space<hbm>>
        %dma_start3A_32 = arith.constant 9360 : i32
        %dma_start3A_33 = arith.constant 0 : i32
        %dma_start3A_34 = tpu.memref_slice %arg9[%dma_start3A_32, %dma_start3A_33] : memref<10240x128xf32, #tpu.memory_space<vmem_shared>> -> memref<640x128xf32, #tpu.memory_space<vmem_shared>>
        tpu.enqueue_dma source(%dma_start3A_34 : memref<640x128xf32, #tpu.memory_space<vmem_shared>>) target(%dma_start3A_31 : memref<640x128xf32, #tpu.memory_space<hbm>>) target_semaphore(%run_scoped3A : memref<!tpu.dma_semaphore, #tpu.memory_space<semaphore_mem>>)
        %dma_wait3A = arith.constant 0 : i32
        %dma_wait3A_35 = arith.constant 0 : i32
        %dma_wait3A_36 = tpu.memref_slice %arg5[%arg0, %dma_wait3A, %dma_wait3A_35] : memref<2x10000x128xf32, #tpu.memory_space<hbm>> -> memref<1x10000x128xf32, #tpu.memory_space<hbm>>
        %dma_wait3A_37 = tpu.memref_squeeze %dma_wait3A_36 : memref<1x10000x128xf32, #tpu.memory_space<hbm>> -> memref<10000x128xf32, #tpu.memory_space<hbm>>
        %dma_wait3A_38 = arith.constant 9360 : i32
        %dma_wait3A_39 = arith.constant 0 : i32
        %dma_wait3A_40 = tpu.memref_slice %dma_wait3A_37[%dma_wait3A_38, %dma_wait3A_39] : memref<10000x128xf32, #tpu.memory_space<hbm>> -> memref<640x128xf32, #tpu.memory_space<hbm>>
        %dma_wait3A_41 = arith.constant 9360 : i32
        %dma_wait3A_42 = arith.constant 0 : i32
        %dma_wait3A_43 = tpu.memref_slice %arg9[%dma_wait3A_41, %dma_wait3A_42] : memref<10240x128xf32, #tpu.memory_space<vmem_shared>> -> memref<640x128xf32, #tpu.memory_space<vmem_shared>>
        tpu.wait_dma2 semaphore(%run_scoped3A : memref<!tpu.dma_semaphore, #tpu.memory_space<semaphore_mem>>) src(%dma_wait3A_43 : memref<640x128xf32, #tpu.memory_space<vmem_shared>>) dst(%dma_wait3A_40 : memref<640x128xf32, #tpu.memory_space<hbm>>)
        tpu.yield
      }) : () -> ()
    } else {
    }
    return
  }
}

module attributes {stable_mosaic.version = 14 : i64} {
  func.func @body(%arg0: i32, %arg1: memref<2x1000x128xf32, #tpu.memory_space<vmem>>, %arg2: memref<2x1000x128xf32, #tpu.memory_space<vmem>>, %arg3: memref<2x1000x16xf32, #tpu.memory_space<vmem>>, %arg4: memref<1x256xf32, #tpu.memory_space<vmem>>, %arg5: memref<256x256xf32, #tpu.memory_space<vmem>>, %arg6: memref<2x1000x128xf32, #tpu.memory_space<vmem>>) attributes {dimension_semantics = [#tpu.dimension_semantics<arbitrary>], iteration_bounds = array<i64: 10>, scalar_prefetch = 0 : i64, scratch_operands = 0 : i64, tpu.core_type = #tpu.core_type<tc>, window_params = [{transform_indices = @transform_0, window_bounds = array<i64: 2, 1000, 128>}, {transform_indices = @transform_1, window_bounds = array<i64: 2, 1000, 128>}, {transform_indices = @transform_2, window_bounds = array<i64: 2, 1000, 16>}, {pipeline_mode = #tpu.pipeline_mode<synchronous>, transform_indices = @transform_3, window_bounds = array<i64: 1, 256>}, {pipeline_mode = #tpu.pipeline_mode<synchronous>, transform_indices = @transform_4, window_bounds = array<i64: 256, 256>}, {transform_indices = @transform_5, window_bounds = array<i64: 2, 1000, 128>}]} {
    %get3A = arith.constant 0 : index
    %get3A_0 = arith.constant 0 : index
    %get3A_1 = arith.constant 0 : index
    %get3A_2 = vector.load %arg3[%get3A, %get3A_0, %get3A_1] : memref<2x1000x16xf32, #tpu.memory_space<vmem>>, vector<1x1000x1xf32>
    %get3A_3 = vector.shape_cast %get3A_2 : vector<1x1000x1xf32> to vector<1000x1xf32>
    %get3A_4 = arith.constant 1 : index
    %get3A_5 = arith.constant 0 : index
    %get3A_6 = arith.constant 0 : index
    %get3A_7 = vector.load %arg3[%get3A_4, %get3A_5, %get3A_6] : memref<2x1000x16xf32, #tpu.memory_space<vmem>>, vector<1x1000x1xf32>
    %get3A_8 = vector.shape_cast %get3A_7 : vector<1x1000x1xf32> to vector<1000x1xf32>
    %add3A = arith.addf %get3A_3, %get3A_8 : vector<1000x1xf32>
    %add3A_9 = arith.constant 1.000000e+00 : f32
    %add3A_10 = vector.broadcast %add3A_9 : f32 to vector<1000x1xf32>
    %add3A_11 = arith.addf %add3A, %add3A_10 : vector<1000x1xf32>
    %rsqrt3A = math.rsqrt %add3A_11 : vector<1000x1xf32>
    %get3A_12 = arith.constant 0 : index
    %get3A_13 = arith.constant 0 : index
    %get3A_14 = arith.constant 0 : index
    %get3A_15 = vector.load %arg1[%get3A_12, %get3A_13, %get3A_14] : memref<2x1000x128xf32, #tpu.memory_space<vmem>>, vector<1x1000x128xf32>
    %get3A_16 = vector.shape_cast %get3A_15 : vector<1x1000x128xf32> to vector<1000x128xf32>
    %get3A_17 = arith.constant 0 : index
    %get3A_18 = arith.constant 0 : index
    %get3A_19 = arith.constant 0 : index
    %get3A_20 = vector.load %arg2[%get3A_17, %get3A_18, %get3A_19] : memref<2x1000x128xf32, #tpu.memory_space<vmem>>, vector<1x1000x128xf32>
    %get3A_21 = vector.shape_cast %get3A_20 : vector<1x1000x128xf32> to vector<1000x128xf32>
    %add3A_22 = arith.addf %get3A_16, %get3A_21 : vector<1000x128xf32>
    %get3A_23 = arith.constant 1 : index
    %get3A_24 = arith.constant 0 : index
    %get3A_25 = arith.constant 0 : index
    %get3A_26 = vector.load %arg1[%get3A_23, %get3A_24, %get3A_25] : memref<2x1000x128xf32, #tpu.memory_space<vmem>>, vector<1x1000x128xf32>
    %get3A_27 = vector.shape_cast %get3A_26 : vector<1x1000x128xf32> to vector<1000x128xf32>
    %get3A_28 = arith.constant 1 : index
    %get3A_29 = arith.constant 0 : index
    %get3A_30 = arith.constant 0 : index
    %get3A_31 = vector.load %arg2[%get3A_28, %get3A_29, %get3A_30] : memref<2x1000x128xf32, #tpu.memory_space<vmem>>, vector<1x1000x128xf32>
    %get3A_32 = vector.shape_cast %get3A_31 : vector<1x1000x128xf32> to vector<1000x128xf32>
    %add3A_33 = arith.addf %get3A_27, %get3A_32 : vector<1000x128xf32>
    %concatenate3A = tpu.concatenate %add3A_22, %add3A_33 in 1 : vector<1000x128xf32>, vector<1000x128xf32> -> vector<1000x256xf32>
    %mul3A = vector.broadcast %rsqrt3A : vector<1000x1xf32> to vector<1000x256xf32>
    %mul3A_34 = arith.mulf %concatenate3A, %mul3A : vector<1000x256xf32>
    %get3A_35 = arith.constant 0 : index
    %get3A_36 = arith.constant 0 : index
    %get3A_37 = vector.load %arg4[%get3A_35, %get3A_36] : memref<1x256xf32, #tpu.memory_space<vmem>>, vector<1x256xf32>
    %get3A_38 = vector.shape_cast %get3A_37 : vector<1x256xf32> to vector<256xf32>
    %broadcast_in_dim3A = vector.shape_cast %get3A_38 : vector<256xf32> to vector<1x256xf32>
    %add3A_39 = vector.broadcast %broadcast_in_dim3A : vector<1x256xf32> to vector<1000x256xf32>
    %add3A_40 = arith.addf %mul3A_34, %add3A_39 : vector<1000x256xf32>
    %max3A = arith.constant 0.000000e+00 : f32
    %max3A_41 = vector.broadcast %max3A : f32 to vector<1000x256xf32>
    %max3A_42 = arith.maximumf %add3A_40, %max3A_41 : vector<1000x256xf32>
    %get3A_43 = arith.constant 0 : index
    %get3A_44 = arith.constant 0 : index
    %get3A_45 = vector.load %arg5[%get3A_43, %get3A_44] : memref<256x256xf32, #tpu.memory_space<vmem>>, vector<256x256xf32>
    %dot_general3A = arith.constant dense<0.000000e+00> : vector<1000x256xf32>
    %dot_general3A_46 = tpu.matmul %max3A_42, %get3A_45, %dot_general3A {dimension_numbers = #tpu.dot_dimension_numbers<[1], [0], [0], [1], [0, 0, 1, 1], [], []>, precision = #tpu.contract_precision<fp32>, transpose_lhs_hint = false} : vector<1000x256xf32>, vector<256x256xf32>, vector<1000x256xf32> -> vector<1000x256xf32>
    %mul3A_47 = vector.broadcast %rsqrt3A : vector<1000x1xf32> to vector<1000x256xf32>
    %mul3A_48 = arith.mulf %dot_general3A_46, %mul3A_47 : vector<1000x256xf32>
    %slice3A = vector.extract_strided_slice %mul3A_48 {offsets = [0, 0], sizes = [1000, 128], strides = [1, 1]} : vector<1000x256xf32> to vector<1000x128xf32>
    %swap3A = arith.constant 0 : index
    %swap3A_49 = arith.constant 0 : index
    %swap3A_50 = arith.constant 0 : index
    %swap3A_51 = vector.load %arg6[%swap3A, %swap3A_49, %swap3A_50] : memref<2x1000x128xf32, #tpu.memory_space<vmem>>, vector<1x1000x128xf32>
    %swap3A_52 = vector.shape_cast %swap3A_51 : vector<1x1000x128xf32> to vector<1000x128xf32>
    %swap3A_53 = vector.shape_cast %slice3A : vector<1000x128xf32> to vector<1x1000x128xf32>
    tpu.vector_store %arg6[%swap3A, %swap3A_49, %swap3A_50], %swap3A_53 {strides = array<i32>} : memref<2x1000x128xf32, #tpu.memory_space<vmem>>, vector<1x1000x128xf32>,
    %slice3A_54 = vector.extract_strided_slice %mul3A_48 {offsets = [0, 128], sizes = [1000, 128], strides = [1, 1]} : vector<1000x256xf32> to vector<1000x128xf32>
    %swap3A_55 = arith.constant 1 : index
    %swap3A_56 = arith.constant 0 : index
    %swap3A_57 = arith.constant 0 : index
    %swap3A_58 = vector.load %arg6[%swap3A_55, %swap3A_56, %swap3A_57] : memref<2x1000x128xf32, #tpu.memory_space<vmem>>, vector<1x1000x128xf32>
    %swap3A_59 = vector.shape_cast %swap3A_58 : vector<1x1000x128xf32> to vector<1000x128xf32>
    %swap3A_60 = vector.shape_cast %slice3A_54 : vector<1000x128xf32> to vector<1x1000x128xf32>
    tpu.vector_store %arg6[%swap3A_55, %swap3A_56, %swap3A_57], %swap3A_60 {strides = array<i32>} : memref<2x1000x128xf32, #tpu.memory_space<vmem>>, vector<1x1000x128xf32>,
    return
  }
  func.func @transform_0(%arg0: i32) -> (i32, i32, i32) {
    %c0_i32 = arith.constant 0 : i32
    %c0_i32_0 = arith.constant 0 : i32
    %c0_i32_1 = arith.constant 0 : i32
    return %c0_i32, %arg0, %c0_i32_0 : i32, i32, i32
  }
  func.func @transform_1(%arg0: i32) -> (i32, i32, i32) {
    %c0_i32 = arith.constant 0 : i32
    %c0_i32_0 = arith.constant 0 : i32
    %c0_i32_1 = arith.constant 0 : i32
    return %c0_i32, %arg0, %c0_i32_0 : i32, i32, i32
  }
  func.func @transform_2(%arg0: i32) -> (i32, i32, i32) {
    %c0_i32 = arith.constant 0 : i32
    %c0_i32_0 = arith.constant 0 : i32
    %c0_i32_1 = arith.constant 0 : i32
    return %c0_i32, %arg0, %c0_i32_0 : i32, i32, i32
  }
  func.func @transform_3(%arg0: i32) -> (i32, i32) {
    %c0_i32 = arith.constant 0 : i32
    %c0_i32_0 = arith.constant 0 : i32
    %c0_i32_1 = arith.constant 0 : i32
    return %c0_i32, %c0_i32_0 : i32, i32
  }
  func.func @transform_4(%arg0: i32) -> (i32, i32) {
    %c0_i32 = arith.constant 0 : i32
    %c0_i32_0 = arith.constant 0 : i32
    %c0_i32_1 = arith.constant 0 : i32
    return %c0_i32, %c0_i32_0 : i32, i32
  }
  func.func @transform_5(%arg0: i32) -> (i32, i32, i32) {
    %c0_i32 = arith.constant 0 : i32
    %c0_i32_0 = arith.constant 0 : i32
    %c0_i32_1 = arith.constant 0 : i32
    return %c0_i32, %arg0, %c0_i32_0 : i32, i32, i32
  }
}

module attributes {stable_mosaic.version = 14 : i64} {
  func.func @body(%arg0: i32, %arg1: memref<1000x256xf32, #tpu.memory_space<vmem>>, %arg2: memref<2x1000x16xf32, #tpu.memory_space<vmem>>, %arg3: memref<256x256xf32, #tpu.memory_space<vmem>>, %arg4: memref<2x1000x128xf32, #tpu.memory_space<vmem>>) attributes {dimension_semantics = [#tpu.dimension_semantics<arbitrary>], iteration_bounds = array<i64: 10>, scalar_prefetch = 0 : i64, scratch_operands = 0 : i64, tpu.core_type = #tpu.core_type<tc>, window_params = [{transform_indices = @transform_0, window_bounds = array<i64: 1000, 256>}, {transform_indices = @transform_1, window_bounds = array<i64: 2, 1000, 16>}, {pipeline_mode = #tpu.pipeline_mode<synchronous>, transform_indices = @transform_2, window_bounds = array<i64: 256, 256>}, {transform_indices = @transform_3, window_bounds = array<i64: 2, 1000, 128>}]} {
    %get3A = arith.constant 0 : index
    %get3A_0 = arith.constant 0 : index
    %get3A_1 = arith.constant 0 : index
    %get3A_2 = vector.load %arg2[%get3A, %get3A_0, %get3A_1] : memref<2x1000x16xf32, #tpu.memory_space<vmem>>, vector<1x1000x1xf32>
    %get3A_3 = vector.shape_cast %get3A_2 : vector<1x1000x1xf32> to vector<1000x1xf32>
    %get3A_4 = arith.constant 1 : index
    %get3A_5 = arith.constant 0 : index
    %get3A_6 = arith.constant 0 : index
    %get3A_7 = vector.load %arg2[%get3A_4, %get3A_5, %get3A_6] : memref<2x1000x16xf32, #tpu.memory_space<vmem>>, vector<1x1000x1xf32>
    %get3A_8 = vector.shape_cast %get3A_7 : vector<1x1000x1xf32> to vector<1000x1xf32>
    %add3A = arith.addf %get3A_3, %get3A_8 : vector<1000x1xf32>
    %add3A_9 = arith.constant 1.000000e+00 : f32
    %add3A_10 = vector.broadcast %add3A_9 : f32 to vector<1000x1xf32>
    %add3A_11 = arith.addf %add3A, %add3A_10 : vector<1000x1xf32>
    %rsqrt3A = math.rsqrt %add3A_11 : vector<1000x1xf32>
    %get3A_12 = arith.constant 0 : index
    %get3A_13 = arith.constant 0 : index
    %get3A_14 = vector.load %arg1[%get3A_12, %get3A_13] : memref<1000x256xf32, #tpu.memory_space<vmem>>, vector<1000x256xf32>
    %get3A_15 = arith.constant 0 : index
    %get3A_16 = arith.constant 0 : index
    %get3A_17 = vector.load %arg3[%get3A_15, %get3A_16] : memref<256x256xf32, #tpu.memory_space<vmem>>, vector<256x256xf32>
    %dot_general3A = arith.constant dense<0.000000e+00> : vector<1000x256xf32>
    %dot_general3A_18 = tpu.matmul %get3A_14, %get3A_17, %dot_general3A {dimension_numbers = #tpu.dot_dimension_numbers<[1], [0], [0], [1], [0, 0, 1, 1], [], []>, precision = #tpu.contract_precision<fp32>, transpose_lhs_hint = false} : vector<1000x256xf32>, vector<256x256xf32>, vector<1000x256xf32> -> vector<1000x256xf32>
    %mul3A = vector.broadcast %rsqrt3A : vector<1000x1xf32> to vector<1000x256xf32>
    %mul3A_19 = arith.mulf %dot_general3A_18, %mul3A : vector<1000x256xf32>
    %slice3A = vector.extract_strided_slice %mul3A_19 {offsets = [0, 0], sizes = [1000, 128], strides = [1, 1]} : vector<1000x256xf32> to vector<1000x128xf32>
    %swap3A = arith.constant 0 : index
    %swap3A_20 = arith.constant 0 : index
    %swap3A_21 = arith.constant 0 : index
    %swap3A_22 = vector.load %arg4[%swap3A, %swap3A_20, %swap3A_21] : memref<2x1000x128xf32, #tpu.memory_space<vmem>>, vector<1x1000x128xf32>
    %swap3A_23 = vector.shape_cast %swap3A_22 : vector<1x1000x128xf32> to vector<1000x128xf32>
    %swap3A_24 = vector.shape_cast %slice3A : vector<1000x128xf32> to vector<1x1000x128xf32>
    tpu.vector_store %arg4[%swap3A, %swap3A_20, %swap3A_21], %swap3A_24 {strides = array<i32>} : memref<2x1000x128xf32, #tpu.memory_space<vmem>>, vector<1x1000x128xf32>,
    %slice3A_25 = vector.extract_strided_slice %mul3A_19 {offsets = [0, 128], sizes = [1000, 128], strides = [1, 1]} : vector<1000x256xf32> to vector<1000x128xf32>
    %swap3A_26 = arith.constant 1 : index
    %swap3A_27 = arith.constant 0 : index
    %swap3A_28 = arith.constant 0 : index
    %swap3A_29 = vector.load %arg4[%swap3A_26, %swap3A_27, %swap3A_28] : memref<2x1000x128xf32, #tpu.memory_space<vmem>>, vector<1x1000x128xf32>
    %swap3A_30 = vector.shape_cast %swap3A_29 : vector<1x1000x128xf32> to vector<1000x128xf32>
    %swap3A_31 = vector.shape_cast %slice3A_25 : vector<1000x128xf32> to vector<1x1000x128xf32>
    tpu.vector_store %arg4[%swap3A_26, %swap3A_27, %swap3A_28], %swap3A_31 {strides = array<i32>} : memref<2x1000x128xf32, #tpu.memory_space<vmem>>, vector<1x1000x128xf32>,
    return
  }
  func.func @transform_0(%arg0: i32) -> (i32, i32) {
    %c0_i32 = arith.constant 0 : i32
    %c0_i32_0 = arith.constant 0 : i32
    return %arg0, %c0_i32 : i32, i32
  }
  func.func @transform_1(%arg0: i32) -> (i32, i32, i32) {
    %c0_i32 = arith.constant 0 : i32
    %c0_i32_0 = arith.constant 0 : i32
    %c0_i32_1 = arith.constant 0 : i32
    return %c0_i32, %arg0, %c0_i32_0 : i32, i32, i32
  }
  func.func @transform_2(%arg0: i32) -> (i32, i32) {
    %c0_i32 = arith.constant 0 : i32
    %c0_i32_0 = arith.constant 0 : i32
    %c0_i32_1 = arith.constant 0 : i32
    return %c0_i32, %c0_i32_0 : i32, i32
  }
  func.func @transform_3(%arg0: i32) -> (i32, i32, i32) {
    %c0_i32 = arith.constant 0 : i32
    %c0_i32_0 = arith.constant 0 : i32
    %c0_i32_1 = arith.constant 0 : i32
    return %c0_i32, %arg0, %c0_i32_0 : i32, i32, i32
  }
}

module attributes {stable_mosaic.version = 14 : i64} {
  func.func @body(%arg0: i32, %arg1: memref<2x1000x128xf32, #tpu.memory_space<vmem>>, %arg2: memref<2x1000x128xf32, #tpu.memory_space<vmem>>, %arg3: memref<2x1000x16xf32, #tpu.memory_space<vmem>>, %arg4: memref<1x256xf32, #tpu.memory_space<vmem>>, %arg5: memref<1000x256xf32, #tpu.memory_space<vmem>>) attributes {dimension_semantics = [#tpu.dimension_semantics<arbitrary>], iteration_bounds = array<i64: 10>, scalar_prefetch = 0 : i64, scratch_operands = 0 : i64, tpu.core_type = #tpu.core_type<tc>, window_params = [{transform_indices = @transform_0, window_bounds = array<i64: 2, 1000, 128>}, {transform_indices = @transform_1, window_bounds = array<i64: 2, 1000, 128>}, {transform_indices = @transform_2, window_bounds = array<i64: 2, 1000, 16>}, {pipeline_mode = #tpu.pipeline_mode<synchronous>, transform_indices = @transform_3, window_bounds = array<i64: 1, 256>}, {transform_indices = @transform_4, window_bounds = array<i64: 1000, 256>}]} {
    %get3A = arith.constant 0 : index
    %get3A_0 = arith.constant 0 : index
    %get3A_1 = arith.constant 0 : index
    %get3A_2 = vector.load %arg3[%get3A, %get3A_0, %get3A_1] : memref<2x1000x16xf32, #tpu.memory_space<vmem>>, vector<1x1000x1xf32>
    %get3A_3 = vector.shape_cast %get3A_2 : vector<1x1000x1xf32> to vector<1000x1xf32>
    %get3A_4 = arith.constant 1 : index
    %get3A_5 = arith.constant 0 : index
    %get3A_6 = arith.constant 0 : index
    %get3A_7 = vector.load %arg3[%get3A_4, %get3A_5, %get3A_6] : memref<2x1000x16xf32, #tpu.memory_space<vmem>>, vector<1x1000x1xf32>
    %get3A_8 = vector.shape_cast %get3A_7 : vector<1x1000x1xf32> to vector<1000x1xf32>
    %add3A = arith.addf %get3A_3, %get3A_8 : vector<1000x1xf32>
    %add3A_9 = arith.constant 1.000000e+00 : f32
    %add3A_10 = vector.broadcast %add3A_9 : f32 to vector<1000x1xf32>
    %add3A_11 = arith.addf %add3A, %add3A_10 : vector<1000x1xf32>
    %rsqrt3A = math.rsqrt %add3A_11 : vector<1000x1xf32>
    %get3A_12 = arith.constant 0 : index
    %get3A_13 = arith.constant 0 : index
    %get3A_14 = arith.constant 0 : index
    %get3A_15 = vector.load %arg1[%get3A_12, %get3A_13, %get3A_14] : memref<2x1000x128xf32, #tpu.memory_space<vmem>>, vector<1x1000x128xf32>
    %get3A_16 = vector.shape_cast %get3A_15 : vector<1x1000x128xf32> to vector<1000x128xf32>
    %get3A_17 = arith.constant 0 : index
    %get3A_18 = arith.constant 0 : index
    %get3A_19 = arith.constant 0 : index
    %get3A_20 = vector.load %arg2[%get3A_17, %get3A_18, %get3A_19] : memref<2x1000x128xf32, #tpu.memory_space<vmem>>, vector<1x1000x128xf32>
    %get3A_21 = vector.shape_cast %get3A_20 : vector<1x1000x128xf32> to vector<1000x128xf32>
    %add3A_22 = arith.addf %get3A_16, %get3A_21 : vector<1000x128xf32>
    %get3A_23 = arith.constant 1 : index
    %get3A_24 = arith.constant 0 : index
    %get3A_25 = arith.constant 0 : index
    %get3A_26 = vector.load %arg1[%get3A_23, %get3A_24, %get3A_25] : memref<2x1000x128xf32, #tpu.memory_space<vmem>>, vector<1x1000x128xf32>
    %get3A_27 = vector.shape_cast %get3A_26 : vector<1x1000x128xf32> to vector<1000x128xf32>
    %get3A_28 = arith.constant 1 : index
    %get3A_29 = arith.constant 0 : index
    %get3A_30 = arith.constant 0 : index
    %get3A_31 = vector.load %arg2[%get3A_28, %get3A_29, %get3A_30] : memref<2x1000x128xf32, #tpu.memory_space<vmem>>, vector<1x1000x128xf32>
    %get3A_32 = vector.shape_cast %get3A_31 : vector<1x1000x128xf32> to vector<1000x128xf32>
    %add3A_33 = arith.addf %get3A_27, %get3A_32 : vector<1000x128xf32>
    %concatenate3A = tpu.concatenate %add3A_22, %add3A_33 in 1 : vector<1000x128xf32>, vector<1000x128xf32> -> vector<1000x256xf32>
    %mul3A = vector.broadcast %rsqrt3A : vector<1000x1xf32> to vector<1000x256xf32>
    %mul3A_34 = arith.mulf %concatenate3A, %mul3A : vector<1000x256xf32>
    %get3A_35 = arith.constant 0 : index
    %get3A_36 = arith.constant 0 : index
    %get3A_37 = vector.load %arg4[%get3A_35, %get3A_36] : memref<1x256xf32, #tpu.memory_space<vmem>>, vector<1x256xf32>
    %get3A_38 = vector.shape_cast %get3A_37 : vector<1x256xf32> to vector<256xf32>
    %broadcast_in_dim3A = vector.shape_cast %get3A_38 : vector<256xf32> to vector<1x256xf32>
    %add3A_39 = vector.broadcast %broadcast_in_dim3A : vector<1x256xf32> to vector<1000x256xf32>
    %add3A_40 = arith.addf %mul3A_34, %add3A_39 : vector<1000x256xf32>
    %swap3A = arith.constant 0 : index
    %swap3A_41 = arith.constant 0 : index
    %swap3A_42 = vector.load %arg5[%swap3A, %swap3A_41] : memref<1000x256xf32, #tpu.memory_space<vmem>>, vector<1000x256xf32>
    tpu.vector_store %arg5[%swap3A, %swap3A_41], %add3A_40 {strides = array<i32>} : memref<1000x256xf32, #tpu.memory_space<vmem>>, vector<1000x256xf32>,
    return
  }
  func.func @transform_0(%arg0: i32) -> (i32, i32, i32) {
    %c0_i32 = arith.constant 0 : i32
    %c0_i32_0 = arith.constant 0 : i32
    %c0_i32_1 = arith.constant 0 : i32
    return %c0_i32, %arg0, %c0_i32_0 : i32, i32, i32
  }
  func.func @transform_1(%arg0: i32) -> (i32, i32, i32) {
    %c0_i32 = arith.constant 0 : i32
    %c0_i32_0 = arith.constant 0 : i32
    %c0_i32_1 = arith.constant 0 : i32
    return %c0_i32, %arg0, %c0_i32_0 : i32, i32, i32
  }
  func.func @transform_2(%arg0: i32) -> (i32, i32, i32) {
    %c0_i32 = arith.constant 0 : i32
    %c0_i32_0 = arith.constant 0 : i32
    %c0_i32_1 = arith.constant 0 : i32
    return %c0_i32, %arg0, %c0_i32_0 : i32, i32, i32
  }
  func.func @transform_3(%arg0: i32) -> (i32, i32) {
    %c0_i32 = arith.constant 0 : i32
    %c0_i32_0 = arith.constant 0 : i32
    %c0_i32_1 = arith.constant 0 : i32
    return %c0_i32, %c0_i32_0 : i32, i32
  }
  func.func @transform_4(%arg0: i32) -> (i32, i32) {
    %c0_i32 = arith.constant 0 : i32
    %c0_i32_0 = arith.constant 0 : i32
    return %arg0, %c0_i32 : i32, i32
  }
}

</mosaic_0001>

<sc_bundles>
// kernel: kernel.10.cloned.1.call-start
scs
__scs_entry_jumppad:
0x0: {  	(pc) =	sbr.rel $0x88, $3  }
0x1: {  	(tag) =	ssettag $0x0;
	lr =	simm.s32 $0x1  }
0x2: {  	[smem:$0x3F99] =	sst lr;
	_ =	strace $0xD0000000  }
0x3: {  	_ = 	snop  }
0x4: {  	_ = 	snop  }
0x5: {  	_ = 	snop  }
0x6: {  	_ = 	snop  }
0x7: {  	_ = 	snop  }
__scs_overlays_trampoline_lowered:
0x8: {  	[smem:$0x3FA8] =	sst s0  }
0x9: {  	[smem:$0x3FA9] =	sst s1  }
0xa: {  	[smem:$0x3FAA] =	sst s2  }
0xb: {  	[smem:$0x3FAB] =	sst s3  }
0xc: {  	[smem:$0x3FAC] =	sst s4  }
0xd: {  	[smem:$0x3FAD] =	sst s5  }
0xe: {  	[smem:$0x3FAE] =	sst s6  }
0xf: {  	[smem:$0x3FAF] =	sst s7  }
0x10: {  	[smem:$0x3FB0] =	sst s8  }
0x11: {  	[smem:$0x3FB1] =	sst s9;
	s0 =	simm.s32 @!p0 $0x0  }
0x12: {  	s1 =	sld [smem:$0x3F97];
	s0 =	simm.s32 @p0 $0x1  }
0x13: {  	[smem:$0x3FB2] =	sst s0;
	s0 =	simm.s32 @!p1 $0x0  }
0x14: {  	s2 =	sld [smem:$0x3F96];
	s0 =	simm.s32 @p1 $0x1  }
0x15: {  	[smem:$0x3FB3] =	sst s0;
	s0 =	simm.s32 @!p2 $0x0  }
0x16: {  	s3 =	sld [smem:$0x3FDB];
	s0 =	simm.s32 @p2 $0x1  }
0x17: {  	s4 =	simm.s32 $0x1BF5;
	[smem:$0x3FB5] =	sst s0  }
0x18: {  	s0 =	sld [smem:$0x3F98];
	_ =	swait.ge [sflag:s4], $0x0  }
0x19: {  	s7 =	sld [smem:$0x3F99]  }
0x1a: {  	s8 =	sadd.s32 $0xFFFFE003, lr  }
0x1b: {  	s9 =	sadd.s32 $0xFFFFFEF7, lr;
	s5 =	simm.s32 $0xFFFFFFFF;
	p2 =	slt.u32 s8, $0xFFFFF086  }
0x1c: {  	p1 =	slt.u32 s9, $0xF7A;
	s5 =	simm.s32 @!p2 $0x0  }
0x1d: {  	s5 =	simm.s32 @p1 $0x1;
	p0 =	seq.s32 s7, s2  }
0x1e: {  	s7 =	smul.u32 @!p0 $0xF7A, s2;
	p2 =	seq.s32 @!p0 s5, $0x0  }
0x1f: {  	s9 =	smul.u32 $0xF7A, s1;
	s8 =	simm.s32 @!p0 $0x1BF5;
	p2 =	por !p2, p0  }
0x20: {  	[sflag:s8] =	ssyncset.s32 @!p0 $0xFFFFF086;
	s6 =	sadd.s32 @!p0 s3, s7;
	s7 =	simm.s32 @!p0 $0x108  }
0x21: {  	s3 =	sadd.s32 s3, s9;
	s6 =	sadd.s32 @!p0 $0x88, s6;
	s7 =	simm.s32 @p2 $0x1082  }
0x22: {  	[simem:s7], [sflag:s8] =	dma.local @!p0 [hbm:s6], $0xF7A  }
0x23: {  	s9 =	sor.u32 $0xD0000000, s2;
	s6 =	simm.s32 $0x108;
	_ =	swait.ge @!p0 [sflag:s8], $0x0  }
0x24: {  	s3 =	sadd.s32 $0x88, s3;
	s6 =	simm.s32 @!p1 $0x1082;
	[sflag:s4] =	ssyncset.s32 $0xFFFFF086  }
0x25: {  	[simem:s6], [sflag:s4] =	dma.local [hbm:s3], $0xF7A  }
0x26: {  	[smem:$0x3F99] =	sst s1;
	(tag) =	ssettag s2;
	_ =	strace s9  }
0x27: {  	s1 =	sld [smem:$0x3FA9]  }
0x28: {  	s2 =	sld [smem:$0x3FAA]  }
0x29: {  	s4 =	sld [smem:$0x3FAC]  }
0x2a: {  	p0 =	seq.s32 s5, $0x0;
	s5 =	sld [smem:$0x3FAD]  }
0x2b: {  	s6 =	sld [smem:$0x3FAE]  }
0x2c: {  	s7 =	sld [smem:$0x3FAF]  }
0x2d: {  	s3 =	simm.s32 $0x108;
	s8 =	sld [smem:$0x3FB0]  }
0x2e: {  	s3 =	simm.s32 @!p0 $0x1082;
	s9 =	sld [smem:$0x3FB1]  }
0x2f: {  	lr =	sadd.s32 s0, s3;
	s0 =	sld [smem:$0x3FA8]  }
0x30: {  	s3 =	sld [smem:$0x3FAB]  }
0x31: {  	[smem:$0x3FB4] =	sst s10  }
0x32: {  	s10 =	sld [smem:$0x3FB2];
	_ =	sdelay $0x3  }
0x33: {  	p0 =	seq.s32 s10, $0x1;
	s10 =	sld [smem:$0x3FB4];
	_ =	sdelay $0x3  }
0x34: {  	[smem:$0x3FB4] =	sst s10  }
0x35: {  	s10 =	sld [smem:$0x3FB3];
	_ =	sdelay $0x3  }
0x36: {  	p1 =	seq.s32 s10, $0x1;
	s10 =	sld [smem:$0x3FB4];
	_ =	sdelay $0x3  }
0x37: {  	[smem:$0x3FB4] =	sst s10  }
0x38: {  	s10 =	sld [smem:$0x3FB5]  }
0x39: {  	_ = 	snop;
	(pc) =	sbr.ind lr, $3  }
0x3a: {  	_ = 	snop  }
0x3b: {  	_ = 	snop  }
0x3c: {  	p2 =	seq.s32 s10, $0x1;
	s10 =	sld [smem:$0x3FB4]  }
0x3d: {  	_ =	shalt  }
0x3e: {  	_ =	shalt  }
0x3f: {  	_ =	shalt  }
0x40: {  	_ =	shalt  }
0x41: {  	_ =	shalt  }
0x42: {  	_ =	shalt  }
0x43: {  	_ =	shalt  }
0x44: {  	_ =	shalt  }
0x45: {  	_ =	shalt  }
0x46: {  	_ =	shalt  }
0x47: {  	_ =	shalt  }
0x48: {  	_ =	shalt  }
0x49: {  	_ =	shalt  }
0x4a: {  	_ =	shalt  }
0x4b: {  	_ =	shalt  }
0x4c: {  	_ =	shalt  }
0x4d: {  	_ =	shalt  }
0x4e: {  	_ =	shalt  }
0x4f: {  	_ =	shalt  }
0x50: {  	_ =	shalt  }
0x51: {  	_ =	shalt  }
0x52: {  	_ =	shalt  }
0x53: {  	_ =	shalt  }
0x54: {  	_ =	shalt  }
0x55: {  	_ =	shalt  }
0x56: {  	_ =	shalt  }
0x57: {  	_ =	shalt  }
0x58: {  	_ =	shalt  }
0x59: {  	_ =	shalt  }
0x5a: {  	_ =	shalt  }
0x5b: {  	_ =	shalt  }
0x5c: {  	_ =	shalt  }
0x5d: {  	_ =	shalt  }
0x5e: {  	_ =	shalt  }
0x5f: {  	_ =	shalt  }
0x60: {  	_ =	shalt  }
0x61: {  	_ =	shalt  }
0x62: {  	_ =	shalt  }
0x63: {  	_ =	shalt  }
0x64: {  	_ =	shalt  }
0x65: {  	_ =	shalt  }
0x66: {  	_ =	shalt  }
0x67: {  	_ =	shalt  }
0x68: {  	_ =	shalt  }
0x69: {  	_ =	shalt  }
0x6a: {  	_ =	shalt  }
0x6b: {  	_ =	shalt  }
0x6c: {  	_ =	shalt  }
0x6d: {  	_ =	shalt  }
0x6e: {  	_ =	shalt  }
0x6f: {  	_ =	shalt  }
0x70: {  	_ =	shalt  }
0x71: {  	_ =	shalt  }
0x72: {  	_ =	shalt  }
0x73: {  	_ =	shalt  }
0x74: {  	_ =	shalt  }
0x75: {  	_ =	shalt  }
0x76: {  	_ =	shalt  }
0x77: {  	_ =	shalt  }
0x78: {  	_ =	shalt  }
0x79: {  	_ =	shalt  }
0x7a: {  	_ =	shalt  }
0x7b: {  	_ =	shalt  }
0x7c: {  	_ =	shalt  }
0x7d: {  	_ =	shalt  }
0x7e: {  	_ =	shalt  }
0x7f: {  	_ =	shalt  }
0x80: {  	_ =	shalt  }
0x81: {  	_ =	shalt  }
0x82: {  	_ =	shalt  }
0x83: {  	_ =	shalt  }
0x84: {  	_ =	shalt  }
0x85: {  	_ =	shalt  }
0x86: {  	_ =	shalt  }
0x87: {  	_ =	shalt  }
.Lfunc_end0:
.L_simem_size_0:
called_computation_lowered:
.L_overlay_start_0:
0x88: {  	s2 =	sld [smem:$0x3FD9]  }
0x89: {  	s3 =	sld [smem:$0x3FFE];
	_ =	sdelay $0x1  }
0x8a: {  	s1 =	srdreg.scid  }
0x8b: {  	s0 =	sand.u32 $0x1, s1  }
0x8c: {  	s17 =	sshll.u32 s0, $0xA;
	s2 =	sadd.s32 s3, s2  }
0x8d: {  	s2 =	sadd.s32 s2, s17  }
0x8e: {  	[smem:$0x3FC0] =	sst s2  }
0x8f: {  	_ = 	snop  }
0x90: {  	s2 =	sld [smem:$0x3FD0];
	(tm) =	ssettm $0x1  }
0x91: {  	s18 =	sld [smem:$0x3FFB];
	_ =	sdelay $0x3  }
0x92: {  	_ =	strace s18  }
0x93: {  	s3 =	sld [smem:$0x3FFC];
	_ =	sdelay $0x3  }
0x94: {  	_ =	strace s3  }
0x95: {  	s3 =	sld [smem:$0x3FFD];
	_ =	sdelay $0x3  }
0x96: {  	_ =	strace s3  }
0x97: {  	_ =	strace $0x8FFFFFFF  }
0x98: {  	s19 =	sld [smem:$0x3FDB];
	_ =	sdelay $0x1  }
0x99: {  	s4 =	simm.s32 $_scs_section_size  }
0x9a: {  	s5 =	simm.s32 $_size__tile_overlayer_lowered;
	s6 =	simm.s32 $_tile_overlayer_lowered  }
0x9b: {  	s22 =	simm.s32 $0x1BFF;
	s21 =	sshll.u32 s6, $0x1;
	s3 =	sadd.s32 s4, s19  }
0x9c: {  	s7 =	simm.s32 $0x0;
	s20 =	sshll.u32 s5, $0x1;
	s5 =	sadd.s32 s21, s3  }
0x9d: {  	[timem:s7], [sflag:s22] =	dma.local [hbm:s5], s20  }
0x9e: {  	_ =	swait.ge [sflag:s22], s20  }
0x9f: {  	s4 =	ssub.s32 $0x0, s20;
	[sflag:s22] =	ssyncset.done $0x0  }
0xa0: {  	[sflag:s22] =	ssyncadd.s32 s4;
	_ =	sdelay $0x1  }
0xa1: {  	s23 =	simm.s32 $0x1B8B  }
0xa2: {  	_ =	swait.ge [sflag:s23], $0x1  }
0xa3: {  	[sflag:s23] =	ssyncset.done $0x0  }
0xa4: {  	s25 =	simm.s32 $0x1B8E;
	s24 =	sld [smem:$0x3FFE];
	[sflag:s23] =	ssyncadd.s32 $0xFFFFFFFF  }
0xa5: {  	s26 =	simm.s32 $execute0_lowered;
	[smem:$0x3FD2] =	sst s25  }
0xa6: {  	s5 =	sshll.u32 s26, $0x1;
	_ =	strace $0x80000046;
	[dreg:$0x1] =	wrdreg $0xFFFFFFFF  }
0xa7: {  	s28 =	simm.s32 $_size_execute0_lowered;
	s3 =	sadd.s32 s3, s5;
	[dreg:$0x0] =	wrdreg $0x0  }
0xa8: {  	s5 =	sshll.u32 s28, $0x1;
	[dreg:$0x2] =	wrdreg s3  }
0xa9: {  	[dreg:$0x3] =	wrdreg s5  }
0xaa: {  	[dreg:$0x4] =	wrdreg $0xC0  }
0xab: {  	_ =	task [dreg:s7], $0x5FFFF  }
0xac: {  	[dreg:$0x1] =	wrdreg $0xFFFFFFFF  }
0xad: {  	[dreg:$0x0] =	wrdreg $0x60  }
0xae: {  	[dreg:$0x2] =	wrdreg s2  }
0xaf: {  	[dreg:$0x3] =	wrdreg s24  }
0xb0: {  	[dreg:$0x4] =	wrdreg $0xA8000  }
0xb1: {  	[dreg:$0x5] =	wrdreg $0x9  }
0xb2: {  	_ =	task.clear_ibuf [dreg:s7], $0x6FFFF;
	_ =	strace $0x90000046  }
0xb3: {  	s29 =	simm.s32 $0x9;
	_ =	strace $0x80000048  }
0xb4: {  	_ =	swait.ge [sflag:s29], $0x1  }
0xb5: {  	[sflag:s29] =	ssyncadd.s32 $0xFFFFFFFF  }
0xb6: {  	_ =	strace $0x90000048  }
0xb7: {  	_ =	sfence  }
0xb8: {  	s30 =	sld [smem:$0x0];
	_ =	sdelay $0x2  }
0xb9: {  	s31 =	sshll.u32 s1, $0xD;
	s1 =	sshrl.u32 s1, $0x2  }
0xba: {  	s3 =	sand.u32 $0x4000, s31;
	s1 =	sadd.s32 s1, s30  }
0xbb: {  	s0 =	sor.u32 s3, s0;
	s1 =	sshll.u32 s1, $0x11  }
0xbc: {  	s0 =	sor.u32 s1, s0  }
0xbd: {  	s0 =	sadd.s32 $0x8F2B, s0  }
0xbe: {  	[sflag:s0] =	ssyncadd.remote.s32 $0x1  }
0xbf: {  	_ =	sfence.sel $0xFFFF  }
0xc0: {  	[dreg:$0x0] =	wrdreg $0xFFFFFFFF;
	(pc) =	sbr.abs _section_cstart, $3  }
0xc1: {  	[dreg:$0x1] =	wrdreg $0xFFFFFFFF  }
0xc2: {  	_ =	task.clear_ibuf [dreg:s7], $0x2FFFF;
	_ =	strace $0x9FFFFFFF  }
0xc3: {  	(tm) =	ssettm $0x7FFFFFFF  }
tec
execute0_lowered:
.L_overlay_start_1:
0x0: {  	(tag) =	ssettag $0x1  }
0x1: {  	s5 =	rddreg [dreg:$0x0]  }
0x2: {  	s4 =	rddreg [dreg:$0x1]  }
0x3: {  	s1 =	rddreg [dreg:$0x2];
	s2 =	srdreg.scid  }
0x4: {  	s0 =	rddreg [dreg:$0x3];
	s8 =	sand.u32 $0x1, s2  }
0x5: {  	s2 =	stileid.u32;
	s6 =	smul.u32 $0x27100, s8  }
0x6: {  	s3 =	simm.s32 $0x0;
	s13 =	simm.s32 $0x1;
	s7 =	smul.u32 $0x50000, s2  }
0x7: {  	s14 =	simm.s32 $0x80;
	s15 =	simm.s32 $0x2800;
	s10 =	smul.u32 $0x500, s2  }
0x8: {  	[smem:$0x7FF] =	sst s3;
	s19 =	sadd.s32 $0x124800, s1;
	s12 =	smul.u32 $0x4E000, s2  }
0x9: {  	_ =	strace $0x80000047;
	s9 =	ssub.s32 $0x2, s8;
	s18 =	smul.u32 $0x2700, s2  }
0xa: {  	s31 =	smul.u32 $0x5000, s8;
	p0 =	seq.s32 s2, $0xF;
	s11 =	sshrl.u32 s9, $0x1  }
0xb: {  	s21 =	sshll.u32 @!p0 s2, $0x6;
	s7 =	sshrl.u32 s7, $0x2;
	s6 =	sadd.s32 s6, s4  }
0xc: {  	s9 =	ssub.s32 s9, s11;
	s5 =	sadd.s32 s5, s10;
	s30 =	sshrl.u32 s12, $0x2  }
0xd: {  	s11 =	sshrl.u32 s31, $0x2;
	s12 =	simm.s32 $0x6800;
	s4 =	sadd.s32 s7, s1  }
0xe: {  	s17 =	sadd.s32 $0x3000, s6;
	s20 =	sadd.s32 s30, s1;
	s6 =	smax.u32 s9, $0x1  }
0xf: {  	s7 =	sadd.s32 $0x4000, s4;
	s8 =	sadd.s32 $0x8000, s4;
	s9 =	sadd.s32 $0xC000, s4  }
0x10: {  	s10 =	sadd.s32 $0x10000, s4;
	s16 =	sadd.s32 @p0 $0x24900, s17;
	s17 =	sadd.s32 @!p0 s18, s17  }
0x11: {  	v0 =	vimm.f32 $1.000000000e+00;
	v1 =	vimm.f32 $0.0e+00;
	s18 =	sshrl.u32 @p0 s19, $0x3;
	s19 =	sor.u32 @!p0 $0x1C01, s21;
	s20 =	sshrl.u32 @!p0 s20, $0x3  }
.LBB2_1:
0x12: {  	s21 =	simm.s32 $0x0  }
.LBB2_2:
0x13: {  	p1 =	sne.s32 s21, $0xFE00  }
.Ltmp0:
0x14: {  	_ = 	snop;
	(pc) =	sbr.rel @p1 .LBB2_2-.Ltmp0, $3  }
0x15: {  	_ =	sdelay $0x1  }
0x16: {  	s22 =	sshra.s32 s21, $0x2  }
0x17: {  	s21 =	sadd.s32 $0x200, s21;
	[tilespmem:s22+$0x2800] =	vst v0  }
0x18: {  	s21 =	simm.s32 $0x200;
	s22 =	simm.s32 $0x0  }
.LBB2_4:
0x19: {  	p1 =	sne.s32 s21, $0xFE00;
	[tilespmem:s22+$0x6800] =	vst v1;
	s22 =	smov.u32 s21;
	s21 =	sadd.s32 $0x200, s21  }
.Ltmp1:
0x1a: {  	(pc) =	sbr.rel @p1 .LBB2_4-.Ltmp1, $2  }
0x1b: {  	_ =	sdelay $0x2  }
0x1c: {  	s22 =	sshra.s32 s22, $0x2  }
0x1d: {  	[tilespmem:s22+$0x6800] =	vst v1  }
0x1e: {  	[spmem:s4] =	stream.linear.scatter [tilespmem:s12], [sflag:$0x1], $0x4000, $0x38;
	[tilespmem:$0xD000] =	vst v63  }
0x1f: {  	_ =	swait.ge [sflag:s13], $0x4000  }
0x20: {  	[sflag:s13] =	ssyncset.done $0x0  }
0x21: {  	[sflag:s13] =	ssyncadd.s32 $0xFFFFC000  }
0x22: {  	[spmem:s7] =	stream.linear.scatter [tilespmem:s12], [sflag:$0x1], $0x4000, $0x38;
	[tilespmem:$0xD000] =	vst v63  }
0x23: {  	_ =	swait.ge [sflag:s13], $0x4000  }
0x24: {  	[sflag:s13] =	ssyncset.done $0x0  }
0x25: {  	[sflag:s13] =	ssyncadd.s32 $0xFFFFC000  }
0x26: {  	[spmem:s8] =	stream.linear.scatter [tilespmem:s12], [sflag:$0x1], $0x4000, $0x38;
	[tilespmem:$0xD000] =	vst v63  }
0x27: {  	_ =	swait.ge [sflag:s13], $0x4000  }
0x28: {  	[sflag:s13] =	ssyncset.done $0x0  }
0x29: {  	[sflag:s13] =	ssyncadd.s32 $0xFFFFC000  }
0x2a: {  	[spmem:s9] =	stream.linear.scatter [tilespmem:s12], [sflag:$0x1], $0x4000, $0x38;
	[tilespmem:$0xD000] =	vst v63  }
0x2b: {  	_ =	swait.ge [sflag:s13], $0x4000  }
0x2c: {  	[sflag:s13] =	ssyncset.done $0x0  }
0x2d: {  	[sflag:s13] =	ssyncadd.s32 $0xFFFFC000  }
0x2e: {  	[spmem:s10] =	stream.linear.scatter [tilespmem:s12], [sflag:$0x1], $0x4000, $0x38;
	[tilespmem:$0xD000] =	vst v63  }
0x2f: {  	_ =	swait.ge [sflag:s13], $0x4000  }
0x30: {  	[sflag:s13] =	ssyncset.done $0x0  }
0x31: {  	[sflag:s13] =	ssyncadd.s32 $0xFFFFC000  }
0x32: {  	s21 =	simm.s32 $0x0;
	[bflag:$0x0] =	sbarrier.arrive $0xFFFF  }
0x33: {  	[tilespmem:s21], [sflag:$0x1] =	stream.linear.gather [hbm4b:s5+s21], $0x2800, $0x38;
	[tilespmem:$0xD000] =	vst v63  }
0x34: {  	_ =	swait.ge [sflag:s13], $0x2800  }
0x35: {  	[sflag:s13] =	ssyncset.done $0x0  }
0x36: {  	s31 =	sadd.s32 $0x0, s11;
	[sflag:s13] =	ssyncadd.s32 $0xFFFFD800  }
0x37: {  	[spmem:s1] =	stream.indirect.scatter.add.f32 [tilespmem:s15], [sflag:$0x1], $0x10, s31, s14, $0xb8;
	[tilespmem:$0xD000] =	vst v63  }
0x38: {  	s21 =	simm.s32 $0x200;
	_ =	swait.ge [sflag:s13], $0x800  }
.LBB2_6:
0x39: {  	s22 =	sshra.s32 s21, $0x2;
	[sflag:s13] =	ssyncset.done $0x0;
	p1 =	sne.s32 s21, $0x4E00  }
.Ltmp2:
0x3a: {  	s22 =	sadd.s32 s22, s11;
	[sflag:s13] =	ssyncadd.s32 $0xFFFFF800;
	(pc) =	sbr.rel @p1 .LBB2_6-.Ltmp2, $3  }
0x3b: {  	[spmem:s1] =	stream.indirect.scatter.add.f32 [tilespmem:s15], [sflag:$0x1], $0x10, s22, s14, $0xb8;
	[tilespmem:$0xD000] =	vst v63  }
0x3c: {  	s21 =	sadd.s32 $0x200, s21;
	_ =	sdelay $0x1  }
0x3d: {  	_ =	swait.ge [sflag:s13], $0x800  }
0x3e: {  	[sflag:s13] =	ssyncset.done $0x0  }
0x3f: {  	[sflag:s13] =	ssyncadd.s32 $0xFFFFF800  }
0x40: {  	s21 =	simm.s32 @p0 $0x1FC1;
	[bflag:$0x0] =	sbarrier.arrive $0xFFFF  }
0x41: {  	[hbm:s16], [sflag:s21] =	dma.local @p0 [spmem:s18], $0x2800  }
0x42: {  	s21 =	simm.s32 @p0 $0x1  }
0x43: {  	s3 =	sadd.s32 $0x1, s3;
	_ =	swait.ge @p0 [sflag:s21], $0x2800  }
0x44: {  	p1 =	sne.s32 s3, s6;
	[sflag:s21] =	ssyncset.done @p0 $0x0  }
.Ltmp3:
0x45: {  	[sflag:s21] =	ssyncadd.s32 @p0 $0xFFFFD800;
	s21 =	simm.s32 @!p0 $0x1;
	(pc) =	sbr.rel @p1 .LBB2_1-.Ltmp3, $4  }
0x46: {  	[hbm:s17], [sflag:s19] =	dma.local @!p0 [spmem:s20], $0x2700  }
0x47: {  	_ =	swait.ge @!p0 [sflag:s21], $0x2700  }
0x48: {  	[sflag:s21] =	ssyncset.done @!p0 $0x0  }
0x49: {  	[sflag:s21] =	ssyncadd.s32 @!p0 $0xFFFFD900  }
0x4a: {  	_ =	sfence.sel $0x180000  }
0x4b: {  	[bflag:$0x0] =	sbarrier.arrive $0xFFFF  }
0x4c: {  	p0 =	sne.s32 s2, $0x0;
	_ =	strace $0x90000047  }
0x4d: {  	s0 =	sadd.s32 @!p0 $0x100000, s0;
	[bflag:$0x2] =	sbarrier.arrive $0xFFFF  }
0x4e: {  	[sflag:s0] =	ssyncadd.tile.s32 @!p0 $0x1;
	_ =	shalt  }
.Lfunc_end2:
_tile_overlayer_lowered:
.L_overlay_start_2:
0x4f: {  	(tag) =	ssettag $0x2  }
0x50: {  	s0 =	rddreg [dreg:$0x0];
	s2 =	stileid.u32  }
0x51: {  	s1 =	rddreg [dreg:$0x1];
	p0 =	sne.s32 s2, $0x0  }
0x52: {  	s3 =	rddreg [dreg:$0x2];
	[bflag:$0x3] =	sbarrier.arrive $0xFFFF;
	s2 =	simm.s32 @!p0 $0x1C01  }
0x53: {  	[timem:s3], [sflag:s2] =	dma.local @!p0 [hbm:s0], s1  }
0x54: {  	s0 =	simm.s32 @!p0 $0x1  }
0x55: {  	_ =	swait.ge @!p0 [sflag:s0], s1  }
0x56: {  	s1 =	ssub.s32 @!p0 $0x0, s1;
	[sflag:s0] =	ssyncset.done @!p0 $0x0  }
0x57: {  	[sflag:s0] =	ssyncadd.s32 @!p0 s1  }
0x58: {  	[bflag:$0x3] =	sbarrier.arrive $0xFFFF  }
0x59: {  	_ =	shalt  }

// kernel: kernel.13.cloned.1.call-start
scs
__scs_entry_jumppad:
0x0: {  	(pc) =	sbr.rel $0x88, $3  }
0x1: {  	(tag) =	ssettag $0x0;
	lr =	simm.s32 $0x1  }
0x2: {  	[smem:$0x3F99] =	sst lr;
	_ =	strace $0xD0000000  }
0x3: {  	_ = 	snop  }
0x4: {  	_ = 	snop  }
0x5: {  	_ = 	snop  }
0x6: {  	_ = 	snop  }
0x7: {  	_ = 	snop  }
__scs_overlays_trampoline_lowered:
0x8: {  	[smem:$0x3FA8] =	sst s0  }
0x9: {  	[smem:$0x3FA9] =	sst s1  }
0xa: {  	[smem:$0x3FAA] =	sst s2  }
0xb: {  	[smem:$0x3FAB] =	sst s3  }
0xc: {  	[smem:$0x3FAC] =	sst s4  }
0xd: {  	[smem:$0x3FAD] =	sst s5  }
0xe: {  	[smem:$0x3FAE] =	sst s6  }
0xf: {  	[smem:$0x3FAF] =	sst s7  }
0x10: {  	[smem:$0x3FB0] =	sst s8  }
0x11: {  	[smem:$0x3FB1] =	sst s9;
	s0 =	simm.s32 @!p0 $0x0  }
0x12: {  	s1 =	sld [smem:$0x3F97];
	s0 =	simm.s32 @p0 $0x1  }
0x13: {  	[smem:$0x3FB2] =	sst s0;
	s0 =	simm.s32 @!p1 $0x0  }
0x14: {  	s2 =	sld [smem:$0x3F96];
	s0 =	simm.s32 @p1 $0x1  }
0x15: {  	[smem:$0x3FB3] =	sst s0;
	s0 =	simm.s32 @!p2 $0x0  }
0x16: {  	s3 =	sld [smem:$0x3FDB];
	s0 =	simm.s32 @p2 $0x1  }
0x17: {  	s4 =	simm.s32 $0x1BF5;
	[smem:$0x3FB5] =	sst s0  }
0x18: {  	s0 =	sld [smem:$0x3F98];
	_ =	swait.ge [sflag:s4], $0x0  }
0x19: {  	s7 =	sld [smem:$0x3F99]  }
0x1a: {  	s8 =	sadd.s32 $0xFFFFE003, lr  }
0x1b: {  	s9 =	sadd.s32 $0xFFFFFEF7, lr;
	s5 =	simm.s32 $0xFFFFFFFF;
	p2 =	slt.u32 s8, $0xFFFFF086  }
0x1c: {  	p1 =	slt.u32 s9, $0xF7A;
	s5 =	simm.s32 @!p2 $0x0  }
0x1d: {  	s5 =	simm.s32 @p1 $0x1;
	p0 =	seq.s32 s7, s2  }
0x1e: {  	s7 =	smul.u32 @!p0 $0xF7A, s2;
	p2 =	seq.s32 @!p0 s5, $0x0  }
0x1f: {  	s9 =	smul.u32 $0xF7A, s1;
	s8 =	simm.s32 @!p0 $0x1BF5;
	p2 =	por !p2, p0  }
0x20: {  	[sflag:s8] =	ssyncset.s32 @!p0 $0xFFFFF086;
	s6 =	sadd.s32 @!p0 s3, s7;
	s7 =	simm.s32 @!p0 $0x108  }
0x21: {  	s3 =	sadd.s32 s3, s9;
	s6 =	sadd.s32 @!p0 $0x88, s6;
	s7 =	simm.s32 @p2 $0x1082  }
0x22: {  	[simem:s7], [sflag:s8] =	dma.local @!p0 [hbm:s6], $0xF7A  }
0x23: {  	s9 =	sor.u32 $0xD0000000, s2;
	s6 =	simm.s32 $0x108;
	_ =	swait.ge @!p0 [sflag:s8], $0x0  }
0x24: {  	s3 =	sadd.s32 $0x88, s3;
	s6 =	simm.s32 @!p1 $0x1082;
	[sflag:s4] =	ssyncset.s32 $0xFFFFF086  }
0x25: {  	[simem:s6], [sflag:s4] =	dma.local [hbm:s3], $0xF7A  }
0x26: {  	[smem:$0x3F99] =	sst s1;
	(tag) =	ssettag s2;
	_ =	strace s9  }
0x27: {  	s1 =	sld [smem:$0x3FA9]  }
0x28: {  	s2 =	sld [smem:$0x3FAA]  }
0x29: {  	s4 =	sld [smem:$0x3FAC]  }
0x2a: {  	p0 =	seq.s32 s5, $0x0;
	s5 =	sld [smem:$0x3FAD]  }
0x2b: {  	s6 =	sld [smem:$0x3FAE]  }
0x2c: {  	s7 =	sld [smem:$0x3FAF]  }
0x2d: {  	s3 =	simm.s32 $0x108;
	s8 =	sld [smem:$0x3FB0]  }
0x2e: {  	s3 =	simm.s32 @!p0 $0x1082;
	s9 =	sld [smem:$0x3FB1]  }
0x2f: {  	lr =	sadd.s32 s0, s3;
	s0 =	sld [smem:$0x3FA8]  }
0x30: {  	s3 =	sld [smem:$0x3FAB]  }
0x31: {  	[smem:$0x3FB4] =	sst s10  }
0x32: {  	s10 =	sld [smem:$0x3FB2];
	_ =	sdelay $0x3  }
0x33: {  	p0 =	seq.s32 s10, $0x1;
	s10 =	sld [smem:$0x3FB4];
	_ =	sdelay $0x3  }
0x34: {  	[smem:$0x3FB4] =	sst s10  }
0x35: {  	s10 =	sld [smem:$0x3FB3];
	_ =	sdelay $0x3  }
0x36: {  	p1 =	seq.s32 s10, $0x1;
	s10 =	sld [smem:$0x3FB4];
	_ =	sdelay $0x3  }
0x37: {  	[smem:$0x3FB4] =	sst s10  }
0x38: {  	s10 =	sld [smem:$0x3FB5]  }
0x39: {  	_ = 	snop;
	(pc) =	sbr.ind lr, $3  }
0x3a: {  	_ = 	snop  }
0x3b: {  	_ = 	snop  }
0x3c: {  	p2 =	seq.s32 s10, $0x1;
	s10 =	sld [smem:$0x3FB4]  }
0x3d: {  	_ =	shalt  }
0x3e: {  	_ =	shalt  }
0x3f: {  	_ =	shalt  }
0x40: {  	_ =	shalt  }
0x41: {  	_ =	shalt  }
0x42: {  	_ =	shalt  }
0x43: {  	_ =	shalt  }
0x44: {  	_ =	shalt  }
0x45: {  	_ =	shalt  }
0x46: {  	_ =	shalt  }
0x47: {  	_ =	shalt  }
0x48: {  	_ =	shalt  }
0x49: {  	_ =	shalt  }
0x4a: {  	_ =	shalt  }
0x4b: {  	_ =	shalt  }
0x4c: {  	_ =	shalt  }
0x4d: {  	_ =	shalt  }
0x4e: {  	_ =	shalt  }
0x4f: {  	_ =	shalt  }
0x50: {  	_ =	shalt  }
0x51: {  	_ =	shalt  }
0x52: {  	_ =	shalt  }
0x53: {  	_ =	shalt  }
0x54: {  	_ =	shalt  }
0x55: {  	_ =	shalt  }
0x56: {  	_ =	shalt  }
0x57: {  	_ =	shalt  }
0x58: {  	_ =	shalt  }
0x59: {  	_ =	shalt  }
0x5a: {  	_ =	shalt  }
0x5b: {  	_ =	shalt  }
0x5c: {  	_ =	shalt  }
0x5d: {  	_ =	shalt  }
0x5e: {  	_ =	shalt  }
0x5f: {  	_ =	shalt  }
0x60: {  	_ =	shalt  }
0x61: {  	_ =	shalt  }
0x62: {  	_ =	shalt  }
0x63: {  	_ =	shalt  }
0x64: {  	_ =	shalt  }
0x65: {  	_ =	shalt  }
0x66: {  	_ =	shalt  }
0x67: {  	_ =	shalt  }
0x68: {  	_ =	shalt  }
0x69: {  	_ =	shalt  }
0x6a: {  	_ =	shalt  }
0x6b: {  	_ =	shalt  }
0x6c: {  	_ =	shalt  }
0x6d: {  	_ =	shalt  }
0x6e: {  	_ =	shalt  }
0x6f: {  	_ =	shalt  }
0x70: {  	_ =	shalt  }
0x71: {  	_ =	shalt  }
0x72: {  	_ =	shalt  }
0x73: {  	_ =	shalt  }
0x74: {  	_ =	shalt  }
0x75: {  	_ =	shalt  }
0x76: {  	_ =	shalt  }
0x77: {  	_ =	shalt  }
0x78: {  	_ =	shalt  }
0x79: {  	_ =	shalt  }
0x7a: {  	_ =	shalt  }
0x7b: {  	_ =	shalt  }
0x7c: {  	_ =	shalt  }
0x7d: {  	_ =	shalt  }
0x7e: {  	_ =	shalt  }
0x7f: {  	_ =	shalt  }
0x80: {  	_ =	shalt  }
0x81: {  	_ =	shalt  }
0x82: {  	_ =	shalt  }
0x83: {  	_ =	shalt  }
0x84: {  	_ =	shalt  }
0x85: {  	_ =	shalt  }
0x86: {  	_ =	shalt  }
0x87: {  	_ =	shalt  }
.Lfunc_end0:
.L_simem_size_0:
called_computation.1_lowered:
.L_overlay_start_0:
0x88: {  	s2 =	sld [smem:$0x3FD9]  }
0x89: {  	s3 =	sld [smem:$0x3FFE];
	_ =	sdelay $0x1  }
0x8a: {  	s1 =	srdreg.scid  }
0x8b: {  	s0 =	sand.u32 $0x1, s1  }
0x8c: {  	s17 =	sshll.u32 s0, $0xA;
	s2 =	sadd.s32 s3, s2  }
0x8d: {  	s2 =	sadd.s32 s2, s17  }
0x8e: {  	[smem:$0x3FC0] =	sst s2  }
0x8f: {  	_ = 	snop  }
0x90: {  	s2 =	sld [smem:$0x3FD0];
	(tm) =	ssettm $0x1  }
0x91: {  	s18 =	sld [smem:$0x3FFB];
	_ =	sdelay $0x3  }
0x92: {  	_ =	strace s18  }
0x93: {  	s3 =	sld [smem:$0x3FFC];
	_ =	sdelay $0x3  }
0x94: {  	_ =	strace s3  }
0x95: {  	s3 =	sld [smem:$0x3FFD];
	_ =	sdelay $0x3  }
0x96: {  	_ =	strace s3  }
0x97: {  	_ =	strace $0x8FFFFFFF  }
0x98: {  	s19 =	sld [smem:$0x3FDB];
	_ =	sdelay $0x1  }
0x99: {  	s4 =	simm.s32 $_scs_section_size  }
0x9a: {  	s5 =	simm.s32 $_size__tile_overlayer_lowered;
	s6 =	simm.s32 $_tile_overlayer_lowered  }
0x9b: {  	s22 =	simm.s32 $0x1BFF;
	s21 =	sshll.u32 s6, $0x1;
	s3 =	sadd.s32 s4, s19  }
0x9c: {  	s7 =	simm.s32 $0x0;
	s20 =	sshll.u32 s5, $0x1;
	s5 =	sadd.s32 s21, s3  }
0x9d: {  	[timem:s7], [sflag:s22] =	dma.local [hbm:s5], s20  }
0x9e: {  	_ =	swait.ge [sflag:s22], s20  }
0x9f: {  	s4 =	ssub.s32 $0x0, s20;
	[sflag:s22] =	ssyncset.done $0x0  }
0xa0: {  	[sflag:s22] =	ssyncadd.s32 s4;
	_ =	sdelay $0x1  }
0xa1: {  	s23 =	simm.s32 $0x1B8B  }
0xa2: {  	_ =	swait.ge [sflag:s23], $0x1  }
0xa3: {  	[sflag:s23] =	ssyncset.done $0x0  }
0xa4: {  	s25 =	simm.s32 $0x1B8E;
	s24 =	sld [smem:$0x3FFE];
	[sflag:s23] =	ssyncadd.s32 $0xFFFFFFFF  }
0xa5: {  	s26 =	simm.s32 $execute0_lowered;
	[smem:$0x3FD2] =	sst s25  }
0xa6: {  	s5 =	sshll.u32 s26, $0x1;
	_ =	strace $0x80000049;
	[dreg:$0x1] =	wrdreg $0xFFFFFFFF  }
0xa7: {  	s28 =	simm.s32 $_size_execute0_lowered;
	s3 =	sadd.s32 s3, s5;
	[dreg:$0x0] =	wrdreg $0x0  }
0xa8: {  	s5 =	sshll.u32 s28, $0x1;
	[dreg:$0x2] =	wrdreg s3  }
0xa9: {  	[dreg:$0x3] =	wrdreg s5  }
0xaa: {  	[dreg:$0x4] =	wrdreg $0xC0  }
0xab: {  	_ =	task [dreg:s7], $0x5FFFF  }
0xac: {  	[dreg:$0x1] =	wrdreg $0xFFFFFFFF  }
0xad: {  	[dreg:$0x0] =	wrdreg $0x60  }
0xae: {  	[dreg:$0x2] =	wrdreg s2  }
0xaf: {  	[dreg:$0x3] =	wrdreg s24  }
0xb0: {  	[dreg:$0x4] =	wrdreg $0x98000  }
0xb1: {  	[dreg:$0x5] =	wrdreg $0x9  }
0xb2: {  	_ =	task.clear_ibuf [dreg:s7], $0x6FFFF;
	_ =	strace $0x90000049  }
0xb3: {  	s29 =	simm.s32 $0x9;
	_ =	strace $0x8000004B  }
0xb4: {  	_ =	swait.ge [sflag:s29], $0x1  }
0xb5: {  	[sflag:s29] =	ssyncadd.s32 $0xFFFFFFFF  }
0xb6: {  	_ =	strace $0x9000004B  }
0xb7: {  	_ =	sfence  }
0xb8: {  	s30 =	sld [smem:$0x0];
	_ =	sdelay $0x2  }
0xb9: {  	s31 =	sshll.u32 s1, $0xD;
	s1 =	sshrl.u32 s1, $0x2  }
0xba: {  	s3 =	sand.u32 $0x4000, s31;
	s1 =	sadd.s32 s1, s30  }
0xbb: {  	s0 =	sor.u32 s3, s0;
	s1 =	sshll.u32 s1, $0x11  }
0xbc: {  	s0 =	sor.u32 s1, s0  }
0xbd: {  	s0 =	sadd.s32 $0x8F2B, s0  }
0xbe: {  	[sflag:s0] =	ssyncadd.remote.s32 $0x1  }
0xbf: {  	_ =	sfence.sel $0xFFFF  }
0xc0: {  	[dreg:$0x0] =	wrdreg $0xFFFFFFFF;
	(pc) =	sbr.abs _section_cstart, $3  }
0xc1: {  	[dreg:$0x1] =	wrdreg $0xFFFFFFFF  }
0xc2: {  	_ =	task.clear_ibuf [dreg:s7], $0x2FFFF;
	_ =	strace $0x9FFFFFFF  }
0xc3: {  	(tm) =	ssettm $0x7FFFFFFF  }
tec
execute0_lowered:
.L_overlay_start_1:
0x0: {  	(tag) =	ssettag $0x1  }
0x1: {  	s0 =	rddreg [dreg:$0x0]  }
0x2: {  	s1 =	rddreg [dreg:$0x1]  }
0x3: {  	s2 =	rddreg [dreg:$0x2]  }
0x4: {  	s10 =	stileid.u32;
	s4 =	srdreg.scid;
	s3 =	simm.s32 $0x0  }
0x5: {  	s17 =	simm.s32 $0x100;
	s18 =	simm.s32 $0xC80;
	[smem:$0x7FF] =	sst s3  }
0x6: {  	s19 =	simm.s32 $0x180;
	_ =	strace $0x8000004A;
	[dreg:$0x6] =	wrdreg s17  }
0x7: {  	s21 =	simm.s32 $0xD00;
	s22 =	simm.s32 $0x200;
	[dreg:$0x7] =	wrdreg s18  }
0x8: {  	s24 =	simm.s32 $0xD80;
	s25 =	simm.s32 $0x280;
	[dreg:$0x8] =	wrdreg s19  }
0x9: {  	s26 =	simm.s32 $0xE00;
	s11 =	simm.s32 $0x300;
	[dreg:$0x9] =	wrdreg s21  }
0xa: {  	s12 =	simm.s32 $0xE80;
	s14 =	simm.s32 $0x380;
	[dreg:$0xa] =	wrdreg s22  }
0xb: {  	s28 =	simm.s32 $0x1280;
	s29 =	simm.s32 $0x780;
	[dreg:$0xb] =	wrdreg s24  }
0xc: {  	s30 =	simm.s32 $0x1300;
	s5 =	smul.u32 $0x600, s10;
	[dreg:$0xc] =	wrdreg s25  }
0xd: {  	s31 =	simm.s32 $0x800;
	s8 =	smul.u32 $0x50000, s10;
	[dreg:$0xd] =	wrdreg s26  }
0xe: {  	s4 =	sand.u32 $0x1, s4;
	s20 =	smul.u32 $0x4E000, s10;
	[dreg:$0xe] =	wrdreg s11  }
0xf: {  	p0 =	seq.s32 s10, $0xF;
	s6 =	smul.u32 $0x27100, s4;
	[dreg:$0xf] =	wrdreg s12  }
0x10: {  	s4 =	ssub.s32 $0x2, s4;
	[dreg:$0x10] =	wrdreg s14;
	s18 =	simm.s32 $0x400  }
0x11: {  	s12 =	simm.s32 $0x1800;
	s21 =	simm.s32 $0x480;
	s22 =	simm.s32 $0x1000  }
0x12: {  	s14 =	simm.s32 $0xC00;
	s24 =	simm.s32 $0x1080;
	[dreg:$0x12] =	wrdreg s18  }
0x13: {  	s25 =	simm.s32 $0x580;
	s26 =	simm.s32 $0x1100;
	[dreg:$0x14] =	wrdreg s21  }
0x14: {  	s11 =	simm.s32 $0x1500;
	s5 =	sadd.s32 s5, s1;
	[dreg:$0x15] =	wrdreg s22  }
0x15: {  	s7 =	sshrl.u32 s4, $0x1;
	s16 =	sshrl.u32 s8, $0x2;
	[dreg:$0x17] =	wrdreg s24  }
0x16: {  	s23 =	sshrl.u32 s20, $0x2;
	s20 =	simm.s32 $0xF80;
	[dreg:$0x18] =	wrdreg s25  }
0x17: {  	s18 =	simm.s32 $0x2;
	[dreg:$0x19] =	wrdreg s26;
	s21 =	simm.s32 $0x680  }
0x18: {  	s22 =	simm.s32 $0x1200;
	s26 =	simm.s32 $0x700;
	s24 =	simm.s32 $0x0  }
0x19: {  	s1 =	sadd.s32 s6, s1;
	s9 =	sadd.s32 $0x57200, s5;
	s4 =	ssub.s32 s4, s7  }
0x1a: {  	s5 =	sadd.s32 $0x51200, s5;
	s8 =	sadd.s32 s16, s2;
	[dreg:$0x13] =	wrdreg s20  }
0x1b: {  	s7 =	sadd.s32 $0x124800, s2;
	s16 =	simm.s32 $0xF00;
	[dreg:$0x4] =	wrdreg s9  }
0x1c: {  	s20 =	simm.s32 $0x1180;
	[dreg:$0x5] =	wrdreg s5;
	s5 =	sadd.s32 s0, s6  }
0x1d: {  	s9 =	sadd.s32 $0x5D200, s1;
	s1 =	sadd.s32 s23, s2;
	[dreg:$0x11] =	wrdreg s16  }
0x1e: {  	s6 =	smul.u32 $0x2700, s10;
	s4 =	smax.u32 s4, $0x1;
	[dreg:$0x1a] =	wrdreg s8  }
0x1f: {  	s13 =	sadd.s32 $0x4000, s8;
	s15 =	sadd.s32 $0x8000, s8;
	[dreg:$0x1c] =	wrdreg s4  }
0x20: {  	s17 =	sadd.s32 $0xC000, s8;
	s19 =	sadd.s32 $0x10000, s8;
	[dreg:$0x1d] =	wrdreg s13  }
0x21: {  	s23 =	simm.s32 $0x500;
	s16 =	simm.s32 $0x5800;
	[dreg:$0x1e] =	wrdreg s15  }
0x22: {  	s0 =	sshrl.u32 @p0 s7, $0x3;
	s7 =	simm.s32 $0x1400;
	[dreg:$0x1f] =	wrdreg s17  }
0x23: {  	s8 =	simm.s32 $0x900;
	s10 =	simm.s32 $0x980;
	[smem:$0x7FA] =	sst s19  }
0x24: {  	s13 =	simm.s32 $0x3;
	s15 =	simm.s32 $0x80;
	[dreg:$0x16] =	wrdreg s23  }
0x25: {  	s17 =	simm.s32 $0x1;
	s19 =	simm.s32 $0x600;
	[smem:$0x7FB] =	sst s0  }
0x26: {  	[dreg:$0x1b] =	wrdreg s9;
	s0 =	sadd.s32 @!p0 s6, s9;
	s9 =	simm.s32 $0x1480  }
0x27: {  	s6 =	simm.s32 $0x1580;
	[smem:$0x7FC] =	sst s0;
	s0 =	sshrl.u32 @!p0 s1, $0x3  }
0x28: {  	v0 =	vimm.f32 $0.0e+00;
	s1 =	simm.s32 $0x880;
	[smem:$0x7FD] =	sst s0;
	s0 =	simm.s32 $0x1380  }
.LBB2_1:
0x29: {  	[smem:$0x7F9] =	sst s24;
	s24 =	simm.s32 $0x0;
	s25 =	simm.s32 $0x200  }
.LBB2_2:
0x2a: {  	p1 =	sne.s32 s25, $0xFE00;
	[tilespmem:s24+$0x1870] =	vst v0  }
0x2b: {  	[tilespmem:s24+$0x1800] =	vst v0  }
0x2c: {  	[tilespmem:s24+$0x1810] =	vst v0  }
.Ltmp0:
0x2d: {  	[tilespmem:s24+$0x1820] =	vst v0;
	(pc) =	sbr.rel @p1 .LBB2_2-.Ltmp0, $4  }
0x2e: {  	[tilespmem:s24+$0x1830] =	vst v0  }
0x2f: {  	[tilespmem:s24+$0x1840] =	vst v0  }
0x30: {  	[tilespmem:s24+$0x1850] =	vst v0  }
0x31: {  	[tilespmem:s24+$0x1860] =	vst v0;
	s24 =	sshra.s32 s25, $0x2;
	s25 =	sadd.s32 $0x200, s25  }
0x32: {  	[tilespmem:s24+$0x1870] =	vst v0  }
0x33: {  	[tilespmem:s24+$0x1800] =	vst v0  }
0x34: {  	[tilespmem:s24+$0x1810] =	vst v0  }
0x35: {  	[tilespmem:s24+$0x1820] =	vst v0  }
0x36: {  	[tilespmem:s24+$0x1830] =	vst v0  }
0x37: {  	[tilespmem:s24+$0x1840] =	vst v0  }
0x38: {  	[tilespmem:s24+$0x1850] =	vst v0  }
0x39: {  	[tilespmem:s24+$0x1860] =	vst v0;
	s24 =	simm.s32 $0x0;
	s25 =	simm.s32 $0x200  }
.LBB2_4:
0x3a: {  	p1 =	sne.s32 s25, $0xFE00;
	[tilespmem:s24+$0x5870] =	vst v0  }
0x3b: {  	[tilespmem:s24+$0x5800] =	vst v0  }
0x3c: {  	[tilespmem:s24+$0x5810] =	vst v0  }
.Ltmp1:
0x3d: {  	[tilespmem:s24+$0x5820] =	vst v0;
	(pc) =	sbr.rel @p1 .LBB2_4-.Ltmp1, $4  }
0x3e: {  	[tilespmem:s24+$0x5830] =	vst v0  }
0x3f: {  	[tilespmem:s24+$0x5840] =	vst v0  }
0x40: {  	[tilespmem:s24+$0x5850] =	vst v0  }
0x41: {  	[tilespmem:s24+$0x5860] =	vst v0;
	s24 =	sshra.s32 s25, $0x2;
	s25 =	sadd.s32 $0x200, s25  }
0x42: {  	[tilespmem:s24+$0x5870] =	vst v0  }
0x43: {  	[tilespmem:s24+$0x5800] =	vst v0  }
0x44: {  	[tilespmem:s24+$0x5810] =	vst v0  }
0x45: {  	[tilespmem:s24+$0x5820] =	vst v0  }
0x46: {  	[tilespmem:s24+$0x5830] =	vst v0  }
0x47: {  	[tilespmem:s24+$0x5840] =	vst v0  }
0x48: {  	[tilespmem:s24+$0x5850] =	vst v0  }
0x49: {  	[tilespmem:s24+$0x5860] =	vst v0;
	s4 =	rddreg [dreg:$0x1a]  }
0x4a: {  	[spmem:s4] =	stream.linear.scatter [tilespmem:s12], [sflag:$0x3], $0x4000, $0x38;
	[tilespmem:$0x1D800] =	vst v63  }
0x4b: {  	_ =	swait.ge [sflag:s13], $0x4000  }
0x4c: {  	[sflag:s13] =	ssyncset.done $0x0  }
0x4d: {  	s24 =	rddreg [dreg:$0x1d];
	[sflag:s13] =	ssyncadd.s32 $0xFFFFC000  }
0x4e: {  	[spmem:s24] =	stream.linear.scatter [tilespmem:s12], [sflag:$0x3], $0x4000, $0x38;
	[tilespmem:$0x1D800] =	vst v63  }
0x4f: {  	_ =	swait.ge [sflag:s13], $0x4000  }
0x50: {  	[sflag:s13] =	ssyncset.done $0x0  }
0x51: {  	s25 =	rddreg [dreg:$0x1e];
	[sflag:s13] =	ssyncadd.s32 $0xFFFFC000  }
0x52: {  	[spmem:s25] =	stream.linear.scatter [tilespmem:s12], [sflag:$0x3], $0x4000, $0x38;
	[tilespmem:$0x1D800] =	vst v63  }
0x53: {  	_ =	swait.ge [sflag:s13], $0x4000  }
0x54: {  	[sflag:s13] =	ssyncset.done $0x0  }
0x55: {  	s23 =	rddreg [dreg:$0x1f];
	[sflag:s13] =	ssyncadd.s32 $0xFFFFC000  }
0x56: {  	[spmem:s23] =	stream.linear.scatter [tilespmem:s12], [sflag:$0x3], $0x4000, $0x38;
	[tilespmem:$0x1D800] =	vst v63  }
0x57: {  	_ =	swait.ge [sflag:s13], $0x4000  }
0x58: {  	s24 =	sld [smem:$0x7FA]  }
0x59: {  	[sflag:s13] =	ssyncset.done $0x0  }
0x5a: {  	[sflag:s13] =	ssyncadd.s32 $0xFFFFC000  }
0x5b: {  	[spmem:s24] =	stream.linear.scatter [tilespmem:s12], [sflag:$0x3], $0x4000, $0x38;
	[tilespmem:$0x1D800] =	vst v63  }
0x5c: {  	_ =	swait.ge [sflag:s13], $0x4000  }
0x5d: {  	[sflag:s13] =	ssyncset.done $0x0  }
0x5e: {  	[sflag:s13] =	ssyncadd.s32 $0xFFFFC000  }
0x5f: {  	[bflag:$0x0] =	sbarrier.arrive $0xFFFF  }
0x60: {  	s25 =	rddreg [dreg:$0x4]  }
0x61: {  	s4 =	sadd.s32 $0x0, s25  }
0x62: {  	[tilespmem:s3], [sflag:$0x3] =	stream.linear.gather [hbm4b:s4+s3], $0xA00, $0x38;
	[tilespmem:$0x1D800] =	vst v63  }
0x63: {  	_ =	swait.ge [sflag:s13], $0xA00  }
0x64: {  	s23 =	rddreg [dreg:$0x5];
	[sflag:s13] =	ssyncset.done $0x0  }
0x65: {  	[sflag:s13] =	ssyncadd.s32 $0xFFFFF600;
	s4 =	sadd.s32 $0x0, s23  }
0x66: {  	[tilespmem:s14], [sflag:$0x3] =	stream.linear.gather [hbm4b:s4+s3], $0xA00, $0x38;
	[tilespmem:$0x1D800] =	vst v63  }
0x67: {  	_ =	swait.ge [sflag:s13], $0xA00  }
0x68: {  	[sflag:s13] =	ssyncset.done $0x0  }
0x69: {  	[sflag:s13] =	ssyncadd.s32 $0xFFFFF600  }
0x6a: {  	[tilespmem:s12], [sflag:$0x1] =	stream.indirect.gather [hbm4b:s5+s15], $0x80, s3, s15, $0xb8;
	[tilespmem:$0x1D800] =	vst v63  }
0x6b: {  	_ = 	snop  }
0x6c: {  	[tilespmem:s16], [sflag:$0x2] =	stream.indirect.gather [hbm4b:s5+s15], $0x80, s15, s15, $0xb8;
	[tilespmem:$0x1D800] =	vst v63  }
0x6d: {  	_ =	swait.ge [sflag:s17], $0x4000  }
0x6e: {  	[sflag:s17] =	ssyncset.done $0x0  }
0x6f: {  	[sflag:s17] =	ssyncadd.s32 $0xFFFFC000  }
0x70: {  	[spmem:s2] =	stream.indirect.scatter.add.f32 [tilespmem:s12], [sflag:$0x3], $0x80, s14, s15, $0xb8;
	[tilespmem:$0x1D800] =	vst v63  }
0x71: {  	_ =	swait.ge [sflag:s13], $0x4000  }
0x72: {  	[sflag:s13] =	ssyncset.done $0x0  }
0x73: {  	s24 =	rddreg [dreg:$0x6];
	[sflag:s13] =	ssyncadd.s32 $0xFFFFC000  }
0x74: {  	[tilespmem:s12], [sflag:$0x1] =	stream.indirect.gather [hbm4b:s5+s15], $0x80, s24, s15, $0xb8;
	[tilespmem:$0x1D800] =	vst v63  }
0x75: {  	_ =	swait.ge [sflag:s18], $0x4000  }
0x76: {  	[sflag:s18] =	ssyncset.done $0x0  }
0x77: {  	s25 =	rddreg [dreg:$0x7];
	[sflag:s18] =	ssyncadd.s32 $0xFFFFC000  }
0x78: {  	[spmem:s2] =	stream.indirect.scatter.add.f32 [tilespmem:s16], [sflag:$0x3], $0x80, s25, s15, $0xb8;
	[tilespmem:$0x1D800] =	vst v63  }
0x79: {  	_ =	swait.ge [sflag:s13], $0x4000  }
0x7a: {  	[sflag:s13] =	ssyncset.done $0x0  }
0x7b: {  	s23 =	rddreg [dreg:$0x8];
	[sflag:s13] =	ssyncadd.s32 $0xFFFFC000  }
0x7c: {  	[tilespmem:s16], [sflag:$0x2] =	stream.indirect.gather [hbm4b:s5+s15], $0x80, s23, s15, $0xb8;
	[tilespmem:$0x1D800] =	vst v63  }
0x7d: {  	_ =	swait.ge [sflag:s17], $0x4000  }
0x7e: {  	[sflag:s17] =	ssyncset.done $0x0  }
0x7f: {  	s24 =	rddreg [dreg:$0x9];
	[sflag:s17] =	ssyncadd.s32 $0xFFFFC000  }
0x80: {  	[spmem:s2] =	stream.indirect.scatter.add.f32 [tilespmem:s12], [sflag:$0x3], $0x80, s24, s15, $0xb8;
	[tilespmem:$0x1D800] =	vst v63  }
0x81: {  	_ =	swait.ge [sflag:s13], $0x4000  }
0x82: {  	[sflag:s13] =	ssyncset.done $0x0  }
0x83: {  	s25 =	rddreg [dreg:$0xa];
	[sflag:s13] =	ssyncadd.s32 $0xFFFFC000  }
0x84: {  	[tilespmem:s12], [sflag:$0x1] =	stream.indirect.gather [hbm4b:s5+s15], $0x80, s25, s15, $0xb8;
	[tilespmem:$0x1D800] =	vst v63  }
0x85: {  	_ =	swait.ge [sflag:s18], $0x4000  }
0x86: {  	[sflag:s18] =	ssyncset.done $0x0  }
0x87: {  	s23 =	rddreg [dreg:$0xb];
	[sflag:s18] =	ssyncadd.s32 $0xFFFFC000  }
0x88: {  	[spmem:s2] =	stream.indirect.scatter.add.f32 [tilespmem:s16], [sflag:$0x3], $0x80, s23, s15, $0xb8;
	[tilespmem:$0x1D800] =	vst v63  }
0x89: {  	_ =	swait.ge [sflag:s13], $0x4000  }
0x8a: {  	[sflag:s13] =	ssyncset.done $0x0  }
0x8b: {  	s24 =	rddreg [dreg:$0xc];
	[sflag:s13] =	ssyncadd.s32 $0xFFFFC000  }
0x8c: {  	[tilespmem:s16], [sflag:$0x2] =	stream.indirect.gather [hbm4b:s5+s15], $0x80, s24, s15, $0xb8;
	[tilespmem:$0x1D800] =	vst v63  }
0x8d: {  	_ =	swait.ge [sflag:s17], $0x4000  }
0x8e: {  	[sflag:s17] =	ssyncset.done $0x0  }
0x8f: {  	s25 =	rddreg [dreg:$0xd];
	[sflag:s17] =	ssyncadd.s32 $0xFFFFC000  }
0x90: {  	[spmem:s2] =	stream.indirect.scatter.add.f32 [tilespmem:s12], [sflag:$0x3], $0x80, s25, s15, $0xb8;
	[tilespmem:$0x1D800] =	vst v63  }
0x91: {  	_ =	swait.ge [sflag:s13], $0x4000  }
0x92: {  	[sflag:s13] =	ssyncset.done $0x0  }
0x93: {  	s23 =	rddreg [dreg:$0xe];
	[sflag:s13] =	ssyncadd.s32 $0xFFFFC000  }
0x94: {  	[tilespmem:s12], [sflag:$0x1] =	stream.indirect.gather [hbm4b:s5+s15], $0x80, s23, s15, $0xb8;
	[tilespmem:$0x1D800] =	vst v63  }
0x95: {  	_ =	swait.ge [sflag:s18], $0x4000  }
0x96: {  	[sflag:s18] =	ssyncset.done $0x0  }
0x97: {  	s24 =	rddreg [dreg:$0xf];
	[sflag:s18] =	ssyncadd.s32 $0xFFFFC000  }
0x98: {  	[spmem:s2] =	stream.indirect.scatter.add.f32 [tilespmem:s16], [sflag:$0x3], $0x80, s24, s15, $0xb8;
	[tilespmem:$0x1D800] =	vst v63  }
0x99: {  	_ =	swait.ge [sflag:s13], $0x4000  }
0x9a: {  	[sflag:s13] =	ssyncset.done $0x0  }
0x9b: {  	s25 =	rddreg [dreg:$0x10];
	[sflag:s13] =	ssyncadd.s32 $0xFFFFC000  }
0x9c: {  	[tilespmem:s16], [sflag:$0x2] =	stream.indirect.gather [hbm4b:s5+s15], $0x80, s25, s15, $0xb8;
	[tilespmem:$0x1D800] =	vst v63  }
0x9d: {  	_ =	swait.ge [sflag:s17], $0x4000  }
0x9e: {  	[sflag:s17] =	ssyncset.done $0x0  }
0x9f: {  	s23 =	rddreg [dreg:$0x11];
	[sflag:s17] =	ssyncadd.s32 $0xFFFFC000  }
0xa0: {  	[spmem:s2] =	stream.indirect.scatter.add.f32 [tilespmem:s12], [sflag:$0x3], $0x80, s23, s15, $0xb8;
	[tilespmem:$0x1D800] =	vst v63  }
0xa1: {  	_ =	swait.ge [sflag:s13], $0x4000  }
0xa2: {  	[sflag:s13] =	ssyncset.done $0x0  }
0xa3: {  	s24 =	rddreg [dreg:$0x12];
	[sflag:s13] =	ssyncadd.s32 $0xFFFFC000  }
0xa4: {  	[tilespmem:s12], [sflag:$0x1] =	stream.indirect.gather [hbm4b:s5+s15], $0x80, s24, s15, $0xb8;
	[tilespmem:$0x1D800] =	vst v63  }
0xa5: {  	_ =	swait.ge [sflag:s18], $0x4000  }
0xa6: {  	[sflag:s18] =	ssyncset.done $0x0  }
0xa7: {  	s25 =	rddreg [dreg:$0x13];
	[sflag:s18] =	ssyncadd.s32 $0xFFFFC000  }
0xa8: {  	[spmem:s2] =	stream.indirect.scatter.add.f32 [tilespmem:s16], [sflag:$0x3], $0x80, s25, s15, $0xb8;
	[tilespmem:$0x1D800] =	vst v63  }
0xa9: {  	_ =	swait.ge [sflag:s13], $0x4000  }
0xaa: {  	[sflag:s13] =	ssyncset.done $0x0  }
0xab: {  	s23 =	rddreg [dreg:$0x14];
	[sflag:s13] =	ssyncadd.s32 $0xFFFFC000  }
0xac: {  	[tilespmem:s16], [sflag:$0x2] =	stream.indirect.gather [hbm4b:s5+s15], $0x80, s23, s15, $0xb8;
	[tilespmem:$0x1D800] =	vst v63  }
0xad: {  	_ =	swait.ge [sflag:s17], $0x4000  }
0xae: {  	[sflag:s17] =	ssyncset.done $0x0  }
0xaf: {  	s24 =	rddreg [dreg:$0x15];
	[sflag:s17] =	ssyncadd.s32 $0xFFFFC000  }
0xb0: {  	[spmem:s2] =	stream.indirect.scatter.add.f32 [tilespmem:s12], [sflag:$0x3], $0x80, s24, s15, $0xb8;
	[tilespmem:$0x1D800] =	vst v63  }
0xb1: {  	_ =	swait.ge [sflag:s13], $0x4000  }
0xb2: {  	[sflag:s13] =	ssyncset.done $0x0  }
0xb3: {  	s25 =	rddreg [dreg:$0x16];
	[sflag:s13] =	ssyncadd.s32 $0xFFFFC000  }
0xb4: {  	[tilespmem:s12], [sflag:$0x1] =	stream.indirect.gather [hbm4b:s5+s15], $0x80, s25, s15, $0xb8;
	[tilespmem:$0x1D800] =	vst v63  }
0xb5: {  	_ =	swait.ge [sflag:s18], $0x4000  }
0xb6: {  	[sflag:s18] =	ssyncset.done $0x0  }
0xb7: {  	s23 =	rddreg [dreg:$0x17];
	[sflag:s18] =	ssyncadd.s32 $0xFFFFC000  }
0xb8: {  	[spmem:s2] =	stream.indirect.scatter.add.f32 [tilespmem:s16], [sflag:$0x3], $0x80, s23, s15, $0xb8;
	[tilespmem:$0x1D800] =	vst v63  }
0xb9: {  	_ =	swait.ge [sflag:s13], $0x4000  }
0xba: {  	[sflag:s13] =	ssyncset.done $0x0  }
0xbb: {  	s24 =	rddreg [dreg:$0x18];
	[sflag:s13] =	ssyncadd.s32 $0xFFFFC000  }
0xbc: {  	[tilespmem:s16], [sflag:$0x2] =	stream.indirect.gather [hbm4b:s5+s15], $0x80, s24, s15, $0xb8;
	[tilespmem:$0x1D800] =	vst v63  }
0xbd: {  	_ =	swait.ge [sflag:s17], $0x4000  }
0xbe: {  	[sflag:s17] =	ssyncset.done $0x0  }
0xbf: {  	s25 =	rddreg [dreg:$0x19];
	[sflag:s17] =	ssyncadd.s32 $0xFFFFC000  }
0xc0: {  	[spmem:s2] =	stream.indirect.scatter.add.f32 [tilespmem:s12], [sflag:$0x3], $0x80, s25, s15, $0xb8;
	[tilespmem:$0x1D800] =	vst v63  }
0xc1: {  	_ =	swait.ge [sflag:s13], $0x4000  }
0xc2: {  	[sflag:s13] =	ssyncset.done $0x0  }
0xc3: {  	[sflag:s13] =	ssyncadd.s32 $0xFFFFC000  }
0xc4: {  	[tilespmem:s12], [sflag:$0x1] =	stream.indirect.gather [hbm4b:s5+s15], $0x80, s19, s15, $0xb8;
	[tilespmem:$0x1D800] =	vst v63  }
0xc5: {  	_ =	swait.ge [sflag:s18], $0x4000  }
0xc6: {  	[sflag:s18] =	ssyncset.done $0x0  }
0xc7: {  	[sflag:s18] =	ssyncadd.s32 $0xFFFFC000  }
0xc8: {  	[spmem:s2] =	stream.indirect.scatter.add.f32 [tilespmem:s16], [sflag:$0x3], $0x80, s20, s15, $0xb8;
	[tilespmem:$0x1D800] =	vst v63  }
0xc9: {  	_ =	swait.ge [sflag:s13], $0x4000  }
0xca: {  	[sflag:s13] =	ssyncset.done $0x0  }
0xcb: {  	[sflag:s13] =	ssyncadd.s32 $0xFFFFC000  }
0xcc: {  	[tilespmem:s16], [sflag:$0x2] =	stream.indirect.gather [hbm4b:s5+s15], $0x80, s21, s15, $0xb8;
	[tilespmem:$0x1D800] =	vst v63  }
0xcd: {  	_ =	swait.ge [sflag:s17], $0x4000  }
0xce: {  	[sflag:s17] =	ssyncset.done $0x0  }
0xcf: {  	[sflag:s17] =	ssyncadd.s32 $0xFFFFC000  }
0xd0: {  	[spmem:s2] =	stream.indirect.scatter.add.f32 [tilespmem:s12], [sflag:$0x3], $0x80, s22, s15, $0xb8;
	[tilespmem:$0x1D800] =	vst v63  }
0xd1: {  	_ =	swait.ge [sflag:s13], $0x4000  }
0xd2: {  	[sflag:s13] =	ssyncset.done $0x0  }
0xd3: {  	[sflag:s13] =	ssyncadd.s32 $0xFFFFC000  }
0xd4: {  	[tilespmem:s12], [sflag:$0x1] =	stream.indirect.gather [hbm4b:s5+s15], $0x80, s26, s15, $0xb8;
	[tilespmem:$0x1D800] =	vst v63  }
0xd5: {  	_ =	swait.ge [sflag:s18], $0x4000  }
0xd6: {  	[sflag:s18] =	ssyncset.done $0x0  }
0xd7: {  	[sflag:s18] =	ssyncadd.s32 $0xFFFFC000  }
0xd8: {  	[spmem:s2] =	stream.indirect.scatter.add.f32 [tilespmem:s16], [sflag:$0x3], $0x80, s28, s15, $0xb8;
	[tilespmem:$0x1D800] =	vst v63  }
0xd9: {  	_ =	swait.ge [sflag:s13], $0x4000  }
0xda: {  	[sflag:s13] =	ssyncset.done $0x0  }
0xdb: {  	[sflag:s13] =	ssyncadd.s32 $0xFFFFC000  }
0xdc: {  	[tilespmem:s16], [sflag:$0x2] =	stream.indirect.gather [hbm4b:s5+s15], $0x80, s29, s15, $0xb8;
	[tilespmem:$0x1D800] =	vst v63  }
0xdd: {  	_ =	swait.ge [sflag:s17], $0x4000  }
0xde: {  	[sflag:s17] =	ssyncset.done $0x0  }
0xdf: {  	[sflag:s17] =	ssyncadd.s32 $0xFFFFC000  }
0xe0: {  	[spmem:s2] =	stream.indirect.scatter.add.f32 [tilespmem:s12], [sflag:$0x3], $0x80, s30, s15, $0xb8;
	[tilespmem:$0x1D800] =	vst v63  }
0xe1: {  	_ =	swait.ge [sflag:s13], $0x4000  }
0xe2: {  	[sflag:s13] =	ssyncset.done $0x0  }
0xe3: {  	[sflag:s13] =	ssyncadd.s32 $0xFFFFC000  }
0xe4: {  	[tilespmem:s12], [sflag:$0x1] =	stream.indirect.gather [hbm4b:s5+s15], $0x80, s31, s15, $0xb8;
	[tilespmem:$0x1D800] =	vst v63  }
0xe5: {  	_ =	swait.ge [sflag:s18], $0x4000  }
0xe6: {  	[sflag:s18] =	ssyncset.done $0x0  }
0xe7: {  	[sflag:s18] =	ssyncadd.s32 $0xFFFFC000  }
0xe8: {  	[spmem:s2] =	stream.indirect.scatter.add.f32 [tilespmem:s16], [sflag:$0x3], $0x80, s0, s15, $0xb8;
	[tilespmem:$0x1D800] =	vst v63  }
0xe9: {  	_ =	swait.ge [sflag:s13], $0x4000  }
0xea: {  	[sflag:s13] =	ssyncset.done $0x0  }
0xeb: {  	[sflag:s13] =	ssyncadd.s32 $0xFFFFC000  }
0xec: {  	[tilespmem:s16], [sflag:$0x2] =	stream.indirect.gather [hbm4b:s5+s15], $0x80, s1, s15, $0xb8;
	[tilespmem:$0x1D800] =	vst v63  }
0xed: {  	_ =	swait.ge [sflag:s17], $0x4000  }
0xee: {  	[sflag:s17] =	ssyncset.done $0x0  }
0xef: {  	[sflag:s17] =	ssyncadd.s32 $0xFFFFC000  }
0xf0: {  	[spmem:s2] =	stream.indirect.scatter.add.f32 [tilespmem:s12], [sflag:$0x3], $0x80, s7, s15, $0xb8;
	[tilespmem:$0x1D800] =	vst v63  }
0xf1: {  	_ =	swait.ge [sflag:s13], $0x4000  }
0xf2: {  	[sflag:s13] =	ssyncset.done $0x0  }
0xf3: {  	[sflag:s13] =	ssyncadd.s32 $0xFFFFC000  }
0xf4: {  	[tilespmem:s12], [sflag:$0x1] =	stream.indirect.gather [hbm4b:s5+s15], $0x80, s8, s15, $0xb8;
	[tilespmem:$0x1D800] =	vst v63  }
0xf5: {  	_ =	swait.ge [sflag:s18], $0x4000  }
0xf6: {  	[sflag:s18] =	ssyncset.done $0x0  }
0xf7: {  	[sflag:s18] =	ssyncadd.s32 $0xFFFFC000  }
0xf8: {  	[spmem:s2] =	stream.indirect.scatter.add.f32 [tilespmem:s16], [sflag:$0x3], $0x80, s9, s15, $0xb8;
	[tilespmem:$0x1D800] =	vst v63  }
0xf9: {  	_ =	swait.ge [sflag:s13], $0x4000  }
0xfa: {  	[sflag:s13] =	ssyncset.done $0x0  }
0xfb: {  	[sflag:s13] =	ssyncadd.s32 $0xFFFFC000  }
0xfc: {  	[tilespmem:s16], [sflag:$0x2] =	stream.indirect.gather [hbm4b:s5+s15], $0x80, s10, s15, $0xb8;
	[tilespmem:$0x1D800] =	vst v63  }
0xfd: {  	_ =	swait.ge [sflag:s17], $0x4000  }
0xfe: {  	[sflag:s17] =	ssyncset.done $0x0  }
0xff: {  	[sflag:s17] =	ssyncadd.s32 $0xFFFFC000  }
0x100: {  	[spmem:s2] =	stream.indirect.scatter.add.f32 [tilespmem:s12], [sflag:$0x3], $0x80, s11, s15, $0xb8;
	[tilespmem:$0x1D800] =	vst v63  }
0x101: {  	_ =	swait.ge [sflag:s13], $0x4000  }
0x102: {  	[sflag:s13] =	ssyncset.done $0x0  }
0x103: {  	[sflag:s13] =	ssyncadd.s32 $0xFFFFC000  }
0x104: {  	_ =	swait.ge [sflag:s18], $0x4000  }
0x105: {  	[sflag:s18] =	ssyncset.done $0x0  }
0x106: {  	[sflag:s18] =	ssyncadd.s32 $0xFFFFC000  }
0x107: {  	[spmem:s2] =	stream.indirect.scatter.add.f32 [tilespmem:s16], [sflag:$0x3], $0x80, s6, s15, $0xb8;
	[tilespmem:$0x1D800] =	vst v63  }
0x108: {  	s24 =	simm.s32 $0x180;
	_ =	swait.ge [sflag:s13], $0x4000  }
0x109: {  	s25 =	simm.s32 $0x300;
	s4 =	rddreg [dreg:$0x4];
	[sflag:s13] =	ssyncset.done $0x0  }
.LBB2_6:
0x10a: {  	[sflag:s13] =	ssyncadd.s32 $0xFFFFC000;
	s4 =	sadd.s32 s24, s4  }
0x10b: {  	[tilespmem:s3], [sflag:$0x3] =	stream.linear.gather [hbm4b:s4+s3], $0xA00, $0x38;
	[tilespmem:$0x1D800] =	vst v63  }
0x10c: {  	_ =	swait.ge [sflag:s13], $0xA00  }
0x10d: {  	s4 =	rddreg [dreg:$0x5];
	[sflag:s13] =	ssyncset.done $0x0  }
0x10e: {  	[sflag:s13] =	ssyncadd.s32 $0xFFFFF600;
	s4 =	sadd.s32 s24, s4  }
0x10f: {  	[tilespmem:s14], [sflag:$0x3] =	stream.linear.gather [hbm4b:s4+s3], $0xA00, $0x38;
	[tilespmem:$0x1D800] =	vst v63  }
0x110: {  	_ =	swait.ge [sflag:s13], $0xA00  }
0x111: {  	[sflag:s13] =	ssyncset.done $0x0  }
0x112: {  	[sflag:s13] =	ssyncadd.s32 $0xFFFFF600  }
0x113: {  	[tilespmem:s12], [sflag:$0x1] =	stream.indirect.gather [hbm4b:s5+s15], $0x80, s3, s15, $0xb8;
	[tilespmem:$0x1D800] =	vst v63  }
0x114: {  	_ = 	snop  }
0x115: {  	[tilespmem:s16], [sflag:$0x2] =	stream.indirect.gather [hbm4b:s5+s15], $0x80, s15, s15, $0xb8;
	[tilespmem:$0x1D800] =	vst v63  }
0x116: {  	_ =	swait.ge [sflag:s17], $0x4000  }
0x117: {  	[sflag:s17] =	ssyncset.done $0x0  }
0x118: {  	[sflag:s17] =	ssyncadd.s32 $0xFFFFC000  }
0x119: {  	[spmem:s2] =	stream.indirect.scatter.add.f32 [tilespmem:s12], [sflag:$0x3], $0x80, s14, s15, $0xb8;
	[tilespmem:$0x1D800] =	vst v63  }
0x11a: {  	_ =	swait.ge [sflag:s13], $0x4000  }
0x11b: {  	s23 =	smov.u32 s25;
	[sflag:s13] =	ssyncset.done $0x0  }
0x11c: {  	s24 =	smov.u32 s23;
	s23 =	rddreg [dreg:$0x6];
	[sflag:s13] =	ssyncadd.s32 $0xFFFFC000  }
0x11d: {  	[tilespmem:s12], [sflag:$0x1] =	stream.indirect.gather [hbm4b:s5+s15], $0x80, s23, s15, $0xb8;
	[tilespmem:$0x1D800] =	vst v63  }
0x11e: {  	_ =	swait.ge [sflag:s18], $0x4000  }
0x11f: {  	[sflag:s18] =	ssyncset.done $0x0  }
0x120: {  	s23 =	rddreg [dreg:$0x7];
	[sflag:s18] =	ssyncadd.s32 $0xFFFFC000  }
0x121: {  	[spmem:s2] =	stream.indirect.scatter.add.f32 [tilespmem:s16], [sflag:$0x3], $0x80, s23, s15, $0xb8;
	[tilespmem:$0x1D800] =	vst v63  }
0x122: {  	_ =	swait.ge [sflag:s13], $0x4000  }
0x123: {  	[sflag:s13] =	ssyncset.done $0x0  }
0x124: {  	s23 =	rddreg [dreg:$0x8];
	[sflag:s13] =	ssyncadd.s32 $0xFFFFC000  }
0x125: {  	[tilespmem:s16], [sflag:$0x2] =	stream.indirect.gather [hbm4b:s5+s15], $0x80, s23, s15, $0xb8;
	[tilespmem:$0x1D800] =	vst v63  }
0x126: {  	_ =	swait.ge [sflag:s17], $0x4000  }
0x127: {  	[sflag:s17] =	ssyncset.done $0x0  }
0x128: {  	s23 =	rddreg [dreg:$0x9];
	[sflag:s17] =	ssyncadd.s32 $0xFFFFC000  }
0x129: {  	[spmem:s2] =	stream.indirect.scatter.add.f32 [tilespmem:s12], [sflag:$0x3], $0x80, s23, s15, $0xb8;
	[tilespmem:$0x1D800] =	vst v63  }
0x12a: {  	_ =	swait.ge [sflag:s13], $0x4000  }
0x12b: {  	[sflag:s13] =	ssyncset.done $0x0  }
0x12c: {  	s23 =	rddreg [dreg:$0xa];
	[sflag:s13] =	ssyncadd.s32 $0xFFFFC000  }
0x12d: {  	[tilespmem:s12], [sflag:$0x1] =	stream.indirect.gather [hbm4b:s5+s15], $0x80, s23, s15, $0xb8;
	[tilespmem:$0x1D800] =	vst v63  }
0x12e: {  	_ =	swait.ge [sflag:s18], $0x4000  }
0x12f: {  	[sflag:s18] =	ssyncset.done $0x0  }
0x130: {  	s23 =	rddreg [dreg:$0xb];
	[sflag:s18] =	ssyncadd.s32 $0xFFFFC000  }
0x131: {  	[spmem:s2] =	stream.indirect.scatter.add.f32 [tilespmem:s16], [sflag:$0x3], $0x80, s23, s15, $0xb8;
	[tilespmem:$0x1D800] =	vst v63  }
0x132: {  	_ =	swait.ge [sflag:s13], $0x4000  }
0x133: {  	[sflag:s13] =	ssyncset.done $0x0  }
0x134: {  	s23 =	rddreg [dreg:$0xc];
	[sflag:s13] =	ssyncadd.s32 $0xFFFFC000  }
0x135: {  	[tilespmem:s16], [sflag:$0x2] =	stream.indirect.gather [hbm4b:s5+s15], $0x80, s23, s15, $0xb8;
	[tilespmem:$0x1D800] =	vst v63  }
0x136: {  	_ =	swait.ge [sflag:s17], $0x4000  }
0x137: {  	[sflag:s17] =	ssyncset.done $0x0  }
0x138: {  	s23 =	rddreg [dreg:$0xd];
	[sflag:s17] =	ssyncadd.s32 $0xFFFFC000  }
0x139: {  	[spmem:s2] =	stream.indirect.scatter.add.f32 [tilespmem:s12], [sflag:$0x3], $0x80, s23, s15, $0xb8;
	[tilespmem:$0x1D800] =	vst v63  }
0x13a: {  	_ =	swait.ge [sflag:s13], $0x4000  }
0x13b: {  	[sflag:s13] =	ssyncset.done $0x0  }
0x13c: {  	s23 =	rddreg [dreg:$0xe];
	[sflag:s13] =	ssyncadd.s32 $0xFFFFC000  }
0x13d: {  	[tilespmem:s12], [sflag:$0x1] =	stream.indirect.gather [hbm4b:s5+s15], $0x80, s23, s15, $0xb8;
	[tilespmem:$0x1D800] =	vst v63  }
0x13e: {  	_ =	swait.ge [sflag:s18], $0x4000  }
0x13f: {  	[sflag:s18] =	ssyncset.done $0x0  }
0x140: {  	s23 =	rddreg [dreg:$0xf];
	[sflag:s18] =	ssyncadd.s32 $0xFFFFC000  }
0x141: {  	[spmem:s2] =	stream.indirect.scatter.add.f32 [tilespmem:s16], [sflag:$0x3], $0x80, s23, s15, $0xb8;
	[tilespmem:$0x1D800] =	vst v63  }
0x142: {  	_ =	swait.ge [sflag:s13], $0x4000  }
0x143: {  	[sflag:s13] =	ssyncset.done $0x0  }
0x144: {  	s23 =	rddreg [dreg:$0x10];
	[sflag:s13] =	ssyncadd.s32 $0xFFFFC000  }
0x145: {  	[tilespmem:s16], [sflag:$0x2] =	stream.indirect.gather [hbm4b:s5+s15], $0x80, s23, s15, $0xb8;
	[tilespmem:$0x1D800] =	vst v63  }
0x146: {  	_ =	swait.ge [sflag:s17], $0x4000  }
0x147: {  	[sflag:s17] =	ssyncset.done $0x0  }
0x148: {  	s23 =	rddreg [dreg:$0x11];
	[sflag:s17] =	ssyncadd.s32 $0xFFFFC000  }
0x149: {  	[spmem:s2] =	stream.indirect.scatter.add.f32 [tilespmem:s12], [sflag:$0x3], $0x80, s23, s15, $0xb8;
	[tilespmem:$0x1D800] =	vst v63  }
0x14a: {  	_ =	swait.ge [sflag:s13], $0x4000  }
0x14b: {  	[sflag:s13] =	ssyncset.done $0x0  }
0x14c: {  	s23 =	rddreg [dreg:$0x12];
	[sflag:s13] =	ssyncadd.s32 $0xFFFFC000  }
0x14d: {  	[tilespmem:s12], [sflag:$0x1] =	stream.indirect.gather [hbm4b:s5+s15], $0x80, s23, s15, $0xb8;
	[tilespmem:$0x1D800] =	vst v63  }
0x14e: {  	_ =	swait.ge [sflag:s18], $0x4000  }
0x14f: {  	[sflag:s18] =	ssyncset.done $0x0  }
0x150: {  	s23 =	rddreg [dreg:$0x13];
	[sflag:s18] =	ssyncadd.s32 $0xFFFFC000  }
0x151: {  	[spmem:s2] =	stream.indirect.scatter.add.f32 [tilespmem:s16], [sflag:$0x3], $0x80, s23, s15, $0xb8;
	[tilespmem:$0x1D800] =	vst v63  }
0x152: {  	_ =	swait.ge [sflag:s13], $0x4000  }
0x153: {  	[sflag:s13] =	ssyncset.done $0x0  }
0x154: {  	s23 =	rddreg [dreg:$0x14];
	[sflag:s13] =	ssyncadd.s32 $0xFFFFC000  }
0x155: {  	[tilespmem:s16], [sflag:$0x2] =	stream.indirect.gather [hbm4b:s5+s15], $0x80, s23, s15, $0xb8;
	[tilespmem:$0x1D800] =	vst v63  }
0x156: {  	_ =	swait.ge [sflag:s17], $0x4000  }
0x157: {  	[sflag:s17] =	ssyncset.done $0x0  }
0x158: {  	s23 =	rddreg [dreg:$0x15];
	[sflag:s17] =	ssyncadd.s32 $0xFFFFC000  }
0x159: {  	[spmem:s2] =	stream.indirect.scatter.add.f32 [tilespmem:s12], [sflag:$0x3], $0x80, s23, s15, $0xb8;
	[tilespmem:$0x1D800] =	vst v63  }
0x15a: {  	_ =	swait.ge [sflag:s13], $0x4000  }
0x15b: {  	[sflag:s13] =	ssyncset.done $0x0  }
0x15c: {  	s23 =	rddreg [dreg:$0x16];
	[sflag:s13] =	ssyncadd.s32 $0xFFFFC000  }
0x15d: {  	[tilespmem:s12], [sflag:$0x1] =	stream.indirect.gather [hbm4b:s5+s15], $0x80, s23, s15, $0xb8;
	[tilespmem:$0x1D800] =	vst v63  }
0x15e: {  	_ =	swait.ge [sflag:s18], $0x4000  }
0x15f: {  	[sflag:s18] =	ssyncset.done $0x0  }
0x160: {  	s23 =	rddreg [dreg:$0x17];
	[sflag:s18] =	ssyncadd.s32 $0xFFFFC000  }
0x161: {  	[spmem:s2] =	stream.indirect.scatter.add.f32 [tilespmem:s16], [sflag:$0x3], $0x80, s23, s15, $0xb8;
	[tilespmem:$0x1D800] =	vst v63  }
0x162: {  	_ =	swait.ge [sflag:s13], $0x4000  }
0x163: {  	[sflag:s13] =	ssyncset.done $0x0  }
0x164: {  	s23 =	rddreg [dreg:$0x18];
	[sflag:s13] =	ssyncadd.s32 $0xFFFFC000  }
0x165: {  	[tilespmem:s16], [sflag:$0x2] =	stream.indirect.gather [hbm4b:s5+s15], $0x80, s23, s15, $0xb8;
	[tilespmem:$0x1D800] =	vst v63  }
0x166: {  	_ =	swait.ge [sflag:s17], $0x4000  }
0x167: {  	[sflag:s17] =	ssyncset.done $0x0  }
0x168: {  	s23 =	rddreg [dreg:$0x19];
	[sflag:s17] =	ssyncadd.s32 $0xFFFFC000  }
0x169: {  	[spmem:s2] =	stream.indirect.scatter.add.f32 [tilespmem:s12], [sflag:$0x3], $0x80, s23, s15, $0xb8;
	[tilespmem:$0x1D800] =	vst v63  }
0x16a: {  	_ =	swait.ge [sflag:s13], $0x4000  }
0x16b: {  	[sflag:s13] =	ssyncset.done $0x0  }
0x16c: {  	[sflag:s13] =	ssyncadd.s32 $0xFFFFC000  }
0x16d: {  	[tilespmem:s12], [sflag:$0x1] =	stream.indirect.gather [hbm4b:s5+s15], $0x80, s19, s15, $0xb8;
	[tilespmem:$0x1D800] =	vst v63  }
0x16e: {  	_ =	swait.ge [sflag:s18], $0x4000  }
0x16f: {  	[sflag:s18] =	ssyncset.done $0x0  }
0x170: {  	[sflag:s18] =	ssyncadd.s32 $0xFFFFC000  }
0x171: {  	[spmem:s2] =	stream.indirect.scatter.add.f32 [tilespmem:s16], [sflag:$0x3], $0x80, s20, s15, $0xb8;
	[tilespmem:$0x1D800] =	vst v63  }
0x172: {  	_ =	swait.ge [sflag:s13], $0x4000  }
0x173: {  	[sflag:s13] =	ssyncset.done $0x0  }
0x174: {  	[sflag:s13] =	ssyncadd.s32 $0xFFFFC000  }
0x175: {  	[tilespmem:s16], [sflag:$0x2] =	stream.indirect.gather [hbm4b:s5+s15], $0x80, s21, s15, $0xb8;
	[tilespmem:$0x1D800] =	vst v63  }
0x176: {  	_ =	swait.ge [sflag:s17], $0x4000  }
0x177: {  	[sflag:s17] =	ssyncset.done $0x0  }
0x178: {  	[sflag:s17] =	ssyncadd.s32 $0xFFFFC000  }
0x179: {  	[spmem:s2] =	stream.indirect.scatter.add.f32 [tilespmem:s12], [sflag:$0x3], $0x80, s22, s15, $0xb8;
	[tilespmem:$0x1D800] =	vst v63  }
0x17a: {  	_ =	swait.ge [sflag:s13], $0x4000  }
0x17b: {  	[sflag:s13] =	ssyncset.done $0x0  }
0x17c: {  	[sflag:s13] =	ssyncadd.s32 $0xFFFFC000  }
0x17d: {  	[tilespmem:s12], [sflag:$0x1] =	stream.indirect.gather [hbm4b:s5+s15], $0x80, s26, s15, $0xb8;
	[tilespmem:$0x1D800] =	vst v63  }
0x17e: {  	_ =	swait.ge [sflag:s18], $0x4000  }
0x17f: {  	[sflag:s18] =	ssyncset.done $0x0  }
0x180: {  	[sflag:s18] =	ssyncadd.s32 $0xFFFFC000  }
0x181: {  	[spmem:s2] =	stream.indirect.scatter.add.f32 [tilespmem:s16], [sflag:$0x3], $0x80, s28, s15, $0xb8;
	[tilespmem:$0x1D800] =	vst v63  }
0x182: {  	_ =	swait.ge [sflag:s13], $0x4000  }
0x183: {  	[sflag:s13] =	ssyncset.done $0x0  }
0x184: {  	[sflag:s13] =	ssyncadd.s32 $0xFFFFC000  }
0x185: {  	[tilespmem:s16], [sflag:$0x2] =	stream.indirect.gather [hbm4b:s5+s15], $0x80, s29, s15, $0xb8;
	[tilespmem:$0x1D800] =	vst v63  }
0x186: {  	_ =	swait.ge [sflag:s17], $0x4000  }
0x187: {  	[sflag:s17] =	ssyncset.done $0x0  }
0x188: {  	[sflag:s17] =	ssyncadd.s32 $0xFFFFC000  }
0x189: {  	[spmem:s2] =	stream.indirect.scatter.add.f32 [tilespmem:s12], [sflag:$0x3], $0x80, s30, s15, $0xb8;
	[tilespmem:$0x1D800] =	vst v63  }
0x18a: {  	_ =	swait.ge [sflag:s13], $0x4000  }
0x18b: {  	[sflag:s13] =	ssyncset.done $0x0  }
0x18c: {  	[sflag:s13] =	ssyncadd.s32 $0xFFFFC000  }
0x18d: {  	[tilespmem:s12], [sflag:$0x1] =	stream.indirect.gather [hbm4b:s5+s15], $0x80, s31, s15, $0xb8;
	[tilespmem:$0x1D800] =	vst v63  }
0x18e: {  	_ =	swait.ge [sflag:s18], $0x4000  }
0x18f: {  	[sflag:s18] =	ssyncset.done $0x0  }
0x190: {  	[sflag:s18] =	ssyncadd.s32 $0xFFFFC000  }
0x191: {  	[spmem:s2] =	stream.indirect.scatter.add.f32 [tilespmem:s16], [sflag:$0x3], $0x80, s0, s15, $0xb8;
	[tilespmem:$0x1D800] =	vst v63  }
0x192: {  	_ =	swait.ge [sflag:s13], $0x4000  }
0x193: {  	[sflag:s13] =	ssyncset.done $0x0  }
0x194: {  	[sflag:s13] =	ssyncadd.s32 $0xFFFFC000  }
0x195: {  	[tilespmem:s16], [sflag:$0x2] =	stream.indirect.gather [hbm4b:s5+s15], $0x80, s1, s15, $0xb8;
	[tilespmem:$0x1D800] =	vst v63  }
0x196: {  	_ =	swait.ge [sflag:s17], $0x4000  }
0x197: {  	[sflag:s17] =	ssyncset.done $0x0  }
0x198: {  	[sflag:s17] =	ssyncadd.s32 $0xFFFFC000  }
0x199: {  	[spmem:s2] =	stream.indirect.scatter.add.f32 [tilespmem:s12], [sflag:$0x3], $0x80, s7, s15, $0xb8;
	[tilespmem:$0x1D800] =	vst v63  }
0x19a: {  	_ =	swait.ge [sflag:s13], $0x4000  }
0x19b: {  	[sflag:s13] =	ssyncset.done $0x0  }
0x19c: {  	[sflag:s13] =	ssyncadd.s32 $0xFFFFC000  }
0x19d: {  	[tilespmem:s12], [sflag:$0x1] =	stream.indirect.gather [hbm4b:s5+s15], $0x80, s8, s15, $0xb8;
	[tilespmem:$0x1D800] =	vst v63  }
0x19e: {  	_ =	swait.ge [sflag:s18], $0x4000  }
0x19f: {  	[sflag:s18] =	ssyncset.done $0x0  }
0x1a0: {  	[sflag:s18] =	ssyncadd.s32 $0xFFFFC000  }
0x1a1: {  	[spmem:s2] =	stream.indirect.scatter.add.f32 [tilespmem:s16], [sflag:$0x3], $0x80, s9, s15, $0xb8;
	[tilespmem:$0x1D800] =	vst v63  }
0x1a2: {  	_ =	swait.ge [sflag:s13], $0x4000  }
0x1a3: {  	[sflag:s13] =	ssyncset.done $0x0  }
0x1a4: {  	[sflag:s13] =	ssyncadd.s32 $0xFFFFC000  }
0x1a5: {  	[tilespmem:s16], [sflag:$0x2] =	stream.indirect.gather [hbm4b:s5+s15], $0x80, s10, s15, $0xb8;
	[tilespmem:$0x1D800] =	vst v63  }
0x1a6: {  	_ =	swait.ge [sflag:s17], $0x4000  }
0x1a7: {  	[sflag:s17] =	ssyncset.done $0x0  }
0x1a8: {  	[sflag:s17] =	ssyncadd.s32 $0xFFFFC000  }
0x1a9: {  	[spmem:s2] =	stream.indirect.scatter.add.f32 [tilespmem:s12], [sflag:$0x3], $0x80, s11, s15, $0xb8;
	[tilespmem:$0x1D800] =	vst v63  }
0x1aa: {  	_ =	swait.ge [sflag:s13], $0x4000  }
0x1ab: {  	[sflag:s13] =	ssyncset.done $0x0  }
0x1ac: {  	[sflag:s13] =	ssyncadd.s32 $0xFFFFC000  }
0x1ad: {  	p1 =	sne.s32 s25, $0x480;
	_ =	swait.ge [sflag:s18], $0x4000  }
.Ltmp2:
0x1ae: {  	[sflag:s18] =	ssyncset.done $0x0;
	(pc) =	sbr.rel @p1 .LBB2_6-.Ltmp2, $4  }
0x1af: {  	[sflag:s18] =	ssyncadd.s32 $0xFFFFC000  }
0x1b0: {  	[spmem:s2] =	stream.indirect.scatter.add.f32 [tilespmem:s16], [sflag:$0x3], $0x80, s6, s15, $0xb8;
	[tilespmem:$0x1D800] =	vst v63  }
0x1b1: {  	_ =	swait.ge [sflag:s13], $0x4000  }
0x1b2: {  	s25 =	sadd.s32 $0x180, s25;
	s4 =	rddreg [dreg:$0x4];
	[sflag:s13] =	ssyncset.done $0x0  }
0x1b3: {  	[sflag:s13] =	ssyncadd.s32 $0xFFFFC000;
	s4 =	sadd.s32 s24, s4  }
0x1b4: {  	[tilespmem:s3], [sflag:$0x3] =	stream.linear.gather [hbm4b:s4+s3], $0xA00, $0x38;
	[tilespmem:$0x1D800] =	vst v63  }
0x1b5: {  	_ =	swait.ge [sflag:s13], $0xA00  }
0x1b6: {  	s23 =	rddreg [dreg:$0x5];
	[sflag:s13] =	ssyncset.done $0x0  }
0x1b7: {  	[sflag:s13] =	ssyncadd.s32 $0xFFFFF600;
	s4 =	sadd.s32 s24, s23  }
0x1b8: {  	[tilespmem:s14], [sflag:$0x3] =	stream.linear.gather [hbm4b:s4+s3], $0xA00, $0x38;
	[tilespmem:$0x1D800] =	vst v63  }
0x1b9: {  	_ =	swait.ge [sflag:s13], $0xA00  }
0x1ba: {  	[sflag:s13] =	ssyncset.done $0x0  }
0x1bb: {  	[sflag:s13] =	ssyncadd.s32 $0xFFFFF600  }
0x1bc: {  	[tilespmem:s12], [sflag:$0x1] =	stream.indirect.gather [hbm4b:s5+s15], $0x80, s3, s15, $0xb8;
	[tilespmem:$0x1D800] =	vst v63  }
0x1bd: {  	_ = 	snop  }
0x1be: {  	[tilespmem:s16], [sflag:$0x2] =	stream.indirect.gather [hbm4b:s5+s15], $0x80, s15, s15, $0xb8;
	[tilespmem:$0x1D800] =	vst v63  }
0x1bf: {  	_ =	swait.ge [sflag:s17], $0x4000  }
0x1c0: {  	[sflag:s17] =	ssyncset.done $0x0  }
0x1c1: {  	[sflag:s17] =	ssyncadd.s32 $0xFFFFC000  }
0x1c2: {  	[spmem:s2] =	stream.indirect.scatter.add.f32 [tilespmem:s12], [sflag:$0x3], $0x80, s14, s15, $0xb8;
	[tilespmem:$0x1D800] =	vst v63  }
0x1c3: {  	_ =	swait.ge [sflag:s13], $0x4000  }
0x1c4: {  	[sflag:s13] =	ssyncset.done $0x0  }
0x1c5: {  	s24 =	rddreg [dreg:$0x6];
	[sflag:s13] =	ssyncadd.s32 $0xFFFFC000  }
0x1c6: {  	[tilespmem:s12], [sflag:$0x1] =	stream.indirect.gather [hbm4b:s5+s15], $0x80, s24, s15, $0xb8;
	[tilespmem:$0x1D800] =	vst v63  }
0x1c7: {  	_ =	swait.ge [sflag:s18], $0x4000  }
0x1c8: {  	[sflag:s18] =	ssyncset.done $0x0  }
0x1c9: {  	s25 =	rddreg [dreg:$0x7];
	[sflag:s18] =	ssyncadd.s32 $0xFFFFC000  }
0x1ca: {  	[spmem:s2] =	stream.indirect.scatter.add.f32 [tilespmem:s16], [sflag:$0x3], $0x80, s25, s15, $0xb8;
	[tilespmem:$0x1D800] =	vst v63  }
0x1cb: {  	_ =	swait.ge [sflag:s13], $0x4000  }
0x1cc: {  	[sflag:s13] =	ssyncset.done $0x0  }
0x1cd: {  	s23 =	rddreg [dreg:$0x8];
	[sflag:s13] =	ssyncadd.s32 $0xFFFFC000  }
0x1ce: {  	[tilespmem:s16], [sflag:$0x2] =	stream.indirect.gather [hbm4b:s5+s15], $0x80, s23, s15, $0xb8;
	[tilespmem:$0x1D800] =	vst v63  }
0x1cf: {  	_ =	swait.ge [sflag:s17], $0x4000  }
0x1d0: {  	[sflag:s17] =	ssyncset.done $0x0  }
0x1d1: {  	s24 =	rddreg [dreg:$0x9];
	[sflag:s17] =	ssyncadd.s32 $0xFFFFC000  }
0x1d2: {  	[spmem:s2] =	stream.indirect.scatter.add.f32 [tilespmem:s12], [sflag:$0x3], $0x80, s24, s15, $0xb8;
	[tilespmem:$0x1D800] =	vst v63  }
0x1d3: {  	_ =	swait.ge [sflag:s13], $0x4000  }
0x1d4: {  	[sflag:s13] =	ssyncset.done $0x0  }
0x1d5: {  	s25 =	rddreg [dreg:$0xa];
	[sflag:s13] =	ssyncadd.s32 $0xFFFFC000  }
0x1d6: {  	[tilespmem:s12], [sflag:$0x1] =	stream.indirect.gather [hbm4b:s5+s15], $0x80, s25, s15, $0xb8;
	[tilespmem:$0x1D800] =	vst v63  }
0x1d7: {  	_ =	swait.ge [sflag:s18], $0x4000  }
0x1d8: {  	[sflag:s18] =	ssyncset.done $0x0  }
0x1d9: {  	s23 =	rddreg [dreg:$0xb];
	[sflag:s18] =	ssyncadd.s32 $0xFFFFC000  }
0x1da: {  	[spmem:s2] =	stream.indirect.scatter.add.f32 [tilespmem:s16], [sflag:$0x3], $0x80, s23, s15, $0xb8;
	[tilespmem:$0x1D800] =	vst v63  }
0x1db: {  	_ =	swait.ge [sflag:s13], $0x4000  }
0x1dc: {  	[sflag:s13] =	ssyncset.done $0x0  }
0x1dd: {  	s24 =	rddreg [dreg:$0xc];
	[sflag:s13] =	ssyncadd.s32 $0xFFFFC000  }
0x1de: {  	[tilespmem:s16], [sflag:$0x2] =	stream.indirect.gather [hbm4b:s5+s15], $0x80, s24, s15, $0xb8;
	[tilespmem:$0x1D800] =	vst v63  }
0x1df: {  	_ =	swait.ge [sflag:s17], $0x4000  }
0x1e0: {  	[sflag:s17] =	ssyncset.done $0x0  }
0x1e1: {  	s25 =	rddreg [dreg:$0xd];
	[sflag:s17] =	ssyncadd.s32 $0xFFFFC000  }
0x1e2: {  	[spmem:s2] =	stream.indirect.scatter.add.f32 [tilespmem:s12], [sflag:$0x3], $0x80, s25, s15, $0xb8;
	[tilespmem:$0x1D800] =	vst v63  }
0x1e3: {  	_ =	swait.ge [sflag:s13], $0x4000  }
0x1e4: {  	[sflag:s13] =	ssyncset.done $0x0  }
0x1e5: {  	s23 =	rddreg [dreg:$0xe];
	[sflag:s13] =	ssyncadd.s32 $0xFFFFC000  }
0x1e6: {  	[tilespmem:s12], [sflag:$0x1] =	stream.indirect.gather [hbm4b:s5+s15], $0x80, s23, s15, $0xb8;
	[tilespmem:$0x1D800] =	vst v63  }
0x1e7: {  	_ =	swait.ge [sflag:s18], $0x4000  }
0x1e8: {  	[sflag:s18] =	ssyncset.done $0x0  }
0x1e9: {  	s24 =	rddreg [dreg:$0xf];
	[sflag:s18] =	ssyncadd.s32 $0xFFFFC000  }
0x1ea: {  	[spmem:s2] =	stream.indirect.scatter.add.f32 [tilespmem:s16], [sflag:$0x3], $0x80, s24, s15, $0xb8;
	[tilespmem:$0x1D800] =	vst v63  }
0x1eb: {  	_ =	swait.ge [sflag:s13], $0x4000  }
0x1ec: {  	[sflag:s13] =	ssyncset.done $0x0  }
0x1ed: {  	s25 =	rddreg [dreg:$0x10];
	[sflag:s13] =	ssyncadd.s32 $0xFFFFC000  }
0x1ee: {  	[tilespmem:s16], [sflag:$0x2] =	stream.indirect.gather [hbm4b:s5+s15], $0x80, s25, s15, $0xb8;
	[tilespmem:$0x1D800] =	vst v63  }
0x1ef: {  	_ =	swait.ge [sflag:s17], $0x4000  }
0x1f0: {  	[sflag:s17] =	ssyncset.done $0x0  }
0x1f1: {  	s23 =	rddreg [dreg:$0x11];
	[sflag:s17] =	ssyncadd.s32 $0xFFFFC000  }
0x1f2: {  	[spmem:s2] =	stream.indirect.scatter.add.f32 [tilespmem:s12], [sflag:$0x3], $0x80, s23, s15, $0xb8;
	[tilespmem:$0x1D800] =	vst v63  }
0x1f3: {  	_ =	swait.ge [sflag:s13], $0x4000  }
0x1f4: {  	[sflag:s13] =	ssyncset.done $0x0  }
0x1f5: {  	s24 =	rddreg [dreg:$0x12];
	[sflag:s13] =	ssyncadd.s32 $0xFFFFC000  }
0x1f6: {  	[tilespmem:s12], [sflag:$0x1] =	stream.indirect.gather [hbm4b:s5+s15], $0x80, s24, s15, $0xb8;
	[tilespmem:$0x1D800] =	vst v63  }
0x1f7: {  	_ =	swait.ge [sflag:s18], $0x4000  }
0x1f8: {  	[sflag:s18] =	ssyncset.done $0x0  }
0x1f9: {  	s25 =	rddreg [dreg:$0x13];
	[sflag:s18] =	ssyncadd.s32 $0xFFFFC000  }
0x1fa: {  	[spmem:s2] =	stream.indirect.scatter.add.f32 [tilespmem:s16], [sflag:$0x3], $0x80, s25, s15, $0xb8;
	[tilespmem:$0x1D800] =	vst v63  }
0x1fb: {  	_ =	swait.ge [sflag:s13], $0x4000  }
0x1fc: {  	[sflag:s13] =	ssyncset.done $0x0  }
0x1fd: {  	s23 =	rddreg [dreg:$0x14];
	[sflag:s13] =	ssyncadd.s32 $0xFFFFC000  }
0x1fe: {  	[tilespmem:s16], [sflag:$0x2] =	stream.indirect.gather [hbm4b:s5+s15], $0x80, s23, s15, $0xb8;
	[tilespmem:$0x1D800] =	vst v63  }
0x1ff: {  	_ =	swait.ge [sflag:s17], $0x4000  }
0x200: {  	[sflag:s17] =	ssyncset.done $0x0  }
0x201: {  	s24 =	rddreg [dreg:$0x15];
	[sflag:s17] =	ssyncadd.s32 $0xFFFFC000  }
0x202: {  	[spmem:s2] =	stream.indirect.scatter.add.f32 [tilespmem:s12], [sflag:$0x3], $0x80, s24, s15, $0xb8;
	[tilespmem:$0x1D800] =	vst v63  }
0x203: {  	_ =	swait.ge [sflag:s13], $0x4000  }
0x204: {  	[sflag:s13] =	ssyncset.done $0x0  }
0x205: {  	s25 =	rddreg [dreg:$0x16];
	[sflag:s13] =	ssyncadd.s32 $0xFFFFC000  }
0x206: {  	[tilespmem:s12], [sflag:$0x1] =	stream.indirect.gather [hbm4b:s5+s15], $0x80, s25, s15, $0xb8;
	[tilespmem:$0x1D800] =	vst v63  }
0x207: {  	_ =	swait.ge [sflag:s18], $0x4000  }
0x208: {  	[sflag:s18] =	ssyncset.done $0x0  }
0x209: {  	s23 =	rddreg [dreg:$0x17];
	[sflag:s18] =	ssyncadd.s32 $0xFFFFC000  }
0x20a: {  	[spmem:s2] =	stream.indirect.scatter.add.f32 [tilespmem:s16], [sflag:$0x3], $0x80, s23, s15, $0xb8;
	[tilespmem:$0x1D800] =	vst v63  }
0x20b: {  	_ =	swait.ge [sflag:s13], $0x4000  }
0x20c: {  	[sflag:s13] =	ssyncset.done $0x0  }
0x20d: {  	s24 =	rddreg [dreg:$0x18];
	[sflag:s13] =	ssyncadd.s32 $0xFFFFC000  }
0x20e: {  	[tilespmem:s16], [sflag:$0x2] =	stream.indirect.gather [hbm4b:s5+s15], $0x80, s24, s15, $0xb8;
	[tilespmem:$0x1D800] =	vst v63  }
0x20f: {  	_ =	swait.ge [sflag:s17], $0x4000  }
0x210: {  	[sflag:s17] =	ssyncset.done $0x0  }
0x211: {  	s25 =	rddreg [dreg:$0x19];
	[sflag:s17] =	ssyncadd.s32 $0xFFFFC000  }
0x212: {  	[spmem:s2] =	stream.indirect.scatter.add.f32 [tilespmem:s12], [sflag:$0x3], $0x80, s25, s15, $0xb8;
	[tilespmem:$0x1D800] =	vst v63  }
0x213: {  	_ =	swait.ge [sflag:s13], $0x4000  }
0x214: {  	[sflag:s13] =	ssyncset.done $0x0  }
0x215: {  	[sflag:s13] =	ssyncadd.s32 $0xFFFFC000  }
0x216: {  	[tilespmem:s12], [sflag:$0x1] =	stream.indirect.gather [hbm4b:s5+s15], $0x80, s19, s15, $0xb8;
	[tilespmem:$0x1D800] =	vst v63  }
0x217: {  	_ =	swait.ge [sflag:s18], $0x4000  }
0x218: {  	[sflag:s18] =	ssyncset.done $0x0  }
0x219: {  	[sflag:s18] =	ssyncadd.s32 $0xFFFFC000  }
0x21a: {  	[spmem:s2] =	stream.indirect.scatter.add.f32 [tilespmem:s16], [sflag:$0x3], $0x80, s20, s15, $0xb8;
	[tilespmem:$0x1D800] =	vst v63  }
0x21b: {  	_ =	swait.ge [sflag:s13], $0x4000  }
0x21c: {  	[sflag:s13] =	ssyncset.done $0x0  }
0x21d: {  	[sflag:s13] =	ssyncadd.s32 $0xFFFFC000  }
0x21e: {  	[tilespmem:s16], [sflag:$0x2] =	stream.indirect.gather [hbm4b:s5+s15], $0x80, s21, s15, $0xb8;
	[tilespmem:$0x1D800] =	vst v63  }
0x21f: {  	_ =	swait.ge [sflag:s17], $0x4000  }
0x220: {  	[sflag:s17] =	ssyncset.done $0x0  }
0x221: {  	[sflag:s17] =	ssyncadd.s32 $0xFFFFC000  }
0x222: {  	[spmem:s2] =	stream.indirect.scatter.add.f32 [tilespmem:s12], [sflag:$0x3], $0x80, s22, s15, $0xb8;
	[tilespmem:$0x1D800] =	vst v63  }
0x223: {  	_ =	swait.ge [sflag:s13], $0x4000  }
0x224: {  	[sflag:s13] =	ssyncset.done $0x0  }
0x225: {  	[sflag:s13] =	ssyncadd.s32 $0xFFFFC000  }
0x226: {  	[tilespmem:s12], [sflag:$0x1] =	stream.indirect.gather [hbm4b:s5+s15], $0x80, s26, s15, $0xb8;
	[tilespmem:$0x1D800] =	vst v63  }
0x227: {  	_ =	swait.ge [sflag:s18], $0x4000  }
0x228: {  	[sflag:s18] =	ssyncset.done $0x0  }
0x229: {  	[sflag:s18] =	ssyncadd.s32 $0xFFFFC000  }
0x22a: {  	[spmem:s2] =	stream.indirect.scatter.add.f32 [tilespmem:s16], [sflag:$0x3], $0x80, s28, s15, $0xb8;
	[tilespmem:$0x1D800] =	vst v63  }
0x22b: {  	_ =	swait.ge [sflag:s13], $0x4000  }
0x22c: {  	[sflag:s13] =	ssyncset.done $0x0  }
0x22d: {  	[sflag:s13] =	ssyncadd.s32 $0xFFFFC000  }
0x22e: {  	[tilespmem:s16], [sflag:$0x2] =	stream.indirect.gather [hbm4b:s5+s15], $0x80, s29, s15, $0xb8;
	[tilespmem:$0x1D800] =	vst v63  }
0x22f: {  	_ =	swait.ge [sflag:s17], $0x4000  }
0x230: {  	[sflag:s17] =	ssyncset.done $0x0  }
0x231: {  	[sflag:s17] =	ssyncadd.s32 $0xFFFFC000  }
0x232: {  	[spmem:s2] =	stream.indirect.scatter.add.f32 [tilespmem:s12], [sflag:$0x3], $0x80, s30, s15, $0xb8;
	[tilespmem:$0x1D800] =	vst v63  }
0x233: {  	_ =	swait.ge [sflag:s13], $0x4000  }
0x234: {  	[sflag:s13] =	ssyncset.done $0x0  }
0x235: {  	[sflag:s13] =	ssyncadd.s32 $0xFFFFC000  }
0x236: {  	[tilespmem:s12], [sflag:$0x1] =	stream.indirect.gather [hbm4b:s5+s15], $0x80, s31, s15, $0xb8;
	[tilespmem:$0x1D800] =	vst v63  }
0x237: {  	_ =	swait.ge [sflag:s18], $0x4000  }
0x238: {  	[sflag:s18] =	ssyncset.done $0x0  }
0x239: {  	[sflag:s18] =	ssyncadd.s32 $0xFFFFC000  }
0x23a: {  	[spmem:s2] =	stream.indirect.scatter.add.f32 [tilespmem:s16], [sflag:$0x3], $0x80, s0, s15, $0xb8;
	[tilespmem:$0x1D800] =	vst v63  }
0x23b: {  	_ =	swait.ge [sflag:s13], $0x4000  }
0x23c: {  	[sflag:s13] =	ssyncset.done $0x0  }
0x23d: {  	[sflag:s13] =	ssyncadd.s32 $0xFFFFC000  }
0x23e: {  	[tilespmem:s16], [sflag:$0x2] =	stream.indirect.gather [hbm4b:s5+s15], $0x80, s1, s15, $0xb8;
	[tilespmem:$0x1D800] =	vst v63  }
0x23f: {  	_ =	swait.ge [sflag:s17], $0x4000  }
0x240: {  	[sflag:s17] =	ssyncset.done $0x0  }
0x241: {  	[sflag:s17] =	ssyncadd.s32 $0xFFFFC000  }
0x242: {  	[spmem:s2] =	stream.indirect.scatter.add.f32 [tilespmem:s12], [sflag:$0x3], $0x80, s7, s15, $0xb8;
	[tilespmem:$0x1D800] =	vst v63  }
0x243: {  	_ =	swait.ge [sflag:s13], $0x4000  }
0x244: {  	[sflag:s13] =	ssyncset.done $0x0  }
0x245: {  	[sflag:s13] =	ssyncadd.s32 $0xFFFFC000  }
0x246: {  	[tilespmem:s12], [sflag:$0x1] =	stream.indirect.gather [hbm4b:s5+s15], $0x80, s8, s15, $0xb8;
	[tilespmem:$0x1D800] =	vst v63  }
0x247: {  	_ =	swait.ge [sflag:s18], $0x4000  }
0x248: {  	[sflag:s18] =	ssyncset.done $0x0  }
0x249: {  	[sflag:s18] =	ssyncadd.s32 $0xFFFFC000  }
0x24a: {  	[spmem:s2] =	stream.indirect.scatter.add.f32 [tilespmem:s16], [sflag:$0x3], $0x80, s9, s15, $0xb8;
	[tilespmem:$0x1D800] =	vst v63  }
0x24b: {  	_ =	swait.ge [sflag:s13], $0x4000  }
0x24c: {  	[sflag:s13] =	ssyncset.done $0x0  }
0x24d: {  	[sflag:s13] =	ssyncadd.s32 $0xFFFFC000  }
0x24e: {  	[tilespmem:s16], [sflag:$0x2] =	stream.indirect.gather [hbm4b:s5+s15], $0x80, s10, s15, $0xb8;
	[tilespmem:$0x1D800] =	vst v63  }
0x24f: {  	_ =	swait.ge [sflag:s17], $0x4000  }
0x250: {  	[sflag:s17] =	ssyncset.done $0x0  }
0x251: {  	[sflag:s17] =	ssyncadd.s32 $0xFFFFC000  }
0x252: {  	[spmem:s2] =	stream.indirect.scatter.add.f32 [tilespmem:s12], [sflag:$0x3], $0x80, s11, s15, $0xb8;
	[tilespmem:$0x1D800] =	vst v63  }
0x253: {  	_ =	swait.ge [sflag:s13], $0x4000  }
0x254: {  	[sflag:s13] =	ssyncset.done $0x0  }
0x255: {  	[sflag:s13] =	ssyncadd.s32 $0xFFFFC000  }
0x256: {  	_ =	swait.ge [sflag:s18], $0x4000  }
0x257: {  	[sflag:s18] =	ssyncset.done $0x0  }
0x258: {  	[sflag:s18] =	ssyncadd.s32 $0xFFFFC000  }
0x259: {  	[spmem:s2] =	stream.indirect.scatter.add.f32 [tilespmem:s16], [sflag:$0x3], $0x80, s6, s15, $0xb8;
	[tilespmem:$0x1D800] =	vst v63  }
0x25a: {  	_ =	swait.ge [sflag:s13], $0x4000  }
0x25b: {  	[sflag:s13] =	ssyncset.done $0x0  }
0x25c: {  	[sflag:s13] =	ssyncadd.s32 $0xFFFFC000  }
0x25d: {  	[bflag:$0x0] =	sbarrier.arrive $0xFFFF  }
0x25e: {  	s24 =	sld [smem:$0x7FB]  }
0x25f: {  	s4 =	rddreg [dreg:$0x1b]  }
0x260: {  	s23 =	simm.s32 @p0 $0x1FC3;
	s4 =	sadd.s32 @p0 $0x24900, s4  }
0x261: {  	[hbm:s4], [sflag:s23] =	dma.local @p0 [spmem:s24], $0x2800  }
0x262: {  	s4 =	simm.s32 @p0 $0x3  }
0x263: {  	s23 =	stileid.u32;
	_ =	swait.ge @p0 [sflag:s4], $0x2800  }
0x264: {  	s23 =	sshll.u32 @!p0 s23, $0x6;
	[sflag:s4] =	ssyncset.done @p0 $0x0;
	s24 =	sld [smem:$0x7FD]  }
0x265: {  	[sflag:s4] =	ssyncadd.s32 @p0 $0xFFFFD800;
	s4 =	sor.u32 @!p0 $0x1C03, s23;
	s23 =	sld [smem:$0x7FC]  }
0x266: {  	_ =	sdelay $0x1  }
0x267: {  	[hbm:s23], [sflag:s4] =	dma.local @!p0 [spmem:s24], $0x2700  }
0x268: {  	s4 =	simm.s32 @!p0 $0x3  }
0x269: {  	_ =	swait.ge @!p0 [sflag:s4], $0x2700  }
0x26a: {  	s23 =	sld [smem:$0x7F9];
	_ =	sdelay $0x2  }
0x26b: {  	s25 =	rddreg [dreg:$0x1c];
	s24 =	sadd.s32 $0x1, s23  }
0x26c: {  	p1 =	sne.s32 s24, s25  }
.Ltmp3:
0x26d: {  	_ = 	snop;
	(pc) =	sbr.rel @p1 .LBB2_1-.Ltmp3, $3  }
0x26e: {  	_ =	sdelay $0x1  }
0x26f: {  	[sflag:s4] =	ssyncset.done @!p0 $0x0  }
0x270: {  	[sflag:s4] =	ssyncadd.s32 @!p0 $0xFFFFD900  }
0x271: {  	_ =	sfence.sel $0x180000  }
0x272: {  	[bflag:$0x0] =	sbarrier.arrive $0xFFFF  }
0x273: {  	_ =	strace $0x9000004A  }
0x274: {  	s0 =	stileid.u32;
	[bflag:$0x2] =	sbarrier.arrive $0xFFFF  }
0x275: {  	p0 =	sne.s32 s0, $0x0;
	s0 =	rddreg [dreg:$0x3]  }
0x276: {  	s0 =	sadd.s32 @!p0 $0x100000, s0  }
0x277: {  	[sflag:s0] =	ssyncadd.tile.s32 @!p0 $0x1;
	_ =	shalt  }
.Lfunc_end2:
_tile_overlayer_lowered:
.L_overlay_start_2:
0x278: {  	(tag) =	ssettag $0x2  }
0x279: {  	s0 =	rddreg [dreg:$0x0];
	s2 =	stileid.u32  }
0x27a: {  	s1 =	rddreg [dreg:$0x1];
	p0 =	sne.s32 s2, $0x0  }
0x27b: {  	s3 =	rddreg [dreg:$0x2];
	[bflag:$0x3] =	sbarrier.arrive $0xFFFF;
	s2 =	simm.s32 @!p0 $0x1C03  }
0x27c: {  	[timem:s3], [sflag:s2] =	dma.local @!p0 [hbm:s0], s1  }
0x27d: {  	s0 =	simm.s32 @!p0 $0x3  }
0x27e: {  	_ =	swait.ge @!p0 [sflag:s0], s1  }
0x27f: {  	s1 =	ssub.s32 @!p0 $0x0, s1;
	[sflag:s0] =	ssyncset.done @!p0 $0x0  }
0x280: {  	[sflag:s0] =	ssyncadd.s32 @!p0 s1  }
0x281: {  	[bflag:$0x3] =	sbarrier.arrive $0xFFFF  }
0x282: {  	_ =	shalt  }

// kernel: kernel.16.cloned.1.call-start
scs
__scs_entry_jumppad:
0x0: {  	(pc) =	sbr.rel $0x88, $3  }
0x1: {  	(tag) =	ssettag $0x0;
	lr =	simm.s32 $0x1  }
0x2: {  	[smem:$0x3F99] =	sst lr;
	_ =	strace $0xD0000000  }
0x3: {  	_ = 	snop  }
0x4: {  	_ = 	snop  }
0x5: {  	_ = 	snop  }
0x6: {  	_ = 	snop  }
0x7: {  	_ = 	snop  }
__scs_overlays_trampoline_lowered:
0x8: {  	[smem:$0x3FA8] =	sst s0  }
0x9: {  	[smem:$0x3FA9] =	sst s1  }
0xa: {  	[smem:$0x3FAA] =	sst s2  }
0xb: {  	[smem:$0x3FAB] =	sst s3  }
0xc: {  	[smem:$0x3FAC] =	sst s4  }
0xd: {  	[smem:$0x3FAD] =	sst s5  }
0xe: {  	[smem:$0x3FAE] =	sst s6  }
0xf: {  	[smem:$0x3FAF] =	sst s7  }
0x10: {  	[smem:$0x3FB0] =	sst s8  }
0x11: {  	[smem:$0x3FB1] =	sst s9;
	s0 =	simm.s32 @!p0 $0x0  }
0x12: {  	s1 =	sld [smem:$0x3F97];
	s0 =	simm.s32 @p0 $0x1  }
0x13: {  	[smem:$0x3FB2] =	sst s0;
	s0 =	simm.s32 @!p1 $0x0  }
0x14: {  	s2 =	sld [smem:$0x3F96];
	s0 =	simm.s32 @p1 $0x1  }
0x15: {  	[smem:$0x3FB3] =	sst s0;
	s0 =	simm.s32 @!p2 $0x0  }
0x16: {  	s3 =	sld [smem:$0x3FDB];
	s0 =	simm.s32 @p2 $0x1  }
0x17: {  	s4 =	simm.s32 $0x1BF5;
	[smem:$0x3FB5] =	sst s0  }
0x18: {  	s0 =	sld [smem:$0x3F98];
	_ =	swait.ge [sflag:s4], $0x0  }
0x19: {  	s7 =	sld [smem:$0x3F99]  }
0x1a: {  	s8 =	sadd.s32 $0xFFFFE003, lr  }
0x1b: {  	s9 =	sadd.s32 $0xFFFFFEF7, lr;
	s5 =	simm.s32 $0xFFFFFFFF;
	p2 =	slt.u32 s8, $0xFFFFF086  }
0x1c: {  	p1 =	slt.u32 s9, $0xF7A;
	s5 =	simm.s32 @!p2 $0x0  }
0x1d: {  	s5 =	simm.s32 @p1 $0x1;
	p0 =	seq.s32 s7, s2  }
0x1e: {  	s7 =	smul.u32 @!p0 $0xF7A, s2;
	p2 =	seq.s32 @!p0 s5, $0x0  }
0x1f: {  	s9 =	smul.u32 $0xF7A, s1;
	s8 =	simm.s32 @!p0 $0x1BF5;
	p2 =	por !p2, p0  }
0x20: {  	[sflag:s8] =	ssyncset.s32 @!p0 $0xFFFFF086;
	s6 =	sadd.s32 @!p0 s3, s7;
	s7 =	simm.s32 @!p0 $0x108  }
0x21: {  	s3 =	sadd.s32 s3, s9;
	s6 =	sadd.s32 @!p0 $0x88, s6;
	s7 =	simm.s32 @p2 $0x1082  }
0x22: {  	[simem:s7], [sflag:s8] =	dma.local @!p0 [hbm:s6], $0xF7A  }
0x23: {  	s9 =	sor.u32 $0xD0000000, s2;
	s6 =	simm.s32 $0x108;
	_ =	swait.ge @!p0 [sflag:s8], $0x0  }
0x24: {  	s3 =	sadd.s32 $0x88, s3;
	s6 =	simm.s32 @!p1 $0x1082;
	[sflag:s4] =	ssyncset.s32 $0xFFFFF086  }
0x25: {  	[simem:s6], [sflag:s4] =	dma.local [hbm:s3], $0xF7A  }
0x26: {  	[smem:$0x3F99] =	sst s1;
	(tag) =	ssettag s2;
	_ =	strace s9  }
0x27: {  	s1 =	sld [smem:$0x3FA9]  }
0x28: {  	s2 =	sld [smem:$0x3FAA]  }
0x29: {  	s4 =	sld [smem:$0x3FAC]  }
0x2a: {  	p0 =	seq.s32 s5, $0x0;
	s5 =	sld [smem:$0x3FAD]  }
0x2b: {  	s6 =	sld [smem:$0x3FAE]  }
0x2c: {  	s7 =	sld [smem:$0x3FAF]  }
0x2d: {  	s3 =	simm.s32 $0x108;
	s8 =	sld [smem:$0x3FB0]  }
0x2e: {  	s3 =	simm.s32 @!p0 $0x1082;
	s9 =	sld [smem:$0x3FB1]  }
0x2f: {  	lr =	sadd.s32 s0, s3;
	s0 =	sld [smem:$0x3FA8]  }
0x30: {  	s3 =	sld [smem:$0x3FAB]  }
0x31: {  	[smem:$0x3FB4] =	sst s10  }
0x32: {  	s10 =	sld [smem:$0x3FB2];
	_ =	sdelay $0x3  }
0x33: {  	p0 =	seq.s32 s10, $0x1;
	s10 =	sld [smem:$0x3FB4];
	_ =	sdelay $0x3  }
0x34: {  	[smem:$0x3FB4] =	sst s10  }
0x35: {  	s10 =	sld [smem:$0x3FB3];
	_ =	sdelay $0x3  }
0x36: {  	p1 =	seq.s32 s10, $0x1;
	s10 =	sld [smem:$0x3FB4];
	_ =	sdelay $0x3  }
0x37: {  	[smem:$0x3FB4] =	sst s10  }
0x38: {  	s10 =	sld [smem:$0x3FB5]  }
0x39: {  	_ = 	snop;
	(pc) =	sbr.ind lr, $3  }
0x3a: {  	_ = 	snop  }
0x3b: {  	_ = 	snop  }
0x3c: {  	p2 =	seq.s32 s10, $0x1;
	s10 =	sld [smem:$0x3FB4]  }
0x3d: {  	_ =	shalt  }
0x3e: {  	_ =	shalt  }
0x3f: {  	_ =	shalt  }
0x40: {  	_ =	shalt  }
0x41: {  	_ =	shalt  }
0x42: {  	_ =	shalt  }
0x43: {  	_ =	shalt  }
0x44: {  	_ =	shalt  }
0x45: {  	_ =	shalt  }
0x46: {  	_ =	shalt  }
0x47: {  	_ =	shalt  }
0x48: {  	_ =	shalt  }
0x49: {  	_ =	shalt  }
0x4a: {  	_ =	shalt  }
0x4b: {  	_ =	shalt  }
0x4c: {  	_ =	shalt  }
0x4d: {  	_ =	shalt  }
0x4e: {  	_ =	shalt  }
0x4f: {  	_ =	shalt  }
0x50: {  	_ =	shalt  }
0x51: {  	_ =	shalt  }
0x52: {  	_ =	shalt  }
0x53: {  	_ =	shalt  }
0x54: {  	_ =	shalt  }
0x55: {  	_ =	shalt  }
0x56: {  	_ =	shalt  }
0x57: {  	_ =	shalt  }
0x58: {  	_ =	shalt  }
0x59: {  	_ =	shalt  }
0x5a: {  	_ =	shalt  }
0x5b: {  	_ =	shalt  }
0x5c: {  	_ =	shalt  }
0x5d: {  	_ =	shalt  }
0x5e: {  	_ =	shalt  }
0x5f: {  	_ =	shalt  }
0x60: {  	_ =	shalt  }
0x61: {  	_ =	shalt  }
0x62: {  	_ =	shalt  }
0x63: {  	_ =	shalt  }
0x64: {  	_ =	shalt  }
0x65: {  	_ =	shalt  }
0x66: {  	_ =	shalt  }
0x67: {  	_ =	shalt  }
0x68: {  	_ =	shalt  }
0x69: {  	_ =	shalt  }
0x6a: {  	_ =	shalt  }
0x6b: {  	_ =	shalt  }
0x6c: {  	_ =	shalt  }
0x6d: {  	_ =	shalt  }
0x6e: {  	_ =	shalt  }
0x6f: {  	_ =	shalt  }
0x70: {  	_ =	shalt  }
0x71: {  	_ =	shalt  }
0x72: {  	_ =	shalt  }
0x73: {  	_ =	shalt  }
0x74: {  	_ =	shalt  }
0x75: {  	_ =	shalt  }
0x76: {  	_ =	shalt  }
0x77: {  	_ =	shalt  }
0x78: {  	_ =	shalt  }
0x79: {  	_ =	shalt  }
0x7a: {  	_ =	shalt  }
0x7b: {  	_ =	shalt  }
0x7c: {  	_ =	shalt  }
0x7d: {  	_ =	shalt  }
0x7e: {  	_ =	shalt  }
0x7f: {  	_ =	shalt  }
0x80: {  	_ =	shalt  }
0x81: {  	_ =	shalt  }
0x82: {  	_ =	shalt  }
0x83: {  	_ =	shalt  }
0x84: {  	_ =	shalt  }
0x85: {  	_ =	shalt  }
0x86: {  	_ =	shalt  }
0x87: {  	_ =	shalt  }
.Lfunc_end0:
.L_simem_size_0:
called_computation.2_lowered:
.L_overlay_start_0:
0x88: {  	s2 =	sld [smem:$0x3FD9]  }
0x89: {  	s3 =	sld [smem:$0x3FFE];
	_ =	sdelay $0x1  }
0x8a: {  	s1 =	srdreg.scid  }
0x8b: {  	s0 =	sand.u32 $0x1, s1  }
0x8c: {  	s17 =	sshll.u32 s0, $0xA;
	s2 =	sadd.s32 s3, s2  }
0x8d: {  	s2 =	sadd.s32 s2, s17  }
0x8e: {  	[smem:$0x3FC0] =	sst s2  }
0x8f: {  	_ = 	snop  }
0x90: {  	s2 =	sld [smem:$0x3FD0];
	(tm) =	ssettm $0x1  }
0x91: {  	s18 =	sld [smem:$0x3FFB];
	_ =	sdelay $0x3  }
0x92: {  	_ =	strace s18  }
0x93: {  	s3 =	sld [smem:$0x3FFC];
	_ =	sdelay $0x3  }
0x94: {  	_ =	strace s3  }
0x95: {  	s3 =	sld [smem:$0x3FFD];
	_ =	sdelay $0x3  }
0x96: {  	_ =	strace s3  }
0x97: {  	_ =	strace $0x8FFFFFFF  }
0x98: {  	s19 =	sld [smem:$0x3FDB];
	_ =	sdelay $0x1  }
0x99: {  	s4 =	simm.s32 $_scs_section_size  }
0x9a: {  	s5 =	simm.s32 $_size__tile_overlayer_lowered;
	s6 =	simm.s32 $_tile_overlayer_lowered  }
0x9b: {  	s22 =	simm.s32 $0x1BFF;
	s21 =	sshll.u32 s6, $0x1;
	s3 =	sadd.s32 s4, s19  }
0x9c: {  	s7 =	simm.s32 $0x0;
	s20 =	sshll.u32 s5, $0x1;
	s5 =	sadd.s32 s21, s3  }
0x9d: {  	[timem:s7], [sflag:s22] =	dma.local [hbm:s5], s20  }
0x9e: {  	_ =	swait.ge [sflag:s22], s20  }
0x9f: {  	s4 =	ssub.s32 $0x0, s20;
	[sflag:s22] =	ssyncset.done $0x0  }
0xa0: {  	[sflag:s22] =	ssyncadd.s32 s4;
	_ =	sdelay $0x1  }
0xa1: {  	s23 =	simm.s32 $0x1B8B  }
0xa2: {  	_ =	swait.ge [sflag:s23], $0x1  }
0xa3: {  	[sflag:s23] =	ssyncset.done $0x0  }
0xa4: {  	s25 =	simm.s32 $0x1B8E;
	s24 =	sld [smem:$0x3FFE];
	[sflag:s23] =	ssyncadd.s32 $0xFFFFFFFF  }
0xa5: {  	s26 =	simm.s32 $execute0_lowered;
	[smem:$0x3FD2] =	sst s25  }
0xa6: {  	s5 =	sshll.u32 s26, $0x1;
	_ =	strace $0x8000004C;
	[dreg:$0x1] =	wrdreg $0xFFFFFFFF  }
0xa7: {  	s28 =	simm.s32 $_size_execute0_lowered;
	s3 =	sadd.s32 s3, s5;
	[dreg:$0x0] =	wrdreg $0x0  }
0xa8: {  	s5 =	sshll.u32 s28, $0x1;
	[dreg:$0x2] =	wrdreg s3  }
0xa9: {  	[dreg:$0x3] =	wrdreg s5  }
0xaa: {  	[dreg:$0x4] =	wrdreg $0xC0  }
0xab: {  	_ =	task [dreg:s7], $0x5FFFF  }
0xac: {  	[dreg:$0x1] =	wrdreg $0xFFFFFFFF  }
0xad: {  	[dreg:$0x0] =	wrdreg $0x60  }
0xae: {  	[dreg:$0x2] =	wrdreg s2  }
0xaf: {  	[dreg:$0x3] =	wrdreg s24  }
0xb0: {  	[dreg:$0x4] =	wrdreg $0x98000  }
0xb1: {  	[dreg:$0x5] =	wrdreg $0x9  }
0xb2: {  	_ =	task.clear_ibuf [dreg:s7], $0x6FFFF;
	_ =	strace $0x9000004C  }
0xb3: {  	s29 =	simm.s32 $0x9;
	_ =	strace $0x8000004E  }
0xb4: {  	_ =	swait.ge [sflag:s29], $0x1  }
0xb5: {  	[sflag:s29] =	ssyncadd.s32 $0xFFFFFFFF  }
0xb6: {  	_ =	strace $0x9000004E  }
0xb7: {  	_ =	sfence  }
0xb8: {  	s30 =	sld [smem:$0x0];
	_ =	sdelay $0x2  }
0xb9: {  	s31 =	sshll.u32 s1, $0xD;
	s1 =	sshrl.u32 s1, $0x2  }
0xba: {  	s3 =	sand.u32 $0x4000, s31;
	s1 =	sadd.s32 s1, s30  }
0xbb: {  	s0 =	sor.u32 s3, s0;
	s1 =	sshll.u32 s1, $0x11  }
0xbc: {  	s0 =	sor.u32 s1, s0  }
0xbd: {  	s0 =	sadd.s32 $0x8F2B, s0  }
0xbe: {  	[sflag:s0] =	ssyncadd.remote.s32 $0x1  }
0xbf: {  	_ =	sfence.sel $0xFFFF  }
0xc0: {  	[dreg:$0x0] =	wrdreg $0xFFFFFFFF;
	(pc) =	sbr.abs _section_cstart, $3  }
0xc1: {  	[dreg:$0x1] =	wrdreg $0xFFFFFFFF  }
0xc2: {  	_ =	task.clear_ibuf [dreg:s7], $0x2FFFF;
	_ =	strace $0x9FFFFFFF  }
0xc3: {  	(tm) =	ssettm $0x7FFFFFFF  }
tec
execute0_lowered:
.L_overlay_start_1:
0x0: {  	(tag) =	ssettag $0x1  }
0x1: {  	s0 =	rddreg [dreg:$0x0]  }
0x2: {  	s1 =	rddreg [dreg:$0x1]  }
0x3: {  	s2 =	rddreg [dreg:$0x2]  }
0x4: {  	s10 =	stileid.u32;
	s4 =	srdreg.scid;
	s3 =	simm.s32 $0x0  }
0x5: {  	s17 =	simm.s32 $0x100;
	s18 =	simm.s32 $0xC80;
	[smem:$0x7FF] =	sst s3  }
0x6: {  	s19 =	simm.s32 $0x180;
	_ =	strace $0x8000004D;
	[dreg:$0x6] =	wrdreg s17  }
0x7: {  	s21 =	simm.s32 $0xD00;
	s22 =	simm.s32 $0x200;
	[dreg:$0x7] =	wrdreg s18  }
0x8: {  	s24 =	simm.s32 $0xD80;
	s25 =	simm.s32 $0x280;
	[dreg:$0x8] =	wrdreg s19  }
0x9: {  	s26 =	simm.s32 $0xE00;
	s11 =	simm.s32 $0x300;
	[dreg:$0x9] =	wrdreg s21  }
0xa: {  	s12 =	simm.s32 $0xE80;
	s14 =	simm.s32 $0x380;
	[dreg:$0xa] =	wrdreg s22  }
0xb: {  	s28 =	simm.s32 $0x1280;
	s29 =	simm.s32 $0x780;
	[dreg:$0xb] =	wrdreg s24  }
0xc: {  	s30 =	simm.s32 $0x1300;
	s5 =	smul.u32 $0x600, s10;
	[dreg:$0xc] =	wrdreg s25  }
0xd: {  	s31 =	simm.s32 $0x800;
	s8 =	smul.u32 $0x50000, s10;
	[dreg:$0xd] =	wrdreg s26  }
0xe: {  	s4 =	sand.u32 $0x1, s4;
	s20 =	smul.u32 $0x4E000, s10;
	[dreg:$0xe] =	wrdreg s11  }
0xf: {  	p0 =	seq.s32 s10, $0xF;
	s6 =	smul.u32 $0x27100, s4;
	[dreg:$0xf] =	wrdreg s12  }
0x10: {  	s4 =	ssub.s32 $0x2, s4;
	[dreg:$0x10] =	wrdreg s14;
	s18 =	simm.s32 $0x400  }
0x11: {  	s12 =	simm.s32 $0x1800;
	s21 =	simm.s32 $0x480;
	s22 =	simm.s32 $0x1000  }
0x12: {  	s14 =	simm.s32 $0xC00;
	s24 =	simm.s32 $0x1080;
	[dreg:$0x12] =	wrdreg s18  }
0x13: {  	s25 =	simm.s32 $0x580;
	s26 =	simm.s32 $0x1100;
	[dreg:$0x14] =	wrdreg s21  }
0x14: {  	s11 =	simm.s32 $0x1500;
	s5 =	sadd.s32 s5, s1;
	[dreg:$0x15] =	wrdreg s22  }
0x15: {  	s7 =	sshrl.u32 s4, $0x1;
	s16 =	sshrl.u32 s8, $0x2;
	[dreg:$0x17] =	wrdreg s24  }
0x16: {  	s23 =	sshrl.u32 s20, $0x2;
	s20 =	simm.s32 $0xF80;
	[dreg:$0x18] =	wrdreg s25  }
0x17: {  	s18 =	simm.s32 $0x2;
	[dreg:$0x19] =	wrdreg s26;
	s21 =	simm.s32 $0x680  }
0x18: {  	s22 =	simm.s32 $0x1200;
	s26 =	simm.s32 $0x700;
	s24 =	simm.s32 $0x0  }
0x19: {  	s1 =	sadd.s32 s6, s1;
	s9 =	sadd.s32 $0x57200, s5;
	s4 =	ssub.s32 s4, s7  }
0x1a: {  	s5 =	sadd.s32 $0x51200, s5;
	s8 =	sadd.s32 s16, s2;
	[dreg:$0x13] =	wrdreg s20  }
0x1b: {  	s7 =	sadd.s32 $0x124800, s2;
	s16 =	simm.s32 $0xF00;
	[dreg:$0x4] =	wrdreg s9  }
0x1c: {  	s20 =	simm.s32 $0x1180;
	[dreg:$0x5] =	wrdreg s5;
	s5 =	sadd.s32 s0, s6  }
0x1d: {  	s9 =	sadd.s32 $0x5D200, s1;
	s1 =	sadd.s32 s23, s2;
	[dreg:$0x11] =	wrdreg s16  }
0x1e: {  	s6 =	smul.u32 $0x2700, s10;
	s4 =	smax.u32 s4, $0x1;
	[dreg:$0x1a] =	wrdreg s8  }
0x1f: {  	s13 =	sadd.s32 $0x4000, s8;
	s15 =	sadd.s32 $0x8000, s8;
	[dreg:$0x1c] =	wrdreg s4  }
0x20: {  	s17 =	sadd.s32 $0xC000, s8;
	s19 =	sadd.s32 $0x10000, s8;
	[dreg:$0x1d] =	wrdreg s13  }
0x21: {  	s23 =	simm.s32 $0x500;
	s16 =	simm.s32 $0x5800;
	[dreg:$0x1e] =	wrdreg s15  }
0x22: {  	s0 =	sshrl.u32 @p0 s7, $0x3;
	s7 =	simm.s32 $0x1400;
	[dreg:$0x1f] =	wrdreg s17  }
0x23: {  	s8 =	simm.s32 $0x900;
	s10 =	simm.s32 $0x980;
	[smem:$0x7FA] =	sst s19  }
0x24: {  	s13 =	simm.s32 $0x3;
	s15 =	simm.s32 $0x80;
	[dreg:$0x16] =	wrdreg s23  }
0x25: {  	s17 =	simm.s32 $0x1;
	s19 =	simm.s32 $0x600;
	[smem:$0x7FB] =	sst s0  }
0x26: {  	[dreg:$0x1b] =	wrdreg s9;
	s0 =	sadd.s32 @!p0 s6, s9;
	s9 =	simm.s32 $0x1480  }
0x27: {  	s6 =	simm.s32 $0x1580;
	[smem:$0x7FC] =	sst s0;
	s0 =	sshrl.u32 @!p0 s1, $0x3  }
0x28: {  	v0 =	vimm.f32 $0.0e+00;
	s1 =	simm.s32 $0x880;
	[smem:$0x7FD] =	sst s0;
	s0 =	simm.s32 $0x1380  }
.LBB2_1:
0x29: {  	[smem:$0x7F9] =	sst s24;
	s24 =	simm.s32 $0x0;
	s25 =	simm.s32 $0x200  }
.LBB2_2:
0x2a: {  	p1 =	sne.s32 s25, $0xFE00;
	[tilespmem:s24+$0x1870] =	vst v0  }
0x2b: {  	[tilespmem:s24+$0x1800] =	vst v0  }
0x2c: {  	[tilespmem:s24+$0x1810] =	vst v0  }
.Ltmp0:
0x2d: {  	[tilespmem:s24+$0x1820] =	vst v0;
	(pc) =	sbr.rel @p1 .LBB2_2-.Ltmp0, $4  }
0x2e: {  	[tilespmem:s24+$0x1830] =	vst v0  }
0x2f: {  	[tilespmem:s24+$0x1840] =	vst v0  }
0x30: {  	[tilespmem:s24+$0x1850] =	vst v0  }
0x31: {  	[tilespmem:s24+$0x1860] =	vst v0;
	s24 =	sshra.s32 s25, $0x2;
	s25 =	sadd.s32 $0x200, s25  }
0x32: {  	[tilespmem:s24+$0x1870] =	vst v0  }
0x33: {  	[tilespmem:s24+$0x1800] =	vst v0  }
0x34: {  	[tilespmem:s24+$0x1810] =	vst v0  }
0x35: {  	[tilespmem:s24+$0x1820] =	vst v0  }
0x36: {  	[tilespmem:s24+$0x1830] =	vst v0  }
0x37: {  	[tilespmem:s24+$0x1840] =	vst v0  }
0x38: {  	[tilespmem:s24+$0x1850] =	vst v0  }
0x39: {  	[tilespmem:s24+$0x1860] =	vst v0;
	s24 =	simm.s32 $0x0;
	s25 =	simm.s32 $0x200  }
.LBB2_4:
0x3a: {  	p1 =	sne.s32 s25, $0xFE00;
	[tilespmem:s24+$0x5870] =	vst v0  }
0x3b: {  	[tilespmem:s24+$0x5800] =	vst v0  }
0x3c: {  	[tilespmem:s24+$0x5810] =	vst v0  }
.Ltmp1:
0x3d: {  	[tilespmem:s24+$0x5820] =	vst v0;
	(pc) =	sbr.rel @p1 .LBB2_4-.Ltmp1, $4  }
0x3e: {  	[tilespmem:s24+$0x5830] =	vst v0  }
0x3f: {  	[tilespmem:s24+$0x5840] =	vst v0  }
0x40: {  	[tilespmem:s24+$0x5850] =	vst v0  }
0x41: {  	[tilespmem:s24+$0x5860] =	vst v0;
	s24 =	sshra.s32 s25, $0x2;
	s25 =	sadd.s32 $0x200, s25  }
0x42: {  	[tilespmem:s24+$0x5870] =	vst v0  }
0x43: {  	[tilespmem:s24+$0x5800] =	vst v0  }
0x44: {  	[tilespmem:s24+$0x5810] =	vst v0  }
0x45: {  	[tilespmem:s24+$0x5820] =	vst v0  }
0x46: {  	[tilespmem:s24+$0x5830] =	vst v0  }
0x47: {  	[tilespmem:s24+$0x5840] =	vst v0  }
0x48: {  	[tilespmem:s24+$0x5850] =	vst v0  }
0x49: {  	[tilespmem:s24+$0x5860] =	vst v0;
	s4 =	rddreg [dreg:$0x1a]  }
0x4a: {  	[spmem:s4] =	stream.linear.scatter [tilespmem:s12], [sflag:$0x3], $0x4000, $0x38;
	[tilespmem:$0x1D800] =	vst v63  }
0x4b: {  	_ =	swait.ge [sflag:s13], $0x4000  }
0x4c: {  	[sflag:s13] =	ssyncset.done $0x0  }
0x4d: {  	s24 =	rddreg [dreg:$0x1d];
	[sflag:s13] =	ssyncadd.s32 $0xFFFFC000  }
0x4e: {  	[spmem:s24] =	stream.linear.scatter [tilespmem:s12], [sflag:$0x3], $0x4000, $0x38;
	[tilespmem:$0x1D800] =	vst v63  }
0x4f: {  	_ =	swait.ge [sflag:s13], $0x4000  }
0x50: {  	[sflag:s13] =	ssyncset.done $0x0  }
0x51: {  	s25 =	rddreg [dreg:$0x1e];
	[sflag:s13] =	ssyncadd.s32 $0xFFFFC000  }
0x52: {  	[spmem:s25] =	stream.linear.scatter [tilespmem:s12], [sflag:$0x3], $0x4000, $0x38;
	[tilespmem:$0x1D800] =	vst v63  }
0x53: {  	_ =	swait.ge [sflag:s13], $0x4000  }
0x54: {  	[sflag:s13] =	ssyncset.done $0x0  }
0x55: {  	s23 =	rddreg [dreg:$0x1f];
	[sflag:s13] =	ssyncadd.s32 $0xFFFFC000  }
0x56: {  	[spmem:s23] =	stream.linear.scatter [tilespmem:s12], [sflag:$0x3], $0x4000, $0x38;
	[tilespmem:$0x1D800] =	vst v63  }
0x57: {  	_ =	swait.ge [sflag:s13], $0x4000  }
0x58: {  	s24 =	sld [smem:$0x7FA]  }
0x59: {  	[sflag:s13] =	ssyncset.done $0x0  }
0x5a: {  	[sflag:s13] =	ssyncadd.s32 $0xFFFFC000  }
0x5b: {  	[spmem:s24] =	stream.linear.scatter [tilespmem:s12], [sflag:$0x3], $0x4000, $0x38;
	[tilespmem:$0x1D800] =	vst v63  }
0x5c: {  	_ =	swait.ge [sflag:s13], $0x4000  }
0x5d: {  	[sflag:s13] =	ssyncset.done $0x0  }
0x5e: {  	[sflag:s13] =	ssyncadd.s32 $0xFFFFC000  }
0x5f: {  	[bflag:$0x0] =	sbarrier.arrive $0xFFFF  }
0x60: {  	s25 =	rddreg [dreg:$0x4]  }
0x61: {  	s4 =	sadd.s32 $0x0, s25  }
0x62: {  	[tilespmem:s3], [sflag:$0x3] =	stream.linear.gather [hbm4b:s4+s3], $0xA00, $0x38;
	[tilespmem:$0x1D800] =	vst v63  }
0x63: {  	_ =	swait.ge [sflag:s13], $0xA00  }
0x64: {  	s23 =	rddreg [dreg:$0x5];
	[sflag:s13] =	ssyncset.done $0x0  }
0x65: {  	[sflag:s13] =	ssyncadd.s32 $0xFFFFF600;
	s4 =	sadd.s32 $0x0, s23  }
0x66: {  	[tilespmem:s14], [sflag:$0x3] =	stream.linear.gather [hbm4b:s4+s3], $0xA00, $0x38;
	[tilespmem:$0x1D800] =	vst v63  }
0x67: {  	_ =	swait.ge [sflag:s13], $0xA00  }
0x68: {  	[sflag:s13] =	ssyncset.done $0x0  }
0x69: {  	[sflag:s13] =	ssyncadd.s32 $0xFFFFF600  }
0x6a: {  	[tilespmem:s12], [sflag:$0x1] =	stream.indirect.gather [hbm4b:s5+s15], $0x80, s3, s15, $0xb8;
	[tilespmem:$0x1D800] =	vst v63  }
0x6b: {  	_ = 	snop  }
0x6c: {  	[tilespmem:s16], [sflag:$0x2] =	stream.indirect.gather [hbm4b:s5+s15], $0x80, s15, s15, $0xb8;
	[tilespmem:$0x1D800] =	vst v63  }
0x6d: {  	_ =	swait.ge [sflag:s17], $0x4000  }
0x6e: {  	[sflag:s17] =	ssyncset.done $0x0  }
0x6f: {  	[sflag:s17] =	ssyncadd.s32 $0xFFFFC000  }
0x70: {  	[spmem:s2] =	stream.indirect.scatter.add.f32 [tilespmem:s12], [sflag:$0x3], $0x80, s14, s15, $0xb8;
	[tilespmem:$0x1D800] =	vst v63  }
0x71: {  	_ =	swait.ge [sflag:s13], $0x4000  }
0x72: {  	[sflag:s13] =	ssyncset.done $0x0  }
0x73: {  	s24 =	rddreg [dreg:$0x6];
	[sflag:s13] =	ssyncadd.s32 $0xFFFFC000  }
0x74: {  	[tilespmem:s12], [sflag:$0x1] =	stream.indirect.gather [hbm4b:s5+s15], $0x80, s24, s15, $0xb8;
	[tilespmem:$0x1D800] =	vst v63  }
0x75: {  	_ =	swait.ge [sflag:s18], $0x4000  }
0x76: {  	[sflag:s18] =	ssyncset.done $0x0  }
0x77: {  	s25 =	rddreg [dreg:$0x7];
	[sflag:s18] =	ssyncadd.s32 $0xFFFFC000  }
0x78: {  	[spmem:s2] =	stream.indirect.scatter.add.f32 [tilespmem:s16], [sflag:$0x3], $0x80, s25, s15, $0xb8;
	[tilespmem:$0x1D800] =	vst v63  }
0x79: {  	_ =	swait.ge [sflag:s13], $0x4000  }
0x7a: {  	[sflag:s13] =	ssyncset.done $0x0  }
0x7b: {  	s23 =	rddreg [dreg:$0x8];
	[sflag:s13] =	ssyncadd.s32 $0xFFFFC000  }
0x7c: {  	[tilespmem:s16], [sflag:$0x2] =	stream.indirect.gather [hbm4b:s5+s15], $0x80, s23, s15, $0xb8;
	[tilespmem:$0x1D800] =	vst v63  }
0x7d: {  	_ =	swait.ge [sflag:s17], $0x4000  }
0x7e: {  	[sflag:s17] =	ssyncset.done $0x0  }
0x7f: {  	s24 =	rddreg [dreg:$0x9];
	[sflag:s17] =	ssyncadd.s32 $0xFFFFC000  }
0x80: {  	[spmem:s2] =	stream.indirect.scatter.add.f32 [tilespmem:s12], [sflag:$0x3], $0x80, s24, s15, $0xb8;
	[tilespmem:$0x1D800] =	vst v63  }
0x81: {  	_ =	swait.ge [sflag:s13], $0x4000  }
0x82: {  	[sflag:s13] =	ssyncset.done $0x0  }
0x83: {  	s25 =	rddreg [dreg:$0xa];
	[sflag:s13] =	ssyncadd.s32 $0xFFFFC000  }
0x84: {  	[tilespmem:s12], [sflag:$0x1] =	stream.indirect.gather [hbm4b:s5+s15], $0x80, s25, s15, $0xb8;
	[tilespmem:$0x1D800] =	vst v63  }
0x85: {  	_ =	swait.ge [sflag:s18], $0x4000  }
0x86: {  	[sflag:s18] =	ssyncset.done $0x0  }
0x87: {  	s23 =	rddreg [dreg:$0xb];
	[sflag:s18] =	ssyncadd.s32 $0xFFFFC000  }
0x88: {  	[spmem:s2] =	stream.indirect.scatter.add.f32 [tilespmem:s16], [sflag:$0x3], $0x80, s23, s15, $0xb8;
	[tilespmem:$0x1D800] =	vst v63  }
0x89: {  	_ =	swait.ge [sflag:s13], $0x4000  }
0x8a: {  	[sflag:s13] =	ssyncset.done $0x0  }
0x8b: {  	s24 =	rddreg [dreg:$0xc];
	[sflag:s13] =	ssyncadd.s32 $0xFFFFC000  }
0x8c: {  	[tilespmem:s16], [sflag:$0x2] =	stream.indirect.gather [hbm4b:s5+s15], $0x80, s24, s15, $0xb8;
	[tilespmem:$0x1D800] =	vst v63  }
0x8d: {  	_ =	swait.ge [sflag:s17], $0x4000  }
0x8e: {  	[sflag:s17] =	ssyncset.done $0x0  }
0x8f: {  	s25 =	rddreg [dreg:$0xd];
	[sflag:s17] =	ssyncadd.s32 $0xFFFFC000  }
0x90: {  	[spmem:s2] =	stream.indirect.scatter.add.f32 [tilespmem:s12], [sflag:$0x3], $0x80, s25, s15, $0xb8;
	[tilespmem:$0x1D800] =	vst v63  }
0x91: {  	_ =	swait.ge [sflag:s13], $0x4000  }
0x92: {  	[sflag:s13] =	ssyncset.done $0x0  }
0x93: {  	s23 =	rddreg [dreg:$0xe];
	[sflag:s13] =	ssyncadd.s32 $0xFFFFC000  }
0x94: {  	[tilespmem:s12], [sflag:$0x1] =	stream.indirect.gather [hbm4b:s5+s15], $0x80, s23, s15, $0xb8;
	[tilespmem:$0x1D800] =	vst v63  }
0x95: {  	_ =	swait.ge [sflag:s18], $0x4000  }
0x96: {  	[sflag:s18] =	ssyncset.done $0x0  }
0x97: {  	s24 =	rddreg [dreg:$0xf];
	[sflag:s18] =	ssyncadd.s32 $0xFFFFC000  }
0x98: {  	[spmem:s2] =	stream.indirect.scatter.add.f32 [tilespmem:s16], [sflag:$0x3], $0x80, s24, s15, $0xb8;
	[tilespmem:$0x1D800] =	vst v63  }
0x99: {  	_ =	swait.ge [sflag:s13], $0x4000  }
0x9a: {  	[sflag:s13] =	ssyncset.done $0x0  }
0x9b: {  	s25 =	rddreg [dreg:$0x10];
	[sflag:s13] =	ssyncadd.s32 $0xFFFFC000  }
0x9c: {  	[tilespmem:s16], [sflag:$0x2] =	stream.indirect.gather [hbm4b:s5+s15], $0x80, s25, s15, $0xb8;
	[tilespmem:$0x1D800] =	vst v63  }
0x9d: {  	_ =	swait.ge [sflag:s17], $0x4000  }
0x9e: {  	[sflag:s17] =	ssyncset.done $0x0  }
0x9f: {  	s23 =	rddreg [dreg:$0x11];
	[sflag:s17] =	ssyncadd.s32 $0xFFFFC000  }
0xa0: {  	[spmem:s2] =	stream.indirect.scatter.add.f32 [tilespmem:s12], [sflag:$0x3], $0x80, s23, s15, $0xb8;
	[tilespmem:$0x1D800] =	vst v63  }
0xa1: {  	_ =	swait.ge [sflag:s13], $0x4000  }
0xa2: {  	[sflag:s13] =	ssyncset.done $0x0  }
0xa3: {  	s24 =	rddreg [dreg:$0x12];
	[sflag:s13] =	ssyncadd.s32 $0xFFFFC000  }
0xa4: {  	[tilespmem:s12], [sflag:$0x1] =	stream.indirect.gather [hbm4b:s5+s15], $0x80, s24, s15, $0xb8;
	[tilespmem:$0x1D800] =	vst v63  }
0xa5: {  	_ =	swait.ge [sflag:s18], $0x4000  }
0xa6: {  	[sflag:s18] =	ssyncset.done $0x0  }
0xa7: {  	s25 =	rddreg [dreg:$0x13];
	[sflag:s18] =	ssyncadd.s32 $0xFFFFC000  }
0xa8: {  	[spmem:s2] =	stream.indirect.scatter.add.f32 [tilespmem:s16], [sflag:$0x3], $0x80, s25, s15, $0xb8;
	[tilespmem:$0x1D800] =	vst v63  }
0xa9: {  	_ =	swait.ge [sflag:s13], $0x4000  }
0xaa: {  	[sflag:s13] =	ssyncset.done $0x0  }
0xab: {  	s23 =	rddreg [dreg:$0x14];
	[sflag:s13] =	ssyncadd.s32 $0xFFFFC000  }
0xac: {  	[tilespmem:s16], [sflag:$0x2] =	stream.indirect.gather [hbm4b:s5+s15], $0x80, s23, s15, $0xb8;
	[tilespmem:$0x1D800] =	vst v63  }
0xad: {  	_ =	swait.ge [sflag:s17], $0x4000  }
0xae: {  	[sflag:s17] =	ssyncset.done $0x0  }
0xaf: {  	s24 =	rddreg [dreg:$0x15];
	[sflag:s17] =	ssyncadd.s32 $0xFFFFC000  }
0xb0: {  	[spmem:s2] =	stream.indirect.scatter.add.f32 [tilespmem:s12], [sflag:$0x3], $0x80, s24, s15, $0xb8;
	[tilespmem:$0x1D800] =	vst v63  }
0xb1: {  	_ =	swait.ge [sflag:s13], $0x4000  }
0xb2: {  	[sflag:s13] =	ssyncset.done $0x0  }
0xb3: {  	s25 =	rddreg [dreg:$0x16];
	[sflag:s13] =	ssyncadd.s32 $0xFFFFC000  }
0xb4: {  	[tilespmem:s12], [sflag:$0x1] =	stream.indirect.gather [hbm4b:s5+s15], $0x80, s25, s15, $0xb8;
	[tilespmem:$0x1D800] =	vst v63  }
0xb5: {  	_ =	swait.ge [sflag:s18], $0x4000  }
0xb6: {  	[sflag:s18] =	ssyncset.done $0x0  }
0xb7: {  	s23 =	rddreg [dreg:$0x17];
	[sflag:s18] =	ssyncadd.s32 $0xFFFFC000  }
0xb8: {  	[spmem:s2] =	stream.indirect.scatter.add.f32 [tilespmem:s16], [sflag:$0x3], $0x80, s23, s15, $0xb8;
	[tilespmem:$0x1D800] =	vst v63  }
0xb9: {  	_ =	swait.ge [sflag:s13], $0x4000  }
0xba: {  	[sflag:s13] =	ssyncset.done $0x0  }
0xbb: {  	s24 =	rddreg [dreg:$0x18];
	[sflag:s13] =	ssyncadd.s32 $0xFFFFC000  }
0xbc: {  	[tilespmem:s16], [sflag:$0x2] =	stream.indirect.gather [hbm4b:s5+s15], $0x80, s24, s15, $0xb8;
	[tilespmem:$0x1D800] =	vst v63  }
0xbd: {  	_ =	swait.ge [sflag:s17], $0x4000  }
0xbe: {  	[sflag:s17] =	ssyncset.done $0x0  }
0xbf: {  	s25 =	rddreg [dreg:$0x19];
	[sflag:s17] =	ssyncadd.s32 $0xFFFFC000  }
0xc0: {  	[spmem:s2] =	stream.indirect.scatter.add.f32 [tilespmem:s12], [sflag:$0x3], $0x80, s25, s15, $0xb8;
	[tilespmem:$0x1D800] =	vst v63  }
0xc1: {  	_ =	swait.ge [sflag:s13], $0x4000  }
0xc2: {  	[sflag:s13] =	ssyncset.done $0x0  }
0xc3: {  	[sflag:s13] =	ssyncadd.s32 $0xFFFFC000  }
0xc4: {  	[tilespmem:s12], [sflag:$0x1] =	stream.indirect.gather [hbm4b:s5+s15], $0x80, s19, s15, $0xb8;
	[tilespmem:$0x1D800] =	vst v63  }
0xc5: {  	_ =	swait.ge [sflag:s18], $0x4000  }
0xc6: {  	[sflag:s18] =	ssyncset.done $0x0  }
0xc7: {  	[sflag:s18] =	ssyncadd.s32 $0xFFFFC000  }
0xc8: {  	[spmem:s2] =	stream.indirect.scatter.add.f32 [tilespmem:s16], [sflag:$0x3], $0x80, s20, s15, $0xb8;
	[tilespmem:$0x1D800] =	vst v63  }
0xc9: {  	_ =	swait.ge [sflag:s13], $0x4000  }
0xca: {  	[sflag:s13] =	ssyncset.done $0x0  }
0xcb: {  	[sflag:s13] =	ssyncadd.s32 $0xFFFFC000  }
0xcc: {  	[tilespmem:s16], [sflag:$0x2] =	stream.indirect.gather [hbm4b:s5+s15], $0x80, s21, s15, $0xb8;
	[tilespmem:$0x1D800] =	vst v63  }
0xcd: {  	_ =	swait.ge [sflag:s17], $0x4000  }
0xce: {  	[sflag:s17] =	ssyncset.done $0x0  }
0xcf: {  	[sflag:s17] =	ssyncadd.s32 $0xFFFFC000  }
0xd0: {  	[spmem:s2] =	stream.indirect.scatter.add.f32 [tilespmem:s12], [sflag:$0x3], $0x80, s22, s15, $0xb8;
	[tilespmem:$0x1D800] =	vst v63  }
0xd1: {  	_ =	swait.ge [sflag:s13], $0x4000  }
0xd2: {  	[sflag:s13] =	ssyncset.done $0x0  }
0xd3: {  	[sflag:s13] =	ssyncadd.s32 $0xFFFFC000  }
0xd4: {  	[tilespmem:s12], [sflag:$0x1] =	stream.indirect.gather [hbm4b:s5+s15], $0x80, s26, s15, $0xb8;
	[tilespmem:$0x1D800] =	vst v63  }
0xd5: {  	_ =	swait.ge [sflag:s18], $0x4000  }
0xd6: {  	[sflag:s18] =	ssyncset.done $0x0  }
0xd7: {  	[sflag:s18] =	ssyncadd.s32 $0xFFFFC000  }
0xd8: {  	[spmem:s2] =	stream.indirect.scatter.add.f32 [tilespmem:s16], [sflag:$0x3], $0x80, s28, s15, $0xb8;
	[tilespmem:$0x1D800] =	vst v63  }
0xd9: {  	_ =	swait.ge [sflag:s13], $0x4000  }
0xda: {  	[sflag:s13] =	ssyncset.done $0x0  }
0xdb: {  	[sflag:s13] =	ssyncadd.s32 $0xFFFFC000  }
0xdc: {  	[tilespmem:s16], [sflag:$0x2] =	stream.indirect.gather [hbm4b:s5+s15], $0x80, s29, s15, $0xb8;
	[tilespmem:$0x1D800] =	vst v63  }
0xdd: {  	_ =	swait.ge [sflag:s17], $0x4000  }
0xde: {  	[sflag:s17] =	ssyncset.done $0x0  }
0xdf: {  	[sflag:s17] =	ssyncadd.s32 $0xFFFFC000  }
0xe0: {  	[spmem:s2] =	stream.indirect.scatter.add.f32 [tilespmem:s12], [sflag:$0x3], $0x80, s30, s15, $0xb8;
	[tilespmem:$0x1D800] =	vst v63  }
0xe1: {  	_ =	swait.ge [sflag:s13], $0x4000  }
0xe2: {  	[sflag:s13] =	ssyncset.done $0x0  }
0xe3: {  	[sflag:s13] =	ssyncadd.s32 $0xFFFFC000  }
0xe4: {  	[tilespmem:s12], [sflag:$0x1] =	stream.indirect.gather [hbm4b:s5+s15], $0x80, s31, s15, $0xb8;
	[tilespmem:$0x1D800] =	vst v63  }
0xe5: {  	_ =	swait.ge [sflag:s18], $0x4000  }
0xe6: {  	[sflag:s18] =	ssyncset.done $0x0  }
0xe7: {  	[sflag:s18] =	ssyncadd.s32 $0xFFFFC000  }
0xe8: {  	[spmem:s2] =	stream.indirect.scatter.add.f32 [tilespmem:s16], [sflag:$0x3], $0x80, s0, s15, $0xb8;
	[tilespmem:$0x1D800] =	vst v63  }
0xe9: {  	_ =	swait.ge [sflag:s13], $0x4000  }
0xea: {  	[sflag:s13] =	ssyncset.done $0x0  }
0xeb: {  	[sflag:s13] =	ssyncadd.s32 $0xFFFFC000  }
0xec: {  	[tilespmem:s16], [sflag:$0x2] =	stream.indirect.gather [hbm4b:s5+s15], $0x80, s1, s15, $0xb8;
	[tilespmem:$0x1D800] =	vst v63  }
0xed: {  	_ =	swait.ge [sflag:s17], $0x4000  }
0xee: {  	[sflag:s17] =	ssyncset.done $0x0  }
0xef: {  	[sflag:s17] =	ssyncadd.s32 $0xFFFFC000  }
0xf0: {  	[spmem:s2] =	stream.indirect.scatter.add.f32 [tilespmem:s12], [sflag:$0x3], $0x80, s7, s15, $0xb8;
	[tilespmem:$0x1D800] =	vst v63  }
0xf1: {  	_ =	swait.ge [sflag:s13], $0x4000  }
0xf2: {  	[sflag:s13] =	ssyncset.done $0x0  }
0xf3: {  	[sflag:s13] =	ssyncadd.s32 $0xFFFFC000  }
0xf4: {  	[tilespmem:s12], [sflag:$0x1] =	stream.indirect.gather [hbm4b:s5+s15], $0x80, s8, s15, $0xb8;
	[tilespmem:$0x1D800] =	vst v63  }
0xf5: {  	_ =	swait.ge [sflag:s18], $0x4000  }
0xf6: {  	[sflag:s18] =	ssyncset.done $0x0  }
0xf7: {  	[sflag:s18] =	ssyncadd.s32 $0xFFFFC000  }
0xf8: {  	[spmem:s2] =	stream.indirect.scatter.add.f32 [tilespmem:s16], [sflag:$0x3], $0x80, s9, s15, $0xb8;
	[tilespmem:$0x1D800] =	vst v63  }
0xf9: {  	_ =	swait.ge [sflag:s13], $0x4000  }
0xfa: {  	[sflag:s13] =	ssyncset.done $0x0  }
0xfb: {  	[sflag:s13] =	ssyncadd.s32 $0xFFFFC000  }
0xfc: {  	[tilespmem:s16], [sflag:$0x2] =	stream.indirect.gather [hbm4b:s5+s15], $0x80, s10, s15, $0xb8;
	[tilespmem:$0x1D800] =	vst v63  }
0xfd: {  	_ =	swait.ge [sflag:s17], $0x4000  }
0xfe: {  	[sflag:s17] =	ssyncset.done $0x0  }
0xff: {  	[sflag:s17] =	ssyncadd.s32 $0xFFFFC000  }
0x100: {  	[spmem:s2] =	stream.indirect.scatter.add.f32 [tilespmem:s12], [sflag:$0x3], $0x80, s11, s15, $0xb8;
	[tilespmem:$0x1D800] =	vst v63  }
0x101: {  	_ =	swait.ge [sflag:s13], $0x4000  }
0x102: {  	[sflag:s13] =	ssyncset.done $0x0  }
0x103: {  	[sflag:s13] =	ssyncadd.s32 $0xFFFFC000  }
0x104: {  	_ =	swait.ge [sflag:s18], $0x4000  }
0x105: {  	[sflag:s18] =	ssyncset.done $0x0  }
0x106: {  	[sflag:s18] =	ssyncadd.s32 $0xFFFFC000  }
0x107: {  	[spmem:s2] =	stream.indirect.scatter.add.f32 [tilespmem:s16], [sflag:$0x3], $0x80, s6, s15, $0xb8;
	[tilespmem:$0x1D800] =	vst v63  }
0x108: {  	s24 =	simm.s32 $0x180;
	_ =	swait.ge [sflag:s13], $0x4000  }
0x109: {  	s25 =	simm.s32 $0x300;
	s4 =	rddreg [dreg:$0x4];
	[sflag:s13] =	ssyncset.done $0x0  }
.LBB2_6:
0x10a: {  	[sflag:s13] =	ssyncadd.s32 $0xFFFFC000;
	s4 =	sadd.s32 s24, s4  }
0x10b: {  	[tilespmem:s3], [sflag:$0x3] =	stream.linear.gather [hbm4b:s4+s3], $0xA00, $0x38;
	[tilespmem:$0x1D800] =	vst v63  }
0x10c: {  	_ =	swait.ge [sflag:s13], $0xA00  }
0x10d: {  	s4 =	rddreg [dreg:$0x5];
	[sflag:s13] =	ssyncset.done $0x0  }
0x10e: {  	[sflag:s13] =	ssyncadd.s32 $0xFFFFF600;
	s4 =	sadd.s32 s24, s4  }
0x10f: {  	[tilespmem:s14], [sflag:$0x3] =	stream.linear.gather [hbm4b:s4+s3], $0xA00, $0x38;
	[tilespmem:$0x1D800] =	vst v63  }
0x110: {  	_ =	swait.ge [sflag:s13], $0xA00  }
0x111: {  	[sflag:s13] =	ssyncset.done $0x0  }
0x112: {  	[sflag:s13] =	ssyncadd.s32 $0xFFFFF600  }
0x113: {  	[tilespmem:s12], [sflag:$0x1] =	stream.indirect.gather [hbm4b:s5+s15], $0x80, s3, s15, $0xb8;
	[tilespmem:$0x1D800] =	vst v63  }
0x114: {  	_ = 	snop  }
0x115: {  	[tilespmem:s16], [sflag:$0x2] =	stream.indirect.gather [hbm4b:s5+s15], $0x80, s15, s15, $0xb8;
	[tilespmem:$0x1D800] =	vst v63  }
0x116: {  	_ =	swait.ge [sflag:s17], $0x4000  }
0x117: {  	[sflag:s17] =	ssyncset.done $0x0  }
0x118: {  	[sflag:s17] =	ssyncadd.s32 $0xFFFFC000  }
0x119: {  	[spmem:s2] =	stream.indirect.scatter.add.f32 [tilespmem:s12], [sflag:$0x3], $0x80, s14, s15, $0xb8;
	[tilespmem:$0x1D800] =	vst v63  }
0x11a: {  	_ =	swait.ge [sflag:s13], $0x4000  }
0x11b: {  	s23 =	smov.u32 s25;
	[sflag:s13] =	ssyncset.done $0x0  }
0x11c: {  	s24 =	smov.u32 s23;
	s23 =	rddreg [dreg:$0x6];
	[sflag:s13] =	ssyncadd.s32 $0xFFFFC000  }
0x11d: {  	[tilespmem:s12], [sflag:$0x1] =	stream.indirect.gather [hbm4b:s5+s15], $0x80, s23, s15, $0xb8;
	[tilespmem:$0x1D800] =	vst v63  }
0x11e: {  	_ =	swait.ge [sflag:s18], $0x4000  }
0x11f: {  	[sflag:s18] =	ssyncset.done $0x0  }
0x120: {  	s23 =	rddreg [dreg:$0x7];
	[sflag:s18] =	ssyncadd.s32 $0xFFFFC000  }
0x121: {  	[spmem:s2] =	stream.indirect.scatter.add.f32 [tilespmem:s16], [sflag:$0x3], $0x80, s23, s15, $0xb8;
	[tilespmem:$0x1D800] =	vst v63  }
0x122: {  	_ =	swait.ge [sflag:s13], $0x4000  }
0x123: {  	[sflag:s13] =	ssyncset.done $0x0  }
0x124: {  	s23 =	rddreg [dreg:$0x8];
	[sflag:s13] =	ssyncadd.s32 $0xFFFFC000  }
0x125: {  	[tilespmem:s16], [sflag:$0x2] =	stream.indirect.gather [hbm4b:s5+s15], $0x80, s23, s15, $0xb8;
	[tilespmem:$0x1D800] =	vst v63  }
0x126: {  	_ =	swait.ge [sflag:s17], $0x4000  }
0x127: {  	[sflag:s17] =	ssyncset.done $0x0  }
0x128: {  	s23 =	rddreg [dreg:$0x9];
	[sflag:s17] =	ssyncadd.s32 $0xFFFFC000  }
0x129: {  	[spmem:s2] =	stream.indirect.scatter.add.f32 [tilespmem:s12], [sflag:$0x3], $0x80, s23, s15, $0xb8;
	[tilespmem:$0x1D800] =	vst v63  }
0x12a: {  	_ =	swait.ge [sflag:s13], $0x4000  }
0x12b: {  	[sflag:s13] =	ssyncset.done $0x0  }
0x12c: {  	s23 =	rddreg [dreg:$0xa];
	[sflag:s13] =	ssyncadd.s32 $0xFFFFC000  }
0x12d: {  	[tilespmem:s12], [sflag:$0x1] =	stream.indirect.gather [hbm4b:s5+s15], $0x80, s23, s15, $0xb8;
	[tilespmem:$0x1D800] =	vst v63  }
0x12e: {  	_ =	swait.ge [sflag:s18], $0x4000  }
0x12f: {  	[sflag:s18] =	ssyncset.done $0x0  }
0x130: {  	s23 =	rddreg [dreg:$0xb];
	[sflag:s18] =	ssyncadd.s32 $0xFFFFC000  }
0x131: {  	[spmem:s2] =	stream.indirect.scatter.add.f32 [tilespmem:s16], [sflag:$0x3], $0x80, s23, s15, $0xb8;
	[tilespmem:$0x1D800] =	vst v63  }
0x132: {  	_ =	swait.ge [sflag:s13], $0x4000  }
0x133: {  	[sflag:s13] =	ssyncset.done $0x0  }
0x134: {  	s23 =	rddreg [dreg:$0xc];
	[sflag:s13] =	ssyncadd.s32 $0xFFFFC000  }
0x135: {  	[tilespmem:s16], [sflag:$0x2] =	stream.indirect.gather [hbm4b:s5+s15], $0x80, s23, s15, $0xb8;
	[tilespmem:$0x1D800] =	vst v63  }
0x136: {  	_ =	swait.ge [sflag:s17], $0x4000  }
0x137: {  	[sflag:s17] =	ssyncset.done $0x0  }
0x138: {  	s23 =	rddreg [dreg:$0xd];
	[sflag:s17] =	ssyncadd.s32 $0xFFFFC000  }
0x139: {  	[spmem:s2] =	stream.indirect.scatter.add.f32 [tilespmem:s12], [sflag:$0x3], $0x80, s23, s15, $0xb8;
	[tilespmem:$0x1D800] =	vst v63  }
0x13a: {  	_ =	swait.ge [sflag:s13], $0x4000  }
0x13b: {  	[sflag:s13] =	ssyncset.done $0x0  }
0x13c: {  	s23 =	rddreg [dreg:$0xe];
	[sflag:s13] =	ssyncadd.s32 $0xFFFFC000  }
0x13d: {  	[tilespmem:s12], [sflag:$0x1] =	stream.indirect.gather [hbm4b:s5+s15], $0x80, s23, s15, $0xb8;
	[tilespmem:$0x1D800] =	vst v63  }
0x13e: {  	_ =	swait.ge [sflag:s18], $0x4000  }
0x13f: {  	[sflag:s18] =	ssyncset.done $0x0  }
0x140: {  	s23 =	rddreg [dreg:$0xf];
	[sflag:s18] =	ssyncadd.s32 $0xFFFFC000  }
0x141: {  	[spmem:s2] =	stream.indirect.scatter.add.f32 [tilespmem:s16], [sflag:$0x3], $0x80, s23, s15, $0xb8;
	[tilespmem:$0x1D800] =	vst v63  }
0x142: {  	_ =	swait.ge [sflag:s13], $0x4000  }
0x143: {  	[sflag:s13] =	ssyncset.done $0x0  }
0x144: {  	s23 =	rddreg [dreg:$0x10];
	[sflag:s13] =	ssyncadd.s32 $0xFFFFC000  }
0x145: {  	[tilespmem:s16], [sflag:$0x2] =	stream.indirect.gather [hbm4b:s5+s15], $0x80, s23, s15, $0xb8;
	[tilespmem:$0x1D800] =	vst v63  }
0x146: {  	_ =	swait.ge [sflag:s17], $0x4000  }
0x147: {  	[sflag:s17] =	ssyncset.done $0x0  }
0x148: {  	s23 =	rddreg [dreg:$0x11];
	[sflag:s17] =	ssyncadd.s32 $0xFFFFC000  }
0x149: {  	[spmem:s2] =	stream.indirect.scatter.add.f32 [tilespmem:s12], [sflag:$0x3], $0x80, s23, s15, $0xb8;
	[tilespmem:$0x1D800] =	vst v63  }
0x14a: {  	_ =	swait.ge [sflag:s13], $0x4000  }
0x14b: {  	[sflag:s13] =	ssyncset.done $0x0  }
0x14c: {  	s23 =	rddreg [dreg:$0x12];
	[sflag:s13] =	ssyncadd.s32 $0xFFFFC000  }
0x14d: {  	[tilespmem:s12], [sflag:$0x1] =	stream.indirect.gather [hbm4b:s5+s15], $0x80, s23, s15, $0xb8;
	[tilespmem:$0x1D800] =	vst v63  }
0x14e: {  	_ =	swait.ge [sflag:s18], $0x4000  }
0x14f: {  	[sflag:s18] =	ssyncset.done $0x0  }
0x150: {  	s23 =	rddreg [dreg:$0x13];
	[sflag:s18] =	ssyncadd.s32 $0xFFFFC000  }
0x151: {  	[spmem:s2] =	stream.indirect.scatter.add.f32 [tilespmem:s16], [sflag:$0x3], $0x80, s23, s15, $0xb8;
	[tilespmem:$0x1D800] =	vst v63  }
0x152: {  	_ =	swait.ge [sflag:s13], $0x4000  }
0x153: {  	[sflag:s13] =	ssyncset.done $0x0  }
0x154: {  	s23 =	rddreg [dreg:$0x14];
	[sflag:s13] =	ssyncadd.s32 $0xFFFFC000  }
0x155: {  	[tilespmem:s16], [sflag:$0x2] =	stream.indirect.gather [hbm4b:s5+s15], $0x80, s23, s15, $0xb8;
	[tilespmem:$0x1D800] =	vst v63  }
0x156: {  	_ =	swait.ge [sflag:s17], $0x4000  }
0x157: {  	[sflag:s17] =	ssyncset.done $0x0  }
0x158: {  	s23 =	rddreg [dreg:$0x15];
	[sflag:s17] =	ssyncadd.s32 $0xFFFFC000  }
0x159: {  	[spmem:s2] =	stream.indirect.scatter.add.f32 [tilespmem:s12], [sflag:$0x3], $0x80, s23, s15, $0xb8;
	[tilespmem:$0x1D800] =	vst v63  }
0x15a: {  	_ =	swait.ge [sflag:s13], $0x4000  }
0x15b: {  	[sflag:s13] =	ssyncset.done $0x0  }
0x15c: {  	s23 =	rddreg [dreg:$0x16];
	[sflag:s13] =	ssyncadd.s32 $0xFFFFC000  }
0x15d: {  	[tilespmem:s12], [sflag:$0x1] =	stream.indirect.gather [hbm4b:s5+s15], $0x80, s23, s15, $0xb8;
	[tilespmem:$0x1D800] =	vst v63  }
0x15e: {  	_ =	swait.ge [sflag:s18], $0x4000  }
0x15f: {  	[sflag:s18] =	ssyncset.done $0x0  }
0x160: {  	s23 =	rddreg [dreg:$0x17];
	[sflag:s18] =	ssyncadd.s32 $0xFFFFC000  }
0x161: {  	[spmem:s2] =	stream.indirect.scatter.add.f32 [tilespmem:s16], [sflag:$0x3], $0x80, s23, s15, $0xb8;
	[tilespmem:$0x1D800] =	vst v63  }
0x162: {  	_ =	swait.ge [sflag:s13], $0x4000  }
0x163: {  	[sflag:s13] =	ssyncset.done $0x0  }
0x164: {  	s23 =	rddreg [dreg:$0x18];
	[sflag:s13] =	ssyncadd.s32 $0xFFFFC000  }
0x165: {  	[tilespmem:s16], [sflag:$0x2] =	stream.indirect.gather [hbm4b:s5+s15], $0x80, s23, s15, $0xb8;
	[tilespmem:$0x1D800] =	vst v63  }
0x166: {  	_ =	swait.ge [sflag:s17], $0x4000  }
0x167: {  	[sflag:s17] =	ssyncset.done $0x0  }
0x168: {  	s23 =	rddreg [dreg:$0x19];
	[sflag:s17] =	ssyncadd.s32 $0xFFFFC000  }
0x169: {  	[spmem:s2] =	stream.indirect.scatter.add.f32 [tilespmem:s12], [sflag:$0x3], $0x80, s23, s15, $0xb8;
	[tilespmem:$0x1D800] =	vst v63  }
0x16a: {  	_ =	swait.ge [sflag:s13], $0x4000  }
0x16b: {  	[sflag:s13] =	ssyncset.done $0x0  }
0x16c: {  	[sflag:s13] =	ssyncadd.s32 $0xFFFFC000  }
0x16d: {  	[tilespmem:s12], [sflag:$0x1] =	stream.indirect.gather [hbm4b:s5+s15], $0x80, s19, s15, $0xb8;
	[tilespmem:$0x1D800] =	vst v63  }
0x16e: {  	_ =	swait.ge [sflag:s18], $0x4000  }
0x16f: {  	[sflag:s18] =	ssyncset.done $0x0  }
0x170: {  	[sflag:s18] =	ssyncadd.s32 $0xFFFFC000  }
0x171: {  	[spmem:s2] =	stream.indirect.scatter.add.f32 [tilespmem:s16], [sflag:$0x3], $0x80, s20, s15, $0xb8;
	[tilespmem:$0x1D800] =	vst v63  }
0x172: {  	_ =	swait.ge [sflag:s13], $0x4000  }
0x173: {  	[sflag:s13] =	ssyncset.done $0x0  }
0x174: {  	[sflag:s13] =	ssyncadd.s32 $0xFFFFC000  }
0x175: {  	[tilespmem:s16], [sflag:$0x2] =	stream.indirect.gather [hbm4b:s5+s15], $0x80, s21, s15, $0xb8;
	[tilespmem:$0x1D800] =	vst v63  }
0x176: {  	_ =	swait.ge [sflag:s17], $0x4000  }
0x177: {  	[sflag:s17] =	ssyncset.done $0x0  }
0x178: {  	[sflag:s17] =	ssyncadd.s32 $0xFFFFC000  }
0x179: {  	[spmem:s2] =	stream.indirect.scatter.add.f32 [tilespmem:s12], [sflag:$0x3], $0x80, s22, s15, $0xb8;
	[tilespmem:$0x1D800] =	vst v63  }
0x17a: {  	_ =	swait.ge [sflag:s13], $0x4000  }
0x17b: {  	[sflag:s13] =	ssyncset.done $0x0  }
0x17c: {  	[sflag:s13] =	ssyncadd.s32 $0xFFFFC000  }
0x17d: {  	[tilespmem:s12], [sflag:$0x1] =	stream.indirect.gather [hbm4b:s5+s15], $0x80, s26, s15, $0xb8;
	[tilespmem:$0x1D800] =	vst v63  }
0x17e: {  	_ =	swait.ge [sflag:s18], $0x4000  }
0x17f: {  	[sflag:s18] =	ssyncset.done $0x0  }
0x180: {  	[sflag:s18] =	ssyncadd.s32 $0xFFFFC000  }
0x181: {  	[spmem:s2] =	stream.indirect.scatter.add.f32 [tilespmem:s16], [sflag:$0x3], $0x80, s28, s15, $0xb8;
	[tilespmem:$0x1D800] =	vst v63  }
0x182: {  	_ =	swait.ge [sflag:s13], $0x4000  }
0x183: {  	[sflag:s13] =	ssyncset.done $0x0  }
0x184: {  	[sflag:s13] =	ssyncadd.s32 $0xFFFFC000  }
0x185: {  	[tilespmem:s16], [sflag:$0x2] =	stream.indirect.gather [hbm4b:s5+s15], $0x80, s29, s15, $0xb8;
	[tilespmem:$0x1D800] =	vst v63  }
0x186: {  	_ =	swait.ge [sflag:s17], $0x4000  }
0x187: {  	[sflag:s17] =	ssyncset.done $0x0  }
0x188: {  	[sflag:s17] =	ssyncadd.s32 $0xFFFFC000  }
0x189: {  	[spmem:s2] =	stream.indirect.scatter.add.f32 [tilespmem:s12], [sflag:$0x3], $0x80, s30, s15, $0xb8;
	[tilespmem:$0x1D800] =	vst v63  }
0x18a: {  	_ =	swait.ge [sflag:s13], $0x4000  }
0x18b: {  	[sflag:s13] =	ssyncset.done $0x0  }
0x18c: {  	[sflag:s13] =	ssyncadd.s32 $0xFFFFC000  }
0x18d: {  	[tilespmem:s12], [sflag:$0x1] =	stream.indirect.gather [hbm4b:s5+s15], $0x80, s31, s15, $0xb8;
	[tilespmem:$0x1D800] =	vst v63  }
0x18e: {  	_ =	swait.ge [sflag:s18], $0x4000  }
0x18f: {  	[sflag:s18] =	ssyncset.done $0x0  }
0x190: {  	[sflag:s18] =	ssyncadd.s32 $0xFFFFC000  }
0x191: {  	[spmem:s2] =	stream.indirect.scatter.add.f32 [tilespmem:s16], [sflag:$0x3], $0x80, s0, s15, $0xb8;
	[tilespmem:$0x1D800] =	vst v63  }
0x192: {  	_ =	swait.ge [sflag:s13], $0x4000  }
0x193: {  	[sflag:s13] =	ssyncset.done $0x0  }
0x194: {  	[sflag:s13] =	ssyncadd.s32 $0xFFFFC000  }
0x195: {  	[tilespmem:s16], [sflag:$0x2] =	stream.indirect.gather [hbm4b:s5+s15], $0x80, s1, s15, $0xb8;
	[tilespmem:$0x1D800] =	vst v63  }
0x196: {  	_ =	swait.ge [sflag:s17], $0x4000  }
0x197: {  	[sflag:s17] =	ssyncset.done $0x0  }
0x198: {  	[sflag:s17] =	ssyncadd.s32 $0xFFFFC000  }
0x199: {  	[spmem:s2] =	stream.indirect.scatter.add.f32 [tilespmem:s12], [sflag:$0x3], $0x80, s7, s15, $0xb8;
	[tilespmem:$0x1D800] =	vst v63  }
0x19a: {  	_ =	swait.ge [sflag:s13], $0x4000  }
0x19b: {  	[sflag:s13] =	ssyncset.done $0x0  }
0x19c: {  	[sflag:s13] =	ssyncadd.s32 $0xFFFFC000  }
0x19d: {  	[tilespmem:s12], [sflag:$0x1] =	stream.indirect.gather [hbm4b:s5+s15], $0x80, s8, s15, $0xb8;
	[tilespmem:$0x1D800] =	vst v63  }
0x19e: {  	_ =	swait.ge [sflag:s18], $0x4000  }
0x19f: {  	[sflag:s18] =	ssyncset.done $0x0  }
0x1a0: {  	[sflag:s18] =	ssyncadd.s32 $0xFFFFC000  }
0x1a1: {  	[spmem:s2] =	stream.indirect.scatter.add.f32 [tilespmem:s16], [sflag:$0x3], $0x80, s9, s15, $0xb8;
	[tilespmem:$0x1D800] =	vst v63  }
0x1a2: {  	_ =	swait.ge [sflag:s13], $0x4000  }
0x1a3: {  	[sflag:s13] =	ssyncset.done $0x0  }
0x1a4: {  	[sflag:s13] =	ssyncadd.s32 $0xFFFFC000  }
0x1a5: {  	[tilespmem:s16], [sflag:$0x2] =	stream.indirect.gather [hbm4b:s5+s15], $0x80, s10, s15, $0xb8;
	[tilespmem:$0x1D800] =	vst v63  }
0x1a6: {  	_ =	swait.ge [sflag:s17], $0x4000  }
0x1a7: {  	[sflag:s17] =	ssyncset.done $0x0  }
0x1a8: {  	[sflag:s17] =	ssyncadd.s32 $0xFFFFC000  }
0x1a9: {  	[spmem:s2] =	stream.indirect.scatter.add.f32 [tilespmem:s12], [sflag:$0x3], $0x80, s11, s15, $0xb8;
	[tilespmem:$0x1D800] =	vst v63  }
0x1aa: {  	_ =	swait.ge [sflag:s13], $0x4000  }
0x1ab: {  	[sflag:s13] =	ssyncset.done $0x0  }
0x1ac: {  	[sflag:s13] =	ssyncadd.s32 $0xFFFFC000  }
0x1ad: {  	p1 =	sne.s32 s25, $0x480;
	_ =	swait.ge [sflag:s18], $0x4000  }
.Ltmp2:
0x1ae: {  	[sflag:s18] =	ssyncset.done $0x0;
	(pc) =	sbr.rel @p1 .LBB2_6-.Ltmp2, $4  }
0x1af: {  	[sflag:s18] =	ssyncadd.s32 $0xFFFFC000  }
0x1b0: {  	[spmem:s2] =	stream.indirect.scatter.add.f32 [tilespmem:s16], [sflag:$0x3], $0x80, s6, s15, $0xb8;
	[tilespmem:$0x1D800] =	vst v63  }
0x1b1: {  	_ =	swait.ge [sflag:s13], $0x4000  }
0x1b2: {  	s25 =	sadd.s32 $0x180, s25;
	s4 =	rddreg [dreg:$0x4];
	[sflag:s13] =	ssyncset.done $0x0  }
0x1b3: {  	[sflag:s13] =	ssyncadd.s32 $0xFFFFC000;
	s4 =	sadd.s32 s24, s4  }
0x1b4: {  	[tilespmem:s3], [sflag:$0x3] =	stream.linear.gather [hbm4b:s4+s3], $0xA00, $0x38;
	[tilespmem:$0x1D800] =	vst v63  }
0x1b5: {  	_ =	swait.ge [sflag:s13], $0xA00  }
0x1b6: {  	s23 =	rddreg [dreg:$0x5];
	[sflag:s13] =	ssyncset.done $0x0  }
0x1b7: {  	[sflag:s13] =	ssyncadd.s32 $0xFFFFF600;
	s4 =	sadd.s32 s24, s23  }
0x1b8: {  	[tilespmem:s14], [sflag:$0x3] =	stream.linear.gather [hbm4b:s4+s3], $0xA00, $0x38;
	[tilespmem:$0x1D800] =	vst v63  }
0x1b9: {  	_ =	swait.ge [sflag:s13], $0xA00  }
0x1ba: {  	[sflag:s13] =	ssyncset.done $0x0  }
0x1bb: {  	[sflag:s13] =	ssyncadd.s32 $0xFFFFF600  }
0x1bc: {  	[tilespmem:s12], [sflag:$0x1] =	stream.indirect.gather [hbm4b:s5+s15], $0x80, s3, s15, $0xb8;
	[tilespmem:$0x1D800] =	vst v63  }
0x1bd: {  	_ = 	snop  }
0x1be: {  	[tilespmem:s16], [sflag:$0x2] =	stream.indirect.gather [hbm4b:s5+s15], $0x80, s15, s15, $0xb8;
	[tilespmem:$0x1D800] =	vst v63  }
0x1bf: {  	_ =	swait.ge [sflag:s17], $0x4000  }
0x1c0: {  	[sflag:s17] =	ssyncset.done $0x0  }
0x1c1: {  	[sflag:s17] =	ssyncadd.s32 $0xFFFFC000  }
0x1c2: {  	[spmem:s2] =	stream.indirect.scatter.add.f32 [tilespmem:s12], [sflag:$0x3], $0x80, s14, s15, $0xb8;
	[tilespmem:$0x1D800] =	vst v63  }
0x1c3: {  	_ =	swait.ge [sflag:s13], $0x4000  }
0x1c4: {  	[sflag:s13] =	ssyncset.done $0x0  }
0x1c5: {  	s24 =	rddreg [dreg:$0x6];
	[sflag:s13] =	ssyncadd.s32 $0xFFFFC000  }
0x1c6: {  	[tilespmem:s12], [sflag:$0x1] =	stream.indirect.gather [hbm4b:s5+s15], $0x80, s24, s15, $0xb8;
	[tilespmem:$0x1D800] =	vst v63  }
0x1c7: {  	_ =	swait.ge [sflag:s18], $0x4000  }
0x1c8: {  	[sflag:s18] =	ssyncset.done $0x0  }
0x1c9: {  	s25 =	rddreg [dreg:$0x7];
	[sflag:s18] =	ssyncadd.s32 $0xFFFFC000  }
0x1ca: {  	[spmem:s2] =	stream.indirect.scatter.add.f32 [tilespmem:s16], [sflag:$0x3], $0x80, s25, s15, $0xb8;
	[tilespmem:$0x1D800] =	vst v63  }
0x1cb: {  	_ =	swait.ge [sflag:s13], $0x4000  }
0x1cc: {  	[sflag:s13] =	ssyncset.done $0x0  }
0x1cd: {  	s23 =	rddreg [dreg:$0x8];
	[sflag:s13] =	ssyncadd.s32 $0xFFFFC000  }
0x1ce: {  	[tilespmem:s16], [sflag:$0x2] =	stream.indirect.gather [hbm4b:s5+s15], $0x80, s23, s15, $0xb8;
	[tilespmem:$0x1D800] =	vst v63  }
0x1cf: {  	_ =	swait.ge [sflag:s17], $0x4000  }
0x1d0: {  	[sflag:s17] =	ssyncset.done $0x0  }
0x1d1: {  	s24 =	rddreg [dreg:$0x9];
	[sflag:s17] =	ssyncadd.s32 $0xFFFFC000  }
0x1d2: {  	[spmem:s2] =	stream.indirect.scatter.add.f32 [tilespmem:s12], [sflag:$0x3], $0x80, s24, s15, $0xb8;
	[tilespmem:$0x1D800] =	vst v63  }
0x1d3: {  	_ =	swait.ge [sflag:s13], $0x4000  }
0x1d4: {  	[sflag:s13] =	ssyncset.done $0x0  }
0x1d5: {  	s25 =	rddreg [dreg:$0xa];
	[sflag:s13] =	ssyncadd.s32 $0xFFFFC000  }
0x1d6: {  	[tilespmem:s12], [sflag:$0x1] =	stream.indirect.gather [hbm4b:s5+s15], $0x80, s25, s15, $0xb8;
	[tilespmem:$0x1D800] =	vst v63  }
0x1d7: {  	_ =	swait.ge [sflag:s18], $0x4000  }
0x1d8: {  	[sflag:s18] =	ssyncset.done $0x0  }
0x1d9: {  	s23 =	rddreg [dreg:$0xb];
	[sflag:s18] =	ssyncadd.s32 $0xFFFFC000  }
0x1da: {  	[spmem:s2] =	stream.indirect.scatter.add.f32 [tilespmem:s16], [sflag:$0x3], $0x80, s23, s15, $0xb8;
	[tilespmem:$0x1D800] =	vst v63  }
0x1db: {  	_ =	swait.ge [sflag:s13], $0x4000  }
0x1dc: {  	[sflag:s13] =	ssyncset.done $0x0  }
0x1dd: {  	s24 =	rddreg [dreg:$0xc];
	[sflag:s13] =	ssyncadd.s32 $0xFFFFC000  }
0x1de: {  	[tilespmem:s16], [sflag:$0x2] =	stream.indirect.gather [hbm4b:s5+s15], $0x80, s24, s15, $0xb8;
	[tilespmem:$0x1D800] =	vst v63  }
0x1df: {  	_ =	swait.ge [sflag:s17], $0x4000  }
0x1e0: {  	[sflag:s17] =	ssyncset.done $0x0  }
0x1e1: {  	s25 =	rddreg [dreg:$0xd];
	[sflag:s17] =	ssyncadd.s32 $0xFFFFC000  }
0x1e2: {  	[spmem:s2] =	stream.indirect.scatter.add.f32 [tilespmem:s12], [sflag:$0x3], $0x80, s25, s15, $0xb8;
	[tilespmem:$0x1D800] =	vst v63  }
0x1e3: {  	_ =	swait.ge [sflag:s13], $0x4000  }
0x1e4: {  	[sflag:s13] =	ssyncset.done $0x0  }
0x1e5: {  	s23 =	rddreg [dreg:$0xe];
	[sflag:s13] =	ssyncadd.s32 $0xFFFFC000  }
0x1e6: {  	[tilespmem:s12], [sflag:$0x1] =	stream.indirect.gather [hbm4b:s5+s15], $0x80, s23, s15, $0xb8;
	[tilespmem:$0x1D800] =	vst v63  }
0x1e7: {  	_ =	swait.ge [sflag:s18], $0x4000  }
0x1e8: {  	[sflag:s18] =	ssyncset.done $0x0  }
0x1e9: {  	s24 =	rddreg [dreg:$0xf];
	[sflag:s18] =	ssyncadd.s32 $0xFFFFC000  }
0x1ea: {  	[spmem:s2] =	stream.indirect.scatter.add.f32 [tilespmem:s16], [sflag:$0x3], $0x80, s24, s15, $0xb8;
	[tilespmem:$0x1D800] =	vst v63  }
0x1eb: {  	_ =	swait.ge [sflag:s13], $0x4000  }
0x1ec: {  	[sflag:s13] =	ssyncset.done $0x0  }
0x1ed: {  	s25 =	rddreg [dreg:$0x10];
	[sflag:s13] =	ssyncadd.s32 $0xFFFFC000  }
0x1ee: {  	[tilespmem:s16], [sflag:$0x2] =	stream.indirect.gather [hbm4b:s5+s15], $0x80, s25, s15, $0xb8;
	[tilespmem:$0x1D800] =	vst v63  }
0x1ef: {  	_ =	swait.ge [sflag:s17], $0x4000  }
0x1f0: {  	[sflag:s17] =	ssyncset.done $0x0  }
0x1f1: {  	s23 =	rddreg [dreg:$0x11];
	[sflag:s17] =	ssyncadd.s32 $0xFFFFC000  }
0x1f2: {  	[spmem:s2] =	stream.indirect.scatter.add.f32 [tilespmem:s12], [sflag:$0x3], $0x80, s23, s15, $0xb8;
	[tilespmem:$0x1D800] =	vst v63  }
0x1f3: {  	_ =	swait.ge [sflag:s13], $0x4000  }
0x1f4: {  	[sflag:s13] =	ssyncset.done $0x0  }
0x1f5: {  	s24 =	rddreg [dreg:$0x12];
	[sflag:s13] =	ssyncadd.s32 $0xFFFFC000  }
0x1f6: {  	[tilespmem:s12], [sflag:$0x1] =	stream.indirect.gather [hbm4b:s5+s15], $0x80, s24, s15, $0xb8;
	[tilespmem:$0x1D800] =	vst v63  }
0x1f7: {  	_ =	swait.ge [sflag:s18], $0x4000  }
0x1f8: {  	[sflag:s18] =	ssyncset.done $0x0  }
0x1f9: {  	s25 =	rddreg [dreg:$0x13];
	[sflag:s18] =	ssyncadd.s32 $0xFFFFC000  }
0x1fa: {  	[spmem:s2] =	stream.indirect.scatter.add.f32 [tilespmem:s16], [sflag:$0x3], $0x80, s25, s15, $0xb8;
	[tilespmem:$0x1D800] =	vst v63  }
0x1fb: {  	_ =	swait.ge [sflag:s13], $0x4000  }
0x1fc: {  	[sflag:s13] =	ssyncset.done $0x0  }
0x1fd: {  	s23 =	rddreg [dreg:$0x14];
	[sflag:s13] =	ssyncadd.s32 $0xFFFFC000  }
0x1fe: {  	[tilespmem:s16], [sflag:$0x2] =	stream.indirect.gather [hbm4b:s5+s15], $0x80, s23, s15, $0xb8;
	[tilespmem:$0x1D800] =	vst v63  }
0x1ff: {  	_ =	swait.ge [sflag:s17], $0x4000  }
0x200: {  	[sflag:s17] =	ssyncset.done $0x0  }
0x201: {  	s24 =	rddreg [dreg:$0x15];
	[sflag:s17] =	ssyncadd.s32 $0xFFFFC000  }
0x202: {  	[spmem:s2] =	stream.indirect.scatter.add.f32 [tilespmem:s12], [sflag:$0x3], $0x80, s24, s15, $0xb8;
	[tilespmem:$0x1D800] =	vst v63  }
0x203: {  	_ =	swait.ge [sflag:s13], $0x4000  }
0x204: {  	[sflag:s13] =	ssyncset.done $0x0  }
0x205: {  	s25 =	rddreg [dreg:$0x16];
	[sflag:s13] =	ssyncadd.s32 $0xFFFFC000  }
0x206: {  	[tilespmem:s12], [sflag:$0x1] =	stream.indirect.gather [hbm4b:s5+s15], $0x80, s25, s15, $0xb8;
	[tilespmem:$0x1D800] =	vst v63  }
0x207: {  	_ =	swait.ge [sflag:s18], $0x4000  }
0x208: {  	[sflag:s18] =	ssyncset.done $0x0  }
0x209: {  	s23 =	rddreg [dreg:$0x17];
	[sflag:s18] =	ssyncadd.s32 $0xFFFFC000  }
0x20a: {  	[spmem:s2] =	stream.indirect.scatter.add.f32 [tilespmem:s16], [sflag:$0x3], $0x80, s23, s15, $0xb8;
	[tilespmem:$0x1D800] =	vst v63  }
0x20b: {  	_ =	swait.ge [sflag:s13], $0x4000  }
0x20c: {  	[sflag:s13] =	ssyncset.done $0x0  }
0x20d: {  	s24 =	rddreg [dreg:$0x18];
	[sflag:s13] =	ssyncadd.s32 $0xFFFFC000  }
0x20e: {  	[tilespmem:s16], [sflag:$0x2] =	stream.indirect.gather [hbm4b:s5+s15], $0x80, s24, s15, $0xb8;
	[tilespmem:$0x1D800] =	vst v63  }
0x20f: {  	_ =	swait.ge [sflag:s17], $0x4000  }
0x210: {  	[sflag:s17] =	ssyncset.done $0x0  }
0x211: {  	s25 =	rddreg [dreg:$0x19];
	[sflag:s17] =	ssyncadd.s32 $0xFFFFC000  }
0x212: {  	[spmem:s2] =	stream.indirect.scatter.add.f32 [tilespmem:s12], [sflag:$0x3], $0x80, s25, s15, $0xb8;
	[tilespmem:$0x1D800] =	vst v63  }
0x213: {  	_ =	swait.ge [sflag:s13], $0x4000  }
0x214: {  	[sflag:s13] =	ssyncset.done $0x0  }
0x215: {  	[sflag:s13] =	ssyncadd.s32 $0xFFFFC000  }
0x216: {  	[tilespmem:s12], [sflag:$0x1] =	stream.indirect.gather [hbm4b:s5+s15], $0x80, s19, s15, $0xb8;
	[tilespmem:$0x1D800] =	vst v63  }
0x217: {  	_ =	swait.ge [sflag:s18], $0x4000  }
0x218: {  	[sflag:s18] =	ssyncset.done $0x0  }
0x219: {  	[sflag:s18] =	ssyncadd.s32 $0xFFFFC000  }
0x21a: {  	[spmem:s2] =	stream.indirect.scatter.add.f32 [tilespmem:s16], [sflag:$0x3], $0x80, s20, s15, $0xb8;
	[tilespmem:$0x1D800] =	vst v63  }
0x21b: {  	_ =	swait.ge [sflag:s13], $0x4000  }
0x21c: {  	[sflag:s13] =	ssyncset.done $0x0  }
0x21d: {  	[sflag:s13] =	ssyncadd.s32 $0xFFFFC000  }
0x21e: {  	[tilespmem:s16], [sflag:$0x2] =	stream.indirect.gather [hbm4b:s5+s15], $0x80, s21, s15, $0xb8;
	[tilespmem:$0x1D800] =	vst v63  }
0x21f: {  	_ =	swait.ge [sflag:s17], $0x4000  }
0x220: {  	[sflag:s17] =	ssyncset.done $0x0  }
0x221: {  	[sflag:s17] =	ssyncadd.s32 $0xFFFFC000  }
0x222: {  	[spmem:s2] =	stream.indirect.scatter.add.f32 [tilespmem:s12], [sflag:$0x3], $0x80, s22, s15, $0xb8;
	[tilespmem:$0x1D800] =	vst v63  }
0x223: {  	_ =	swait.ge [sflag:s13], $0x4000  }
0x224: {  	[sflag:s13] =	ssyncset.done $0x0  }
0x225: {  	[sflag:s13] =	ssyncadd.s32 $0xFFFFC000  }
0x226: {  	[tilespmem:s12], [sflag:$0x1] =	stream.indirect.gather [hbm4b:s5+s15], $0x80, s26, s15, $0xb8;
	[tilespmem:$0x1D800] =	vst v63  }
0x227: {  	_ =	swait.ge [sflag:s18], $0x4000  }
0x228: {  	[sflag:s18] =	ssyncset.done $0x0  }
0x229: {  	[sflag:s18] =	ssyncadd.s32 $0xFFFFC000  }
0x22a: {  	[spmem:s2] =	stream.indirect.scatter.add.f32 [tilespmem:s16], [sflag:$0x3], $0x80, s28, s15, $0xb8;
	[tilespmem:$0x1D800] =	vst v63  }
0x22b: {  	_ =	swait.ge [sflag:s13], $0x4000  }
0x22c: {  	[sflag:s13] =	ssyncset.done $0x0  }
0x22d: {  	[sflag:s13] =	ssyncadd.s32 $0xFFFFC000  }
0x22e: {  	[tilespmem:s16], [sflag:$0x2] =	stream.indirect.gather [hbm4b:s5+s15], $0x80, s29, s15, $0xb8;
	[tilespmem:$0x1D800] =	vst v63  }
0x22f: {  	_ =	swait.ge [sflag:s17], $0x4000  }
0x230: {  	[sflag:s17] =	ssyncset.done $0x0  }
0x231: {  	[sflag:s17] =	ssyncadd.s32 $0xFFFFC000  }
0x232: {  	[spmem:s2] =	stream.indirect.scatter.add.f32 [tilespmem:s12], [sflag:$0x3], $0x80, s30, s15, $0xb8;
	[tilespmem:$0x1D800] =	vst v63  }
0x233: {  	_ =	swait.ge [sflag:s13], $0x4000  }
0x234: {  	[sflag:s13] =	ssyncset.done $0x0  }
0x235: {  	[sflag:s13] =	ssyncadd.s32 $0xFFFFC000  }
0x236: {  	[tilespmem:s12], [sflag:$0x1] =	stream.indirect.gather [hbm4b:s5+s15], $0x80, s31, s15, $0xb8;
	[tilespmem:$0x1D800] =	vst v63  }
0x237: {  	_ =	swait.ge [sflag:s18], $0x4000  }
0x238: {  	[sflag:s18] =	ssyncset.done $0x0  }
0x239: {  	[sflag:s18] =	ssyncadd.s32 $0xFFFFC000  }
0x23a: {  	[spmem:s2] =	stream.indirect.scatter.add.f32 [tilespmem:s16], [sflag:$0x3], $0x80, s0, s15, $0xb8;
	[tilespmem:$0x1D800] =	vst v63  }
0x23b: {  	_ =	swait.ge [sflag:s13], $0x4000  }
0x23c: {  	[sflag:s13] =	ssyncset.done $0x0  }
0x23d: {  	[sflag:s13] =	ssyncadd.s32 $0xFFFFC000  }
0x23e: {  	[tilespmem:s16], [sflag:$0x2] =	stream.indirect.gather [hbm4b:s5+s15], $0x80, s1, s15, $0xb8;
	[tilespmem:$0x1D800] =	vst v63  }
0x23f: {  	_ =	swait.ge [sflag:s17], $0x4000  }
0x240: {  	[sflag:s17] =	ssyncset.done $0x0  }
0x241: {  	[sflag:s17] =	ssyncadd.s32 $0xFFFFC000  }
0x242: {  	[spmem:s2] =	stream.indirect.scatter.add.f32 [tilespmem:s12], [sflag:$0x3], $0x80, s7, s15, $0xb8;
	[tilespmem:$0x1D800] =	vst v63  }
0x243: {  	_ =	swait.ge [sflag:s13], $0x4000  }
0x244: {  	[sflag:s13] =	ssyncset.done $0x0  }
0x245: {  	[sflag:s13] =	ssyncadd.s32 $0xFFFFC000  }
0x246: {  	[tilespmem:s12], [sflag:$0x1] =	stream.indirect.gather [hbm4b:s5+s15], $0x80, s8, s15, $0xb8;
	[tilespmem:$0x1D800] =	vst v63  }
0x247: {  	_ =	swait.ge [sflag:s18], $0x4000  }
0x248: {  	[sflag:s18] =	ssyncset.done $0x0  }
0x249: {  	[sflag:s18] =	ssyncadd.s32 $0xFFFFC000  }
0x24a: {  	[spmem:s2] =	stream.indirect.scatter.add.f32 [tilespmem:s16], [sflag:$0x3], $0x80, s9, s15, $0xb8;
	[tilespmem:$0x1D800] =	vst v63  }
0x24b: {  	_ =	swait.ge [sflag:s13], $0x4000  }
0x24c: {  	[sflag:s13] =	ssyncset.done $0x0  }
0x24d: {  	[sflag:s13] =	ssyncadd.s32 $0xFFFFC000  }
0x24e: {  	[tilespmem:s16], [sflag:$0x2] =	stream.indirect.gather [hbm4b:s5+s15], $0x80, s10, s15, $0xb8;
	[tilespmem:$0x1D800] =	vst v63  }
0x24f: {  	_ =	swait.ge [sflag:s17], $0x4000  }
0x250: {  	[sflag:s17] =	ssyncset.done $0x0  }
0x251: {  	[sflag:s17] =	ssyncadd.s32 $0xFFFFC000  }
0x252: {  	[spmem:s2] =	stream.indirect.scatter.add.f32 [tilespmem:s12], [sflag:$0x3], $0x80, s11, s15, $0xb8;
	[tilespmem:$0x1D800] =	vst v63  }
0x253: {  	_ =	swait.ge [sflag:s13], $0x4000  }
0x254: {  	[sflag:s13] =	ssyncset.done $0x0  }
0x255: {  	[sflag:s13] =	ssyncadd.s32 $0xFFFFC000  }
0x256: {  	_ =	swait.ge [sflag:s18], $0x4000  }
0x257: {  	[sflag:s18] =	ssyncset.done $0x0  }
0x258: {  	[sflag:s18] =	ssyncadd.s32 $0xFFFFC000  }
0x259: {  	[spmem:s2] =	stream.indirect.scatter.add.f32 [tilespmem:s16], [sflag:$0x3], $0x80, s6, s15, $0xb8;
	[tilespmem:$0x1D800] =	vst v63  }
0x25a: {  	_ =	swait.ge [sflag:s13], $0x4000  }
0x25b: {  	[sflag:s13] =	ssyncset.done $0x0  }
0x25c: {  	[sflag:s13] =	ssyncadd.s32 $0xFFFFC000  }
0x25d: {  	[bflag:$0x0] =	sbarrier.arrive $0xFFFF  }
0x25e: {  	s24 =	sld [smem:$0x7FB]  }
0x25f: {  	s4 =	rddreg [dreg:$0x1b]  }
0x260: {  	s23 =	simm.s32 @p0 $0x1FC3;
	s4 =	sadd.s32 @p0 $0x24900, s4  }
0x261: {  	[hbm:s4], [sflag:s23] =	dma.local @p0 [spmem:s24], $0x2800  }
0x262: {  	s4 =	simm.s32 @p0 $0x3  }
0x263: {  	s23 =	stileid.u32;
	_ =	swait.ge @p0 [sflag:s4], $0x2800  }
0x264: {  	s23 =	sshll.u32 @!p0 s23, $0x6;
	[sflag:s4] =	ssyncset.done @p0 $0x0;
	s24 =	sld [smem:$0x7FD]  }
0x265: {  	[sflag:s4] =	ssyncadd.s32 @p0 $0xFFFFD800;
	s4 =	sor.u32 @!p0 $0x1C03, s23;
	s23 =	sld [smem:$0x7FC]  }
0x266: {  	_ =	sdelay $0x1  }
0x267: {  	[hbm:s23], [sflag:s4] =	dma.local @!p0 [spmem:s24], $0x2700  }
0x268: {  	s4 =	simm.s32 @!p0 $0x3  }
0x269: {  	_ =	swait.ge @!p0 [sflag:s4], $0x2700  }
0x26a: {  	s23 =	sld [smem:$0x7F9];
	_ =	sdelay $0x2  }
0x26b: {  	s25 =	rddreg [dreg:$0x1c];
	s24 =	sadd.s32 $0x1, s23  }
0x26c: {  	p1 =	sne.s32 s24, s25  }
.Ltmp3:
0x26d: {  	_ = 	snop;
	(pc) =	sbr.rel @p1 .LBB2_1-.Ltmp3, $3  }
0x26e: {  	_ =	sdelay $0x1  }
0x26f: {  	[sflag:s4] =	ssyncset.done @!p0 $0x0  }
0x270: {  	[sflag:s4] =	ssyncadd.s32 @!p0 $0xFFFFD900  }
0x271: {  	_ =	sfence.sel $0x180000  }
0x272: {  	[bflag:$0x0] =	sbarrier.arrive $0xFFFF  }
0x273: {  	_ =	strace $0x9000004D  }
0x274: {  	s0 =	stileid.u32;
	[bflag:$0x2] =	sbarrier.arrive $0xFFFF  }
0x275: {  	p0 =	sne.s32 s0, $0x0;
	s0 =	rddreg [dreg:$0x3]  }
0x276: {  	s0 =	sadd.s32 @!p0 $0x100000, s0  }
0x277: {  	[sflag:s0] =	ssyncadd.tile.s32 @!p0 $0x1;
	_ =	shalt  }
.Lfunc_end2:
_tile_overlayer_lowered:
.L_overlay_start_2:
0x278: {  	(tag) =	ssettag $0x2  }
0x279: {  	s0 =	rddreg [dreg:$0x0];
	s2 =	stileid.u32  }
0x27a: {  	s1 =	rddreg [dreg:$0x1];
	p0 =	sne.s32 s2, $0x0  }
0x27b: {  	s3 =	rddreg [dreg:$0x2];
	[bflag:$0x3] =	sbarrier.arrive $0xFFFF;
	s2 =	simm.s32 @!p0 $0x1C03  }
0x27c: {  	[timem:s3], [sflag:s2] =	dma.local @!p0 [hbm:s0], s1  }
0x27d: {  	s0 =	simm.s32 @!p0 $0x3  }
0x27e: {  	_ =	swait.ge @!p0 [sflag:s0], s1  }
0x27f: {  	s1 =	ssub.s32 @!p0 $0x0, s1;
	[sflag:s0] =	ssyncset.done @!p0 $0x0  }
0x280: {  	[sflag:s0] =	ssyncadd.s32 @!p0 s1  }
0x281: {  	[bflag:$0x3] =	sbarrier.arrive $0xFFFF  }
0x282: {  	_ =	shalt  }

// kernel: kernel.19.cloned.1.call-start
scs
__scs_entry_jumppad:
0x0: {  	(pc) =	sbr.rel $0x88, $3  }
0x1: {  	(tag) =	ssettag $0x0;
	lr =	simm.s32 $0x1  }
0x2: {  	[smem:$0x3F99] =	sst lr;
	_ =	strace $0xD0000000  }
0x3: {  	_ = 	snop  }
0x4: {  	_ = 	snop  }
0x5: {  	_ = 	snop  }
0x6: {  	_ = 	snop  }
0x7: {  	_ = 	snop  }
__scs_overlays_trampoline_lowered:
0x8: {  	[smem:$0x3FA8] =	sst s0  }
0x9: {  	[smem:$0x3FA9] =	sst s1  }
0xa: {  	[smem:$0x3FAA] =	sst s2  }
0xb: {  	[smem:$0x3FAB] =	sst s3  }
0xc: {  	[smem:$0x3FAC] =	sst s4  }
0xd: {  	[smem:$0x3FAD] =	sst s5  }
0xe: {  	[smem:$0x3FAE] =	sst s6  }
0xf: {  	[smem:$0x3FAF] =	sst s7  }
0x10: {  	[smem:$0x3FB0] =	sst s8  }
0x11: {  	[smem:$0x3FB1] =	sst s9;
	s0 =	simm.s32 @!p0 $0x0  }
0x12: {  	s1 =	sld [smem:$0x3F97];
	s0 =	simm.s32 @p0 $0x1  }
0x13: {  	[smem:$0x3FB2] =	sst s0;
	s0 =	simm.s32 @!p1 $0x0  }
0x14: {  	s2 =	sld [smem:$0x3F96];
	s0 =	simm.s32 @p1 $0x1  }
0x15: {  	[smem:$0x3FB3] =	sst s0;
	s0 =	simm.s32 @!p2 $0x0  }
0x16: {  	s3 =	sld [smem:$0x3FDB];
	s0 =	simm.s32 @p2 $0x1  }
0x17: {  	s4 =	simm.s32 $0x1BF5;
	[smem:$0x3FB5] =	sst s0  }
0x18: {  	s0 =	sld [smem:$0x3F98];
	_ =	swait.ge [sflag:s4], $0x0  }
0x19: {  	s7 =	sld [smem:$0x3F99]  }
0x1a: {  	s8 =	sadd.s32 $0xFFFFE003, lr  }
0x1b: {  	s9 =	sadd.s32 $0xFFFFFEF7, lr;
	s5 =	simm.s32 $0xFFFFFFFF;
	p2 =	slt.u32 s8, $0xFFFFF086  }
0x1c: {  	p1 =	slt.u32 s9, $0xF7A;
	s5 =	simm.s32 @!p2 $0x0  }
0x1d: {  	s5 =	simm.s32 @p1 $0x1;
	p0 =	seq.s32 s7, s2  }
0x1e: {  	s7 =	smul.u32 @!p0 $0xF7A, s2;
	p2 =	seq.s32 @!p0 s5, $0x0  }
0x1f: {  	s9 =	smul.u32 $0xF7A, s1;
	s8 =	simm.s32 @!p0 $0x1BF5;
	p2 =	por !p2, p0  }
0x20: {  	[sflag:s8] =	ssyncset.s32 @!p0 $0xFFFFF086;
	s6 =	sadd.s32 @!p0 s3, s7;
	s7 =	simm.s32 @!p0 $0x108  }
0x21: {  	s3 =	sadd.s32 s3, s9;
	s6 =	sadd.s32 @!p0 $0x88, s6;
	s7 =	simm.s32 @p2 $0x1082  }
0x22: {  	[simem:s7], [sflag:s8] =	dma.local @!p0 [hbm:s6], $0xF7A  }
0x23: {  	s9 =	sor.u32 $0xD0000000, s2;
	s6 =	simm.s32 $0x108;
	_ =	swait.ge @!p0 [sflag:s8], $0x0  }
0x24: {  	s3 =	sadd.s32 $0x88, s3;
	s6 =	simm.s32 @!p1 $0x1082;
	[sflag:s4] =	ssyncset.s32 $0xFFFFF086  }
0x25: {  	[simem:s6], [sflag:s4] =	dma.local [hbm:s3], $0xF7A  }
0x26: {  	[smem:$0x3F99] =	sst s1;
	(tag) =	ssettag s2;
	_ =	strace s9  }
0x27: {  	s1 =	sld [smem:$0x3FA9]  }
0x28: {  	s2 =	sld [smem:$0x3FAA]  }
0x29: {  	s4 =	sld [smem:$0x3FAC]  }
0x2a: {  	p0 =	seq.s32 s5, $0x0;
	s5 =	sld [smem:$0x3FAD]  }
0x2b: {  	s6 =	sld [smem:$0x3FAE]  }
0x2c: {  	s7 =	sld [smem:$0x3FAF]  }
0x2d: {  	s3 =	simm.s32 $0x108;
	s8 =	sld [smem:$0x3FB0]  }
0x2e: {  	s3 =	simm.s32 @!p0 $0x1082;
	s9 =	sld [smem:$0x3FB1]  }
0x2f: {  	lr =	sadd.s32 s0, s3;
	s0 =	sld [smem:$0x3FA8]  }
0x30: {  	s3 =	sld [smem:$0x3FAB]  }
0x31: {  	[smem:$0x3FB4] =	sst s10  }
0x32: {  	s10 =	sld [smem:$0x3FB2];
	_ =	sdelay $0x3  }
0x33: {  	p0 =	seq.s32 s10, $0x1;
	s10 =	sld [smem:$0x3FB4];
	_ =	sdelay $0x3  }
0x34: {  	[smem:$0x3FB4] =	sst s10  }
0x35: {  	s10 =	sld [smem:$0x3FB3];
	_ =	sdelay $0x3  }
0x36: {  	p1 =	seq.s32 s10, $0x1;
	s10 =	sld [smem:$0x3FB4];
	_ =	sdelay $0x3  }
0x37: {  	[smem:$0x3FB4] =	sst s10  }
0x38: {  	s10 =	sld [smem:$0x3FB5]  }
0x39: {  	_ = 	snop;
	(pc) =	sbr.ind lr, $3  }
0x3a: {  	_ = 	snop  }
0x3b: {  	_ = 	snop  }
0x3c: {  	p2 =	seq.s32 s10, $0x1;
	s10 =	sld [smem:$0x3FB4]  }
0x3d: {  	_ =	shalt  }
0x3e: {  	_ =	shalt  }
0x3f: {  	_ =	shalt  }
0x40: {  	_ =	shalt  }
0x41: {  	_ =	shalt  }
0x42: {  	_ =	shalt  }
0x43: {  	_ =	shalt  }
0x44: {  	_ =	shalt  }
0x45: {  	_ =	shalt  }
0x46: {  	_ =	shalt  }
0x47: {  	_ =	shalt  }
0x48: {  	_ =	shalt  }
0x49: {  	_ =	shalt  }
0x4a: {  	_ =	shalt  }
0x4b: {  	_ =	shalt  }
0x4c: {  	_ =	shalt  }
0x4d: {  	_ =	shalt  }
0x4e: {  	_ =	shalt  }
0x4f: {  	_ =	shalt  }
0x50: {  	_ =	shalt  }
0x51: {  	_ =	shalt  }
0x52: {  	_ =	shalt  }
0x53: {  	_ =	shalt  }
0x54: {  	_ =	shalt  }
0x55: {  	_ =	shalt  }
0x56: {  	_ =	shalt  }
0x57: {  	_ =	shalt  }
0x58: {  	_ =	shalt  }
0x59: {  	_ =	shalt  }
0x5a: {  	_ =	shalt  }
0x5b: {  	_ =	shalt  }
0x5c: {  	_ =	shalt  }
0x5d: {  	_ =	shalt  }
0x5e: {  	_ =	shalt  }
0x5f: {  	_ =	shalt  }
0x60: {  	_ =	shalt  }
0x61: {  	_ =	shalt  }
0x62: {  	_ =	shalt  }
0x63: {  	_ =	shalt  }
0x64: {  	_ =	shalt  }
0x65: {  	_ =	shalt  }
0x66: {  	_ =	shalt  }
0x67: {  	_ =	shalt  }
0x68: {  	_ =	shalt  }
0x69: {  	_ =	shalt  }
0x6a: {  	_ =	shalt  }
0x6b: {  	_ =	shalt  }
0x6c: {  	_ =	shalt  }
0x6d: {  	_ =	shalt  }
0x6e: {  	_ =	shalt  }
0x6f: {  	_ =	shalt  }
0x70: {  	_ =	shalt  }
0x71: {  	_ =	shalt  }
0x72: {  	_ =	shalt  }
0x73: {  	_ =	shalt  }
0x74: {  	_ =	shalt  }
0x75: {  	_ =	shalt  }
0x76: {  	_ =	shalt  }
0x77: {  	_ =	shalt  }
0x78: {  	_ =	shalt  }
0x79: {  	_ =	shalt  }
0x7a: {  	_ =	shalt  }
0x7b: {  	_ =	shalt  }
0x7c: {  	_ =	shalt  }
0x7d: {  	_ =	shalt  }
0x7e: {  	_ =	shalt  }
0x7f: {  	_ =	shalt  }
0x80: {  	_ =	shalt  }
0x81: {  	_ =	shalt  }
0x82: {  	_ =	shalt  }
0x83: {  	_ =	shalt  }
0x84: {  	_ =	shalt  }
0x85: {  	_ =	shalt  }
0x86: {  	_ =	shalt  }
0x87: {  	_ =	shalt  }
.Lfunc_end0:
.L_simem_size_0:
called_computation.3_lowered:
.L_overlay_start_0:
0x88: {  	s2 =	sld [smem:$0x3FD9]  }
0x89: {  	s3 =	sld [smem:$0x3FFE];
	_ =	sdelay $0x1  }
0x8a: {  	s1 =	srdreg.scid  }
0x8b: {  	s0 =	sand.u32 $0x1, s1  }
0x8c: {  	s17 =	sshll.u32 s0, $0xA;
	s2 =	sadd.s32 s3, s2  }
0x8d: {  	s2 =	sadd.s32 s2, s17  }
0x8e: {  	[smem:$0x3FC0] =	sst s2  }
0x8f: {  	_ = 	snop  }
0x90: {  	s2 =	sld [smem:$0x3FD0];
	(tm) =	ssettm $0x1  }
0x91: {  	s18 =	sld [smem:$0x3FFB];
	_ =	sdelay $0x3  }
0x92: {  	_ =	strace s18  }
0x93: {  	s3 =	sld [smem:$0x3FFC];
	_ =	sdelay $0x3  }
0x94: {  	_ =	strace s3  }
0x95: {  	s3 =	sld [smem:$0x3FFD];
	_ =	sdelay $0x3  }
0x96: {  	_ =	strace s3  }
0x97: {  	_ =	strace $0x8FFFFFFF  }
0x98: {  	s19 =	sld [smem:$0x3FDB];
	_ =	sdelay $0x1  }
0x99: {  	s4 =	simm.s32 $_scs_section_size  }
0x9a: {  	s5 =	simm.s32 $_size__tile_overlayer_lowered;
	s6 =	simm.s32 $_tile_overlayer_lowered  }
0x9b: {  	s22 =	simm.s32 $0x1BFF;
	s21 =	sshll.u32 s6, $0x1;
	s3 =	sadd.s32 s4, s19  }
0x9c: {  	s7 =	simm.s32 $0x0;
	s20 =	sshll.u32 s5, $0x1;
	s5 =	sadd.s32 s21, s3  }
0x9d: {  	[timem:s7], [sflag:s22] =	dma.local [hbm:s5], s20  }
0x9e: {  	_ =	swait.ge [sflag:s22], s20  }
0x9f: {  	s4 =	ssub.s32 $0x0, s20;
	[sflag:s22] =	ssyncset.done $0x0  }
0xa0: {  	[sflag:s22] =	ssyncadd.s32 s4;
	_ =	sdelay $0x1  }
0xa1: {  	s23 =	simm.s32 $0x1B8B  }
0xa2: {  	_ =	swait.ge [sflag:s23], $0x1  }
0xa3: {  	[sflag:s23] =	ssyncset.done $0x0  }
0xa4: {  	s25 =	simm.s32 $0x1B8E;
	s24 =	sld [smem:$0x3FFE];
	[sflag:s23] =	ssyncadd.s32 $0xFFFFFFFF  }
0xa5: {  	s26 =	simm.s32 $execute0_lowered;
	[smem:$0x3FD2] =	sst s25  }
0xa6: {  	s5 =	sshll.u32 s26, $0x1;
	_ =	strace $0x8000004F;
	[dreg:$0x1] =	wrdreg $0xFFFFFFFF  }
0xa7: {  	s28 =	simm.s32 $_size_execute0_lowered;
	s3 =	sadd.s32 s3, s5;
	[dreg:$0x0] =	wrdreg $0x0  }
0xa8: {  	s5 =	sshll.u32 s28, $0x1;
	[dreg:$0x2] =	wrdreg s3  }
0xa9: {  	[dreg:$0x3] =	wrdreg s5  }
0xaa: {  	[dreg:$0x4] =	wrdreg $0xC0  }
0xab: {  	_ =	task [dreg:s7], $0x5FFFF  }
0xac: {  	[dreg:$0x1] =	wrdreg $0xFFFFFFFF  }
0xad: {  	[dreg:$0x0] =	wrdreg $0x60  }
0xae: {  	[dreg:$0x2] =	wrdreg s2  }
0xaf: {  	[dreg:$0x3] =	wrdreg s24  }
0xb0: {  	[dreg:$0x4] =	wrdreg $0x98000  }
0xb1: {  	[dreg:$0x5] =	wrdreg $0x9  }
0xb2: {  	_ =	task.clear_ibuf [dreg:s7], $0x6FFFF;
	_ =	strace $0x9000004F  }
0xb3: {  	s29 =	simm.s32 $0x9;
	_ =	strace $0x80000051  }
0xb4: {  	_ =	swait.ge [sflag:s29], $0x1  }
0xb5: {  	[sflag:s29] =	ssyncadd.s32 $0xFFFFFFFF  }
0xb6: {  	_ =	strace $0x90000051  }
0xb7: {  	_ =	sfence  }
0xb8: {  	s30 =	sld [smem:$0x0];
	_ =	sdelay $0x2  }
0xb9: {  	s31 =	sshll.u32 s1, $0xD;
	s1 =	sshrl.u32 s1, $0x2  }
0xba: {  	s3 =	sand.u32 $0x4000, s31;
	s1 =	sadd.s32 s1, s30  }
0xbb: {  	s0 =	sor.u32 s3, s0;
	s1 =	sshll.u32 s1, $0x11  }
0xbc: {  	s0 =	sor.u32 s1, s0  }
0xbd: {  	s0 =	sadd.s32 $0x8F2B, s0  }
0xbe: {  	[sflag:s0] =	ssyncadd.remote.s32 $0x1  }
0xbf: {  	_ =	sfence.sel $0xFFFF  }
0xc0: {  	[dreg:$0x0] =	wrdreg $0xFFFFFFFF;
	(pc) =	sbr.abs _section_cstart, $3  }
0xc1: {  	[dreg:$0x1] =	wrdreg $0xFFFFFFFF  }
0xc2: {  	_ =	task.clear_ibuf [dreg:s7], $0x2FFFF;
	_ =	strace $0x9FFFFFFF  }
0xc3: {  	(tm) =	ssettm $0x7FFFFFFF  }
tec
execute0_lowered:
.L_overlay_start_1:
0x0: {  	(tag) =	ssettag $0x1  }
0x1: {  	s0 =	rddreg [dreg:$0x0]  }
0x2: {  	s1 =	rddreg [dreg:$0x1]  }
0x3: {  	s2 =	rddreg [dreg:$0x2]  }
0x4: {  	s10 =	stileid.u32;
	s4 =	srdreg.scid;
	s3 =	simm.s32 $0x0  }
0x5: {  	s17 =	simm.s32 $0x100;
	s18 =	simm.s32 $0xC80;
	[smem:$0x7FF] =	sst s3  }
0x6: {  	s19 =	simm.s32 $0x180;
	_ =	strace $0x80000050;
	[dreg:$0x6] =	wrdreg s17  }
0x7: {  	s21 =	simm.s32 $0xD00;
	s22 =	simm.s32 $0x200;
	[dreg:$0x7] =	wrdreg s18  }
0x8: {  	s24 =	simm.s32 $0xD80;
	s25 =	simm.s32 $0x280;
	[dreg:$0x8] =	wrdreg s19  }
0x9: {  	s26 =	simm.s32 $0xE00;
	s11 =	simm.s32 $0x300;
	[dreg:$0x9] =	wrdreg s21  }
0xa: {  	s12 =	simm.s32 $0xE80;
	s14 =	simm.s32 $0x380;
	[dreg:$0xa] =	wrdreg s22  }
0xb: {  	s28 =	simm.s32 $0x1280;
	s29 =	simm.s32 $0x780;
	[dreg:$0xb] =	wrdreg s24  }
0xc: {  	s30 =	simm.s32 $0x1300;
	s5 =	smul.u32 $0x600, s10;
	[dreg:$0xc] =	wrdreg s25  }
0xd: {  	s31 =	simm.s32 $0x800;
	s8 =	smul.u32 $0x50000, s10;
	[dreg:$0xd] =	wrdreg s26  }
0xe: {  	s4 =	sand.u32 $0x1, s4;
	s20 =	smul.u32 $0x4E000, s10;
	[dreg:$0xe] =	wrdreg s11  }
0xf: {  	p0 =	seq.s32 s10, $0xF;
	s6 =	smul.u32 $0x27100, s4;
	[dreg:$0xf] =	wrdreg s12  }
0x10: {  	s4 =	ssub.s32 $0x2, s4;
	[dreg:$0x10] =	wrdreg s14;
	s18 =	simm.s32 $0x400  }
0x11: {  	s12 =	simm.s32 $0x1800;
	s21 =	simm.s32 $0x480;
	s22 =	simm.s32 $0x1000  }
0x12: {  	s14 =	simm.s32 $0xC00;
	s24 =	simm.s32 $0x1080;
	[dreg:$0x12] =	wrdreg s18  }
0x13: {  	s25 =	simm.s32 $0x580;
	s26 =	simm.s32 $0x1100;
	[dreg:$0x14] =	wrdreg s21  }
0x14: {  	s11 =	simm.s32 $0x1500;
	s5 =	sadd.s32 s5, s1;
	[dreg:$0x15] =	wrdreg s22  }
0x15: {  	s7 =	sshrl.u32 s4, $0x1;
	s16 =	sshrl.u32 s8, $0x2;
	[dreg:$0x17] =	wrdreg s24  }
0x16: {  	s23 =	sshrl.u32 s20, $0x2;
	s20 =	simm.s32 $0xF80;
	[dreg:$0x18] =	wrdreg s25  }
0x17: {  	s18 =	simm.s32 $0x2;
	[dreg:$0x19] =	wrdreg s26;
	s21 =	simm.s32 $0x680  }
0x18: {  	s22 =	simm.s32 $0x1200;
	s26 =	simm.s32 $0x700;
	s24 =	simm.s32 $0x0  }
0x19: {  	s1 =	sadd.s32 s6, s1;
	s9 =	sadd.s32 $0x57200, s5;
	s4 =	ssub.s32 s4, s7  }
0x1a: {  	s5 =	sadd.s32 $0x51200, s5;
	s8 =	sadd.s32 s16, s2;
	[dreg:$0x13] =	wrdreg s20  }
0x1b: {  	s7 =	sadd.s32 $0x124800, s2;
	s16 =	simm.s32 $0xF00;
	[dreg:$0x4] =	wrdreg s9  }
0x1c: {  	s20 =	simm.s32 $0x1180;
	[dreg:$0x5] =	wrdreg s5;
	s5 =	sadd.s32 s0, s6  }
0x1d: {  	s9 =	sadd.s32 $0x5D200, s1;
	s1 =	sadd.s32 s23, s2;
	[dreg:$0x11] =	wrdreg s16  }
0x1e: {  	s6 =	smul.u32 $0x2700, s10;
	s4 =	smax.u32 s4, $0x1;
	[dreg:$0x1a] =	wrdreg s8  }
0x1f: {  	s13 =	sadd.s32 $0x4000, s8;
	s15 =	sadd.s32 $0x8000, s8;
	[dreg:$0x1c] =	wrdreg s4  }
0x20: {  	s17 =	sadd.s32 $0xC000, s8;
	s19 =	sadd.s32 $0x10000, s8;
	[dreg:$0x1d] =	wrdreg s13  }
0x21: {  	s23 =	simm.s32 $0x500;
	s16 =	simm.s32 $0x5800;
	[dreg:$0x1e] =	wrdreg s15  }
0x22: {  	s0 =	sshrl.u32 @p0 s7, $0x3;
	s7 =	simm.s32 $0x1400;
	[dreg:$0x1f] =	wrdreg s17  }
0x23: {  	s8 =	simm.s32 $0x900;
	s10 =	simm.s32 $0x980;
	[smem:$0x7FA] =	sst s19  }
0x24: {  	s13 =	simm.s32 $0x3;
	s15 =	simm.s32 $0x80;
	[dreg:$0x16] =	wrdreg s23  }
0x25: {  	s17 =	simm.s32 $0x1;
	s19 =	simm.s32 $0x600;
	[smem:$0x7FB] =	sst s0  }
0x26: {  	[dreg:$0x1b] =	wrdreg s9;
	s0 =	sadd.s32 @!p0 s6, s9;
	s9 =	simm.s32 $0x1480  }
0x27: {  	s6 =	simm.s32 $0x1580;
	[smem:$0x7FC] =	sst s0;
	s0 =	sshrl.u32 @!p0 s1, $0x3  }
0x28: {  	v0 =	vimm.f32 $0.0e+00;
	s1 =	simm.s32 $0x880;
	[smem:$0x7FD] =	sst s0;
	s0 =	simm.s32 $0x1380  }
.LBB2_1:
0x29: {  	[smem:$0x7F9] =	sst s24;
	s24 =	simm.s32 $0x0;
	s25 =	simm.s32 $0x200  }
.LBB2_2:
0x2a: {  	p1 =	sne.s32 s25, $0xFE00;
	[tilespmem:s24+$0x1870] =	vst v0  }
0x2b: {  	[tilespmem:s24+$0x1800] =	vst v0  }
0x2c: {  	[tilespmem:s24+$0x1810] =	vst v0  }
.Ltmp0:
0x2d: {  	[tilespmem:s24+$0x1820] =	vst v0;
	(pc) =	sbr.rel @p1 .LBB2_2-.Ltmp0, $4  }
0x2e: {  	[tilespmem:s24+$0x1830] =	vst v0  }
0x2f: {  	[tilespmem:s24+$0x1840] =	vst v0  }
0x30: {  	[tilespmem:s24+$0x1850] =	vst v0  }
0x31: {  	[tilespmem:s24+$0x1860] =	vst v0;
	s24 =	sshra.s32 s25, $0x2;
	s25 =	sadd.s32 $0x200, s25  }
0x32: {  	[tilespmem:s24+$0x1870] =	vst v0  }
0x33: {  	[tilespmem:s24+$0x1800] =	vst v0  }
0x34: {  	[tilespmem:s24+$0x1810] =	vst v0  }
0x35: {  	[tilespmem:s24+$0x1820] =	vst v0  }
0x36: {  	[tilespmem:s24+$0x1830] =	vst v0  }
0x37: {  	[tilespmem:s24+$0x1840] =	vst v0  }
0x38: {  	[tilespmem:s24+$0x1850] =	vst v0  }
0x39: {  	[tilespmem:s24+$0x1860] =	vst v0;
	s24 =	simm.s32 $0x0;
	s25 =	simm.s32 $0x200  }
.LBB2_4:
0x3a: {  	p1 =	sne.s32 s25, $0xFE00;
	[tilespmem:s24+$0x5870] =	vst v0  }
0x3b: {  	[tilespmem:s24+$0x5800] =	vst v0  }
0x3c: {  	[tilespmem:s24+$0x5810] =	vst v0  }
.Ltmp1:
0x3d: {  	[tilespmem:s24+$0x5820] =	vst v0;
	(pc) =	sbr.rel @p1 .LBB2_4-.Ltmp1, $4  }
0x3e: {  	[tilespmem:s24+$0x5830] =	vst v0  }
0x3f: {  	[tilespmem:s24+$0x5840] =	vst v0  }
0x40: {  	[tilespmem:s24+$0x5850] =	vst v0  }
0x41: {  	[tilespmem:s24+$0x5860] =	vst v0;
	s24 =	sshra.s32 s25, $0x2;
	s25 =	sadd.s32 $0x200, s25  }
0x42: {  	[tilespmem:s24+$0x5870] =	vst v0  }
0x43: {  	[tilespmem:s24+$0x5800] =	vst v0  }
0x44: {  	[tilespmem:s24+$0x5810] =	vst v0  }
0x45: {  	[tilespmem:s24+$0x5820] =	vst v0  }
0x46: {  	[tilespmem:s24+$0x5830] =	vst v0  }
0x47: {  	[tilespmem:s24+$0x5840] =	vst v0  }
0x48: {  	[tilespmem:s24+$0x5850] =	vst v0  }
0x49: {  	[tilespmem:s24+$0x5860] =	vst v0;
	s4 =	rddreg [dreg:$0x1a]  }
0x4a: {  	[spmem:s4] =	stream.linear.scatter [tilespmem:s12], [sflag:$0x3], $0x4000, $0x38;
	[tilespmem:$0x1D800] =	vst v63  }
0x4b: {  	_ =	swait.ge [sflag:s13], $0x4000  }
0x4c: {  	[sflag:s13] =	ssyncset.done $0x0  }
0x4d: {  	s24 =	rddreg [dreg:$0x1d];
	[sflag:s13] =	ssyncadd.s32 $0xFFFFC000  }
0x4e: {  	[spmem:s24] =	stream.linear.scatter [tilespmem:s12], [sflag:$0x3], $0x4000, $0x38;
	[tilespmem:$0x1D800] =	vst v63  }
0x4f: {  	_ =	swait.ge [sflag:s13], $0x4000  }
0x50: {  	[sflag:s13] =	ssyncset.done $0x0  }
0x51: {  	s25 =	rddreg [dreg:$0x1e];
	[sflag:s13] =	ssyncadd.s32 $0xFFFFC000  }
0x52: {  	[spmem:s25] =	stream.linear.scatter [tilespmem:s12], [sflag:$0x3], $0x4000, $0x38;
	[tilespmem:$0x1D800] =	vst v63  }
0x53: {  	_ =	swait.ge [sflag:s13], $0x4000  }
0x54: {  	[sflag:s13] =	ssyncset.done $0x0  }
0x55: {  	s23 =	rddreg [dreg:$0x1f];
	[sflag:s13] =	ssyncadd.s32 $0xFFFFC000  }
0x56: {  	[spmem:s23] =	stream.linear.scatter [tilespmem:s12], [sflag:$0x3], $0x4000, $0x38;
	[tilespmem:$0x1D800] =	vst v63  }
0x57: {  	_ =	swait.ge [sflag:s13], $0x4000  }
0x58: {  	s24 =	sld [smem:$0x7FA]  }
0x59: {  	[sflag:s13] =	ssyncset.done $0x0  }
0x5a: {  	[sflag:s13] =	ssyncadd.s32 $0xFFFFC000  }
0x5b: {  	[spmem:s24] =	stream.linear.scatter [tilespmem:s12], [sflag:$0x3], $0x4000, $0x38;
	[tilespmem:$0x1D800] =	vst v63  }
0x5c: {  	_ =	swait.ge [sflag:s13], $0x4000  }
0x5d: {  	[sflag:s13] =	ssyncset.done $0x0  }
0x5e: {  	[sflag:s13] =	ssyncadd.s32 $0xFFFFC000  }
0x5f: {  	[bflag:$0x0] =	sbarrier.arrive $0xFFFF  }
0x60: {  	s25 =	rddreg [dreg:$0x4]  }
0x61: {  	s4 =	sadd.s32 $0x0, s25  }
0x62: {  	[tilespmem:s3], [sflag:$0x3] =	stream.linear.gather [hbm4b:s4+s3], $0xA00, $0x38;
	[tilespmem:$0x1D800] =	vst v63  }
0x63: {  	_ =	swait.ge [sflag:s13], $0xA00  }
0x64: {  	s23 =	rddreg [dreg:$0x5];
	[sflag:s13] =	ssyncset.done $0x0  }
0x65: {  	[sflag:s13] =	ssyncadd.s32 $0xFFFFF600;
	s4 =	sadd.s32 $0x0, s23  }
0x66: {  	[tilespmem:s14], [sflag:$0x3] =	stream.linear.gather [hbm4b:s4+s3], $0xA00, $0x38;
	[tilespmem:$0x1D800] =	vst v63  }
0x67: {  	_ =	swait.ge [sflag:s13], $0xA00  }
0x68: {  	[sflag:s13] =	ssyncset.done $0x0  }
0x69: {  	[sflag:s13] =	ssyncadd.s32 $0xFFFFF600  }
0x6a: {  	[tilespmem:s12], [sflag:$0x1] =	stream.indirect.gather [hbm4b:s5+s15], $0x80, s3, s15, $0xb8;
	[tilespmem:$0x1D800] =	vst v63  }
0x6b: {  	_ = 	snop  }
0x6c: {  	[tilespmem:s16], [sflag:$0x2] =	stream.indirect.gather [hbm4b:s5+s15], $0x80, s15, s15, $0xb8;
	[tilespmem:$0x1D800] =	vst v63  }
0x6d: {  	_ =	swait.ge [sflag:s17], $0x4000  }
0x6e: {  	[sflag:s17] =	ssyncset.done $0x0  }
0x6f: {  	[sflag:s17] =	ssyncadd.s32 $0xFFFFC000  }
0x70: {  	[spmem:s2] =	stream.indirect.scatter.add.f32 [tilespmem:s12], [sflag:$0x3], $0x80, s14, s15, $0xb8;
	[tilespmem:$0x1D800] =	vst v63  }
0x71: {  	_ =	swait.ge [sflag:s13], $0x4000  }
0x72: {  	[sflag:s13] =	ssyncset.done $0x0  }
0x73: {  	s24 =	rddreg [dreg:$0x6];
	[sflag:s13] =	ssyncadd.s32 $0xFFFFC000  }
0x74: {  	[tilespmem:s12], [sflag:$0x1] =	stream.indirect.gather [hbm4b:s5+s15], $0x80, s24, s15, $0xb8;
	[tilespmem:$0x1D800] =	vst v63  }
0x75: {  	_ =	swait.ge [sflag:s18], $0x4000  }
0x76: {  	[sflag:s18] =	ssyncset.done $0x0  }
0x77: {  	s25 =	rddreg [dreg:$0x7];
	[sflag:s18] =	ssyncadd.s32 $0xFFFFC000  }
0x78: {  	[spmem:s2] =	stream.indirect.scatter.add.f32 [tilespmem:s16], [sflag:$0x3], $0x80, s25, s15, $0xb8;
	[tilespmem:$0x1D800] =	vst v63  }
0x79: {  	_ =	swait.ge [sflag:s13], $0x4000  }
0x7a: {  	[sflag:s13] =	ssyncset.done $0x0  }
0x7b: {  	s23 =	rddreg [dreg:$0x8];
	[sflag:s13] =	ssyncadd.s32 $0xFFFFC000  }
0x7c: {  	[tilespmem:s16], [sflag:$0x2] =	stream.indirect.gather [hbm4b:s5+s15], $0x80, s23, s15, $0xb8;
	[tilespmem:$0x1D800] =	vst v63  }
0x7d: {  	_ =	swait.ge [sflag:s17], $0x4000  }
0x7e: {  	[sflag:s17] =	ssyncset.done $0x0  }
0x7f: {  	s24 =	rddreg [dreg:$0x9];
	[sflag:s17] =	ssyncadd.s32 $0xFFFFC000  }
0x80: {  	[spmem:s2] =	stream.indirect.scatter.add.f32 [tilespmem:s12], [sflag:$0x3], $0x80, s24, s15, $0xb8;
	[tilespmem:$0x1D800] =	vst v63  }
0x81: {  	_ =	swait.ge [sflag:s13], $0x4000  }
0x82: {  	[sflag:s13] =	ssyncset.done $0x0  }
0x83: {  	s25 =	rddreg [dreg:$0xa];
	[sflag:s13] =	ssyncadd.s32 $0xFFFFC000  }
0x84: {  	[tilespmem:s12], [sflag:$0x1] =	stream.indirect.gather [hbm4b:s5+s15], $0x80, s25, s15, $0xb8;
	[tilespmem:$0x1D800] =	vst v63  }
0x85: {  	_ =	swait.ge [sflag:s18], $0x4000  }
0x86: {  	[sflag:s18] =	ssyncset.done $0x0  }
0x87: {  	s23 =	rddreg [dreg:$0xb];
	[sflag:s18] =	ssyncadd.s32 $0xFFFFC000  }
0x88: {  	[spmem:s2] =	stream.indirect.scatter.add.f32 [tilespmem:s16], [sflag:$0x3], $0x80, s23, s15, $0xb8;
	[tilespmem:$0x1D800] =	vst v63  }
0x89: {  	_ =	swait.ge [sflag:s13], $0x4000  }
0x8a: {  	[sflag:s13] =	ssyncset.done $0x0  }
0x8b: {  	s24 =	rddreg [dreg:$0xc];
	[sflag:s13] =	ssyncadd.s32 $0xFFFFC000  }
0x8c: {  	[tilespmem:s16], [sflag:$0x2] =	stream.indirect.gather [hbm4b:s5+s15], $0x80, s24, s15, $0xb8;
	[tilespmem:$0x1D800] =	vst v63  }
0x8d: {  	_ =	swait.ge [sflag:s17], $0x4000  }
0x8e: {  	[sflag:s17] =	ssyncset.done $0x0  }
0x8f: {  	s25 =	rddreg [dreg:$0xd];
	[sflag:s17] =	ssyncadd.s32 $0xFFFFC000  }
0x90: {  	[spmem:s2] =	stream.indirect.scatter.add.f32 [tilespmem:s12], [sflag:$0x3], $0x80, s25, s15, $0xb8;
	[tilespmem:$0x1D800] =	vst v63  }
0x91: {  	_ =	swait.ge [sflag:s13], $0x4000  }
0x92: {  	[sflag:s13] =	ssyncset.done $0x0  }
0x93: {  	s23 =	rddreg [dreg:$0xe];
	[sflag:s13] =	ssyncadd.s32 $0xFFFFC000  }
0x94: {  	[tilespmem:s12], [sflag:$0x1] =	stream.indirect.gather [hbm4b:s5+s15], $0x80, s23, s15, $0xb8;
	[tilespmem:$0x1D800] =	vst v63  }
0x95: {  	_ =	swait.ge [sflag:s18], $0x4000  }
0x96: {  	[sflag:s18] =	ssyncset.done $0x0  }
0x97: {  	s24 =	rddreg [dreg:$0xf];
	[sflag:s18] =	ssyncadd.s32 $0xFFFFC000  }
0x98: {  	[spmem:s2] =	stream.indirect.scatter.add.f32 [tilespmem:s16], [sflag:$0x3], $0x80, s24, s15, $0xb8;
	[tilespmem:$0x1D800] =	vst v63  }
0x99: {  	_ =	swait.ge [sflag:s13], $0x4000  }
0x9a: {  	[sflag:s13] =	ssyncset.done $0x0  }
0x9b: {  	s25 =	rddreg [dreg:$0x10];
	[sflag:s13] =	ssyncadd.s32 $0xFFFFC000  }
0x9c: {  	[tilespmem:s16], [sflag:$0x2] =	stream.indirect.gather [hbm4b:s5+s15], $0x80, s25, s15, $0xb8;
	[tilespmem:$0x1D800] =	vst v63  }
0x9d: {  	_ =	swait.ge [sflag:s17], $0x4000  }
0x9e: {  	[sflag:s17] =	ssyncset.done $0x0  }
0x9f: {  	s23 =	rddreg [dreg:$0x11];
	[sflag:s17] =	ssyncadd.s32 $0xFFFFC000  }
0xa0: {  	[spmem:s2] =	stream.indirect.scatter.add.f32 [tilespmem:s12], [sflag:$0x3], $0x80, s23, s15, $0xb8;
	[tilespmem:$0x1D800] =	vst v63  }
0xa1: {  	_ =	swait.ge [sflag:s13], $0x4000  }
0xa2: {  	[sflag:s13] =	ssyncset.done $0x0  }
0xa3: {  	s24 =	rddreg [dreg:$0x12];
	[sflag:s13] =	ssyncadd.s32 $0xFFFFC000  }
0xa4: {  	[tilespmem:s12], [sflag:$0x1] =	stream.indirect.gather [hbm4b:s5+s15], $0x80, s24, s15, $0xb8;
	[tilespmem:$0x1D800] =	vst v63  }
0xa5: {  	_ =	swait.ge [sflag:s18], $0x4000  }
0xa6: {  	[sflag:s18] =	ssyncset.done $0x0  }
0xa7: {  	s25 =	rddreg [dreg:$0x13];
	[sflag:s18] =	ssyncadd.s32 $0xFFFFC000  }
0xa8: {  	[spmem:s2] =	stream.indirect.scatter.add.f32 [tilespmem:s16], [sflag:$0x3], $0x80, s25, s15, $0xb8;
	[tilespmem:$0x1D800] =	vst v63  }
0xa9: {  	_ =	swait.ge [sflag:s13], $0x4000  }
0xaa: {  	[sflag:s13] =	ssyncset.done $0x0  }
0xab: {  	s23 =	rddreg [dreg:$0x14];
	[sflag:s13] =	ssyncadd.s32 $0xFFFFC000  }
0xac: {  	[tilespmem:s16], [sflag:$0x2] =	stream.indirect.gather [hbm4b:s5+s15], $0x80, s23, s15, $0xb8;
	[tilespmem:$0x1D800] =	vst v63  }
0xad: {  	_ =	swait.ge [sflag:s17], $0x4000  }
0xae: {  	[sflag:s17] =	ssyncset.done $0x0  }
0xaf: {  	s24 =	rddreg [dreg:$0x15];
	[sflag:s17] =	ssyncadd.s32 $0xFFFFC000  }
0xb0: {  	[spmem:s2] =	stream.indirect.scatter.add.f32 [tilespmem:s12], [sflag:$0x3], $0x80, s24, s15, $0xb8;
	[tilespmem:$0x1D800] =	vst v63  }
0xb1: {  	_ =	swait.ge [sflag:s13], $0x4000  }
0xb2: {  	[sflag:s13] =	ssyncset.done $0x0  }
0xb3: {  	s25 =	rddreg [dreg:$0x16];
	[sflag:s13] =	ssyncadd.s32 $0xFFFFC000  }
0xb4: {  	[tilespmem:s12], [sflag:$0x1] =	stream.indirect.gather [hbm4b:s5+s15], $0x80, s25, s15, $0xb8;
	[tilespmem:$0x1D800] =	vst v63  }
0xb5: {  	_ =	swait.ge [sflag:s18], $0x4000  }
0xb6: {  	[sflag:s18] =	ssyncset.done $0x0  }
0xb7: {  	s23 =	rddreg [dreg:$0x17];
	[sflag:s18] =	ssyncadd.s32 $0xFFFFC000  }
0xb8: {  	[spmem:s2] =	stream.indirect.scatter.add.f32 [tilespmem:s16], [sflag:$0x3], $0x80, s23, s15, $0xb8;
	[tilespmem:$0x1D800] =	vst v63  }
0xb9: {  	_ =	swait.ge [sflag:s13], $0x4000  }
0xba: {  	[sflag:s13] =	ssyncset.done $0x0  }
0xbb: {  	s24 =	rddreg [dreg:$0x18];
	[sflag:s13] =	ssyncadd.s32 $0xFFFFC000  }
0xbc: {  	[tilespmem:s16], [sflag:$0x2] =	stream.indirect.gather [hbm4b:s5+s15], $0x80, s24, s15, $0xb8;
	[tilespmem:$0x1D800] =	vst v63  }
0xbd: {  	_ =	swait.ge [sflag:s17], $0x4000  }
0xbe: {  	[sflag:s17] =	ssyncset.done $0x0  }
0xbf: {  	s25 =	rddreg [dreg:$0x19];
	[sflag:s17] =	ssyncadd.s32 $0xFFFFC000  }
0xc0: {  	[spmem:s2] =	stream.indirect.scatter.add.f32 [tilespmem:s12], [sflag:$0x3], $0x80, s25, s15, $0xb8;
	[tilespmem:$0x1D800] =	vst v63  }
0xc1: {  	_ =	swait.ge [sflag:s13], $0x4000  }
0xc2: {  	[sflag:s13] =	ssyncset.done $0x0  }
0xc3: {  	[sflag:s13] =	ssyncadd.s32 $0xFFFFC000  }
0xc4: {  	[tilespmem:s12], [sflag:$0x1] =	stream.indirect.gather [hbm4b:s5+s15], $0x80, s19, s15, $0xb8;
	[tilespmem:$0x1D800] =	vst v63  }
0xc5: {  	_ =	swait.ge [sflag:s18], $0x4000  }
0xc6: {  	[sflag:s18] =	ssyncset.done $0x0  }
0xc7: {  	[sflag:s18] =	ssyncadd.s32 $0xFFFFC000  }
0xc8: {  	[spmem:s2] =	stream.indirect.scatter.add.f32 [tilespmem:s16], [sflag:$0x3], $0x80, s20, s15, $0xb8;
	[tilespmem:$0x1D800] =	vst v63  }
0xc9: {  	_ =	swait.ge [sflag:s13], $0x4000  }
0xca: {  	[sflag:s13] =	ssyncset.done $0x0  }
0xcb: {  	[sflag:s13] =	ssyncadd.s32 $0xFFFFC000  }
0xcc: {  	[tilespmem:s16], [sflag:$0x2] =	stream.indirect.gather [hbm4b:s5+s15], $0x80, s21, s15, $0xb8;
	[tilespmem:$0x1D800] =	vst v63  }
0xcd: {  	_ =	swait.ge [sflag:s17], $0x4000  }
0xce: {  	[sflag:s17] =	ssyncset.done $0x0  }
0xcf: {  	[sflag:s17] =	ssyncadd.s32 $0xFFFFC000  }
0xd0: {  	[spmem:s2] =	stream.indirect.scatter.add.f32 [tilespmem:s12], [sflag:$0x3], $0x80, s22, s15, $0xb8;
	[tilespmem:$0x1D800] =	vst v63  }
0xd1: {  	_ =	swait.ge [sflag:s13], $0x4000  }
0xd2: {  	[sflag:s13] =	ssyncset.done $0x0  }
0xd3: {  	[sflag:s13] =	ssyncadd.s32 $0xFFFFC000  }
0xd4: {  	[tilespmem:s12], [sflag:$0x1] =	stream.indirect.gather [hbm4b:s5+s15], $0x80, s26, s15, $0xb8;
	[tilespmem:$0x1D800] =	vst v63  }
0xd5: {  	_ =	swait.ge [sflag:s18], $0x4000  }
0xd6: {  	[sflag:s18] =	ssyncset.done $0x0  }
0xd7: {  	[sflag:s18] =	ssyncadd.s32 $0xFFFFC000  }
0xd8: {  	[spmem:s2] =	stream.indirect.scatter.add.f32 [tilespmem:s16], [sflag:$0x3], $0x80, s28, s15, $0xb8;
	[tilespmem:$0x1D800] =	vst v63  }
0xd9: {  	_ =	swait.ge [sflag:s13], $0x4000  }
0xda: {  	[sflag:s13] =	ssyncset.done $0x0  }
0xdb: {  	[sflag:s13] =	ssyncadd.s32 $0xFFFFC000  }
0xdc: {  	[tilespmem:s16], [sflag:$0x2] =	stream.indirect.gather [hbm4b:s5+s15], $0x80, s29, s15, $0xb8;
	[tilespmem:$0x1D800] =	vst v63  }
0xdd: {  	_ =	swait.ge [sflag:s17], $0x4000  }
0xde: {  	[sflag:s17] =	ssyncset.done $0x0  }
0xdf: {  	[sflag:s17] =	ssyncadd.s32 $0xFFFFC000  }
0xe0: {  	[spmem:s2] =	stream.indirect.scatter.add.f32 [tilespmem:s12], [sflag:$0x3], $0x80, s30, s15, $0xb8;
	[tilespmem:$0x1D800] =	vst v63  }
0xe1: {  	_ =	swait.ge [sflag:s13], $0x4000  }
0xe2: {  	[sflag:s13] =	ssyncset.done $0x0  }
0xe3: {  	[sflag:s13] =	ssyncadd.s32 $0xFFFFC000  }
0xe4: {  	[tilespmem:s12], [sflag:$0x1] =	stream.indirect.gather [hbm4b:s5+s15], $0x80, s31, s15, $0xb8;
	[tilespmem:$0x1D800] =	vst v63  }
0xe5: {  	_ =	swait.ge [sflag:s18], $0x4000  }
0xe6: {  	[sflag:s18] =	ssyncset.done $0x0  }
0xe7: {  	[sflag:s18] =	ssyncadd.s32 $0xFFFFC000  }
0xe8: {  	[spmem:s2] =	stream.indirect.scatter.add.f32 [tilespmem:s16], [sflag:$0x3], $0x80, s0, s15, $0xb8;
	[tilespmem:$0x1D800] =	vst v63  }
0xe9: {  	_ =	swait.ge [sflag:s13], $0x4000  }
0xea: {  	[sflag:s13] =	ssyncset.done $0x0  }
0xeb: {  	[sflag:s13] =	ssyncadd.s32 $0xFFFFC000  }
0xec: {  	[tilespmem:s16], [sflag:$0x2] =	stream.indirect.gather [hbm4b:s5+s15], $0x80, s1, s15, $0xb8;
	[tilespmem:$0x1D800] =	vst v63  }
0xed: {  	_ =	swait.ge [sflag:s17], $0x4000  }
0xee: {  	[sflag:s17] =	ssyncset.done $0x0  }
0xef: {  	[sflag:s17] =	ssyncadd.s32 $0xFFFFC000  }
0xf0: {  	[spmem:s2] =	stream.indirect.scatter.add.f32 [tilespmem:s12], [sflag:$0x3], $0x80, s7, s15, $0xb8;
	[tilespmem:$0x1D800] =	vst v63  }
0xf1: {  	_ =	swait.ge [sflag:s13], $0x4000  }
0xf2: {  	[sflag:s13] =	ssyncset.done $0x0  }
0xf3: {  	[sflag:s13] =	ssyncadd.s32 $0xFFFFC000  }
0xf4: {  	[tilespmem:s12], [sflag:$0x1] =	stream.indirect.gather [hbm4b:s5+s15], $0x80, s8, s15, $0xb8;
	[tilespmem:$0x1D800] =	vst v63  }
0xf5: {  	_ =	swait.ge [sflag:s18], $0x4000  }
0xf6: {  	[sflag:s18] =	ssyncset.done $0x0  }
0xf7: {  	[sflag:s18] =	ssyncadd.s32 $0xFFFFC000  }
0xf8: {  	[spmem:s2] =	stream.indirect.scatter.add.f32 [tilespmem:s16], [sflag:$0x3], $0x80, s9, s15, $0xb8;
	[tilespmem:$0x1D800] =	vst v63  }
0xf9: {  	_ =	swait.ge [sflag:s13], $0x4000  }
0xfa: {  	[sflag:s13] =	ssyncset.done $0x0  }
0xfb: {  	[sflag:s13] =	ssyncadd.s32 $0xFFFFC000  }
0xfc: {  	[tilespmem:s16], [sflag:$0x2] =	stream.indirect.gather [hbm4b:s5+s15], $0x80, s10, s15, $0xb8;
	[tilespmem:$0x1D800] =	vst v63  }
0xfd: {  	_ =	swait.ge [sflag:s17], $0x4000  }
0xfe: {  	[sflag:s17] =	ssyncset.done $0x0  }
0xff: {  	[sflag:s17] =	ssyncadd.s32 $0xFFFFC000  }
0x100: {  	[spmem:s2] =	stream.indirect.scatter.add.f32 [tilespmem:s12], [sflag:$0x3], $0x80, s11, s15, $0xb8;
	[tilespmem:$0x1D800] =	vst v63  }
0x101: {  	_ =	swait.ge [sflag:s13], $0x4000  }
0x102: {  	[sflag:s13] =	ssyncset.done $0x0  }
0x103: {  	[sflag:s13] =	ssyncadd.s32 $0xFFFFC000  }
0x104: {  	_ =	swait.ge [sflag:s18], $0x4000  }
0x105: {  	[sflag:s18] =	ssyncset.done $0x0  }
0x106: {  	[sflag:s18] =	ssyncadd.s32 $0xFFFFC000  }
0x107: {  	[spmem:s2] =	stream.indirect.scatter.add.f32 [tilespmem:s16], [sflag:$0x3], $0x80, s6, s15, $0xb8;
	[tilespmem:$0x1D800] =	vst v63  }
0x108: {  	s24 =	simm.s32 $0x180;
	_ =	swait.ge [sflag:s13], $0x4000  }
0x109: {  	s25 =	simm.s32 $0x300;
	s4 =	rddreg [dreg:$0x4];
	[sflag:s13] =	ssyncset.done $0x0  }
.LBB2_6:
0x10a: {  	[sflag:s13] =	ssyncadd.s32 $0xFFFFC000;
	s4 =	sadd.s32 s24, s4  }
0x10b: {  	[tilespmem:s3], [sflag:$0x3] =	stream.linear.gather [hbm4b:s4+s3], $0xA00, $0x38;
	[tilespmem:$0x1D800] =	vst v63  }
0x10c: {  	_ =	swait.ge [sflag:s13], $0xA00  }
0x10d: {  	s4 =	rddreg [dreg:$0x5];
	[sflag:s13] =	ssyncset.done $0x0  }
0x10e: {  	[sflag:s13] =	ssyncadd.s32 $0xFFFFF600;
	s4 =	sadd.s32 s24, s4  }
0x10f: {  	[tilespmem:s14], [sflag:$0x3] =	stream.linear.gather [hbm4b:s4+s3], $0xA00, $0x38;
	[tilespmem:$0x1D800] =	vst v63  }
0x110: {  	_ =	swait.ge [sflag:s13], $0xA00  }
0x111: {  	[sflag:s13] =	ssyncset.done $0x0  }
0x112: {  	[sflag:s13] =	ssyncadd.s32 $0xFFFFF600  }
0x113: {  	[tilespmem:s12], [sflag:$0x1] =	stream.indirect.gather [hbm4b:s5+s15], $0x80, s3, s15, $0xb8;
	[tilespmem:$0x1D800] =	vst v63  }
0x114: {  	_ = 	snop  }
0x115: {  	[tilespmem:s16], [sflag:$0x2] =	stream.indirect.gather [hbm4b:s5+s15], $0x80, s15, s15, $0xb8;
	[tilespmem:$0x1D800] =	vst v63  }
0x116: {  	_ =	swait.ge [sflag:s17], $0x4000  }
0x117: {  	[sflag:s17] =	ssyncset.done $0x0  }
0x118: {  	[sflag:s17] =	ssyncadd.s32 $0xFFFFC000  }
0x119: {  	[spmem:s2] =	stream.indirect.scatter.add.f32 [tilespmem:s12], [sflag:$0x3], $0x80, s14, s15, $0xb8;
	[tilespmem:$0x1D800] =	vst v63  }
0x11a: {  	_ =	swait.ge [sflag:s13], $0x4000  }
0x11b: {  	s23 =	smov.u32 s25;
	[sflag:s13] =	ssyncset.done $0x0  }
0x11c: {  	s24 =	smov.u32 s23;
	s23 =	rddreg [dreg:$0x6];
	[sflag:s13] =	ssyncadd.s32 $0xFFFFC000  }
0x11d: {  	[tilespmem:s12], [sflag:$0x1] =	stream.indirect.gather [hbm4b:s5+s15], $0x80, s23, s15, $0xb8;
	[tilespmem:$0x1D800] =	vst v63  }
0x11e: {  	_ =	swait.ge [sflag:s18], $0x4000  }
0x11f: {  	[sflag:s18] =	ssyncset.done $0x0  }
0x120: {  	s23 =	rddreg [dreg:$0x7];
	[sflag:s18] =	ssyncadd.s32 $0xFFFFC000  }
0x121: {  	[spmem:s2] =	stream.indirect.scatter.add.f32 [tilespmem:s16], [sflag:$0x3], $0x80, s23, s15, $0xb8;
	[tilespmem:$0x1D800] =	vst v63  }
0x122: {  	_ =	swait.ge [sflag:s13], $0x4000  }
0x123: {  	[sflag:s13] =	ssyncset.done $0x0  }
0x124: {  	s23 =	rddreg [dreg:$0x8];
	[sflag:s13] =	ssyncadd.s32 $0xFFFFC000  }
0x125: {  	[tilespmem:s16], [sflag:$0x2] =	stream.indirect.gather [hbm4b:s5+s15], $0x80, s23, s15, $0xb8;
	[tilespmem:$0x1D800] =	vst v63  }
0x126: {  	_ =	swait.ge [sflag:s17], $0x4000  }
0x127: {  	[sflag:s17] =	ssyncset.done $0x0  }
0x128: {  	s23 =	rddreg [dreg:$0x9];
	[sflag:s17] =	ssyncadd.s32 $0xFFFFC000  }
0x129: {  	[spmem:s2] =	stream.indirect.scatter.add.f32 [tilespmem:s12], [sflag:$0x3], $0x80, s23, s15, $0xb8;
	[tilespmem:$0x1D800] =	vst v63  }
0x12a: {  	_ =	swait.ge [sflag:s13], $0x4000  }
0x12b: {  	[sflag:s13] =	ssyncset.done $0x0  }
0x12c: {  	s23 =	rddreg [dreg:$0xa];
	[sflag:s13] =	ssyncadd.s32 $0xFFFFC000  }
0x12d: {  	[tilespmem:s12], [sflag:$0x1] =	stream.indirect.gather [hbm4b:s5+s15], $0x80, s23, s15, $0xb8;
	[tilespmem:$0x1D800] =	vst v63  }
0x12e: {  	_ =	swait.ge [sflag:s18], $0x4000  }
0x12f: {  	[sflag:s18] =	ssyncset.done $0x0  }
0x130: {  	s23 =	rddreg [dreg:$0xb];
	[sflag:s18] =	ssyncadd.s32 $0xFFFFC000  }
0x131: {  	[spmem:s2] =	stream.indirect.scatter.add.f32 [tilespmem:s16], [sflag:$0x3], $0x80, s23, s15, $0xb8;
	[tilespmem:$0x1D800] =	vst v63  }
0x132: {  	_ =	swait.ge [sflag:s13], $0x4000  }
0x133: {  	[sflag:s13] =	ssyncset.done $0x0  }
0x134: {  	s23 =	rddreg [dreg:$0xc];
	[sflag:s13] =	ssyncadd.s32 $0xFFFFC000  }
0x135: {  	[tilespmem:s16], [sflag:$0x2] =	stream.indirect.gather [hbm4b:s5+s15], $0x80, s23, s15, $0xb8;
	[tilespmem:$0x1D800] =	vst v63  }
0x136: {  	_ =	swait.ge [sflag:s17], $0x4000  }
0x137: {  	[sflag:s17] =	ssyncset.done $0x0  }
0x138: {  	s23 =	rddreg [dreg:$0xd];
	[sflag:s17] =	ssyncadd.s32 $0xFFFFC000  }
0x139: {  	[spmem:s2] =	stream.indirect.scatter.add.f32 [tilespmem:s12], [sflag:$0x3], $0x80, s23, s15, $0xb8;
	[tilespmem:$0x1D800] =	vst v63  }
0x13a: {  	_ =	swait.ge [sflag:s13], $0x4000  }
0x13b: {  	[sflag:s13] =	ssyncset.done $0x0  }
0x13c: {  	s23 =	rddreg [dreg:$0xe];
	[sflag:s13] =	ssyncadd.s32 $0xFFFFC000  }
0x13d: {  	[tilespmem:s12], [sflag:$0x1] =	stream.indirect.gather [hbm4b:s5+s15], $0x80, s23, s15, $0xb8;
	[tilespmem:$0x1D800] =	vst v63  }
0x13e: {  	_ =	swait.ge [sflag:s18], $0x4000  }
0x13f: {  	[sflag:s18] =	ssyncset.done $0x0  }
0x140: {  	s23 =	rddreg [dreg:$0xf];
	[sflag:s18] =	ssyncadd.s32 $0xFFFFC000  }
0x141: {  	[spmem:s2] =	stream.indirect.scatter.add.f32 [tilespmem:s16], [sflag:$0x3], $0x80, s23, s15, $0xb8;
	[tilespmem:$0x1D800] =	vst v63  }
0x142: {  	_ =	swait.ge [sflag:s13], $0x4000  }
0x143: {  	[sflag:s13] =	ssyncset.done $0x0  }
0x144: {  	s23 =	rddreg [dreg:$0x10];
	[sflag:s13] =	ssyncadd.s32 $0xFFFFC000  }
0x145: {  	[tilespmem:s16], [sflag:$0x2] =	stream.indirect.gather [hbm4b:s5+s15], $0x80, s23, s15, $0xb8;
	[tilespmem:$0x1D800] =	vst v63  }
0x146: {  	_ =	swait.ge [sflag:s17], $0x4000  }
0x147: {  	[sflag:s17] =	ssyncset.done $0x0  }
0x148: {  	s23 =	rddreg [dreg:$0x11];
	[sflag:s17] =	ssyncadd.s32 $0xFFFFC000  }
0x149: {  	[spmem:s2] =	stream.indirect.scatter.add.f32 [tilespmem:s12], [sflag:$0x3], $0x80, s23, s15, $0xb8;
	[tilespmem:$0x1D800] =	vst v63  }
0x14a: {  	_ =	swait.ge [sflag:s13], $0x4000  }
0x14b: {  	[sflag:s13] =	ssyncset.done $0x0  }
0x14c: {  	s23 =	rddreg [dreg:$0x12];
	[sflag:s13] =	ssyncadd.s32 $0xFFFFC000  }
0x14d: {  	[tilespmem:s12], [sflag:$0x1] =	stream.indirect.gather [hbm4b:s5+s15], $0x80, s23, s15, $0xb8;
	[tilespmem:$0x1D800] =	vst v63  }
0x14e: {  	_ =	swait.ge [sflag:s18], $0x4000  }
0x14f: {  	[sflag:s18] =	ssyncset.done $0x0  }
0x150: {  	s23 =	rddreg [dreg:$0x13];
	[sflag:s18] =	ssyncadd.s32 $0xFFFFC000  }
0x151: {  	[spmem:s2] =	stream.indirect.scatter.add.f32 [tilespmem:s16], [sflag:$0x3], $0x80, s23, s15, $0xb8;
	[tilespmem:$0x1D800] =	vst v63  }
0x152: {  	_ =	swait.ge [sflag:s13], $0x4000  }
0x153: {  	[sflag:s13] =	ssyncset.done $0x0  }
0x154: {  	s23 =	rddreg [dreg:$0x14];
	[sflag:s13] =	ssyncadd.s32 $0xFFFFC000  }
0x155: {  	[tilespmem:s16], [sflag:$0x2] =	stream.indirect.gather [hbm4b:s5+s15], $0x80, s23, s15, $0xb8;
	[tilespmem:$0x1D800] =	vst v63  }
0x156: {  	_ =	swait.ge [sflag:s17], $0x4000  }
0x157: {  	[sflag:s17] =	ssyncset.done $0x0  }
0x158: {  	s23 =	rddreg [dreg:$0x15];
	[sflag:s17] =	ssyncadd.s32 $0xFFFFC000  }
0x159: {  	[spmem:s2] =	stream.indirect.scatter.add.f32 [tilespmem:s12], [sflag:$0x3], $0x80, s23, s15, $0xb8;
	[tilespmem:$0x1D800] =	vst v63  }
0x15a: {  	_ =	swait.ge [sflag:s13], $0x4000  }
0x15b: {  	[sflag:s13] =	ssyncset.done $0x0  }
0x15c: {  	s23 =	rddreg [dreg:$0x16];
	[sflag:s13] =	ssyncadd.s32 $0xFFFFC000  }
0x15d: {  	[tilespmem:s12], [sflag:$0x1] =	stream.indirect.gather [hbm4b:s5+s15], $0x80, s23, s15, $0xb8;
	[tilespmem:$0x1D800] =	vst v63  }
0x15e: {  	_ =	swait.ge [sflag:s18], $0x4000  }
0x15f: {  	[sflag:s18] =	ssyncset.done $0x0  }
0x160: {  	s23 =	rddreg [dreg:$0x17];
	[sflag:s18] =	ssyncadd.s32 $0xFFFFC000  }
0x161: {  	[spmem:s2] =	stream.indirect.scatter.add.f32 [tilespmem:s16], [sflag:$0x3], $0x80, s23, s15, $0xb8;
	[tilespmem:$0x1D800] =	vst v63  }
0x162: {  	_ =	swait.ge [sflag:s13], $0x4000  }
0x163: {  	[sflag:s13] =	ssyncset.done $0x0  }
0x164: {  	s23 =	rddreg [dreg:$0x18];
	[sflag:s13] =	ssyncadd.s32 $0xFFFFC000  }
0x165: {  	[tilespmem:s16], [sflag:$0x2] =	stream.indirect.gather [hbm4b:s5+s15], $0x80, s23, s15, $0xb8;
	[tilespmem:$0x1D800] =	vst v63  }
0x166: {  	_ =	swait.ge [sflag:s17], $0x4000  }
0x167: {  	[sflag:s17] =	ssyncset.done $0x0  }
0x168: {  	s23 =	rddreg [dreg:$0x19];
	[sflag:s17] =	ssyncadd.s32 $0xFFFFC000  }
0x169: {  	[spmem:s2] =	stream.indirect.scatter.add.f32 [tilespmem:s12], [sflag:$0x3], $0x80, s23, s15, $0xb8;
	[tilespmem:$0x1D800] =	vst v63  }
0x16a: {  	_ =	swait.ge [sflag:s13], $0x4000  }
0x16b: {  	[sflag:s13] =	ssyncset.done $0x0  }
0x16c: {  	[sflag:s13] =	ssyncadd.s32 $0xFFFFC000  }
0x16d: {  	[tilespmem:s12], [sflag:$0x1] =	stream.indirect.gather [hbm4b:s5+s15], $0x80, s19, s15, $0xb8;
	[tilespmem:$0x1D800] =	vst v63  }
0x16e: {  	_ =	swait.ge [sflag:s18], $0x4000  }
0x16f: {  	[sflag:s18] =	ssyncset.done $0x0  }
0x170: {  	[sflag:s18] =	ssyncadd.s32 $0xFFFFC000  }
0x171: {  	[spmem:s2] =	stream.indirect.scatter.add.f32 [tilespmem:s16], [sflag:$0x3], $0x80, s20, s15, $0xb8;
	[tilespmem:$0x1D800] =	vst v63  }
0x172: {  	_ =	swait.ge [sflag:s13], $0x4000  }
0x173: {  	[sflag:s13] =	ssyncset.done $0x0  }
0x174: {  	[sflag:s13] =	ssyncadd.s32 $0xFFFFC000  }
0x175: {  	[tilespmem:s16], [sflag:$0x2] =	stream.indirect.gather [hbm4b:s5+s15], $0x80, s21, s15, $0xb8;
	[tilespmem:$0x1D800] =	vst v63  }
0x176: {  	_ =	swait.ge [sflag:s17], $0x4000  }
0x177: {  	[sflag:s17] =	ssyncset.done $0x0  }
0x178: {  	[sflag:s17] =	ssyncadd.s32 $0xFFFFC000  }
0x179: {  	[spmem:s2] =	stream.indirect.scatter.add.f32 [tilespmem:s12], [sflag:$0x3], $0x80, s22, s15, $0xb8;
	[tilespmem:$0x1D800] =	vst v63  }
0x17a: {  	_ =	swait.ge [sflag:s13], $0x4000  }
0x17b: {  	[sflag:s13] =	ssyncset.done $0x0  }
0x17c: {  	[sflag:s13] =	ssyncadd.s32 $0xFFFFC000  }
0x17d: {  	[tilespmem:s12], [sflag:$0x1] =	stream.indirect.gather [hbm4b:s5+s15], $0x80, s26, s15, $0xb8;
	[tilespmem:$0x1D800] =	vst v63  }
0x17e: {  	_ =	swait.ge [sflag:s18], $0x4000  }
0x17f: {  	[sflag:s18] =	ssyncset.done $0x0  }
0x180: {  	[sflag:s18] =	ssyncadd.s32 $0xFFFFC000  }
0x181: {  	[spmem:s2] =	stream.indirect.scatter.add.f32 [tilespmem:s16], [sflag:$0x3], $0x80, s28, s15, $0xb8;
	[tilespmem:$0x1D800] =	vst v63  }
0x182: {  	_ =	swait.ge [sflag:s13], $0x4000  }
0x183: {  	[sflag:s13] =	ssyncset.done $0x0  }
0x184: {  	[sflag:s13] =	ssyncadd.s32 $0xFFFFC000  }
0x185: {  	[tilespmem:s16], [sflag:$0x2] =	stream.indirect.gather [hbm4b:s5+s15], $0x80, s29, s15, $0xb8;
	[tilespmem:$0x1D800] =	vst v63  }
0x186: {  	_ =	swait.ge [sflag:s17], $0x4000  }
0x187: {  	[sflag:s17] =	ssyncset.done $0x0  }
0x188: {  	[sflag:s17] =	ssyncadd.s32 $0xFFFFC000  }
0x189: {  	[spmem:s2] =	stream.indirect.scatter.add.f32 [tilespmem:s12], [sflag:$0x3], $0x80, s30, s15, $0xb8;
	[tilespmem:$0x1D800] =	vst v63  }
0x18a: {  	_ =	swait.ge [sflag:s13], $0x4000  }
0x18b: {  	[sflag:s13] =	ssyncset.done $0x0  }
0x18c: {  	[sflag:s13] =	ssyncadd.s32 $0xFFFFC000  }
0x18d: {  	[tilespmem:s12], [sflag:$0x1] =	stream.indirect.gather [hbm4b:s5+s15], $0x80, s31, s15, $0xb8;
	[tilespmem:$0x1D800] =	vst v63  }
0x18e: {  	_ =	swait.ge [sflag:s18], $0x4000  }
0x18f: {  	[sflag:s18] =	ssyncset.done $0x0  }
0x190: {  	[sflag:s18] =	ssyncadd.s32 $0xFFFFC000  }
0x191: {  	[spmem:s2] =	stream.indirect.scatter.add.f32 [tilespmem:s16], [sflag:$0x3], $0x80, s0, s15, $0xb8;
	[tilespmem:$0x1D800] =	vst v63  }
0x192: {  	_ =	swait.ge [sflag:s13], $0x4000  }
0x193: {  	[sflag:s13] =	ssyncset.done $0x0  }
0x194: {  	[sflag:s13] =	ssyncadd.s32 $0xFFFFC000  }
0x195: {  	[tilespmem:s16], [sflag:$0x2] =	stream.indirect.gather [hbm4b:s5+s15], $0x80, s1, s15, $0xb8;
	[tilespmem:$0x1D800] =	vst v63  }
0x196: {  	_ =	swait.ge [sflag:s17], $0x4000  }
0x197: {  	[sflag:s17] =	ssyncset.done $0x0  }
0x198: {  	[sflag:s17] =	ssyncadd.s32 $0xFFFFC000  }
0x199: {  	[spmem:s2] =	stream.indirect.scatter.add.f32 [tilespmem:s12], [sflag:$0x3], $0x80, s7, s15, $0xb8;
	[tilespmem:$0x1D800] =	vst v63  }
0x19a: {  	_ =	swait.ge [sflag:s13], $0x4000  }
0x19b: {  	[sflag:s13] =	ssyncset.done $0x0  }
0x19c: {  	[sflag:s13] =	ssyncadd.s32 $0xFFFFC000  }
0x19d: {  	[tilespmem:s12], [sflag:$0x1] =	stream.indirect.gather [hbm4b:s5+s15], $0x80, s8, s15, $0xb8;
	[tilespmem:$0x1D800] =	vst v63  }
0x19e: {  	_ =	swait.ge [sflag:s18], $0x4000  }
0x19f: {  	[sflag:s18] =	ssyncset.done $0x0  }
0x1a0: {  	[sflag:s18] =	ssyncadd.s32 $0xFFFFC000  }
0x1a1: {  	[spmem:s2] =	stream.indirect.scatter.add.f32 [tilespmem:s16], [sflag:$0x3], $0x80, s9, s15, $0xb8;
	[tilespmem:$0x1D800] =	vst v63  }
0x1a2: {  	_ =	swait.ge [sflag:s13], $0x4000  }
0x1a3: {  	[sflag:s13] =	ssyncset.done $0x0  }
0x1a4: {  	[sflag:s13] =	ssyncadd.s32 $0xFFFFC000  }
0x1a5: {  	[tilespmem:s16], [sflag:$0x2] =	stream.indirect.gather [hbm4b:s5+s15], $0x80, s10, s15, $0xb8;
	[tilespmem:$0x1D800] =	vst v63  }
0x1a6: {  	_ =	swait.ge [sflag:s17], $0x4000  }
0x1a7: {  	[sflag:s17] =	ssyncset.done $0x0  }
0x1a8: {  	[sflag:s17] =	ssyncadd.s32 $0xFFFFC000  }
0x1a9: {  	[spmem:s2] =	stream.indirect.scatter.add.f32 [tilespmem:s12], [sflag:$0x3], $0x80, s11, s15, $0xb8;
	[tilespmem:$0x1D800] =	vst v63  }
0x1aa: {  	_ =	swait.ge [sflag:s13], $0x4000  }
0x1ab: {  	[sflag:s13] =	ssyncset.done $0x0  }
0x1ac: {  	[sflag:s13] =	ssyncadd.s32 $0xFFFFC000  }
0x1ad: {  	p1 =	sne.s32 s25, $0x480;
	_ =	swait.ge [sflag:s18], $0x4000  }
.Ltmp2:
0x1ae: {  	[sflag:s18] =	ssyncset.done $0x0;
	(pc) =	sbr.rel @p1 .LBB2_6-.Ltmp2, $4  }
0x1af: {  	[sflag:s18] =	ssyncadd.s32 $0xFFFFC000  }
0x1b0: {  	[spmem:s2] =	stream.indirect.scatter.add.f32 [tilespmem:s16], [sflag:$0x3], $0x80, s6, s15, $0xb8;
	[tilespmem:$0x1D800] =	vst v63  }
0x1b1: {  	_ =	swait.ge [sflag:s13], $0x4000  }
0x1b2: {  	s25 =	sadd.s32 $0x180, s25;
	s4 =	rddreg [dreg:$0x4];
	[sflag:s13] =	ssyncset.done $0x0  }
0x1b3: {  	[sflag:s13] =	ssyncadd.s32 $0xFFFFC000;
	s4 =	sadd.s32 s24, s4  }
0x1b4: {  	[tilespmem:s3], [sflag:$0x3] =	stream.linear.gather [hbm4b:s4+s3], $0xA00, $0x38;
	[tilespmem:$0x1D800] =	vst v63  }
0x1b5: {  	_ =	swait.ge [sflag:s13], $0xA00  }
0x1b6: {  	s23 =	rddreg [dreg:$0x5];
	[sflag:s13] =	ssyncset.done $0x0  }
0x1b7: {  	[sflag:s13] =	ssyncadd.s32 $0xFFFFF600;
	s4 =	sadd.s32 s24, s23  }
0x1b8: {  	[tilespmem:s14], [sflag:$0x3] =	stream.linear.gather [hbm4b:s4+s3], $0xA00, $0x38;
	[tilespmem:$0x1D800] =	vst v63  }
0x1b9: {  	_ =	swait.ge [sflag:s13], $0xA00  }
0x1ba: {  	[sflag:s13] =	ssyncset.done $0x0  }
0x1bb: {  	[sflag:s13] =	ssyncadd.s32 $0xFFFFF600  }
0x1bc: {  	[tilespmem:s12], [sflag:$0x1] =	stream.indirect.gather [hbm4b:s5+s15], $0x80, s3, s15, $0xb8;
	[tilespmem:$0x1D800] =	vst v63  }
0x1bd: {  	_ = 	snop  }
0x1be: {  	[tilespmem:s16], [sflag:$0x2] =	stream.indirect.gather [hbm4b:s5+s15], $0x80, s15, s15, $0xb8;
	[tilespmem:$0x1D800] =	vst v63  }
0x1bf: {  	_ =	swait.ge [sflag:s17], $0x4000  }
0x1c0: {  	[sflag:s17] =	ssyncset.done $0x0  }
0x1c1: {  	[sflag:s17] =	ssyncadd.s32 $0xFFFFC000  }
0x1c2: {  	[spmem:s2] =	stream.indirect.scatter.add.f32 [tilespmem:s12], [sflag:$0x3], $0x80, s14, s15, $0xb8;
	[tilespmem:$0x1D800] =	vst v63  }
0x1c3: {  	_ =	swait.ge [sflag:s13], $0x4000  }
0x1c4: {  	[sflag:s13] =	ssyncset.done $0x0  }
0x1c5: {  	s24 =	rddreg [dreg:$0x6];
	[sflag:s13] =	ssyncadd.s32 $0xFFFFC000  }
0x1c6: {  	[tilespmem:s12], [sflag:$0x1] =	stream.indirect.gather [hbm4b:s5+s15], $0x80, s24, s15, $0xb8;
	[tilespmem:$0x1D800] =	vst v63  }
0x1c7: {  	_ =	swait.ge [sflag:s18], $0x4000  }
0x1c8: {  	[sflag:s18] =	ssyncset.done $0x0  }
0x1c9: {  	s25 =	rddreg [dreg:$0x7];
	[sflag:s18] =	ssyncadd.s32 $0xFFFFC000  }
0x1ca: {  	[spmem:s2] =	stream.indirect.scatter.add.f32 [tilespmem:s16], [sflag:$0x3], $0x80, s25, s15, $0xb8;
	[tilespmem:$0x1D800] =	vst v63  }
0x1cb: {  	_ =	swait.ge [sflag:s13], $0x4000  }
0x1cc: {  	[sflag:s13] =	ssyncset.done $0x0  }
0x1cd: {  	s23 =	rddreg [dreg:$0x8];
	[sflag:s13] =	ssyncadd.s32 $0xFFFFC000  }
0x1ce: {  	[tilespmem:s16], [sflag:$0x2] =	stream.indirect.gather [hbm4b:s5+s15], $0x80, s23, s15, $0xb8;
	[tilespmem:$0x1D800] =	vst v63  }
0x1cf: {  	_ =	swait.ge [sflag:s17], $0x4000  }
0x1d0: {  	[sflag:s17] =	ssyncset.done $0x0  }
0x1d1: {  	s24 =	rddreg [dreg:$0x9];
	[sflag:s17] =	ssyncadd.s32 $0xFFFFC000  }
0x1d2: {  	[spmem:s2] =	stream.indirect.scatter.add.f32 [tilespmem:s12], [sflag:$0x3], $0x80, s24, s15, $0xb8;
	[tilespmem:$0x1D800] =	vst v63  }
0x1d3: {  	_ =	swait.ge [sflag:s13], $0x4000  }
0x1d4: {  	[sflag:s13] =	ssyncset.done $0x0  }
0x1d5: {  	s25 =	rddreg [dreg:$0xa];
	[sflag:s13] =	ssyncadd.s32 $0xFFFFC000  }
0x1d6: {  	[tilespmem:s12], [sflag:$0x1] =	stream.indirect.gather [hbm4b:s5+s15], $0x80, s25, s15, $0xb8;
	[tilespmem:$0x1D800] =	vst v63  }
0x1d7: {  	_ =	swait.ge [sflag:s18], $0x4000  }
0x1d8: {  	[sflag:s18] =	ssyncset.done $0x0  }
0x1d9: {  	s23 =	rddreg [dreg:$0xb];
	[sflag:s18] =	ssyncadd.s32 $0xFFFFC000  }
0x1da: {  	[spmem:s2] =	stream.indirect.scatter.add.f32 [tilespmem:s16], [sflag:$0x3], $0x80, s23, s15, $0xb8;
	[tilespmem:$0x1D800] =	vst v63  }
0x1db: {  	_ =	swait.ge [sflag:s13], $0x4000  }
0x1dc: {  	[sflag:s13] =	ssyncset.done $0x0  }
0x1dd: {  	s24 =	rddreg [dreg:$0xc];
	[sflag:s13] =	ssyncadd.s32 $0xFFFFC000  }
0x1de: {  	[tilespmem:s16], [sflag:$0x2] =	stream.indirect.gather [hbm4b:s5+s15], $0x80, s24, s15, $0xb8;
	[tilespmem:$0x1D800] =	vst v63  }
0x1df: {  	_ =	swait.ge [sflag:s17], $0x4000  }
0x1e0: {  	[sflag:s17] =	ssyncset.done $0x0  }
0x1e1: {  	s25 =	rddreg [dreg:$0xd];
	[sflag:s17] =	ssyncadd.s32 $0xFFFFC000  }
0x1e2: {  	[spmem:s2] =	stream.indirect.scatter.add.f32 [tilespmem:s12], [sflag:$0x3], $0x80, s25, s15, $0xb8;
	[tilespmem:$0x1D800] =	vst v63  }
0x1e3: {  	_ =	swait.ge [sflag:s13], $0x4000  }
0x1e4: {  	[sflag:s13] =	ssyncset.done $0x0  }
0x1e5: {  	s23 =	rddreg [dreg:$0xe];
	[sflag:s13] =	ssyncadd.s32 $0xFFFFC000  }
0x1e6: {  	[tilespmem:s12], [sflag:$0x1] =	stream.indirect.gather [hbm4b:s5+s15], $0x80, s23, s15, $0xb8;
	[tilespmem:$0x1D800] =	vst v63  }
0x1e7: {  	_ =	swait.ge [sflag:s18], $0x4000  }
0x1e8: {  	[sflag:s18] =	ssyncset.done $0x0  }
0x1e9: {  	s24 =	rddreg [dreg:$0xf];
	[sflag:s18] =	ssyncadd.s32 $0xFFFFC000  }
0x1ea: {  	[spmem:s2] =	stream.indirect.scatter.add.f32 [tilespmem:s16], [sflag:$0x3], $0x80, s24, s15, $0xb8;
	[tilespmem:$0x1D800] =	vst v63  }
0x1eb: {  	_ =	swait.ge [sflag:s13], $0x4000  }
0x1ec: {  	[sflag:s13] =	ssyncset.done $0x0  }
0x1ed: {  	s25 =	rddreg [dreg:$0x10];
	[sflag:s13] =	ssyncadd.s32 $0xFFFFC000  }
0x1ee: {  	[tilespmem:s16], [sflag:$0x2] =	stream.indirect.gather [hbm4b:s5+s15], $0x80, s25, s15, $0xb8;
	[tilespmem:$0x1D800] =	vst v63  }
0x1ef: {  	_ =	swait.ge [sflag:s17], $0x4000  }
0x1f0: {  	[sflag:s17] =	ssyncset.done $0x0  }
0x1f1: {  	s23 =	rddreg [dreg:$0x11];
	[sflag:s17] =	ssyncadd.s32 $0xFFFFC000  }
0x1f2: {  	[spmem:s2] =	stream.indirect.scatter.add.f32 [tilespmem:s12], [sflag:$0x3], $0x80, s23, s15, $0xb8;
	[tilespmem:$0x1D800] =	vst v63  }
0x1f3: {  	_ =	swait.ge [sflag:s13], $0x4000  }
0x1f4: {  	[sflag:s13] =	ssyncset.done $0x0  }
0x1f5: {  	s24 =	rddreg [dreg:$0x12];
	[sflag:s13] =	ssyncadd.s32 $0xFFFFC000  }
0x1f6: {  	[tilespmem:s12], [sflag:$0x1] =	stream.indirect.gather [hbm4b:s5+s15], $0x80, s24, s15, $0xb8;
	[tilespmem:$0x1D800] =	vst v63  }
0x1f7: {  	_ =	swait.ge [sflag:s18], $0x4000  }
0x1f8: {  	[sflag:s18] =	ssyncset.done $0x0  }
0x1f9: {  	s25 =	rddreg [dreg:$0x13];
	[sflag:s18] =	ssyncadd.s32 $0xFFFFC000  }
0x1fa: {  	[spmem:s2] =	stream.indirect.scatter.add.f32 [tilespmem:s16], [sflag:$0x3], $0x80, s25, s15, $0xb8;
	[tilespmem:$0x1D800] =	vst v63  }
0x1fb: {  	_ =	swait.ge [sflag:s13], $0x4000  }
0x1fc: {  	[sflag:s13] =	ssyncset.done $0x0  }
0x1fd: {  	s23 =	rddreg [dreg:$0x14];
	[sflag:s13] =	ssyncadd.s32 $0xFFFFC000  }
0x1fe: {  	[tilespmem:s16], [sflag:$0x2] =	stream.indirect.gather [hbm4b:s5+s15], $0x80, s23, s15, $0xb8;
	[tilespmem:$0x1D800] =	vst v63  }
0x1ff: {  	_ =	swait.ge [sflag:s17], $0x4000  }
0x200: {  	[sflag:s17] =	ssyncset.done $0x0  }
0x201: {  	s24 =	rddreg [dreg:$0x15];
	[sflag:s17] =	ssyncadd.s32 $0xFFFFC000  }
0x202: {  	[spmem:s2] =	stream.indirect.scatter.add.f32 [tilespmem:s12], [sflag:$0x3], $0x80, s24, s15, $0xb8;
	[tilespmem:$0x1D800] =	vst v63  }
0x203: {  	_ =	swait.ge [sflag:s13], $0x4000  }
0x204: {  	[sflag:s13] =	ssyncset.done $0x0  }
0x205: {  	s25 =	rddreg [dreg:$0x16];
	[sflag:s13] =	ssyncadd.s32 $0xFFFFC000  }
0x206: {  	[tilespmem:s12], [sflag:$0x1] =	stream.indirect.gather [hbm4b:s5+s15], $0x80, s25, s15, $0xb8;
	[tilespmem:$0x1D800] =	vst v63  }
0x207: {  	_ =	swait.ge [sflag:s18], $0x4000  }
0x208: {  	[sflag:s18] =	ssyncset.done $0x0  }
0x209: {  	s23 =	rddreg [dreg:$0x17];
	[sflag:s18] =	ssyncadd.s32 $0xFFFFC000  }
0x20a: {  	[spmem:s2] =	stream.indirect.scatter.add.f32 [tilespmem:s16], [sflag:$0x3], $0x80, s23, s15, $0xb8;
	[tilespmem:$0x1D800] =	vst v63  }
0x20b: {  	_ =	swait.ge [sflag:s13], $0x4000  }
0x20c: {  	[sflag:s13] =	ssyncset.done $0x0  }
0x20d: {  	s24 =	rddreg [dreg:$0x18];
	[sflag:s13] =	ssyncadd.s32 $0xFFFFC000  }
0x20e: {  	[tilespmem:s16], [sflag:$0x2] =	stream.indirect.gather [hbm4b:s5+s15], $0x80, s24, s15, $0xb8;
	[tilespmem:$0x1D800] =	vst v63  }
0x20f: {  	_ =	swait.ge [sflag:s17], $0x4000  }
0x210: {  	[sflag:s17] =	ssyncset.done $0x0  }
0x211: {  	s25 =	rddreg [dreg:$0x19];
	[sflag:s17] =	ssyncadd.s32 $0xFFFFC000  }
0x212: {  	[spmem:s2] =	stream.indirect.scatter.add.f32 [tilespmem:s12], [sflag:$0x3], $0x80, s25, s15, $0xb8;
	[tilespmem:$0x1D800] =	vst v63  }
0x213: {  	_ =	swait.ge [sflag:s13], $0x4000  }
0x214: {  	[sflag:s13] =	ssyncset.done $0x0  }
0x215: {  	[sflag:s13] =	ssyncadd.s32 $0xFFFFC000  }
0x216: {  	[tilespmem:s12], [sflag:$0x1] =	stream.indirect.gather [hbm4b:s5+s15], $0x80, s19, s15, $0xb8;
	[tilespmem:$0x1D800] =	vst v63  }
0x217: {  	_ =	swait.ge [sflag:s18], $0x4000  }
0x218: {  	[sflag:s18] =	ssyncset.done $0x0  }
0x219: {  	[sflag:s18] =	ssyncadd.s32 $0xFFFFC000  }
0x21a: {  	[spmem:s2] =	stream.indirect.scatter.add.f32 [tilespmem:s16], [sflag:$0x3], $0x80, s20, s15, $0xb8;
	[tilespmem:$0x1D800] =	vst v63  }
0x21b: {  	_ =	swait.ge [sflag:s13], $0x4000  }
0x21c: {  	[sflag:s13] =	ssyncset.done $0x0  }
0x21d: {  	[sflag:s13] =	ssyncadd.s32 $0xFFFFC000  }
0x21e: {  	[tilespmem:s16], [sflag:$0x2] =	stream.indirect.gather [hbm4b:s5+s15], $0x80, s21, s15, $0xb8;
	[tilespmem:$0x1D800] =	vst v63  }
0x21f: {  	_ =	swait.ge [sflag:s17], $0x4000  }
0x220: {  	[sflag:s17] =	ssyncset.done $0x0  }
0x221: {  	[sflag:s17] =	ssyncadd.s32 $0xFFFFC000  }
0x222: {  	[spmem:s2] =	stream.indirect.scatter.add.f32 [tilespmem:s12], [sflag:$0x3], $0x80, s22, s15, $0xb8;
	[tilespmem:$0x1D800] =	vst v63  }
0x223: {  	_ =	swait.ge [sflag:s13], $0x4000  }
0x224: {  	[sflag:s13] =	ssyncset.done $0x0  }
0x225: {  	[sflag:s13] =	ssyncadd.s32 $0xFFFFC000  }
0x226: {  	[tilespmem:s12], [sflag:$0x1] =	stream.indirect.gather [hbm4b:s5+s15], $0x80, s26, s15, $0xb8;
	[tilespmem:$0x1D800] =	vst v63  }
0x227: {  	_ =	swait.ge [sflag:s18], $0x4000  }
0x228: {  	[sflag:s18] =	ssyncset.done $0x0  }
0x229: {  	[sflag:s18] =	ssyncadd.s32 $0xFFFFC000  }
0x22a: {  	[spmem:s2] =	stream.indirect.scatter.add.f32 [tilespmem:s16], [sflag:$0x3], $0x80, s28, s15, $0xb8;
	[tilespmem:$0x1D800] =	vst v63  }
0x22b: {  	_ =	swait.ge [sflag:s13], $0x4000  }
0x22c: {  	[sflag:s13] =	ssyncset.done $0x0  }
0x22d: {  	[sflag:s13] =	ssyncadd.s32 $0xFFFFC000  }
0x22e: {  	[tilespmem:s16], [sflag:$0x2] =	stream.indirect.gather [hbm4b:s5+s15], $0x80, s29, s15, $0xb8;
	[tilespmem:$0x1D800] =	vst v63  }
0x22f: {  	_ =	swait.ge [sflag:s17], $0x4000  }
0x230: {  	[sflag:s17] =	ssyncset.done $0x0  }
0x231: {  	[sflag:s17] =	ssyncadd.s32 $0xFFFFC000  }
0x232: {  	[spmem:s2] =	stream.indirect.scatter.add.f32 [tilespmem:s12], [sflag:$0x3], $0x80, s30, s15, $0xb8;
	[tilespmem:$0x1D800] =	vst v63  }
0x233: {  	_ =	swait.ge [sflag:s13], $0x4000  }
0x234: {  	[sflag:s13] =	ssyncset.done $0x0  }
0x235: {  	[sflag:s13] =	ssyncadd.s32 $0xFFFFC000  }
0x236: {  	[tilespmem:s12], [sflag:$0x1] =	stream.indirect.gather [hbm4b:s5+s15], $0x80, s31, s15, $0xb8;
	[tilespmem:$0x1D800] =	vst v63  }
0x237: {  	_ =	swait.ge [sflag:s18], $0x4000  }
0x238: {  	[sflag:s18] =	ssyncset.done $0x0  }
0x239: {  	[sflag:s18] =	ssyncadd.s32 $0xFFFFC000  }
0x23a: {  	[spmem:s2] =	stream.indirect.scatter.add.f32 [tilespmem:s16], [sflag:$0x3], $0x80, s0, s15, $0xb8;
	[tilespmem:$0x1D800] =	vst v63  }
0x23b: {  	_ =	swait.ge [sflag:s13], $0x4000  }
0x23c: {  	[sflag:s13] =	ssyncset.done $0x0  }
0x23d: {  	[sflag:s13] =	ssyncadd.s32 $0xFFFFC000  }
0x23e: {  	[tilespmem:s16], [sflag:$0x2] =	stream.indirect.gather [hbm4b:s5+s15], $0x80, s1, s15, $0xb8;
	[tilespmem:$0x1D800] =	vst v63  }
0x23f: {  	_ =	swait.ge [sflag:s17], $0x4000  }
0x240: {  	[sflag:s17] =	ssyncset.done $0x0  }
0x241: {  	[sflag:s17] =	ssyncadd.s32 $0xFFFFC000  }
0x242: {  	[spmem:s2] =	stream.indirect.scatter.add.f32 [tilespmem:s12], [sflag:$0x3], $0x80, s7, s15, $0xb8;
	[tilespmem:$0x1D800] =	vst v63  }
0x243: {  	_ =	swait.ge [sflag:s13], $0x4000  }
0x244: {  	[sflag:s13] =	ssyncset.done $0x0  }
0x245: {  	[sflag:s13] =	ssyncadd.s32 $0xFFFFC000  }
0x246: {  	[tilespmem:s12], [sflag:$0x1] =	stream.indirect.gather [hbm4b:s5+s15], $0x80, s8, s15, $0xb8;
	[tilespmem:$0x1D800] =	vst v63  }
0x247: {  	_ =	swait.ge [sflag:s18], $0x4000  }
0x248: {  	[sflag:s18] =	ssyncset.done $0x0  }
0x249: {  	[sflag:s18] =	ssyncadd.s32 $0xFFFFC000  }
0x24a: {  	[spmem:s2] =	stream.indirect.scatter.add.f32 [tilespmem:s16], [sflag:$0x3], $0x80, s9, s15, $0xb8;
	[tilespmem:$0x1D800] =	vst v63  }
0x24b: {  	_ =	swait.ge [sflag:s13], $0x4000  }
0x24c: {  	[sflag:s13] =	ssyncset.done $0x0  }
0x24d: {  	[sflag:s13] =	ssyncadd.s32 $0xFFFFC000  }
0x24e: {  	[tilespmem:s16], [sflag:$0x2] =	stream.indirect.gather [hbm4b:s5+s15], $0x80, s10, s15, $0xb8;
	[tilespmem:$0x1D800] =	vst v63  }
0x24f: {  	_ =	swait.ge [sflag:s17], $0x4000  }
0x250: {  	[sflag:s17] =	ssyncset.done $0x0  }
0x251: {  	[sflag:s17] =	ssyncadd.s32 $0xFFFFC000  }
0x252: {  	[spmem:s2] =	stream.indirect.scatter.add.f32 [tilespmem:s12], [sflag:$0x3], $0x80, s11, s15, $0xb8;
	[tilespmem:$0x1D800] =	vst v63  }
0x253: {  	_ =	swait.ge [sflag:s13], $0x4000  }
0x254: {  	[sflag:s13] =	ssyncset.done $0x0  }
0x255: {  	[sflag:s13] =	ssyncadd.s32 $0xFFFFC000  }
0x256: {  	_ =	swait.ge [sflag:s18], $0x4000  }
0x257: {  	[sflag:s18] =	ssyncset.done $0x0  }
0x258: {  	[sflag:s18] =	ssyncadd.s32 $0xFFFFC000  }
0x259: {  	[spmem:s2] =	stream.indirect.scatter.add.f32 [tilespmem:s16], [sflag:$0x3], $0x80, s6, s15, $0xb8;
	[tilespmem:$0x1D800] =	vst v63  }
0x25a: {  	_ =	swait.ge [sflag:s13], $0x4000  }
0x25b: {  	[sflag:s13] =	ssyncset.done $0x0  }
0x25c: {  	[sflag:s13] =	ssyncadd.s32 $0xFFFFC000  }
0x25d: {  	[bflag:$0x0] =	sbarrier.arrive $0xFFFF  }
0x25e: {  	s24 =	sld [smem:$0x7FB]  }
0x25f: {  	s4 =	rddreg [dreg:$0x1b]  }
0x260: {  	s23 =	simm.s32 @p0 $0x1FC3;
	s4 =	sadd.s32 @p0 $0x24900, s4  }
0x261: {  	[hbm:s4], [sflag:s23] =	dma.local @p0 [spmem:s24], $0x2800  }
0x262: {  	s4 =	simm.s32 @p0 $0x3  }
0x263: {  	s23 =	stileid.u32;
	_ =	swait.ge @p0 [sflag:s4], $0x2800  }
0x264: {  	s23 =	sshll.u32 @!p0 s23, $0x6;
	[sflag:s4] =	ssyncset.done @p0 $0x0;
	s24 =	sld [smem:$0x7FD]  }
0x265: {  	[sflag:s4] =	ssyncadd.s32 @p0 $0xFFFFD800;
	s4 =	sor.u32 @!p0 $0x1C03, s23;
	s23 =	sld [smem:$0x7FC]  }
0x266: {  	_ =	sdelay $0x1  }
0x267: {  	[hbm:s23], [sflag:s4] =	dma.local @!p0 [spmem:s24], $0x2700  }
0x268: {  	s4 =	simm.s32 @!p0 $0x3  }
0x269: {  	_ =	swait.ge @!p0 [sflag:s4], $0x2700  }
0x26a: {  	s23 =	sld [smem:$0x7F9];
	_ =	sdelay $0x2  }
0x26b: {  	s25 =	rddreg [dreg:$0x1c];
	s24 =	sadd.s32 $0x1, s23  }
0x26c: {  	p1 =	sne.s32 s24, s25  }
.Ltmp3:
0x26d: {  	_ = 	snop;
	(pc) =	sbr.rel @p1 .LBB2_1-.Ltmp3, $3  }
0x26e: {  	_ =	sdelay $0x1  }
0x26f: {  	[sflag:s4] =	ssyncset.done @!p0 $0x0  }
0x270: {  	[sflag:s4] =	ssyncadd.s32 @!p0 $0xFFFFD900  }
0x271: {  	_ =	sfence.sel $0x180000  }
0x272: {  	[bflag:$0x0] =	sbarrier.arrive $0xFFFF  }
0x273: {  	_ =	strace $0x90000050  }
0x274: {  	s0 =	stileid.u32;
	[bflag:$0x2] =	sbarrier.arrive $0xFFFF  }
0x275: {  	p0 =	sne.s32 s0, $0x0;
	s0 =	rddreg [dreg:$0x3]  }
0x276: {  	s0 =	sadd.s32 @!p0 $0x100000, s0  }
0x277: {  	[sflag:s0] =	ssyncadd.tile.s32 @!p0 $0x1;
	_ =	shalt  }
.Lfunc_end2:
_tile_overlayer_lowered:
.L_overlay_start_2:
0x278: {  	(tag) =	ssettag $0x2  }
0x279: {  	s0 =	rddreg [dreg:$0x0];
	s2 =	stileid.u32  }
0x27a: {  	s1 =	rddreg [dreg:$0x1];
	p0 =	sne.s32 s2, $0x0  }
0x27b: {  	s3 =	rddreg [dreg:$0x2];
	[bflag:$0x3] =	sbarrier.arrive $0xFFFF;
	s2 =	simm.s32 @!p0 $0x1C03  }
0x27c: {  	[timem:s3], [sflag:s2] =	dma.local @!p0 [hbm:s0], s1  }
0x27d: {  	s0 =	simm.s32 @!p0 $0x3  }
0x27e: {  	_ =	swait.ge @!p0 [sflag:s0], s1  }
0x27f: {  	s1 =	ssub.s32 @!p0 $0x0, s1;
	[sflag:s0] =	ssyncset.done @!p0 $0x0  }
0x280: {  	[sflag:s0] =	ssyncadd.s32 @!p0 s1  }
0x281: {  	[bflag:$0x3] =	sbarrier.arrive $0xFFFF  }
0x282: {  	_ =	shalt  }

</sc_bundles>
